<compile_context>
chip_gen: v7x
topology: tpu7x:2x2x1
jax: 0.10.2.dev20260603
libtpu: 0.0.44.dev20260713+nightly
codegen_flags: <defaults>
</compile_context>

<pallas_src>
import functools

import jax
import jax.numpy as jnp
from jax import lax
from jax.experimental import pallas as pl
from jax.experimental.pallas import tpu as pltpu
from jax.experimental.pallas import tpu_sc as plsc

N = 10000
E = 320000
D = 128
G = 64
NCLS = 10

NC = 2
NS = 16
NW = NC * NS
CH = 100
NBUF = 3
GK = 10
NGRP = 10
NK = GK * NGRP
EPT = E // NW
NPT = 624
EXB = NS * NPT
EXN = N - EXB

def _agg_body(h_hbm, seed_hbm, src_hbm, dst_hbm, out_hbm,
              src_v, dst_v, rows_v, acc, gsem, ssem, sisem, disem):
    c = lax.axis_index("c")
    s = lax.axis_index("s")
    w = c * NS + s
    pltpu.async_copy(src_hbm.at[w, 0], src_v.at[0], sisem.at[0])
    pltpu.async_copy(dst_hbm.at[w, 0], dst_v.at[0], disem.at[0])
    row0 = s * NPT

    @pl.when(c == 0)
    def _():
        pltpu.sync_copy(h_hbm.at[pl.ds(row0, NPT)], acc.at[pl.ds(row0, NPT)])

        @pl.when(s == NS - 1)
        def _():
            pltpu.sync_copy(h_hbm.at[pl.ds(EXB, EXN)],
                            acc.at[pl.ds(EXB, EXN)])

    @pl.when(c != 0)
    def _():
        pltpu.sync_copy(seed_hbm.at[pl.ds(row0, NPT)],
                        acc.at[pl.ds(row0, NPT)])

        @pl.when(s == NS - 1)
        def _():
            pltpu.sync_copy(seed_hbm.at[pl.ds(EXB, EXN)],
                            acc.at[pl.ds(EXB, EXN)])

    plsc.subcore_barrier()

    def wait_gather(bslot):
        pltpu.make_async_copy(h_hbm.at[src_v.at[0, 0]], rows_v.at[bslot],
                              gsem.at[bslot]).wait()

    def wait_scatter(bslot):
        pltpu.make_async_copy(rows_v.at[bslot], acc.at[dst_v.at[0, 0]],
                              ssem.at[bslot]).wait()

    def wait_stage(ring_hbm, ring_v, sem, slot):
        pltpu.make_async_copy(ring_hbm.at[w, 0], ring_v.at[slot],
                              sem.at[slot]).wait()

    wait_stage(src_hbm, src_v, sisem, 0)
    pltpu.async_copy(h_hbm.at[src_v.at[0, 0]], rows_v.at[0], gsem.at[0])

    def body(j, carry):
        g = j // GK
        bpos = j % GK
        bb = j % NBUF
        gs = g % 2

        @pl.when(bpos == 0)
        def _():
            wait_stage(dst_hbm, dst_v, disem, gs)

        @pl.when((bpos == 2) & (g < NGRP - 1))
        def _():
            pltpu.async_copy(src_hbm.at[w, g + 1],
                             src_v.at[1 - gs], sisem.at[1 - gs])
            pltpu.async_copy(dst_hbm.at[w, g + 1],
                             dst_v.at[1 - gs], disem.at[1 - gs])

        @pl.when((bpos == GK - 1) & (j + 1 < NK))
        def _():
            wait_stage(src_hbm, src_v, sisem, 1 - gs)

        bb1 = (j + 1) % NBUF

        @pl.when(j + 1 < NK)
        def _():
            @pl.when(j >= NBUF - 1)
            def _():
                wait_scatter(bb1)
            gnext = (j + 1) // GK
            pltpu.async_copy(
                h_hbm.at[src_v.at[gnext % 2, (j + 1) % GK]],
                rows_v.at[bb1], gsem.at[bb1])

        wait_gather(bb)
        pltpu.async_copy(rows_v.at[bb], acc.at[dst_v.at[gs, bpos]],
                         ssem.at[bb], add=True)
        return carry

    lax.fori_loop(0, NK, body, 0)
    for jj in range(NK - NBUF, NK):
        wait_scatter(jj % NBUF)
    plsc.subcore_barrier()
    pltpu.sync_copy(acc.at[pl.ds(row0, NPT)],
                    out_hbm.at[c, pl.ds(row0, NPT)])

    @pl.when(s == NS - 1)
    def _():
        pltpu.sync_copy(acc.at[pl.ds(EXB, EXN)],
                        out_hbm.at[c, pl.ds(EXB, EXN)])


@functools.cache
def _make_agg():
    mesh = plsc.VectorSubcoreMesh(
        core_axis_name="c", subcore_axis_name="s",
        num_cores=NC, num_subcores=NS)
    return pl.kernel(
        _agg_body,
        out_type=jax.ShapeDtypeStruct((NC, N, D), jnp.float32),
        mesh=mesh,
        scratch_types=[
            pltpu.VMEM((2, GK, CH), jnp.int32),
            pltpu.VMEM((2, GK, CH), jnp.int32),
            pltpu.VMEM((NBUF, CH, D), jnp.float32),
            pltpu.VMEM_SHARED((N, D), jnp.float32),
            pltpu.SemaphoreType.DMA((NBUF,)),
            pltpu.SemaphoreType.DMA((NBUF,)),
            pltpu.SemaphoreType.DMA((2,)),
            pltpu.SemaphoreType.DMA((2,)),
        ],
    )


_BLK = 2000
_NBLK = N // _BLK


def _mlp1_body(agg_ref, w1_ref, b1_ref, y_ref, st_ref):
    i = pl.program_id(0)
    hin = agg_ref[0] + agg_ref[1]
    y = jnp.dot(hin, w1_ref[...], preferred_element_type=jnp.float32)
    y = y + b1_ref[...]
    y_ref[...] = y
    cs = jnp.sum(y, axis=0, keepdims=True)
    cq = jnp.sum(y * y, axis=0, keepdims=True)
    upd = jnp.concatenate(
        [cs, cq, jnp.zeros((6, D), jnp.float32)], axis=0)

    @pl.when(i == 0)
    def _():
        st_ref[...] = jnp.zeros_like(st_ref)

    st_ref[...] += upd


_mlp1 = pl.pallas_call(
    _mlp1_body,
    grid=(_NBLK,),
    in_specs=[
        pl.BlockSpec((NC, _BLK, D), lambda i: (0, i, 0)),
        pl.BlockSpec((D, D), lambda i: (0, 0)),
        pl.BlockSpec((1, D), lambda i: (0, 0)),
    ],
    out_specs=[
        pl.BlockSpec((_BLK, D), lambda i: (i, 0)),
        pl.BlockSpec((8, D), lambda i: (0, 0)),
    ],
    out_shape=[
        jax.ShapeDtypeStruct((N, D), jnp.float32),
        jax.ShapeDtypeStruct((8, D), jnp.float32),
    ],
)


def _mlp2_body(y_ref, a_ref, c_ref, w2_ref, b2_ref, z_ref):
    t = jnp.maximum(y_ref[...] * a_ref[...] + c_ref[...], 0.0)
    z = jnp.dot(t, w2_ref[...], preferred_element_type=jnp.float32)
    z_ref[...] = jnp.maximum(z + b2_ref[...], 0.0)


_mlp2 = pl.pallas_call(
    _mlp2_body,
    grid=(_NBLK,),
    in_specs=[
        pl.BlockSpec((_BLK, D), lambda i: (i, 0)),
        pl.BlockSpec((1, D), lambda i: (0, 0)),
        pl.BlockSpec((1, D), lambda i: (0, 0)),
        pl.BlockSpec((D, D), lambda i: (0, 0)),
        pl.BlockSpec((1, D), lambda i: (0, 0)),
    ],
    out_specs=pl.BlockSpec((_BLK, D), lambda i: (i, 0)),
    out_shape=jax.ShapeDtypeStruct((N, D), jnp.float32),
)


def _pool_head_body(h_ref, b_ref, w1_ref, b1_ref, w2_ref, b2_ref,
                    out_ref, acc_ref):
    i = pl.program_id(0)

    @pl.when(i == 0)
    def _():
        acc_ref[...] = jnp.zeros_like(acc_ref)

    seg = b_ref[0, 0, :]
    gid = lax.broadcasted_iota(jnp.int32, (G, _BLK), 0)
    onehot = (gid == seg[None, :]).astype(jnp.float32)
    acc_ref[...] += jnp.dot(onehot, h_ref[...],
                            preferred_element_type=jnp.float32)

    @pl.when(i == _NBLK - 1)
    def _():
        p = acc_ref[...]
        r = jnp.maximum(
            jnp.dot(p, w1_ref[...], preferred_element_type=jnp.float32)
            + b1_ref[...], 0.0)
        o = jnp.dot(r, w2_ref[...], preferred_element_type=jnp.float32)
        o = o + b2_ref[...]
        col = lax.broadcasted_iota(jnp.int32, (G, D), 1)
        valid = col < NCLS
        om = jnp.where(valid, o, -jnp.inf)
        m = jnp.max(om, axis=1, keepdims=True)
        e = jnp.where(valid, jnp.exp(om - m), 0.0)
        lse = jnp.log(jnp.sum(e, axis=1, keepdims=True)) + m
        out_ref[...] = o - lse


_pool_head = pl.pallas_call(
    _pool_head_body,
    grid=(_NBLK,),
    in_specs=[
        pl.BlockSpec((_BLK, D), lambda i: (i, 0)),
        pl.BlockSpec((1, 1, _BLK), lambda i: (i, 0, 0)),
        pl.BlockSpec((D, D), lambda i: (0, 0)),
        pl.BlockSpec((1, D), lambda i: (0, 0)),
        pl.BlockSpec((D, D), lambda i: (0, 0)),
        pl.BlockSpec((1, D), lambda i: (0, 0)),
    ],
    out_specs=pl.BlockSpec((G, D), lambda i: (0, 0)),
    out_shape=jax.ShapeDtypeStruct((G, D), jnp.float32),
    scratch_shapes=[pltpu.VMEM((G, D), jnp.float32)],
)


def kernel(x, edge_index, batch, params):
    srcp = edge_index[0].reshape(NW, NGRP, GK, CH)
    dstp = edge_index[1].reshape(NW, NGRP, GK, CH)
    zeros = jnp.zeros((N, D), jnp.float32)

    h = x
    for i in range(1, 6):
        p = params['conv' + str(i)]
        parts = _make_agg()(h, zeros, srcp, dstp)
        y, st = _mlp1(parts, p['W1'], p['b1'].reshape(1, D))
        mean = st[0] / N
        var = st[1] / N - mean * mean
        a = p['gamma'] * lax.rsqrt(var + 1e-5)
        cvec = p['beta'] - mean * a
        h = _mlp2(y, a.reshape(1, D), cvec.reshape(1, D),
                  p['W2'], p['b2'].reshape(1, D))

    w2h = jnp.zeros((D, D), jnp.float32).at[:, :NCLS].set(params['lin2_W'])
    b2h = jnp.zeros((1, D), jnp.float32).at[0, :NCLS].set(params['lin2_b'])
    out = _pool_head(h, batch.reshape(_NBLK, 1, _BLK).astype(jnp.int32),
                     params['lin1_W'], params['lin1_b'].reshape(1, D),
                     w2h, b2h)
    return out[:, :NCLS]

# --- scband reference (transcript-rebuilt; emitter-appended) ---
"""Pipeline reference for scband-cat-gnn-gin-2-17523466567802 (READ-ONLY COPY).

The authoritative reference and input builder live on the scoring server;
editing this copy changes nothing except your own understanding.
"""

import jax, jax.numpy as jnp
import numpy as np

N = 10000
E = 320000
D_IN = 128
DIM = 128
D_OUT = 10
G = 64


def _init_mlp_params(key, d_in, d):
    k1, k2 = jax.random.split(key, 2)
    s1 = (2.0 / (d_in + d)) ** 0.5
    s2 = (2.0 / (d + d)) ** 0.5
    return {
        'W1': jax.random.normal(k1, (d_in, d), dtype=jnp.float32) * s1,
        'b1': jnp.zeros((d,), dtype=jnp.float32),
        'gamma': jnp.ones((d,), dtype=jnp.float32),
        'beta': jnp.zeros((d,), dtype=jnp.float32),
        'W2': jax.random.normal(k2, (d, d), dtype=jnp.float32) * s2,
        'b2': jnp.zeros((d,), dtype=jnp.float32),
    }


def setup_inputs(seed: int = 0):
    key = jax.random.key(seed)
    ks = jax.random.split(key, 12)
    x = jax.random.normal(ks[0], (N, D_IN), dtype=jnp.float32)
    edge_index = jax.random.randint(ks[1], (2, E), 0, N, dtype=jnp.int32)
    batch = jnp.sort(jax.random.randint(ks[2], (N,), 0, G, dtype=jnp.int32))
    params = {
        'conv1': _init_mlp_params(ks[3], D_IN, DIM),
        'conv2': _init_mlp_params(ks[4], DIM, DIM),
        'conv3': _init_mlp_params(ks[5], DIM, DIM),
        'conv4': _init_mlp_params(ks[6], DIM, DIM),
        'conv5': _init_mlp_params(ks[7], DIM, DIM),
        'lin1_W': jax.random.normal(ks[8], (DIM, DIM), dtype=jnp.float32) * (2.0 / (DIM + DIM)) ** 0.5,
        'lin1_b': jnp.zeros((DIM,), dtype=jnp.float32),
        'lin2_W': jax.random.normal(ks[9], (DIM, D_OUT), dtype=jnp.float32) * (2.0 / (DIM + D_OUT)) ** 0.5,
        'lin2_b': jnp.zeros((D_OUT,), dtype=jnp.float32),
    }
    return {'x': x, 'edge_index': edge_index, 'batch': batch, 'params': params}


def _gin_layer(x, edge_index, p):
    src = edge_index[0]
    dst = edge_index[1]
    # GIN aggregation: (1 + eps) * x_i + sum_{j in N(i)} x_j, eps = 0 (default)
    agg = jnp.zeros((x.shape[0], x.shape[1]), dtype=x.dtype).at[dst].add(x[src])
    h = x + agg
    # MLP: Linear -> BatchNorm1d (batch statistics) -> ReLU -> Linear -> ReLU
    h = h @ p['W1'] + p['b1']
    mean = jnp.mean(h, axis=0)
    var = jnp.var(h, axis=0)
    h = (h - mean) / jnp.sqrt(var + 1e-5) * p['gamma'] + p['beta']
    h = jax.nn.relu(h)
    h = h @ p['W2'] + p['b2']
    h = jax.nn.relu(h)
    return h


def reference(x, edge_index, batch, params):
    h = x
    for i in range(1, 6):
        h = _gin_layer(h, edge_index, params['conv' + str(i)])
    pooled = jax.ops.segment_sum(h, batch, num_segments=G)
    h = jax.nn.relu(pooled @ params['lin1_W'] + params['lin1_b'])
    # dropout disabled (eval mode / deterministic reference)
    h = h @ params['lin2_W'] + params['lin2_b']
    return jax.nn.log_softmax(h, axis=-1)

if __name__ == "__main__":
    import jax
    _d = setup_inputs()
    print(jax.jit(kernel)(*tuple(_d.values())))

</pallas_src>

<mosaic_0001>
#map = affine_map<(d0, d1) -> (0, 0)>
#map1 = affine_map<(d0, d1) -> (0, 0, 0, 0)>
#map2 = affine_map<(d0, d1) -> (0, 0, 0)>
module attributes {stable_mosaic.version = 14 : i64} {
  func.func @_agg_body(%arg0: i32, %arg1: i32, %arg2: memref<10000x128xf32, #tpu.memory_space<hbm>>, %arg3: memref<10000x128xf32, #tpu.memory_space<hbm>>, %arg4: memref<32x10x10x100xi32, #tpu.memory_space<hbm>>, %arg5: memref<32x10x10x100xi32, #tpu.memory_space<hbm>>, %arg6: memref<2x10000x128xf32, #tpu.memory_space<hbm>>, %arg7: memref<2x10x100xi32, #tpu.memory_space<vmem>>, %arg8: memref<2x10x100xi32, #tpu.memory_space<vmem>>, %arg9: memref<3x100x128xf32, #tpu.memory_space<vmem>>, %arg10: memref<10000x128xf32, #tpu.memory_space<vmem_shared>>, %arg11: memref<3x!tpu.dma_semaphore, #tpu.memory_space<semaphore_mem>>, %arg12: memref<3x!tpu.dma_semaphore, #tpu.memory_space<semaphore_mem>>, %arg13: memref<2x!tpu.dma_semaphore, #tpu.memory_space<semaphore_mem>>, %arg14: memref<2x!tpu.dma_semaphore, #tpu.memory_space<semaphore_mem>>) attributes {dimension_semantics = [#tpu.dimension_semantics<core_parallel>, #tpu.dimension_semantics<subcore_parallel>], iteration_bounds = array<i64: 2, 16>, scalar_prefetch = 0 : i64, scratch_operands = 8 : i64, tpu.core_type = #tpu.core_type<sc_vector_subcore>, window_params = [{transform_indices = #map}, {transform_indices = #map}, {transform_indices = #map1}, {transform_indices = #map1}, {transform_indices = #map2}]} {
    %mul3A = arith.constant 16 : i32
    %mul3A_0 = arith.muli %arg0, %mul3A : i32
    %add3A = arith.addi %mul3A_0, %arg1 : i32
    %dma_start3A = arith.constant 0 : i32
    %dma_start3A_1 = arith.constant 0 : i32
    %dma_start3A_2 = arith.constant 0 : i32
    %dma_start3A_3 = arith.constant 0 : i32
    %dma_start3A_4 = arith.constant 0 : i32
    %dma_start3A_5 = tpu.memref_slice %arg7[%dma_start3A_1, %dma_start3A_3, %dma_start3A_4] : memref<2x10x100xi32, #tpu.memory_space<vmem>> -> memref<1x10x100xi32, #tpu.memory_space<vmem>>
    %dma_start3A_6 = tpu.memref_squeeze %dma_start3A_5 : memref<1x10x100xi32, #tpu.memory_space<vmem>> -> memref<10x100xi32, #tpu.memory_space<vmem>>
    %dma_start3A_7 = arith.constant 0 : i32
    %dma_start3A_8 = arith.constant 0 : i32
    %dma_start3A_9 = tpu.memref_slice %arg4[%add3A, %dma_start3A, %dma_start3A_7, %dma_start3A_8] : memref<32x10x10x100xi32, #tpu.memory_space<hbm>> -> memref<1x1x10x100xi32, #tpu.memory_space<hbm>>
    %dma_start3A_10 = tpu.memref_squeeze %dma_start3A_9 : memref<1x1x10x100xi32, #tpu.memory_space<hbm>> -> memref<10x100xi32, #tpu.memory_space<hbm>>
    %dma_start3A_11 = tpu.memref_slice %arg13[%dma_start3A_2] : memref<2x!tpu.dma_semaphore, #tpu.memory_space<semaphore_mem>> -> memref<1x!tpu.dma_semaphore, #tpu.memory_space<semaphore_mem>>
    %dma_start3A_12 = tpu.memref_squeeze %dma_start3A_11 : memref<1x!tpu.dma_semaphore, #tpu.memory_space<semaphore_mem>> -> memref<!tpu.dma_semaphore, #tpu.memory_space<semaphore_mem>>
    %dma_start3A_13 = arith.constant 0 : i32
    %dma_start3A_14 = arith.constant 0 : i32
    %dma_start3A_15 = tpu.memref_slice %arg7[%dma_start3A_1, %dma_start3A_13, %dma_start3A_14] : memref<2x10x100xi32, #tpu.memory_space<vmem>> -> memref<1x10x100xi32, #tpu.memory_space<vmem>>
    %dma_start3A_16 = tpu.memref_squeeze %dma_start3A_15 : memref<1x10x100xi32, #tpu.memory_space<vmem>> -> memref<10x100xi32, #tpu.memory_space<vmem>>
    %dma_start3A_17 = arith.constant 0 : i32
    %dma_start3A_18 = arith.constant 0 : i32
    %dma_start3A_19 = tpu.memref_slice %arg4[%add3A, %dma_start3A, %dma_start3A_17, %dma_start3A_18] : memref<32x10x10x100xi32, #tpu.memory_space<hbm>> -> memref<1x1x10x100xi32, #tpu.memory_space<hbm>>
    %dma_start3A_20 = tpu.memref_squeeze %dma_start3A_19 : memref<1x1x10x100xi32, #tpu.memory_space<hbm>> -> memref<10x100xi32, #tpu.memory_space<hbm>>
    tpu.enqueue_dma source(%dma_start3A_20 : memref<10x100xi32, #tpu.memory_space<hbm>>) target(%dma_start3A_16 : memref<10x100xi32, #tpu.memory_space<vmem>>) target_semaphore(%dma_start3A_12 : memref<!tpu.dma_semaphore, #tpu.memory_space<semaphore_mem>>)
    %dma_start3A_21 = arith.constant 0 : i32
    %dma_start3A_22 = arith.constant 0 : i32
    %dma_start3A_23 = arith.constant 0 : i32
    %dma_start3A_24 = arith.constant 0 : i32
    %dma_start3A_25 = arith.constant 0 : i32
    %dma_start3A_26 = tpu.memref_slice %arg8[%dma_start3A_22, %dma_start3A_24, %dma_start3A_25] : memref<2x10x100xi32, #tpu.memory_space<vmem>> -> memref<1x10x100xi32, #tpu.memory_space<vmem>>
    %dma_start3A_27 = tpu.memref_squeeze %dma_start3A_26 : memref<1x10x100xi32, #tpu.memory_space<vmem>> -> memref<10x100xi32, #tpu.memory_space<vmem>>
    %dma_start3A_28 = arith.constant 0 : i32
    %dma_start3A_29 = arith.constant 0 : i32
    %dma_start3A_30 = tpu.memref_slice %arg5[%add3A, %dma_start3A_21, %dma_start3A_28, %dma_start3A_29] : memref<32x10x10x100xi32, #tpu.memory_space<hbm>> -> memref<1x1x10x100xi32, #tpu.memory_space<hbm>>
    %dma_start3A_31 = tpu.memref_squeeze %dma_start3A_30 : memref<1x1x10x100xi32, #tpu.memory_space<hbm>> -> memref<10x100xi32, #tpu.memory_space<hbm>>
    %dma_start3A_32 = tpu.memref_slice %arg14[%dma_start3A_23] : memref<2x!tpu.dma_semaphore, #tpu.memory_space<semaphore_mem>> -> memref<1x!tpu.dma_semaphore, #tpu.memory_space<semaphore_mem>>
    %dma_start3A_33 = tpu.memref_squeeze %dma_start3A_32 : memref<1x!tpu.dma_semaphore, #tpu.memory_space<semaphore_mem>> -> memref<!tpu.dma_semaphore, #tpu.memory_space<semaphore_mem>>
    %dma_start3A_34 = arith.constant 0 : i32
    %dma_start3A_35 = arith.constant 0 : i32
    %dma_start3A_36 = tpu.memref_slice %arg8[%dma_start3A_22, %dma_start3A_34, %dma_start3A_35] : memref<2x10x100xi32, #tpu.memory_space<vmem>> -> memref<1x10x100xi32, #tpu.memory_space<vmem>>
    %dma_start3A_37 = tpu.memref_squeeze %dma_start3A_36 : memref<1x10x100xi32, #tpu.memory_space<vmem>> -> memref<10x100xi32, #tpu.memory_space<vmem>>
    %dma_start3A_38 = arith.constant 0 : i32
    %dma_start3A_39 = arith.constant 0 : i32
    %dma_start3A_40 = tpu.memref_slice %arg5[%add3A, %dma_start3A_21, %dma_start3A_38, %dma_start3A_39] : memref<32x10x10x100xi32, #tpu.memory_space<hbm>> -> memref<1x1x10x100xi32, #tpu.memory_space<hbm>>
    %dma_start3A_41 = tpu.memref_squeeze %dma_start3A_40 : memref<1x1x10x100xi32, #tpu.memory_space<hbm>> -> memref<10x100xi32, #tpu.memory_space<hbm>>
    tpu.enqueue_dma source(%dma_start3A_41 : memref<10x100xi32, #tpu.memory_space<hbm>>) target(%dma_start3A_37 : memref<10x100xi32, #tpu.memory_space<vmem>>) target_semaphore(%dma_start3A_33 : memref<!tpu.dma_semaphore, #tpu.memory_space<semaphore_mem>>)
    %mul3A_42 = arith.constant 624 : i32
    %mul3A_43 = arith.muli %arg1, %mul3A_42 : i32
    %eq3A = arith.constant 0 : i32
    %eq3A_44 = arith.cmpi eq, %arg0, %eq3A : i32
    %convert_element_type3A = arith.extui %eq3A_44 : i1 to i32
    %cond3A = arith.constant 0 : i32
    %cond3A_45 = arith.cmpi ne, %convert_element_type3A, %cond3A : i32
    scf.if %cond3A_45 {
      "tpu.region"() ({
        %run_scoped3A = tpu.sem_alloc : memref<!tpu.dma_semaphore, #tpu.memory_space<semaphore_mem>>
        %dma_start3A_150 = arith.constant 0 : i32
        %dma_start3A_151 = tpu.memref_slice %arg10[%mul3A_43, %dma_start3A_150] : memref<10000x128xf32, #tpu.memory_space<vmem_shared>> -> memref<624x128xf32, #tpu.memory_space<vmem_shared>>
        %dma_start3A_152 = arith.constant 0 : i32
        %dma_start3A_153 = tpu.memref_slice %arg2[%mul3A_43, %dma_start3A_152] : memref<10000x128xf32, #tpu.memory_space<hbm>> -> memref<624x128xf32, #tpu.memory_space<hbm>>
        tpu.enqueue_dma source(%dma_start3A_153 : memref<624x128xf32, #tpu.memory_space<hbm>>) target(%dma_start3A_151 : memref<624x128xf32, #tpu.memory_space<vmem_shared>>) target_semaphore(%run_scoped3A : memref<!tpu.dma_semaphore, #tpu.memory_space<semaphore_mem>>)
        %dma_wait3A_154 = arith.constant 0 : i32
        %dma_wait3A_155 = tpu.memref_slice %arg10[%mul3A_43, %dma_wait3A_154] : memref<10000x128xf32, #tpu.memory_space<vmem_shared>> -> memref<624x128xf32, #tpu.memory_space<vmem_shared>>
        %dma_wait3A_156 = arith.constant 0 : i32
        %dma_wait3A_157 = tpu.memref_slice %arg2[%mul3A_43, %dma_wait3A_156] : memref<10000x128xf32, #tpu.memory_space<hbm>> -> memref<624x128xf32, #tpu.memory_space<hbm>>
        tpu.wait_dma2 semaphore(%run_scoped3A : memref<!tpu.dma_semaphore, #tpu.memory_space<semaphore_mem>>) src(%dma_wait3A_157 : memref<624x128xf32, #tpu.memory_space<hbm>>) dst(%dma_wait3A_155 : memref<624x128xf32, #tpu.memory_space<vmem_shared>>)
        tpu.yield
      }) : () -> ()
      %eq3A_145 = arith.constant 15 : i32
      %eq3A_146 = arith.cmpi eq, %arg1, %eq3A_145 : i32
      %convert_element_type3A_147 = arith.extui %eq3A_146 : i1 to i32
      %cond3A_148 = arith.constant 0 : i32
      %cond3A_149 = arith.cmpi ne, %convert_element_type3A_147, %cond3A_148 : i32
      scf.if %cond3A_149 {
        "tpu.region"() ({
          %run_scoped3A = tpu.sem_alloc : memref<!tpu.dma_semaphore, #tpu.memory_space<semaphore_mem>>
          %dma_start3A_150 = arith.constant 9984 : i32
          %dma_start3A_151 = arith.constant 0 : i32
          %dma_start3A_152 = tpu.memref_slice %arg10[%dma_start3A_150, %dma_start3A_151] : memref<10000x128xf32, #tpu.memory_space<vmem_shared>> -> memref<16x128xf32, #tpu.memory_space<vmem_shared>>
          %dma_start3A_153 = arith.constant 9984 : i32
          %dma_start3A_154 = arith.constant 0 : i32
          %dma_start3A_155 = tpu.memref_slice %arg2[%dma_start3A_153, %dma_start3A_154] : memref<10000x128xf32, #tpu.memory_space<hbm>> -> memref<16x128xf32, #tpu.memory_space<hbm>>
          tpu.enqueue_dma source(%dma_start3A_155 : memref<16x128xf32, #tpu.memory_space<hbm>>) target(%dma_start3A_152 : memref<16x128xf32, #tpu.memory_space<vmem_shared>>) target_semaphore(%run_scoped3A : memref<!tpu.dma_semaphore, #tpu.memory_space<semaphore_mem>>)
          %dma_wait3A_156 = arith.constant 9984 : i32
          %dma_wait3A_157 = arith.constant 0 : i32
          %dma_wait3A_158 = tpu.memref_slice %arg10[%dma_wait3A_156, %dma_wait3A_157] : memref<10000x128xf32, #tpu.memory_space<vmem_shared>> -> memref<16x128xf32, #tpu.memory_space<vmem_shared>>
          %dma_wait3A_159 = arith.constant 9984 : i32
          %dma_wait3A_160 = arith.constant 0 : i32
          %dma_wait3A_161 = tpu.memref_slice %arg2[%dma_wait3A_159, %dma_wait3A_160] : memref<10000x128xf32, #tpu.memory_space<hbm>> -> memref<16x128xf32, #tpu.memory_space<hbm>>
          tpu.wait_dma2 semaphore(%run_scoped3A : memref<!tpu.dma_semaphore, #tpu.memory_space<semaphore_mem>>) src(%dma_wait3A_161 : memref<16x128xf32, #tpu.memory_space<hbm>>) dst(%dma_wait3A_158 : memref<16x128xf32, #tpu.memory_space<vmem_shared>>)
          tpu.yield
        }) : () -> ()
      } else {
      }
    } else {
    }
    %ne3A = arith.constant 0 : i32
    %ne3A_46 = arith.cmpi ne, %arg0, %ne3A : i32
    %convert_element_type3A_47 = arith.extui %ne3A_46 : i1 to i32
    %cond3A_48 = arith.constant 0 : i32
    %cond3A_49 = arith.cmpi ne, %convert_element_type3A_47, %cond3A_48 : i32
    scf.if %cond3A_49 {
      "tpu.region"() ({
        %run_scoped3A = tpu.sem_alloc : memref<!tpu.dma_semaphore, #tpu.memory_space<semaphore_mem>>
        %dma_start3A_150 = arith.constant 0 : i32
        %dma_start3A_151 = tpu.memref_slice %arg10[%mul3A_43, %dma_start3A_150] : memref<10000x128xf32, #tpu.memory_space<vmem_shared>> -> memref<624x128xf32, #tpu.memory_space<vmem_shared>>
        %dma_start3A_152 = arith.constant 0 : i32
        %dma_start3A_153 = tpu.memref_slice %arg3[%mul3A_43, %dma_start3A_152] : memref<10000x128xf32, #tpu.memory_space<hbm>> -> memref<624x128xf32, #tpu.memory_space<hbm>>
        tpu.enqueue_dma source(%dma_start3A_153 : memref<624x128xf32, #tpu.memory_space<hbm>>) target(%dma_start3A_151 : memref<624x128xf32, #tpu.memory_space<vmem_shared>>) target_semaphore(%run_scoped3A : memref<!tpu.dma_semaphore, #tpu.memory_space<semaphore_mem>>)
        %dma_wait3A_154 = arith.constant 0 : i32
        %dma_wait3A_155 = tpu.memref_slice %arg10[%mul3A_43, %dma_wait3A_154] : memref<10000x128xf32, #tpu.memory_space<vmem_shared>> -> memref<624x128xf32, #tpu.memory_space<vmem_shared>>
        %dma_wait3A_156 = arith.constant 0 : i32
        %dma_wait3A_157 = tpu.memref_slice %arg3[%mul3A_43, %dma_wait3A_156] : memref<10000x128xf32, #tpu.memory_space<hbm>> -> memref<624x128xf32, #tpu.memory_space<hbm>>
        tpu.wait_dma2 semaphore(%run_scoped3A : memref<!tpu.dma_semaphore, #tpu.memory_space<semaphore_mem>>) src(%dma_wait3A_157 : memref<624x128xf32, #tpu.memory_space<hbm>>) dst(%dma_wait3A_155 : memref<624x128xf32, #tpu.memory_space<vmem_shared>>)
        tpu.yield
      }) : () -> ()
      %eq3A_145 = arith.constant 15 : i32
      %eq3A_146 = arith.cmpi eq, %arg1, %eq3A_145 : i32
      %convert_element_type3A_147 = arith.extui %eq3A_146 : i1 to i32
      %cond3A_148 = arith.constant 0 : i32
      %cond3A_149 = arith.cmpi ne, %convert_element_type3A_147, %cond3A_148 : i32
      scf.if %cond3A_149 {
        "tpu.region"() ({
          %run_scoped3A = tpu.sem_alloc : memref<!tpu.dma_semaphore, #tpu.memory_space<semaphore_mem>>
          %dma_start3A_150 = arith.constant 9984 : i32
          %dma_start3A_151 = arith.constant 0 : i32
          %dma_start3A_152 = tpu.memref_slice %arg10[%dma_start3A_150, %dma_start3A_151] : memref<10000x128xf32, #tpu.memory_space<vmem_shared>> -> memref<16x128xf32, #tpu.memory_space<vmem_shared>>
          %dma_start3A_153 = arith.constant 9984 : i32
          %dma_start3A_154 = arith.constant 0 : i32
          %dma_start3A_155 = tpu.memref_slice %arg3[%dma_start3A_153, %dma_start3A_154] : memref<10000x128xf32, #tpu.memory_space<hbm>> -> memref<16x128xf32, #tpu.memory_space<hbm>>
          tpu.enqueue_dma source(%dma_start3A_155 : memref<16x128xf32, #tpu.memory_space<hbm>>) target(%dma_start3A_152 : memref<16x128xf32, #tpu.memory_space<vmem_shared>>) target_semaphore(%run_scoped3A : memref<!tpu.dma_semaphore, #tpu.memory_space<semaphore_mem>>)
          %dma_wait3A_156 = arith.constant 9984 : i32
          %dma_wait3A_157 = arith.constant 0 : i32
          %dma_wait3A_158 = tpu.memref_slice %arg10[%dma_wait3A_156, %dma_wait3A_157] : memref<10000x128xf32, #tpu.memory_space<vmem_shared>> -> memref<16x128xf32, #tpu.memory_space<vmem_shared>>
          %dma_wait3A_159 = arith.constant 9984 : i32
          %dma_wait3A_160 = arith.constant 0 : i32
          %dma_wait3A_161 = tpu.memref_slice %arg3[%dma_wait3A_159, %dma_wait3A_160] : memref<10000x128xf32, #tpu.memory_space<hbm>> -> memref<16x128xf32, #tpu.memory_space<hbm>>
          tpu.wait_dma2 semaphore(%run_scoped3A : memref<!tpu.dma_semaphore, #tpu.memory_space<semaphore_mem>>) src(%dma_wait3A_161 : memref<16x128xf32, #tpu.memory_space<hbm>>) dst(%dma_wait3A_158 : memref<16x128xf32, #tpu.memory_space<vmem_shared>>)
          tpu.yield
        }) : () -> ()
      } else {
      }
    } else {
    }
    %barrier3A = arith.constant 0 : index
    tpu.barrier barrier_id(%barrier3A)
    %dma_wait3A = arith.constant 0 : i32
    %dma_wait3A_50 = arith.constant 0 : i32
    %dma_wait3A_51 = arith.constant 0 : i32
    %dma_wait3A_52 = arith.constant 0 : i32
    %dma_wait3A_53 = arith.constant 0 : i32
    %dma_wait3A_54 = tpu.memref_slice %arg7[%dma_wait3A_50, %dma_wait3A_52, %dma_wait3A_53] : memref<2x10x100xi32, #tpu.memory_space<vmem>> -> memref<1x10x100xi32, #tpu.memory_space<vmem>>
    %dma_wait3A_55 = tpu.memref_squeeze %dma_wait3A_54 : memref<1x10x100xi32, #tpu.memory_space<vmem>> -> memref<10x100xi32, #tpu.memory_space<vmem>>
    %dma_wait3A_56 = arith.constant 0 : i32
    %dma_wait3A_57 = arith.constant 0 : i32
    %dma_wait3A_58 = tpu.memref_slice %arg4[%add3A, %dma_wait3A, %dma_wait3A_56, %dma_wait3A_57] : memref<32x10x10x100xi32, #tpu.memory_space<hbm>> -> memref<1x1x10x100xi32, #tpu.memory_space<hbm>>
    %dma_wait3A_59 = tpu.memref_squeeze %dma_wait3A_58 : memref<1x1x10x100xi32, #tpu.memory_space<hbm>> -> memref<10x100xi32, #tpu.memory_space<hbm>>
    %dma_wait3A_60 = tpu.memref_slice %arg13[%dma_wait3A_51] : memref<2x!tpu.dma_semaphore, #tpu.memory_space<semaphore_mem>> -> memref<1x!tpu.dma_semaphore, #tpu.memory_space<semaphore_mem>>
    %dma_wait3A_61 = tpu.memref_squeeze %dma_wait3A_60 : memref<1x!tpu.dma_semaphore, #tpu.memory_space<semaphore_mem>> -> memref<!tpu.dma_semaphore, #tpu.memory_space<semaphore_mem>>
    %dma_wait3A_62 = arith.constant 0 : i32
    %dma_wait3A_63 = arith.constant 0 : i32
    %dma_wait3A_64 = tpu.memref_slice %arg7[%dma_wait3A_50, %dma_wait3A_62, %dma_wait3A_63] : memref<2x10x100xi32, #tpu.memory_space<vmem>> -> memref<1x10x100xi32, #tpu.memory_space<vmem>>
    %dma_wait3A_65 = tpu.memref_squeeze %dma_wait3A_64 : memref<1x10x100xi32, #tpu.memory_space<vmem>> -> memref<10x100xi32, #tpu.memory_space<vmem>>
    %dma_wait3A_66 = arith.constant 0 : i32
    %dma_wait3A_67 = arith.constant 0 : i32
    %dma_wait3A_68 = tpu.memref_slice %arg4[%add3A, %dma_wait3A, %dma_wait3A_66, %dma_wait3A_67] : memref<32x10x10x100xi32, #tpu.memory_space<hbm>> -> memref<1x1x10x100xi32, #tpu.memory_space<hbm>>
    %dma_wait3A_69 = tpu.memref_squeeze %dma_wait3A_68 : memref<1x1x10x100xi32, #tpu.memory_space<hbm>> -> memref<10x100xi32, #tpu.memory_space<hbm>>
    tpu.wait_dma2 semaphore(%dma_wait3A_61 : memref<!tpu.dma_semaphore, #tpu.memory_space<semaphore_mem>>) src(%dma_wait3A_69 : memref<10x100xi32, #tpu.memory_space<hbm>>) dst(%dma_wait3A_65 : memref<10x100xi32, #tpu.memory_space<vmem>>)
    %dma_start3A_70 = arith.constant 0 : i32
    %dma_start3A_71 = arith.constant 0 : i32
    %dma_start3A_72 = arith.constant 0 : i32
    %dma_start3A_73 = arith.constant 0 : i32
    %dma_start3A_74 = arith.constant 0 : i32
    %dma_start3A_75 = arith.constant 0 : i32
    %dma_start3A_76 = tpu.memref_slice %arg9[%dma_start3A_72, %dma_start3A_74, %dma_start3A_75] : memref<3x100x128xf32, #tpu.memory_space<vmem>> -> memref<1x100x128xf32, #tpu.memory_space<vmem>>
    %dma_start3A_77 = tpu.memref_squeeze %dma_start3A_76 : memref<1x100x128xf32, #tpu.memory_space<vmem>> -> memref<100x128xf32, #tpu.memory_space<vmem>>
    %dma_start3A_78 = arith.constant 0 : i32
    %dma_start3A_79 = tpu.memref_slice %arg7[%dma_start3A_70, %dma_start3A_71, %dma_start3A_78] : memref<2x10x100xi32, #tpu.memory_space<vmem>> -> memref<1x1x100xi32, #tpu.memory_space<vmem>>
    %dma_start3A_80 = tpu.memref_squeeze %dma_start3A_79 : memref<1x1x100xi32, #tpu.memory_space<vmem>> -> memref<100xi32, #tpu.memory_space<vmem>>
    %dma_start3A_81 = arith.constant 0 : i32
    %dma_start3A_82 = arith.constant 0 : i32
    %dma_start3A_83 = tpu.memref_slice %arg2[%dma_start3A_81, %dma_start3A_82] : memref<10000x128xf32, #tpu.memory_space<hbm>> -> memref<10000x128xf32, #tpu.memory_space<hbm>>
    %dma_start3A_84 = tpu.memref_slice %arg11[%dma_start3A_73] : memref<3x!tpu.dma_semaphore, #tpu.memory_space<semaphore_mem>> -> memref<1x!tpu.dma_semaphore, #tpu.memory_space<semaphore_mem>>
    %dma_start3A_85 = tpu.memref_squeeze %dma_start3A_84 : memref<1x!tpu.dma_semaphore, #tpu.memory_space<semaphore_mem>> -> memref<!tpu.dma_semaphore, #tpu.memory_space<semaphore_mem>>
    tpu.enqueue_indirect_dma source(%dma_start3A_83 : memref<10000x128xf32, #tpu.memory_space<hbm>>) target(%dma_start3A_77 : memref<100x128xf32, #tpu.memory_space<vmem>>) offsets(%dma_start3A_80 : memref<100xi32, #tpu.memory_space<vmem>>) semaphore(%dma_start3A_85 : memref<!tpu.dma_semaphore, #tpu.memory_space<semaphore_mem>>)
    %scan3A = arith.constant 0 : i32
    %scan3A_86 = arith.constant 0 : i32
    %scan3A_87 = arith.constant 100 : i32
    %scan3A_88 = arith.addi %scan3A_86, %scan3A_87 : i32
    %scan3A_89 = arith.constant 1 : i32
    scf.for %scan3A_145 = %scan3A_86 to %scan3A_88 step %scan3A_89  : i32 {
      %jit3A = arith.constant 10 : i32
      %div3A = arith.divsi %scan3A_145, %jit3A : i32
      %sign3A = arith.constant 0 : i32
      %sign3A_146 = arith.cmpi sgt, %scan3A_145, %sign3A : i32
      %sign3A_147 = arith.extui %sign3A_146 : i1 to i32
      %sign3A_148 = arith.constant 0 : i32
      %sign3A_149 = arith.cmpi slt, %scan3A_145, %sign3A_148 : i32
      %sign3A_150 = arith.extui %sign3A_149 : i1 to i32
      %sign3A_151 = arith.subi %sign3A_147, %sign3A_150 : i32
      %sign3A_152 = arith.constant 0 : i32
      %sign3A_153 = arith.cmpi sgt, %jit3A, %sign3A_152 : i32
      %sign3A_154 = arith.extui %sign3A_153 : i1 to i32
      %sign3A_155 = arith.constant 0 : i32
      %sign3A_156 = arith.cmpi slt, %jit3A, %sign3A_155 : i32
      %sign3A_157 = arith.extui %sign3A_156 : i1 to i32
      %sign3A_158 = arith.subi %sign3A_154, %sign3A_157 : i32
      %ne3A_159 = arith.cmpi ne, %sign3A_151, %sign3A_158 : i32
      %rem3A = arith.remsi %scan3A_145, %jit3A : i32
      %ne3A_160 = arith.constant 0 : i32
      %ne3A_161 = arith.cmpi ne, %rem3A, %ne3A_160 : i32
      %and3A = arith.andi %ne3A_159, %ne3A_161 : i1
      %sub3A = arith.constant 1 : i32
      %sub3A_162 = arith.subi %div3A, %sub3A : i32
      %select_n3A = arith.select %and3A, %sub3A_162, %div3A : i32
      %jit3A_163 = arith.constant 10 : i32
      %eq3A_164 = arith.constant 0 : i32
      %eq3A_165 = arith.cmpi eq, %jit3A_163, %eq3A_164 : i32
      %jit3A_166 = arith.constant 1 : i32
      %select_n3A_167 = arith.select %eq3A_165, %jit3A_166, %jit3A_163 : i32
      %rem3A_168 = arith.remsi %scan3A_145, %select_n3A_167 : i32
      %ne3A_169 = arith.constant 0 : i32
      %ne3A_170 = arith.cmpi ne, %rem3A_168, %ne3A_169 : i32
      %lt3A = arith.constant 0 : i32
      %lt3A_171 = arith.cmpi slt, %rem3A_168, %lt3A : i32
      %lt3A_172 = arith.constant 0 : i32
      %lt3A_173 = arith.cmpi slt, %select_n3A_167, %lt3A_172 : i32
      %ne3A_174 = arith.xori %lt3A_171, %lt3A_173 : i1
      %and3A_175 = arith.andi %ne3A_174, %ne3A_170 : i1
      %add3A_176 = arith.addi %rem3A_168, %select_n3A_167 : i32
      %select_n3A_177 = arith.select %and3A_175, %add3A_176, %rem3A_168 : i32
      %jit3A_178 = arith.constant 3 : i32
      %eq3A_179 = arith.constant 0 : i32
      %eq3A_180 = arith.cmpi eq, %jit3A_178, %eq3A_179 : i32
      %jit3A_181 = arith.constant 1 : i32
      %select_n3A_182 = arith.select %eq3A_180, %jit3A_181, %jit3A_178 : i32
      %rem3A_183 = arith.remsi %scan3A_145, %select_n3A_182 : i32
      %ne3A_184 = arith.constant 0 : i32
      %ne3A_185 = arith.cmpi ne, %rem3A_183, %ne3A_184 : i32
      %lt3A_186 = arith.constant 0 : i32
      %lt3A_187 = arith.cmpi slt, %rem3A_183, %lt3A_186 : i32
      %lt3A_188 = arith.constant 0 : i32
      %lt3A_189 = arith.cmpi slt, %select_n3A_182, %lt3A_188 : i32
      %ne3A_190 = arith.xori %lt3A_187, %lt3A_189 : i1
      %and3A_191 = arith.andi %ne3A_190, %ne3A_185 : i1
      %add3A_192 = arith.addi %rem3A_183, %select_n3A_182 : i32
      %select_n3A_193 = arith.select %and3A_191, %add3A_192, %rem3A_183 : i32
      %jit3A_194 = arith.constant 2 : i32
      %eq3A_195 = arith.constant 0 : i32
      %eq3A_196 = arith.cmpi eq, %jit3A_194, %eq3A_195 : i32
      %jit3A_197 = arith.constant 1 : i32
      %select_n3A_198 = arith.select %eq3A_196, %jit3A_197, %jit3A_194 : i32
      %rem3A_199 = arith.remsi %select_n3A, %select_n3A_198 : i32
      %ne3A_200 = arith.constant 0 : i32
      %ne3A_201 = arith.cmpi ne, %rem3A_199, %ne3A_200 : i32
      %lt3A_202 = arith.constant 0 : i32
      %lt3A_203 = arith.cmpi slt, %rem3A_199, %lt3A_202 : i32
      %lt3A_204 = arith.constant 0 : i32
      %lt3A_205 = arith.cmpi slt, %select_n3A_198, %lt3A_204 : i32
      %ne3A_206 = arith.xori %lt3A_203, %lt3A_205 : i1
      %and3A_207 = arith.andi %ne3A_206, %ne3A_201 : i1
      %add3A_208 = arith.addi %rem3A_199, %select_n3A_198 : i32
      %select_n3A_209 = arith.select %and3A_207, %add3A_208, %rem3A_199 : i32
      %eq3A_210 = arith.constant 0 : i32
      %eq3A_211 = arith.cmpi eq, %select_n3A_177, %eq3A_210 : i32
      %convert_element_type3A_212 = arith.extui %eq3A_211 : i1 to i32
      %cond3A_213 = arith.constant 0 : i32
      %cond3A_214 = arith.cmpi ne, %convert_element_type3A_212, %cond3A_213 : i32
      scf.if %cond3A_214 {
        %dma_wait3A_284 = arith.constant 0 : i32
        %dma_wait3A_285 = arith.constant 0 : i32
        %dma_wait3A_286 = arith.constant 0 : i32
        %dma_wait3A_287 = tpu.memref_slice %arg8[%select_n3A_209, %dma_wait3A_285, %dma_wait3A_286] : memref<2x10x100xi32, #tpu.memory_space<vmem>> -> memref<1x10x100xi32, #tpu.memory_space<vmem>>
        %dma_wait3A_288 = tpu.memref_squeeze %dma_wait3A_287 : memref<1x10x100xi32, #tpu.memory_space<vmem>> -> memref<10x100xi32, #tpu.memory_space<vmem>>
        %dma_wait3A_289 = arith.constant 0 : i32
        %dma_wait3A_290 = arith.constant 0 : i32
        %dma_wait3A_291 = tpu.memref_slice %arg5[%add3A, %dma_wait3A_284, %dma_wait3A_289, %dma_wait3A_290] : memref<32x10x10x100xi32, #tpu.memory_space<hbm>> -> memref<1x1x10x100xi32, #tpu.memory_space<hbm>>
        %dma_wait3A_292 = tpu.memref_squeeze %dma_wait3A_291 : memref<1x1x10x100xi32, #tpu.memory_space<hbm>> -> memref<10x100xi32, #tpu.memory_space<hbm>>
        %dma_wait3A_293 = tpu.memref_slice %arg14[%select_n3A_209] : memref<2x!tpu.dma_semaphore, #tpu.memory_space<semaphore_mem>> -> memref<1x!tpu.dma_semaphore, #tpu.memory_space<semaphore_mem>>
        %dma_wait3A_294 = tpu.memref_squeeze %dma_wait3A_293 : memref<1x!tpu.dma_semaphore, #tpu.memory_space<semaphore_mem>> -> memref<!tpu.dma_semaphore, #tpu.memory_space<semaphore_mem>>
        %dma_wait3A_295 = arith.constant 0 : i32
        %dma_wait3A_296 = arith.constant 0 : i32
        %dma_wait3A_297 = tpu.memref_slice %arg8[%select_n3A_209, %dma_wait3A_295, %dma_wait3A_296] : memref<2x10x100xi32, #tpu.memory_space<vmem>> -> memref<1x10x100xi32, #tpu.memory_space<vmem>>
        %dma_wait3A_298 = tpu.memref_squeeze %dma_wait3A_297 : memref<1x10x100xi32, #tpu.memory_space<vmem>> -> memref<10x100xi32, #tpu.memory_space<vmem>>
        %dma_wait3A_299 = arith.constant 0 : i32
        %dma_wait3A_300 = arith.constant 0 : i32
        %dma_wait3A_301 = tpu.memref_slice %arg5[%add3A, %dma_wait3A_284, %dma_wait3A_299, %dma_wait3A_300] : memref<32x10x10x100xi32, #tpu.memory_space<hbm>> -> memref<1x1x10x100xi32, #tpu.memory_space<hbm>>
        %dma_wait3A_302 = tpu.memref_squeeze %dma_wait3A_301 : memref<1x1x10x100xi32, #tpu.memory_space<hbm>> -> memref<10x100xi32, #tpu.memory_space<hbm>>
        tpu.wait_dma2 semaphore(%dma_wait3A_294 : memref<!tpu.dma_semaphore, #tpu.memory_space<semaphore_mem>>) src(%dma_wait3A_302 : memref<10x100xi32, #tpu.memory_space<hbm>>) dst(%dma_wait3A_298 : memref<10x100xi32, #tpu.memory_space<vmem>>)
      } else {
      }
      %eq3A_215 = arith.constant 2 : i32
      %eq3A_216 = arith.cmpi eq, %select_n3A_177, %eq3A_215 : i32
      %lt3A_217 = arith.constant 9 : i32
      %lt3A_218 = arith.cmpi slt, %select_n3A, %lt3A_217 : i32
      %and3A_219 = arith.andi %eq3A_216, %lt3A_218 : i1
      %convert_element_type3A_220 = arith.extui %and3A_219 : i1 to i32
      %cond3A_221 = arith.constant 0 : i32
      %cond3A_222 = arith.cmpi ne, %convert_element_type3A_220, %cond3A_221 : i32
      scf.if %cond3A_222 {
        %add3A_284 = arith.constant 1 : i32
        %add3A_285 = arith.addi %select_n3A, %add3A_284 : i32
        %sub3A_286 = arith.constant 1 : i32
        %sub3A_287 = arith.subi %sub3A_286, %select_n3A_209 : i32
        %sub3A_288 = arith.constant 1 : i32
        %sub3A_289 = arith.subi %sub3A_288, %select_n3A_209 : i32
        %dma_start3A_290 = arith.constant 0 : i32
        %dma_start3A_291 = arith.constant 0 : i32
        %dma_start3A_292 = tpu.memref_slice %arg7[%sub3A_287, %dma_start3A_290, %dma_start3A_291] : memref<2x10x100xi32, #tpu.memory_space<vmem>> -> memref<1x10x100xi32, #tpu.memory_space<vmem>>
        %dma_start3A_293 = tpu.memref_squeeze %dma_start3A_292 : memref<1x10x100xi32, #tpu.memory_space<vmem>> -> memref<10x100xi32, #tpu.memory_space<vmem>>
        %dma_start3A_294 = arith.constant 0 : i32
        %dma_start3A_295 = arith.constant 0 : i32
        %dma_start3A_296 = tpu.memref_slice %arg4[%add3A, %add3A_285, %dma_start3A_294, %dma_start3A_295] : memref<32x10x10x100xi32, #tpu.memory_space<hbm>> -> memref<1x1x10x100xi32, #tpu.memory_space<hbm>>
        %dma_start3A_297 = tpu.memref_squeeze %dma_start3A_296 : memref<1x1x10x100xi32, #tpu.memory_space<hbm>> -> memref<10x100xi32, #tpu.memory_space<hbm>>
        %dma_start3A_298 = tpu.memref_slice %arg13[%sub3A_289] : memref<2x!tpu.dma_semaphore, #tpu.memory_space<semaphore_mem>> -> memref<1x!tpu.dma_semaphore, #tpu.memory_space<semaphore_mem>>
        %dma_start3A_299 = tpu.memref_squeeze %dma_start3A_298 : memref<1x!tpu.dma_semaphore, #tpu.memory_space<semaphore_mem>> -> memref<!tpu.dma_semaphore, #tpu.memory_space<semaphore_mem>>
        %dma_start3A_300 = arith.constant 0 : i32
        %dma_start3A_301 = arith.constant 0 : i32
        %dma_start3A_302 = tpu.memref_slice %arg7[%sub3A_287, %dma_start3A_300, %dma_start3A_301] : memref<2x10x100xi32, #tpu.memory_space<vmem>> -> memref<1x10x100xi32, #tpu.memory_space<vmem>>
        %dma_start3A_303 = tpu.memref_squeeze %dma_start3A_302 : memref<1x10x100xi32, #tpu.memory_space<vmem>> -> memref<10x100xi32, #tpu.memory_space<vmem>>
        %dma_start3A_304 = arith.constant 0 : i32
        %dma_start3A_305 = arith.constant 0 : i32
        %dma_start3A_306 = tpu.memref_slice %arg4[%add3A, %add3A_285, %dma_start3A_304, %dma_start3A_305] : memref<32x10x10x100xi32, #tpu.memory_space<hbm>> -> memref<1x1x10x100xi32, #tpu.memory_space<hbm>>
        %dma_start3A_307 = tpu.memref_squeeze %dma_start3A_306 : memref<1x1x10x100xi32, #tpu.memory_space<hbm>> -> memref<10x100xi32, #tpu.memory_space<hbm>>
        tpu.enqueue_dma source(%dma_start3A_307 : memref<10x100xi32, #tpu.memory_space<hbm>>) target(%dma_start3A_303 : memref<10x100xi32, #tpu.memory_space<vmem>>) target_semaphore(%dma_start3A_299 : memref<!tpu.dma_semaphore, #tpu.memory_space<semaphore_mem>>)
        %add3A_308 = arith.constant 1 : i32
        %add3A_309 = arith.addi %select_n3A, %add3A_308 : i32
        %sub3A_310 = arith.constant 1 : i32
        %sub3A_311 = arith.subi %sub3A_310, %select_n3A_209 : i32
        %sub3A_312 = arith.constant 1 : i32
        %sub3A_313 = arith.subi %sub3A_312, %select_n3A_209 : i32
        %dma_start3A_314 = arith.constant 0 : i32
        %dma_start3A_315 = arith.constant 0 : i32
        %dma_start3A_316 = tpu.memref_slice %arg8[%sub3A_311, %dma_start3A_314, %dma_start3A_315] : memref<2x10x100xi32, #tpu.memory_space<vmem>> -> memref<1x10x100xi32, #tpu.memory_space<vmem>>
        %dma_start3A_317 = tpu.memref_squeeze %dma_start3A_316 : memref<1x10x100xi32, #tpu.memory_space<vmem>> -> memref<10x100xi32, #tpu.memory_space<vmem>>
        %dma_start3A_318 = arith.constant 0 : i32
        %dma_start3A_319 = arith.constant 0 : i32
        %dma_start3A_320 = tpu.memref_slice %arg5[%add3A, %add3A_309, %dma_start3A_318, %dma_start3A_319] : memref<32x10x10x100xi32, #tpu.memory_space<hbm>> -> memref<1x1x10x100xi32, #tpu.memory_space<hbm>>
        %dma_start3A_321 = tpu.memref_squeeze %dma_start3A_320 : memref<1x1x10x100xi32, #tpu.memory_space<hbm>> -> memref<10x100xi32, #tpu.memory_space<hbm>>
        %dma_start3A_322 = tpu.memref_slice %arg14[%sub3A_313] : memref<2x!tpu.dma_semaphore, #tpu.memory_space<semaphore_mem>> -> memref<1x!tpu.dma_semaphore, #tpu.memory_space<semaphore_mem>>
        %dma_start3A_323 = tpu.memref_squeeze %dma_start3A_322 : memref<1x!tpu.dma_semaphore, #tpu.memory_space<semaphore_mem>> -> memref<!tpu.dma_semaphore, #tpu.memory_space<semaphore_mem>>
        %dma_start3A_324 = arith.constant 0 : i32
        %dma_start3A_325 = arith.constant 0 : i32
        %dma_start3A_326 = tpu.memref_slice %arg8[%sub3A_311, %dma_start3A_324, %dma_start3A_325] : memref<2x10x100xi32, #tpu.memory_space<vmem>> -> memref<1x10x100xi32, #tpu.memory_space<vmem>>
        %dma_start3A_327 = tpu.memref_squeeze %dma_start3A_326 : memref<1x10x100xi32, #tpu.memory_space<vmem>> -> memref<10x100xi32, #tpu.memory_space<vmem>>
        %dma_start3A_328 = arith.constant 0 : i32
        %dma_start3A_329 = arith.constant 0 : i32
        %dma_start3A_330 = tpu.memref_slice %arg5[%add3A, %add3A_309, %dma_start3A_328, %dma_start3A_329] : memref<32x10x10x100xi32, #tpu.memory_space<hbm>> -> memref<1x1x10x100xi32, #tpu.memory_space<hbm>>
        %dma_start3A_331 = tpu.memref_squeeze %dma_start3A_330 : memref<1x1x10x100xi32, #tpu.memory_space<hbm>> -> memref<10x100xi32, #tpu.memory_space<hbm>>
        tpu.enqueue_dma source(%dma_start3A_331 : memref<10x100xi32, #tpu.memory_space<hbm>>) target(%dma_start3A_327 : memref<10x100xi32, #tpu.memory_space<vmem>>) target_semaphore(%dma_start3A_323 : memref<!tpu.dma_semaphore, #tpu.memory_space<semaphore_mem>>)
      } else {
      }
      %eq3A_223 = arith.constant 9 : i32
      %eq3A_224 = arith.cmpi eq, %select_n3A_177, %eq3A_223 : i32
      %add3A_225 = arith.constant 1 : i32
      %add3A_226 = arith.addi %scan3A_145, %add3A_225 : i32
      %lt3A_227 = arith.constant 100 : i32
      %lt3A_228 = arith.cmpi slt, %add3A_226, %lt3A_227 : i32
      %and3A_229 = arith.andi %eq3A_224, %lt3A_228 : i1
      %convert_element_type3A_230 = arith.extui %and3A_229 : i1 to i32
      %cond3A_231 = arith.constant 0 : i32
      %cond3A_232 = arith.cmpi ne, %convert_element_type3A_230, %cond3A_231 : i32
      scf.if %cond3A_232 {
        %sub3A_284 = arith.constant 1 : i32
        %sub3A_285 = arith.subi %sub3A_284, %select_n3A_209 : i32
        %dma_wait3A_286 = arith.constant 0 : i32
        %dma_wait3A_287 = arith.constant 0 : i32
        %dma_wait3A_288 = arith.constant 0 : i32
        %dma_wait3A_289 = tpu.memref_slice %arg7[%sub3A_285, %dma_wait3A_287, %dma_wait3A_288] : memref<2x10x100xi32, #tpu.memory_space<vmem>> -> memref<1x10x100xi32, #tpu.memory_space<vmem>>
        %dma_wait3A_290 = tpu.memref_squeeze %dma_wait3A_289 : memref<1x10x100xi32, #tpu.memory_space<vmem>> -> memref<10x100xi32, #tpu.memory_space<vmem>>
        %dma_wait3A_291 = arith.constant 0 : i32
        %dma_wait3A_292 = arith.constant 0 : i32
        %dma_wait3A_293 = tpu.memref_slice %arg4[%add3A, %dma_wait3A_286, %dma_wait3A_291, %dma_wait3A_292] : memref<32x10x10x100xi32, #tpu.memory_space<hbm>> -> memref<1x1x10x100xi32, #tpu.memory_space<hbm>>
        %dma_wait3A_294 = tpu.memref_squeeze %dma_wait3A_293 : memref<1x1x10x100xi32, #tpu.memory_space<hbm>> -> memref<10x100xi32, #tpu.memory_space<hbm>>
        %dma_wait3A_295 = tpu.memref_slice %arg13[%sub3A_285] : memref<2x!tpu.dma_semaphore, #tpu.memory_space<semaphore_mem>> -> memref<1x!tpu.dma_semaphore, #tpu.memory_space<semaphore_mem>>
        %dma_wait3A_296 = tpu.memref_squeeze %dma_wait3A_295 : memref<1x!tpu.dma_semaphore, #tpu.memory_space<semaphore_mem>> -> memref<!tpu.dma_semaphore, #tpu.memory_space<semaphore_mem>>
        %dma_wait3A_297 = arith.constant 0 : i32
        %dma_wait3A_298 = arith.constant 0 : i32
        %dma_wait3A_299 = tpu.memref_slice %arg7[%sub3A_285, %dma_wait3A_297, %dma_wait3A_298] : memref<2x10x100xi32, #tpu.memory_space<vmem>> -> memref<1x10x100xi32, #tpu.memory_space<vmem>>
        %dma_wait3A_300 = tpu.memref_squeeze %dma_wait3A_299 : memref<1x10x100xi32, #tpu.memory_space<vmem>> -> memref<10x100xi32, #tpu.memory_space<vmem>>
        %dma_wait3A_301 = arith.constant 0 : i32
        %dma_wait3A_302 = arith.constant 0 : i32
        %dma_wait3A_303 = tpu.memref_slice %arg4[%add3A, %dma_wait3A_286, %dma_wait3A_301, %dma_wait3A_302] : memref<32x10x10x100xi32, #tpu.memory_space<hbm>> -> memref<1x1x10x100xi32, #tpu.memory_space<hbm>>
        %dma_wait3A_304 = tpu.memref_squeeze %dma_wait3A_303 : memref<1x1x10x100xi32, #tpu.memory_space<hbm>> -> memref<10x100xi32, #tpu.memory_space<hbm>>
        tpu.wait_dma2 semaphore(%dma_wait3A_296 : memref<!tpu.dma_semaphore, #tpu.memory_space<semaphore_mem>>) src(%dma_wait3A_304 : memref<10x100xi32, #tpu.memory_space<hbm>>) dst(%dma_wait3A_300 : memref<10x100xi32, #tpu.memory_space<vmem>>)
      } else {
      }
      %add3A_233 = arith.constant 1 : i32
      %add3A_234 = arith.addi %scan3A_145, %add3A_233 : i32
      %jit3A_235 = arith.constant 3 : i32
      %eq3A_236 = arith.constant 0 : i32
      %eq3A_237 = arith.cmpi eq, %jit3A_235, %eq3A_236 : i32
      %jit3A_238 = arith.constant 1 : i32
      %select_n3A_239 = arith.select %eq3A_237, %jit3A_238, %jit3A_235 : i32
      %rem3A_240 = arith.remsi %add3A_234, %select_n3A_239 : i32
      %ne3A_241 = arith.constant 0 : i32
      %ne3A_242 = arith.cmpi ne, %rem3A_240, %ne3A_241 : i32
      %lt3A_243 = arith.constant 0 : i32
      %lt3A_244 = arith.cmpi slt, %rem3A_240, %lt3A_243 : i32
      %lt3A_245 = arith.constant 0 : i32
      %lt3A_246 = arith.cmpi slt, %select_n3A_239, %lt3A_245 : i32
      %ne3A_247 = arith.xori %lt3A_244, %lt3A_246 : i1
      %and3A_248 = arith.andi %ne3A_247, %ne3A_242 : i1
      %add3A_249 = arith.addi %rem3A_240, %select_n3A_239 : i32
      %select_n3A_250 = arith.select %and3A_248, %add3A_249, %rem3A_240 : i32
      %add3A_251 = arith.constant 1 : i32
      %add3A_252 = arith.addi %scan3A_145, %add3A_251 : i32
      %lt3A_253 = arith.constant 100 : i32
      %lt3A_254 = arith.cmpi slt, %add3A_252, %lt3A_253 : i32
      %convert_element_type3A_255 = arith.extui %lt3A_254 : i1 to i32
      %cond3A_256 = arith.constant 0 : i32
      %cond3A_257 = arith.cmpi ne, %convert_element_type3A_255, %cond3A_256 : i32
      scf.if %cond3A_257 {
        %ge3A = arith.constant 2 : i32
        %ge3A_284 = arith.cmpi sge, %scan3A_145, %ge3A : i32
        %convert_element_type3A_285 = arith.extui %ge3A_284 : i1 to i32
        %cond3A_286 = arith.constant 0 : i32
        %cond3A_287 = arith.cmpi ne, %convert_element_type3A_285, %cond3A_286 : i32
        scf.if %cond3A_287 {
          %dma_wait3A_360 = arith.constant 0 : i32
          %dma_wait3A_361 = arith.constant 0 : i32
          %dma_wait3A_362 = arith.constant 0 : i32
          %dma_wait3A_363 = arith.constant 0 : i32
          %dma_wait3A_364 = tpu.memref_slice %arg9[%select_n3A_250, %dma_wait3A_362, %dma_wait3A_363] : memref<3x100x128xf32, #tpu.memory_space<vmem>> -> memref<1x100x128xf32, #tpu.memory_space<vmem>>
          %dma_wait3A_365 = tpu.memref_squeeze %dma_wait3A_364 : memref<1x100x128xf32, #tpu.memory_space<vmem>> -> memref<100x128xf32, #tpu.memory_space<vmem>>
          %dma_wait3A_366 = arith.constant 0 : i32
          %dma_wait3A_367 = tpu.memref_slice %arg8[%dma_wait3A_360, %dma_wait3A_361, %dma_wait3A_366] : memref<2x10x100xi32, #tpu.memory_space<vmem>> -> memref<1x1x100xi32, #tpu.memory_space<vmem>>
          %dma_wait3A_368 = tpu.memref_squeeze %dma_wait3A_367 : memref<1x1x100xi32, #tpu.memory_space<vmem>> -> memref<100xi32, #tpu.memory_space<vmem>>
          %dma_wait3A_369 = arith.constant 0 : i32
          %dma_wait3A_370 = arith.constant 0 : i32
          %dma_wait3A_371 = tpu.memref_slice %arg10[%dma_wait3A_369, %dma_wait3A_370] : memref<10000x128xf32, #tpu.memory_space<vmem_shared>> -> memref<10000x128xf32, #tpu.memory_space<vmem_shared>>
          %dma_wait3A_372 = tpu.memref_slice %arg12[%select_n3A_250] : memref<3x!tpu.dma_semaphore, #tpu.memory_space<semaphore_mem>> -> memref<1x!tpu.dma_semaphore, #tpu.memory_space<semaphore_mem>>
          %dma_wait3A_373 = tpu.memref_squeeze %dma_wait3A_372 : memref<1x!tpu.dma_semaphore, #tpu.memory_space<semaphore_mem>> -> memref<!tpu.dma_semaphore, #tpu.memory_space<semaphore_mem>>
          tpu.wait_indirect_dma semaphore(%dma_wait3A_373 : memref<!tpu.dma_semaphore, #tpu.memory_space<semaphore_mem>>) src(%dma_wait3A_365 : memref<100x128xf32, #tpu.memory_space<vmem>>) dst(%dma_wait3A_371 : memref<10000x128xf32, #tpu.memory_space<vmem_shared>>)
        } else {
        }
        %add3A_288 = arith.constant 1 : i32
        %add3A_289 = arith.addi %scan3A_145, %add3A_288 : i32
        %jit3A_290 = arith.constant 10 : i32
        %div3A_291 = arith.divsi %add3A_289, %jit3A_290 : i32
        %sign3A_292 = arith.constant 0 : i32
        %sign3A_293 = arith.cmpi sgt, %add3A_289, %sign3A_292 : i32
        %sign3A_294 = arith.extui %sign3A_293 : i1 to i32
        %sign3A_295 = arith.constant 0 : i32
        %sign3A_296 = arith.cmpi slt, %add3A_289, %sign3A_295 : i32
        %sign3A_297 = arith.extui %sign3A_296 : i1 to i32
        %sign3A_298 = arith.subi %sign3A_294, %sign3A_297 : i32
        %sign3A_299 = arith.constant 0 : i32
        %sign3A_300 = arith.cmpi sgt, %jit3A_290, %sign3A_299 : i32
        %sign3A_301 = arith.extui %sign3A_300 : i1 to i32
        %sign3A_302 = arith.constant 0 : i32
        %sign3A_303 = arith.cmpi slt, %jit3A_290, %sign3A_302 : i32
        %sign3A_304 = arith.extui %sign3A_303 : i1 to i32
        %sign3A_305 = arith.subi %sign3A_301, %sign3A_304 : i32
        %ne3A_306 = arith.cmpi ne, %sign3A_298, %sign3A_305 : i32
        %rem3A_307 = arith.remsi %add3A_289, %jit3A_290 : i32
        %ne3A_308 = arith.constant 0 : i32
        %ne3A_309 = arith.cmpi ne, %rem3A_307, %ne3A_308 : i32
        %and3A_310 = arith.andi %ne3A_306, %ne3A_309 : i1
        %sub3A_311 = arith.constant 1 : i32
        %sub3A_312 = arith.subi %div3A_291, %sub3A_311 : i32
        %select_n3A_313 = arith.select %and3A_310, %sub3A_312, %div3A_291 : i32
        %jit3A_314 = arith.constant 2 : i32
        %eq3A_315 = arith.constant 0 : i32
        %eq3A_316 = arith.cmpi eq, %jit3A_314, %eq3A_315 : i32
        %jit3A_317 = arith.constant 1 : i32
        %select_n3A_318 = arith.select %eq3A_316, %jit3A_317, %jit3A_314 : i32
        %rem3A_319 = arith.remsi %select_n3A_313, %select_n3A_318 : i32
        %ne3A_320 = arith.constant 0 : i32
        %ne3A_321 = arith.cmpi ne, %rem3A_319, %ne3A_320 : i32
        %lt3A_322 = arith.constant 0 : i32
        %lt3A_323 = arith.cmpi slt, %rem3A_319, %lt3A_322 : i32
        %lt3A_324 = arith.constant 0 : i32
        %lt3A_325 = arith.cmpi slt, %select_n3A_318, %lt3A_324 : i32
        %ne3A_326 = arith.xori %lt3A_323, %lt3A_325 : i1
        %and3A_327 = arith.andi %ne3A_326, %ne3A_321 : i1
        %add3A_328 = arith.addi %rem3A_319, %select_n3A_318 : i32
        %select_n3A_329 = arith.select %and3A_327, %add3A_328, %rem3A_319 : i32
        %add3A_330 = arith.constant 1 : i32
        %add3A_331 = arith.addi %scan3A_145, %add3A_330 : i32
        %jit3A_332 = arith.constant 10 : i32
        %eq3A_333 = arith.constant 0 : i32
        %eq3A_334 = arith.cmpi eq, %jit3A_332, %eq3A_333 : i32
        %jit3A_335 = arith.constant 1 : i32
        %select_n3A_336 = arith.select %eq3A_334, %jit3A_335, %jit3A_332 : i32
        %rem3A_337 = arith.remsi %add3A_331, %select_n3A_336 : i32
        %ne3A_338 = arith.constant 0 : i32
        %ne3A_339 = arith.cmpi ne, %rem3A_337, %ne3A_338 : i32
        %lt3A_340 = arith.constant 0 : i32
        %lt3A_341 = arith.cmpi slt, %rem3A_337, %lt3A_340 : i32
        %lt3A_342 = arith.constant 0 : i32
        %lt3A_343 = arith.cmpi slt, %select_n3A_336, %lt3A_342 : i32
        %ne3A_344 = arith.xori %lt3A_341, %lt3A_343 : i1
        %and3A_345 = arith.andi %ne3A_344, %ne3A_339 : i1
        %add3A_346 = arith.addi %rem3A_337, %select_n3A_336 : i32
        %select_n3A_347 = arith.select %and3A_345, %add3A_346, %rem3A_337 : i32
        %dma_start3A_348 = arith.constant 0 : i32
        %dma_start3A_349 = arith.constant 0 : i32
        %dma_start3A_350 = tpu.memref_slice %arg9[%select_n3A_250, %dma_start3A_348, %dma_start3A_349] : memref<3x100x128xf32, #tpu.memory_space<vmem>> -> memref<1x100x128xf32, #tpu.memory_space<vmem>>
        %dma_start3A_351 = tpu.memref_squeeze %dma_start3A_350 : memref<1x100x128xf32, #tpu.memory_space<vmem>> -> memref<100x128xf32, #tpu.memory_space<vmem>>
        %dma_start3A_352 = arith.constant 0 : i32
        %dma_start3A_353 = tpu.memref_slice %arg7[%select_n3A_329, %select_n3A_347, %dma_start3A_352] : memref<2x10x100xi32, #tpu.memory_space<vmem>> -> memref<1x1x100xi32, #tpu.memory_space<vmem>>
        %dma_start3A_354 = tpu.memref_squeeze %dma_start3A_353 : memref<1x1x100xi32, #tpu.memory_space<vmem>> -> memref<100xi32, #tpu.memory_space<vmem>>
        %dma_start3A_355 = arith.constant 0 : i32
        %dma_start3A_356 = arith.constant 0 : i32
        %dma_start3A_357 = tpu.memref_slice %arg2[%dma_start3A_355, %dma_start3A_356] : memref<10000x128xf32, #tpu.memory_space<hbm>> -> memref<10000x128xf32, #tpu.memory_space<hbm>>
        %dma_start3A_358 = tpu.memref_slice %arg11[%select_n3A_250] : memref<3x!tpu.dma_semaphore, #tpu.memory_space<semaphore_mem>> -> memref<1x!tpu.dma_semaphore, #tpu.memory_space<semaphore_mem>>
        %dma_start3A_359 = tpu.memref_squeeze %dma_start3A_358 : memref<1x!tpu.dma_semaphore, #tpu.memory_space<semaphore_mem>> -> memref<!tpu.dma_semaphore, #tpu.memory_space<semaphore_mem>>
        tpu.enqueue_indirect_dma source(%dma_start3A_357 : memref<10000x128xf32, #tpu.memory_space<hbm>>) target(%dma_start3A_351 : memref<100x128xf32, #tpu.memory_space<vmem>>) offsets(%dma_start3A_354 : memref<100xi32, #tpu.memory_space<vmem>>) semaphore(%dma_start3A_359 : memref<!tpu.dma_semaphore, #tpu.memory_space<semaphore_mem>>)
      } else {
      }
      %dma_wait3A_258 = arith.constant 0 : i32
      %dma_wait3A_259 = arith.constant 0 : i32
      %dma_wait3A_260 = arith.constant 0 : i32
      %dma_wait3A_261 = arith.constant 0 : i32
      %dma_wait3A_262 = tpu.memref_slice %arg9[%select_n3A_193, %dma_wait3A_260, %dma_wait3A_261] : memref<3x100x128xf32, #tpu.memory_space<vmem>> -> memref<1x100x128xf32, #tpu.memory_space<vmem>>
      %dma_wait3A_263 = tpu.memref_squeeze %dma_wait3A_262 : memref<1x100x128xf32, #tpu.memory_space<vmem>> -> memref<100x128xf32, #tpu.memory_space<vmem>>
      %dma_wait3A_264 = arith.constant 0 : i32
      %dma_wait3A_265 = tpu.memref_slice %arg7[%dma_wait3A_258, %dma_wait3A_259, %dma_wait3A_264] : memref<2x10x100xi32, #tpu.memory_space<vmem>> -> memref<1x1x100xi32, #tpu.memory_space<vmem>>
      %dma_wait3A_266 = tpu.memref_squeeze %dma_wait3A_265 : memref<1x1x100xi32, #tpu.memory_space<vmem>> -> memref<100xi32, #tpu.memory_space<vmem>>
      %dma_wait3A_267 = arith.constant 0 : i32
      %dma_wait3A_268 = arith.constant 0 : i32
      %dma_wait3A_269 = tpu.memref_slice %arg2[%dma_wait3A_267, %dma_wait3A_268] : memref<10000x128xf32, #tpu.memory_space<hbm>> -> memref<10000x128xf32, #tpu.memory_space<hbm>>
      %dma_wait3A_270 = tpu.memref_slice %arg11[%select_n3A_193] : memref<3x!tpu.dma_semaphore, #tpu.memory_space<semaphore_mem>> -> memref<1x!tpu.dma_semaphore, #tpu.memory_space<semaphore_mem>>
      %dma_wait3A_271 = tpu.memref_squeeze %dma_wait3A_270 : memref<1x!tpu.dma_semaphore, #tpu.memory_space<semaphore_mem>> -> memref<!tpu.dma_semaphore, #tpu.memory_space<semaphore_mem>>
      tpu.wait_indirect_dma semaphore(%dma_wait3A_271 : memref<!tpu.dma_semaphore, #tpu.memory_space<semaphore_mem>>) src(%dma_wait3A_269 : memref<10000x128xf32, #tpu.memory_space<hbm>>) dst(%dma_wait3A_263 : memref<100x128xf32, #tpu.memory_space<vmem>>)
      %dma_start3A_272 = arith.constant 0 : i32
      %dma_start3A_273 = arith.constant 0 : i32
      %dma_start3A_274 = tpu.memref_slice %arg9[%select_n3A_193, %dma_start3A_272, %dma_start3A_273] : memref<3x100x128xf32, #tpu.memory_space<vmem>> -> memref<1x100x128xf32, #tpu.memory_space<vmem>>
      %dma_start3A_275 = tpu.memref_squeeze %dma_start3A_274 : memref<1x100x128xf32, #tpu.memory_space<vmem>> -> memref<100x128xf32, #tpu.memory_space<vmem>>
      %dma_start3A_276 = arith.constant 0 : i32
      %dma_start3A_277 = tpu.memref_slice %arg8[%select_n3A_209, %select_n3A_177, %dma_start3A_276] : memref<2x10x100xi32, #tpu.memory_space<vmem>> -> memref<1x1x100xi32, #tpu.memory_space<vmem>>
      %dma_start3A_278 = tpu.memref_squeeze %dma_start3A_277 : memref<1x1x100xi32, #tpu.memory_space<vmem>> -> memref<100xi32, #tpu.memory_space<vmem>>
      %dma_start3A_279 = arith.constant 0 : i32
      %dma_start3A_280 = arith.constant 0 : i32
      %dma_start3A_281 = tpu.memref_slice %arg10[%dma_start3A_279, %dma_start3A_280] : memref<10000x128xf32, #tpu.memory_space<vmem_shared>> -> memref<10000x128xf32, #tpu.memory_space<vmem_shared>>
      %dma_start3A_282 = tpu.memref_slice %arg12[%select_n3A_193] : memref<3x!tpu.dma_semaphore, #tpu.memory_space<semaphore_mem>> -> memref<1x!tpu.dma_semaphore, #tpu.memory_space<semaphore_mem>>
      %dma_start3A_283 = tpu.memref_squeeze %dma_start3A_282 : memref<1x!tpu.dma_semaphore, #tpu.memory_space<semaphore_mem>> -> memref<!tpu.dma_semaphore, #tpu.memory_space<semaphore_mem>>
      tpu.enqueue_indirect_dma source(%dma_start3A_275 : memref<100x128xf32, #tpu.memory_space<vmem>>) target(%dma_start3A_281 : memref<10000x128xf32, #tpu.memory_space<vmem_shared>>) offsets(%dma_start3A_278 : memref<100xi32, #tpu.memory_space<vmem>>) semaphore(%dma_start3A_283 : memref<!tpu.dma_semaphore, #tpu.memory_space<semaphore_mem>>) {add = true}
    }
    %scan3A_90 = arith.constant 100 : i32
    %dma_wait3A_91 = arith.constant 1 : i32
    %dma_wait3A_92 = arith.constant 0 : i32
    %dma_wait3A_93 = arith.constant 0 : i32
    %dma_wait3A_94 = arith.constant 1 : i32
    %dma_wait3A_95 = arith.constant 0 : i32
    %dma_wait3A_96 = arith.constant 0 : i32
    %dma_wait3A_97 = tpu.memref_slice %arg9[%dma_wait3A_91, %dma_wait3A_95, %dma_wait3A_96] : memref<3x100x128xf32, #tpu.memory_space<vmem>> -> memref<1x100x128xf32, #tpu.memory_space<vmem>>
    %dma_wait3A_98 = tpu.memref_squeeze %dma_wait3A_97 : memref<1x100x128xf32, #tpu.memory_space<vmem>> -> memref<100x128xf32, #tpu.memory_space<vmem>>
    %dma_wait3A_99 = arith.constant 0 : i32
    %dma_wait3A_100 = tpu.memref_slice %arg8[%dma_wait3A_92, %dma_wait3A_93, %dma_wait3A_99] : memref<2x10x100xi32, #tpu.memory_space<vmem>> -> memref<1x1x100xi32, #tpu.memory_space<vmem>>
    %dma_wait3A_101 = tpu.memref_squeeze %dma_wait3A_100 : memref<1x1x100xi32, #tpu.memory_space<vmem>> -> memref<100xi32, #tpu.memory_space<vmem>>
    %dma_wait3A_102 = arith.constant 0 : i32
    %dma_wait3A_103 = arith.constant 0 : i32
    %dma_wait3A_104 = tpu.memref_slice %arg10[%dma_wait3A_102, %dma_wait3A_103] : memref<10000x128xf32, #tpu.memory_space<vmem_shared>> -> memref<10000x128xf32, #tpu.memory_space<vmem_shared>>
    %dma_wait3A_105 = tpu.memref_slice %arg12[%dma_wait3A_94] : memref<3x!tpu.dma_semaphore, #tpu.memory_space<semaphore_mem>> -> memref<1x!tpu.dma_semaphore, #tpu.memory_space<semaphore_mem>>
    %dma_wait3A_106 = tpu.memref_squeeze %dma_wait3A_105 : memref<1x!tpu.dma_semaphore, #tpu.memory_space<semaphore_mem>> -> memref<!tpu.dma_semaphore, #tpu.memory_space<semaphore_mem>>
    tpu.wait_indirect_dma semaphore(%dma_wait3A_106 : memref<!tpu.dma_semaphore, #tpu.memory_space<semaphore_mem>>) src(%dma_wait3A_98 : memref<100x128xf32, #tpu.memory_space<vmem>>) dst(%dma_wait3A_104 : memref<10000x128xf32, #tpu.memory_space<vmem_shared>>)
    %dma_wait3A_107 = arith.constant 2 : i32
    %dma_wait3A_108 = arith.constant 0 : i32
    %dma_wait3A_109 = arith.constant 0 : i32
    %dma_wait3A_110 = arith.constant 2 : i32
    %dma_wait3A_111 = arith.constant 0 : i32
    %dma_wait3A_112 = arith.constant 0 : i32
    %dma_wait3A_113 = tpu.memref_slice %arg9[%dma_wait3A_107, %dma_wait3A_111, %dma_wait3A_112] : memref<3x100x128xf32, #tpu.memory_space<vmem>> -> memref<1x100x128xf32, #tpu.memory_space<vmem>>
    %dma_wait3A_114 = tpu.memref_squeeze %dma_wait3A_113 : memref<1x100x128xf32, #tpu.memory_space<vmem>> -> memref<100x128xf32, #tpu.memory_space<vmem>>
    %dma_wait3A_115 = arith.constant 0 : i32
    %dma_wait3A_116 = tpu.memref_slice %arg8[%dma_wait3A_108, %dma_wait3A_109, %dma_wait3A_115] : memref<2x10x100xi32, #tpu.memory_space<vmem>> -> memref<1x1x100xi32, #tpu.memory_space<vmem>>
    %dma_wait3A_117 = tpu.memref_squeeze %dma_wait3A_116 : memref<1x1x100xi32, #tpu.memory_space<vmem>> -> memref<100xi32, #tpu.memory_space<vmem>>
    %dma_wait3A_118 = arith.constant 0 : i32
    %dma_wait3A_119 = arith.constant 0 : i32
    %dma_wait3A_120 = tpu.memref_slice %arg10[%dma_wait3A_118, %dma_wait3A_119] : memref<10000x128xf32, #tpu.memory_space<vmem_shared>> -> memref<10000x128xf32, #tpu.memory_space<vmem_shared>>
    %dma_wait3A_121 = tpu.memref_slice %arg12[%dma_wait3A_110] : memref<3x!tpu.dma_semaphore, #tpu.memory_space<semaphore_mem>> -> memref<1x!tpu.dma_semaphore, #tpu.memory_space<semaphore_mem>>
    %dma_wait3A_122 = tpu.memref_squeeze %dma_wait3A_121 : memref<1x!tpu.dma_semaphore, #tpu.memory_space<semaphore_mem>> -> memref<!tpu.dma_semaphore, #tpu.memory_space<semaphore_mem>>
    tpu.wait_indirect_dma semaphore(%dma_wait3A_122 : memref<!tpu.dma_semaphore, #tpu.memory_space<semaphore_mem>>) src(%dma_wait3A_114 : memref<100x128xf32, #tpu.memory_space<vmem>>) dst(%dma_wait3A_120 : memref<10000x128xf32, #tpu.memory_space<vmem_shared>>)
    %dma_wait3A_123 = arith.constant 0 : i32
    %dma_wait3A_124 = arith.constant 0 : i32
    %dma_wait3A_125 = arith.constant 0 : i32
    %dma_wait3A_126 = arith.constant 0 : i32
    %dma_wait3A_127 = arith.constant 0 : i32
    %dma_wait3A_128 = arith.constant 0 : i32
    %dma_wait3A_129 = tpu.memref_slice %arg9[%dma_wait3A_123, %dma_wait3A_127, %dma_wait3A_128] : memref<3x100x128xf32, #tpu.memory_space<vmem>> -> memref<1x100x128xf32, #tpu.memory_space<vmem>>
    %dma_wait3A_130 = tpu.memref_squeeze %dma_wait3A_129 : memref<1x100x128xf32, #tpu.memory_space<vmem>> -> memref<100x128xf32, #tpu.memory_space<vmem>>
    %dma_wait3A_131 = arith.constant 0 : i32
    %dma_wait3A_132 = tpu.memref_slice %arg8[%dma_wait3A_124, %dma_wait3A_125, %dma_wait3A_131] : memref<2x10x100xi32, #tpu.memory_space<vmem>> -> memref<1x1x100xi32, #tpu.memory_space<vmem>>
    %dma_wait3A_133 = tpu.memref_squeeze %dma_wait3A_132 : memref<1x1x100xi32, #tpu.memory_space<vmem>> -> memref<100xi32, #tpu.memory_space<vmem>>
    %dma_wait3A_134 = arith.constant 0 : i32
    %dma_wait3A_135 = arith.constant 0 : i32
    %dma_wait3A_136 = tpu.memref_slice %arg10[%dma_wait3A_134, %dma_wait3A_135] : memref<10000x128xf32, #tpu.memory_space<vmem_shared>> -> memref<10000x128xf32, #tpu.memory_space<vmem_shared>>
    %dma_wait3A_137 = tpu.memref_slice %arg12[%dma_wait3A_126] : memref<3x!tpu.dma_semaphore, #tpu.memory_space<semaphore_mem>> -> memref<1x!tpu.dma_semaphore, #tpu.memory_space<semaphore_mem>>
    %dma_wait3A_138 = tpu.memref_squeeze %dma_wait3A_137 : memref<1x!tpu.dma_semaphore, #tpu.memory_space<semaphore_mem>> -> memref<!tpu.dma_semaphore, #tpu.memory_space<semaphore_mem>>
    tpu.wait_indirect_dma semaphore(%dma_wait3A_138 : memref<!tpu.dma_semaphore, #tpu.memory_space<semaphore_mem>>) src(%dma_wait3A_130 : memref<100x128xf32, #tpu.memory_space<vmem>>) dst(%dma_wait3A_136 : memref<10000x128xf32, #tpu.memory_space<vmem_shared>>)
    %barrier3A_139 = arith.constant 0 : index
    tpu.barrier barrier_id(%barrier3A_139)
    "tpu.region"() ({
      %run_scoped3A = tpu.sem_alloc : memref<!tpu.dma_semaphore, #tpu.memory_space<semaphore_mem>>
      %dma_start3A_145 = arith.constant 0 : i32
      %dma_start3A_146 = tpu.memref_slice %arg6[%arg0, %mul3A_43, %dma_start3A_145] : memref<2x10000x128xf32, #tpu.memory_space<hbm>> -> memref<1x624x128xf32, #tpu.memory_space<hbm>>
      %dma_start3A_147 = tpu.memref_squeeze %dma_start3A_146 : memref<1x624x128xf32, #tpu.memory_space<hbm>> -> memref<624x128xf32, #tpu.memory_space<hbm>>
      %dma_start3A_148 = arith.constant 0 : i32
      %dma_start3A_149 = tpu.memref_slice %arg10[%mul3A_43, %dma_start3A_148] : memref<10000x128xf32, #tpu.memory_space<vmem_shared>> -> memref<624x128xf32, #tpu.memory_space<vmem_shared>>
      tpu.enqueue_dma source(%dma_start3A_149 : memref<624x128xf32, #tpu.memory_space<vmem_shared>>) target(%dma_start3A_147 : memref<624x128xf32, #tpu.memory_space<hbm>>) target_semaphore(%run_scoped3A : memref<!tpu.dma_semaphore, #tpu.memory_space<semaphore_mem>>)
      %dma_wait3A_150 = arith.constant 0 : i32
      %dma_wait3A_151 = tpu.memref_slice %arg6[%arg0, %mul3A_43, %dma_wait3A_150] : memref<2x10000x128xf32, #tpu.memory_space<hbm>> -> memref<1x624x128xf32, #tpu.memory_space<hbm>>
      %dma_wait3A_152 = tpu.memref_squeeze %dma_wait3A_151 : memref<1x624x128xf32, #tpu.memory_space<hbm>> -> memref<624x128xf32, #tpu.memory_space<hbm>>
      %dma_wait3A_153 = arith.constant 0 : i32
      %dma_wait3A_154 = tpu.memref_slice %arg10[%mul3A_43, %dma_wait3A_153] : memref<10000x128xf32, #tpu.memory_space<vmem_shared>> -> memref<624x128xf32, #tpu.memory_space<vmem_shared>>
      tpu.wait_dma2 semaphore(%run_scoped3A : memref<!tpu.dma_semaphore, #tpu.memory_space<semaphore_mem>>) src(%dma_wait3A_154 : memref<624x128xf32, #tpu.memory_space<vmem_shared>>) dst(%dma_wait3A_152 : memref<624x128xf32, #tpu.memory_space<hbm>>)
      tpu.yield
    }) : () -> ()
    %eq3A_140 = arith.constant 15 : i32
    %eq3A_141 = arith.cmpi eq, %arg1, %eq3A_140 : i32
    %convert_element_type3A_142 = arith.extui %eq3A_141 : i1 to i32
    %cond3A_143 = arith.constant 0 : i32
    %cond3A_144 = arith.cmpi ne, %convert_element_type3A_142, %cond3A_143 : i32
    scf.if %cond3A_144 {
      "tpu.region"() ({
        %run_scoped3A = tpu.sem_alloc : memref<!tpu.dma_semaphore, #tpu.memory_space<semaphore_mem>>
        %dma_start3A_145 = arith.constant 9984 : i32
        %dma_start3A_146 = arith.constant 0 : i32
        %dma_start3A_147 = tpu.memref_slice %arg6[%arg0, %dma_start3A_145, %dma_start3A_146] : memref<2x10000x128xf32, #tpu.memory_space<hbm>> -> memref<1x16x128xf32, #tpu.memory_space<hbm>>
        %dma_start3A_148 = tpu.memref_squeeze %dma_start3A_147 : memref<1x16x128xf32, #tpu.memory_space<hbm>> -> memref<16x128xf32, #tpu.memory_space<hbm>>
        %dma_start3A_149 = arith.constant 9984 : i32
        %dma_start3A_150 = arith.constant 0 : i32
        %dma_start3A_151 = tpu.memref_slice %arg10[%dma_start3A_149, %dma_start3A_150] : memref<10000x128xf32, #tpu.memory_space<vmem_shared>> -> memref<16x128xf32, #tpu.memory_space<vmem_shared>>
        tpu.enqueue_dma source(%dma_start3A_151 : memref<16x128xf32, #tpu.memory_space<vmem_shared>>) target(%dma_start3A_148 : memref<16x128xf32, #tpu.memory_space<hbm>>) target_semaphore(%run_scoped3A : memref<!tpu.dma_semaphore, #tpu.memory_space<semaphore_mem>>)
        %dma_wait3A_152 = arith.constant 9984 : i32
        %dma_wait3A_153 = arith.constant 0 : i32
        %dma_wait3A_154 = tpu.memref_slice %arg6[%arg0, %dma_wait3A_152, %dma_wait3A_153] : memref<2x10000x128xf32, #tpu.memory_space<hbm>> -> memref<1x16x128xf32, #tpu.memory_space<hbm>>
        %dma_wait3A_155 = tpu.memref_squeeze %dma_wait3A_154 : memref<1x16x128xf32, #tpu.memory_space<hbm>> -> memref<16x128xf32, #tpu.memory_space<hbm>>
        %dma_wait3A_156 = arith.constant 9984 : i32
        %dma_wait3A_157 = arith.constant 0 : i32
        %dma_wait3A_158 = tpu.memref_slice %arg10[%dma_wait3A_156, %dma_wait3A_157] : memref<10000x128xf32, #tpu.memory_space<vmem_shared>> -> memref<16x128xf32, #tpu.memory_space<vmem_shared>>
        tpu.wait_dma2 semaphore(%run_scoped3A : memref<!tpu.dma_semaphore, #tpu.memory_space<semaphore_mem>>) src(%dma_wait3A_158 : memref<16x128xf32, #tpu.memory_space<vmem_shared>>) dst(%dma_wait3A_155 : memref<16x128xf32, #tpu.memory_space<hbm>>)
        tpu.yield
      }) : () -> ()
    } else {
    }
    return
  }
}

#map = affine_map<(d0, d1) -> (0, 0)>
#map1 = affine_map<(d0, d1) -> (0, 0, 0, 0)>
#map2 = affine_map<(d0, d1) -> (0, 0, 0)>
module attributes {stable_mosaic.version = 14 : i64} {
  func.func @_agg_body(%arg0: i32, %arg1: i32, %arg2: memref<10000x128xf32, #tpu.memory_space<hbm>>, %arg3: memref<10000x128xf32, #tpu.memory_space<hbm>>, %arg4: memref<32x10x10x100xi32, #tpu.memory_space<hbm>>, %arg5: memref<32x10x10x100xi32, #tpu.memory_space<hbm>>, %arg6: memref<2x10000x128xf32, #tpu.memory_space<hbm>>, %arg7: memref<2x10x100xi32, #tpu.memory_space<vmem>>, %arg8: memref<2x10x100xi32, #tpu.memory_space<vmem>>, %arg9: memref<3x100x128xf32, #tpu.memory_space<vmem>>, %arg10: memref<10000x128xf32, #tpu.memory_space<vmem_shared>>, %arg11: memref<3x!tpu.dma_semaphore, #tpu.memory_space<semaphore_mem>>, %arg12: memref<3x!tpu.dma_semaphore, #tpu.memory_space<semaphore_mem>>, %arg13: memref<2x!tpu.dma_semaphore, #tpu.memory_space<semaphore_mem>>, %arg14: memref<2x!tpu.dma_semaphore, #tpu.memory_space<semaphore_mem>>) attributes {dimension_semantics = [#tpu.dimension_semantics<core_parallel>, #tpu.dimension_semantics<subcore_parallel>], iteration_bounds = array<i64: 2, 16>, scalar_prefetch = 0 : i64, scratch_operands = 8 : i64, tpu.core_type = #tpu.core_type<sc_vector_subcore>, window_params = [{transform_indices = #map}, {transform_indices = #map}, {transform_indices = #map1}, {transform_indices = #map1}, {transform_indices = #map2}]} {
    %mul3A = arith.constant 16 : i32
    %mul3A_0 = arith.muli %arg0, %mul3A : i32
    %add3A = arith.addi %mul3A_0, %arg1 : i32
    %dma_start3A = arith.constant 0 : i32
    %dma_start3A_1 = arith.constant 0 : i32
    %dma_start3A_2 = arith.constant 0 : i32
    %dma_start3A_3 = arith.constant 0 : i32
    %dma_start3A_4 = arith.constant 0 : i32
    %dma_start3A_5 = tpu.memref_slice %arg7[%dma_start3A_1, %dma_start3A_3, %dma_start3A_4] : memref<2x10x100xi32, #tpu.memory_space<vmem>> -> memref<1x10x100xi32, #tpu.memory_space<vmem>>
    %dma_start3A_6 = tpu.memref_squeeze %dma_start3A_5 : memref<1x10x100xi32, #tpu.memory_space<vmem>> -> memref<10x100xi32, #tpu.memory_space<vmem>>
    %dma_start3A_7 = arith.constant 0 : i32
    %dma_start3A_8 = arith.constant 0 : i32
    %dma_start3A_9 = tpu.memref_slice %arg4[%add3A, %dma_start3A, %dma_start3A_7, %dma_start3A_8] : memref<32x10x10x100xi32, #tpu.memory_space<hbm>> -> memref<1x1x10x100xi32, #tpu.memory_space<hbm>>
    %dma_start3A_10 = tpu.memref_squeeze %dma_start3A_9 : memref<1x1x10x100xi32, #tpu.memory_space<hbm>> -> memref<10x100xi32, #tpu.memory_space<hbm>>
    %dma_start3A_11 = tpu.memref_slice %arg13[%dma_start3A_2] : memref<2x!tpu.dma_semaphore, #tpu.memory_space<semaphore_mem>> -> memref<1x!tpu.dma_semaphore, #tpu.memory_space<semaphore_mem>>
    %dma_start3A_12 = tpu.memref_squeeze %dma_start3A_11 : memref<1x!tpu.dma_semaphore, #tpu.memory_space<semaphore_mem>> -> memref<!tpu.dma_semaphore, #tpu.memory_space<semaphore_mem>>
    %dma_start3A_13 = arith.constant 0 : i32
    %dma_start3A_14 = arith.constant 0 : i32
    %dma_start3A_15 = tpu.memref_slice %arg7[%dma_start3A_1, %dma_start3A_13, %dma_start3A_14] : memref<2x10x100xi32, #tpu.memory_space<vmem>> -> memref<1x10x100xi32, #tpu.memory_space<vmem>>
    %dma_start3A_16 = tpu.memref_squeeze %dma_start3A_15 : memref<1x10x100xi32, #tpu.memory_space<vmem>> -> memref<10x100xi32, #tpu.memory_space<vmem>>
    %dma_start3A_17 = arith.constant 0 : i32
    %dma_start3A_18 = arith.constant 0 : i32
    %dma_start3A_19 = tpu.memref_slice %arg4[%add3A, %dma_start3A, %dma_start3A_17, %dma_start3A_18] : memref<32x10x10x100xi32, #tpu.memory_space<hbm>> -> memref<1x1x10x100xi32, #tpu.memory_space<hbm>>
    %dma_start3A_20 = tpu.memref_squeeze %dma_start3A_19 : memref<1x1x10x100xi32, #tpu.memory_space<hbm>> -> memref<10x100xi32, #tpu.memory_space<hbm>>
    tpu.enqueue_dma source(%dma_start3A_20 : memref<10x100xi32, #tpu.memory_space<hbm>>) target(%dma_start3A_16 : memref<10x100xi32, #tpu.memory_space<vmem>>) target_semaphore(%dma_start3A_12 : memref<!tpu.dma_semaphore, #tpu.memory_space<semaphore_mem>>)
    %dma_start3A_21 = arith.constant 0 : i32
    %dma_start3A_22 = arith.constant 0 : i32
    %dma_start3A_23 = arith.constant 0 : i32
    %dma_start3A_24 = arith.constant 0 : i32
    %dma_start3A_25 = arith.constant 0 : i32
    %dma_start3A_26 = tpu.memref_slice %arg8[%dma_start3A_22, %dma_start3A_24, %dma_start3A_25] : memref<2x10x100xi32, #tpu.memory_space<vmem>> -> memref<1x10x100xi32, #tpu.memory_space<vmem>>
    %dma_start3A_27 = tpu.memref_squeeze %dma_start3A_26 : memref<1x10x100xi32, #tpu.memory_space<vmem>> -> memref<10x100xi32, #tpu.memory_space<vmem>>
    %dma_start3A_28 = arith.constant 0 : i32
    %dma_start3A_29 = arith.constant 0 : i32
    %dma_start3A_30 = tpu.memref_slice %arg5[%add3A, %dma_start3A_21, %dma_start3A_28, %dma_start3A_29] : memref<32x10x10x100xi32, #tpu.memory_space<hbm>> -> memref<1x1x10x100xi32, #tpu.memory_space<hbm>>
    %dma_start3A_31 = tpu.memref_squeeze %dma_start3A_30 : memref<1x1x10x100xi32, #tpu.memory_space<hbm>> -> memref<10x100xi32, #tpu.memory_space<hbm>>
    %dma_start3A_32 = tpu.memref_slice %arg14[%dma_start3A_23] : memref<2x!tpu.dma_semaphore, #tpu.memory_space<semaphore_mem>> -> memref<1x!tpu.dma_semaphore, #tpu.memory_space<semaphore_mem>>
    %dma_start3A_33 = tpu.memref_squeeze %dma_start3A_32 : memref<1x!tpu.dma_semaphore, #tpu.memory_space<semaphore_mem>> -> memref<!tpu.dma_semaphore, #tpu.memory_space<semaphore_mem>>
    %dma_start3A_34 = arith.constant 0 : i32
    %dma_start3A_35 = arith.constant 0 : i32
    %dma_start3A_36 = tpu.memref_slice %arg8[%dma_start3A_22, %dma_start3A_34, %dma_start3A_35] : memref<2x10x100xi32, #tpu.memory_space<vmem>> -> memref<1x10x100xi32, #tpu.memory_space<vmem>>
    %dma_start3A_37 = tpu.memref_squeeze %dma_start3A_36 : memref<1x10x100xi32, #tpu.memory_space<vmem>> -> memref<10x100xi32, #tpu.memory_space<vmem>>
    %dma_start3A_38 = arith.constant 0 : i32
    %dma_start3A_39 = arith.constant 0 : i32
    %dma_start3A_40 = tpu.memref_slice %arg5[%add3A, %dma_start3A_21, %dma_start3A_38, %dma_start3A_39] : memref<32x10x10x100xi32, #tpu.memory_space<hbm>> -> memref<1x1x10x100xi32, #tpu.memory_space<hbm>>
    %dma_start3A_41 = tpu.memref_squeeze %dma_start3A_40 : memref<1x1x10x100xi32, #tpu.memory_space<hbm>> -> memref<10x100xi32, #tpu.memory_space<hbm>>
    tpu.enqueue_dma source(%dma_start3A_41 : memref<10x100xi32, #tpu.memory_space<hbm>>) target(%dma_start3A_37 : memref<10x100xi32, #tpu.memory_space<vmem>>) target_semaphore(%dma_start3A_33 : memref<!tpu.dma_semaphore, #tpu.memory_space<semaphore_mem>>)
    %mul3A_42 = arith.constant 624 : i32
    %mul3A_43 = arith.muli %arg1, %mul3A_42 : i32
    %eq3A = arith.constant 0 : i32
    %eq3A_44 = arith.cmpi eq, %arg0, %eq3A : i32
    %convert_element_type3A = arith.extui %eq3A_44 : i1 to i32
    %cond3A = arith.constant 0 : i32
    %cond3A_45 = arith.cmpi ne, %convert_element_type3A, %cond3A : i32
    scf.if %cond3A_45 {
      "tpu.region"() ({
        %run_scoped3A = tpu.sem_alloc : memref<!tpu.dma_semaphore, #tpu.memory_space<semaphore_mem>>
        %dma_start3A_150 = arith.constant 0 : i32
        %dma_start3A_151 = tpu.memref_slice %arg10[%mul3A_43, %dma_start3A_150] : memref<10000x128xf32, #tpu.memory_space<vmem_shared>> -> memref<624x128xf32, #tpu.memory_space<vmem_shared>>
        %dma_start3A_152 = arith.constant 0 : i32
        %dma_start3A_153 = tpu.memref_slice %arg2[%mul3A_43, %dma_start3A_152] : memref<10000x128xf32, #tpu.memory_space<hbm>> -> memref<624x128xf32, #tpu.memory_space<hbm>>
        tpu.enqueue_dma source(%dma_start3A_153 : memref<624x128xf32, #tpu.memory_space<hbm>>) target(%dma_start3A_151 : memref<624x128xf32, #tpu.memory_space<vmem_shared>>) target_semaphore(%run_scoped3A : memref<!tpu.dma_semaphore, #tpu.memory_space<semaphore_mem>>)
        %dma_wait3A_154 = arith.constant 0 : i32
        %dma_wait3A_155 = tpu.memref_slice %arg10[%mul3A_43, %dma_wait3A_154] : memref<10000x128xf32, #tpu.memory_space<vmem_shared>> -> memref<624x128xf32, #tpu.memory_space<vmem_shared>>
        %dma_wait3A_156 = arith.constant 0 : i32
        %dma_wait3A_157 = tpu.memref_slice %arg2[%mul3A_43, %dma_wait3A_156] : memref<10000x128xf32, #tpu.memory_space<hbm>> -> memref<624x128xf32, #tpu.memory_space<hbm>>
        tpu.wait_dma2 semaphore(%run_scoped3A : memref<!tpu.dma_semaphore, #tpu.memory_space<semaphore_mem>>) src(%dma_wait3A_157 : memref<624x128xf32, #tpu.memory_space<hbm>>) dst(%dma_wait3A_155 : memref<624x128xf32, #tpu.memory_space<vmem_shared>>)
        tpu.yield
      }) : () -> ()
      %eq3A_145 = arith.constant 15 : i32
      %eq3A_146 = arith.cmpi eq, %arg1, %eq3A_145 : i32
      %convert_element_type3A_147 = arith.extui %eq3A_146 : i1 to i32
      %cond3A_148 = arith.constant 0 : i32
      %cond3A_149 = arith.cmpi ne, %convert_element_type3A_147, %cond3A_148 : i32
      scf.if %cond3A_149 {
        "tpu.region"() ({
          %run_scoped3A = tpu.sem_alloc : memref<!tpu.dma_semaphore, #tpu.memory_space<semaphore_mem>>
          %dma_start3A_150 = arith.constant 9984 : i32
          %dma_start3A_151 = arith.constant 0 : i32
          %dma_start3A_152 = tpu.memref_slice %arg10[%dma_start3A_150, %dma_start3A_151] : memref<10000x128xf32, #tpu.memory_space<vmem_shared>> -> memref<16x128xf32, #tpu.memory_space<vmem_shared>>
          %dma_start3A_153 = arith.constant 9984 : i32
          %dma_start3A_154 = arith.constant 0 : i32
          %dma_start3A_155 = tpu.memref_slice %arg2[%dma_start3A_153, %dma_start3A_154] : memref<10000x128xf32, #tpu.memory_space<hbm>> -> memref<16x128xf32, #tpu.memory_space<hbm>>
          tpu.enqueue_dma source(%dma_start3A_155 : memref<16x128xf32, #tpu.memory_space<hbm>>) target(%dma_start3A_152 : memref<16x128xf32, #tpu.memory_space<vmem_shared>>) target_semaphore(%run_scoped3A : memref<!tpu.dma_semaphore, #tpu.memory_space<semaphore_mem>>)
          %dma_wait3A_156 = arith.constant 9984 : i32
          %dma_wait3A_157 = arith.constant 0 : i32
          %dma_wait3A_158 = tpu.memref_slice %arg10[%dma_wait3A_156, %dma_wait3A_157] : memref<10000x128xf32, #tpu.memory_space<vmem_shared>> -> memref<16x128xf32, #tpu.memory_space<vmem_shared>>
          %dma_wait3A_159 = arith.constant 9984 : i32
          %dma_wait3A_160 = arith.constant 0 : i32
          %dma_wait3A_161 = tpu.memref_slice %arg2[%dma_wait3A_159, %dma_wait3A_160] : memref<10000x128xf32, #tpu.memory_space<hbm>> -> memref<16x128xf32, #tpu.memory_space<hbm>>
          tpu.wait_dma2 semaphore(%run_scoped3A : memref<!tpu.dma_semaphore, #tpu.memory_space<semaphore_mem>>) src(%dma_wait3A_161 : memref<16x128xf32, #tpu.memory_space<hbm>>) dst(%dma_wait3A_158 : memref<16x128xf32, #tpu.memory_space<vmem_shared>>)
          tpu.yield
        }) : () -> ()
      } else {
      }
    } else {
    }
    %ne3A = arith.constant 0 : i32
    %ne3A_46 = arith.cmpi ne, %arg0, %ne3A : i32
    %convert_element_type3A_47 = arith.extui %ne3A_46 : i1 to i32
    %cond3A_48 = arith.constant 0 : i32
    %cond3A_49 = arith.cmpi ne, %convert_element_type3A_47, %cond3A_48 : i32
    scf.if %cond3A_49 {
      "tpu.region"() ({
        %run_scoped3A = tpu.sem_alloc : memref<!tpu.dma_semaphore, #tpu.memory_space<semaphore_mem>>
        %dma_start3A_150 = arith.constant 0 : i32
        %dma_start3A_151 = tpu.memref_slice %arg10[%mul3A_43, %dma_start3A_150] : memref<10000x128xf32, #tpu.memory_space<vmem_shared>> -> memref<624x128xf32, #tpu.memory_space<vmem_shared>>
        %dma_start3A_152 = arith.constant 0 : i32
        %dma_start3A_153 = tpu.memref_slice %arg3[%mul3A_43, %dma_start3A_152] : memref<10000x128xf32, #tpu.memory_space<hbm>> -> memref<624x128xf32, #tpu.memory_space<hbm>>
        tpu.enqueue_dma source(%dma_start3A_153 : memref<624x128xf32, #tpu.memory_space<hbm>>) target(%dma_start3A_151 : memref<624x128xf32, #tpu.memory_space<vmem_shared>>) target_semaphore(%run_scoped3A : memref<!tpu.dma_semaphore, #tpu.memory_space<semaphore_mem>>)
        %dma_wait3A_154 = arith.constant 0 : i32
        %dma_wait3A_155 = tpu.memref_slice %arg10[%mul3A_43, %dma_wait3A_154] : memref<10000x128xf32, #tpu.memory_space<vmem_shared>> -> memref<624x128xf32, #tpu.memory_space<vmem_shared>>
        %dma_wait3A_156 = arith.constant 0 : i32
        %dma_wait3A_157 = tpu.memref_slice %arg3[%mul3A_43, %dma_wait3A_156] : memref<10000x128xf32, #tpu.memory_space<hbm>> -> memref<624x128xf32, #tpu.memory_space<hbm>>
        tpu.wait_dma2 semaphore(%run_scoped3A : memref<!tpu.dma_semaphore, #tpu.memory_space<semaphore_mem>>) src(%dma_wait3A_157 : memref<624x128xf32, #tpu.memory_space<hbm>>) dst(%dma_wait3A_155 : memref<624x128xf32, #tpu.memory_space<vmem_shared>>)
        tpu.yield
      }) : () -> ()
      %eq3A_145 = arith.constant 15 : i32
      %eq3A_146 = arith.cmpi eq, %arg1, %eq3A_145 : i32
      %convert_element_type3A_147 = arith.extui %eq3A_146 : i1 to i32
      %cond3A_148 = arith.constant 0 : i32
      %cond3A_149 = arith.cmpi ne, %convert_element_type3A_147, %cond3A_148 : i32
      scf.if %cond3A_149 {
        "tpu.region"() ({
          %run_scoped3A = tpu.sem_alloc : memref<!tpu.dma_semaphore, #tpu.memory_space<semaphore_mem>>
          %dma_start3A_150 = arith.constant 9984 : i32
          %dma_start3A_151 = arith.constant 0 : i32
          %dma_start3A_152 = tpu.memref_slice %arg10[%dma_start3A_150, %dma_start3A_151] : memref<10000x128xf32, #tpu.memory_space<vmem_shared>> -> memref<16x128xf32, #tpu.memory_space<vmem_shared>>
          %dma_start3A_153 = arith.constant 9984 : i32
          %dma_start3A_154 = arith.constant 0 : i32
          %dma_start3A_155 = tpu.memref_slice %arg3[%dma_start3A_153, %dma_start3A_154] : memref<10000x128xf32, #tpu.memory_space<hbm>> -> memref<16x128xf32, #tpu.memory_space<hbm>>
          tpu.enqueue_dma source(%dma_start3A_155 : memref<16x128xf32, #tpu.memory_space<hbm>>) target(%dma_start3A_152 : memref<16x128xf32, #tpu.memory_space<vmem_shared>>) target_semaphore(%run_scoped3A : memref<!tpu.dma_semaphore, #tpu.memory_space<semaphore_mem>>)
          %dma_wait3A_156 = arith.constant 9984 : i32
          %dma_wait3A_157 = arith.constant 0 : i32
          %dma_wait3A_158 = tpu.memref_slice %arg10[%dma_wait3A_156, %dma_wait3A_157] : memref<10000x128xf32, #tpu.memory_space<vmem_shared>> -> memref<16x128xf32, #tpu.memory_space<vmem_shared>>
          %dma_wait3A_159 = arith.constant 9984 : i32
          %dma_wait3A_160 = arith.constant 0 : i32
          %dma_wait3A_161 = tpu.memref_slice %arg3[%dma_wait3A_159, %dma_wait3A_160] : memref<10000x128xf32, #tpu.memory_space<hbm>> -> memref<16x128xf32, #tpu.memory_space<hbm>>
          tpu.wait_dma2 semaphore(%run_scoped3A : memref<!tpu.dma_semaphore, #tpu.memory_space<semaphore_mem>>) src(%dma_wait3A_161 : memref<16x128xf32, #tpu.memory_space<hbm>>) dst(%dma_wait3A_158 : memref<16x128xf32, #tpu.memory_space<vmem_shared>>)
          tpu.yield
        }) : () -> ()
      } else {
      }
    } else {
    }
    %barrier3A = arith.constant 0 : index
    tpu.barrier barrier_id(%barrier3A)
    %dma_wait3A = arith.constant 0 : i32
    %dma_wait3A_50 = arith.constant 0 : i32
    %dma_wait3A_51 = arith.constant 0 : i32
    %dma_wait3A_52 = arith.constant 0 : i32
    %dma_wait3A_53 = arith.constant 0 : i32
    %dma_wait3A_54 = tpu.memref_slice %arg7[%dma_wait3A_50, %dma_wait3A_52, %dma_wait3A_53] : memref<2x10x100xi32, #tpu.memory_space<vmem>> -> memref<1x10x100xi32, #tpu.memory_space<vmem>>
    %dma_wait3A_55 = tpu.memref_squeeze %dma_wait3A_54 : memref<1x10x100xi32, #tpu.memory_space<vmem>> -> memref<10x100xi32, #tpu.memory_space<vmem>>
    %dma_wait3A_56 = arith.constant 0 : i32
    %dma_wait3A_57 = arith.constant 0 : i32
    %dma_wait3A_58 = tpu.memref_slice %arg4[%add3A, %dma_wait3A, %dma_wait3A_56, %dma_wait3A_57] : memref<32x10x10x100xi32, #tpu.memory_space<hbm>> -> memref<1x1x10x100xi32, #tpu.memory_space<hbm>>
    %dma_wait3A_59 = tpu.memref_squeeze %dma_wait3A_58 : memref<1x1x10x100xi32, #tpu.memory_space<hbm>> -> memref<10x100xi32, #tpu.memory_space<hbm>>
    %dma_wait3A_60 = tpu.memref_slice %arg13[%dma_wait3A_51] : memref<2x!tpu.dma_semaphore, #tpu.memory_space<semaphore_mem>> -> memref<1x!tpu.dma_semaphore, #tpu.memory_space<semaphore_mem>>
    %dma_wait3A_61 = tpu.memref_squeeze %dma_wait3A_60 : memref<1x!tpu.dma_semaphore, #tpu.memory_space<semaphore_mem>> -> memref<!tpu.dma_semaphore, #tpu.memory_space<semaphore_mem>>
    %dma_wait3A_62 = arith.constant 0 : i32
    %dma_wait3A_63 = arith.constant 0 : i32
    %dma_wait3A_64 = tpu.memref_slice %arg7[%dma_wait3A_50, %dma_wait3A_62, %dma_wait3A_63] : memref<2x10x100xi32, #tpu.memory_space<vmem>> -> memref<1x10x100xi32, #tpu.memory_space<vmem>>
    %dma_wait3A_65 = tpu.memref_squeeze %dma_wait3A_64 : memref<1x10x100xi32, #tpu.memory_space<vmem>> -> memref<10x100xi32, #tpu.memory_space<vmem>>
    %dma_wait3A_66 = arith.constant 0 : i32
    %dma_wait3A_67 = arith.constant 0 : i32
    %dma_wait3A_68 = tpu.memref_slice %arg4[%add3A, %dma_wait3A, %dma_wait3A_66, %dma_wait3A_67] : memref<32x10x10x100xi32, #tpu.memory_space<hbm>> -> memref<1x1x10x100xi32, #tpu.memory_space<hbm>>
    %dma_wait3A_69 = tpu.memref_squeeze %dma_wait3A_68 : memref<1x1x10x100xi32, #tpu.memory_space<hbm>> -> memref<10x100xi32, #tpu.memory_space<hbm>>
    tpu.wait_dma2 semaphore(%dma_wait3A_61 : memref<!tpu.dma_semaphore, #tpu.memory_space<semaphore_mem>>) src(%dma_wait3A_69 : memref<10x100xi32, #tpu.memory_space<hbm>>) dst(%dma_wait3A_65 : memref<10x100xi32, #tpu.memory_space<vmem>>)
    %dma_start3A_70 = arith.constant 0 : i32
    %dma_start3A_71 = arith.constant 0 : i32
    %dma_start3A_72 = arith.constant 0 : i32
    %dma_start3A_73 = arith.constant 0 : i32
    %dma_start3A_74 = arith.constant 0 : i32
    %dma_start3A_75 = arith.constant 0 : i32
    %dma_start3A_76 = tpu.memref_slice %arg9[%dma_start3A_72, %dma_start3A_74, %dma_start3A_75] : memref<3x100x128xf32, #tpu.memory_space<vmem>> -> memref<1x100x128xf32, #tpu.memory_space<vmem>>
    %dma_start3A_77 = tpu.memref_squeeze %dma_start3A_76 : memref<1x100x128xf32, #tpu.memory_space<vmem>> -> memref<100x128xf32, #tpu.memory_space<vmem>>
    %dma_start3A_78 = arith.constant 0 : i32
    %dma_start3A_79 = tpu.memref_slice %arg7[%dma_start3A_70, %dma_start3A_71, %dma_start3A_78] : memref<2x10x100xi32, #tpu.memory_space<vmem>> -> memref<1x1x100xi32, #tpu.memory_space<vmem>>
    %dma_start3A_80 = tpu.memref_squeeze %dma_start3A_79 : memref<1x1x100xi32, #tpu.memory_space<vmem>> -> memref<100xi32, #tpu.memory_space<vmem>>
    %dma_start3A_81 = arith.constant 0 : i32
    %dma_start3A_82 = arith.constant 0 : i32
    %dma_start3A_83 = tpu.memref_slice %arg2[%dma_start3A_81, %dma_start3A_82] : memref<10000x128xf32, #tpu.memory_space<hbm>> -> memref<10000x128xf32, #tpu.memory_space<hbm>>
    %dma_start3A_84 = tpu.memref_slice %arg11[%dma_start3A_73] : memref<3x!tpu.dma_semaphore, #tpu.memory_space<semaphore_mem>> -> memref<1x!tpu.dma_semaphore, #tpu.memory_space<semaphore_mem>>
    %dma_start3A_85 = tpu.memref_squeeze %dma_start3A_84 : memref<1x!tpu.dma_semaphore, #tpu.memory_space<semaphore_mem>> -> memref<!tpu.dma_semaphore, #tpu.memory_space<semaphore_mem>>
    tpu.enqueue_indirect_dma source(%dma_start3A_83 : memref<10000x128xf32, #tpu.memory_space<hbm>>) target(%dma_start3A_77 : memref<100x128xf32, #tpu.memory_space<vmem>>) offsets(%dma_start3A_80 : memref<100xi32, #tpu.memory_space<vmem>>) semaphore(%dma_start3A_85 : memref<!tpu.dma_semaphore, #tpu.memory_space<semaphore_mem>>)
    %scan3A = arith.constant 0 : i32
    %scan3A_86 = arith.constant 0 : i32
    %scan3A_87 = arith.constant 100 : i32
    %scan3A_88 = arith.addi %scan3A_86, %scan3A_87 : i32
    %scan3A_89 = arith.constant 1 : i32
    scf.for %scan3A_145 = %scan3A_86 to %scan3A_88 step %scan3A_89  : i32 {
      %jit3A = arith.constant 10 : i32
      %div3A = arith.divsi %scan3A_145, %jit3A : i32
      %sign3A = arith.constant 0 : i32
      %sign3A_146 = arith.cmpi sgt, %scan3A_145, %sign3A : i32
      %sign3A_147 = arith.extui %sign3A_146 : i1 to i32
      %sign3A_148 = arith.constant 0 : i32
      %sign3A_149 = arith.cmpi slt, %scan3A_145, %sign3A_148 : i32
      %sign3A_150 = arith.extui %sign3A_149 : i1 to i32
      %sign3A_151 = arith.subi %sign3A_147, %sign3A_150 : i32
      %sign3A_152 = arith.constant 0 : i32
      %sign3A_153 = arith.cmpi sgt, %jit3A, %sign3A_152 : i32
      %sign3A_154 = arith.extui %sign3A_153 : i1 to i32
      %sign3A_155 = arith.constant 0 : i32
      %sign3A_156 = arith.cmpi slt, %jit3A, %sign3A_155 : i32
      %sign3A_157 = arith.extui %sign3A_156 : i1 to i32
      %sign3A_158 = arith.subi %sign3A_154, %sign3A_157 : i32
      %ne3A_159 = arith.cmpi ne, %sign3A_151, %sign3A_158 : i32
      %rem3A = arith.remsi %scan3A_145, %jit3A : i32
      %ne3A_160 = arith.constant 0 : i32
      %ne3A_161 = arith.cmpi ne, %rem3A, %ne3A_160 : i32
      %and3A = arith.andi %ne3A_159, %ne3A_161 : i1
      %sub3A = arith.constant 1 : i32
      %sub3A_162 = arith.subi %div3A, %sub3A : i32
      %select_n3A = arith.select %and3A, %sub3A_162, %div3A : i32
      %jit3A_163 = arith.constant 10 : i32
      %eq3A_164 = arith.constant 0 : i32
      %eq3A_165 = arith.cmpi eq, %jit3A_163, %eq3A_164 : i32
      %jit3A_166 = arith.constant 1 : i32
      %select_n3A_167 = arith.select %eq3A_165, %jit3A_166, %jit3A_163 : i32
      %rem3A_168 = arith.remsi %scan3A_145, %select_n3A_167 : i32
      %ne3A_169 = arith.constant 0 : i32
      %ne3A_170 = arith.cmpi ne, %rem3A_168, %ne3A_169 : i32
      %lt3A = arith.constant 0 : i32
      %lt3A_171 = arith.cmpi slt, %rem3A_168, %lt3A : i32
      %lt3A_172 = arith.constant 0 : i32
      %lt3A_173 = arith.cmpi slt, %select_n3A_167, %lt3A_172 : i32
      %ne3A_174 = arith.xori %lt3A_171, %lt3A_173 : i1
      %and3A_175 = arith.andi %ne3A_174, %ne3A_170 : i1
      %add3A_176 = arith.addi %rem3A_168, %select_n3A_167 : i32
      %select_n3A_177 = arith.select %and3A_175, %add3A_176, %rem3A_168 : i32
      %jit3A_178 = arith.constant 3 : i32
      %eq3A_179 = arith.constant 0 : i32
      %eq3A_180 = arith.cmpi eq, %jit3A_178, %eq3A_179 : i32
      %jit3A_181 = arith.constant 1 : i32
      %select_n3A_182 = arith.select %eq3A_180, %jit3A_181, %jit3A_178 : i32
      %rem3A_183 = arith.remsi %scan3A_145, %select_n3A_182 : i32
      %ne3A_184 = arith.constant 0 : i32
      %ne3A_185 = arith.cmpi ne, %rem3A_183, %ne3A_184 : i32
      %lt3A_186 = arith.constant 0 : i32
      %lt3A_187 = arith.cmpi slt, %rem3A_183, %lt3A_186 : i32
      %lt3A_188 = arith.constant 0 : i32
      %lt3A_189 = arith.cmpi slt, %select_n3A_182, %lt3A_188 : i32
      %ne3A_190 = arith.xori %lt3A_187, %lt3A_189 : i1
      %and3A_191 = arith.andi %ne3A_190, %ne3A_185 : i1
      %add3A_192 = arith.addi %rem3A_183, %select_n3A_182 : i32
      %select_n3A_193 = arith.select %and3A_191, %add3A_192, %rem3A_183 : i32
      %jit3A_194 = arith.constant 2 : i32
      %eq3A_195 = arith.constant 0 : i32
      %eq3A_196 = arith.cmpi eq, %jit3A_194, %eq3A_195 : i32
      %jit3A_197 = arith.constant 1 : i32
      %select_n3A_198 = arith.select %eq3A_196, %jit3A_197, %jit3A_194 : i32
      %rem3A_199 = arith.remsi %select_n3A, %select_n3A_198 : i32
      %ne3A_200 = arith.constant 0 : i32
      %ne3A_201 = arith.cmpi ne, %rem3A_199, %ne3A_200 : i32
      %lt3A_202 = arith.constant 0 : i32
      %lt3A_203 = arith.cmpi slt, %rem3A_199, %lt3A_202 : i32
      %lt3A_204 = arith.constant 0 : i32
      %lt3A_205 = arith.cmpi slt, %select_n3A_198, %lt3A_204 : i32
      %ne3A_206 = arith.xori %lt3A_203, %lt3A_205 : i1
      %and3A_207 = arith.andi %ne3A_206, %ne3A_201 : i1
      %add3A_208 = arith.addi %rem3A_199, %select_n3A_198 : i32
      %select_n3A_209 = arith.select %and3A_207, %add3A_208, %rem3A_199 : i32
      %eq3A_210 = arith.constant 0 : i32
      %eq3A_211 = arith.cmpi eq, %select_n3A_177, %eq3A_210 : i32
      %convert_element_type3A_212 = arith.extui %eq3A_211 : i1 to i32
      %cond3A_213 = arith.constant 0 : i32
      %cond3A_214 = arith.cmpi ne, %convert_element_type3A_212, %cond3A_213 : i32
      scf.if %cond3A_214 {
        %dma_wait3A_284 = arith.constant 0 : i32
        %dma_wait3A_285 = arith.constant 0 : i32
        %dma_wait3A_286 = arith.constant 0 : i32
        %dma_wait3A_287 = tpu.memref_slice %arg8[%select_n3A_209, %dma_wait3A_285, %dma_wait3A_286] : memref<2x10x100xi32, #tpu.memory_space<vmem>> -> memref<1x10x100xi32, #tpu.memory_space<vmem>>
        %dma_wait3A_288 = tpu.memref_squeeze %dma_wait3A_287 : memref<1x10x100xi32, #tpu.memory_space<vmem>> -> memref<10x100xi32, #tpu.memory_space<vmem>>
        %dma_wait3A_289 = arith.constant 0 : i32
        %dma_wait3A_290 = arith.constant 0 : i32
        %dma_wait3A_291 = tpu.memref_slice %arg5[%add3A, %dma_wait3A_284, %dma_wait3A_289, %dma_wait3A_290] : memref<32x10x10x100xi32, #tpu.memory_space<hbm>> -> memref<1x1x10x100xi32, #tpu.memory_space<hbm>>
        %dma_wait3A_292 = tpu.memref_squeeze %dma_wait3A_291 : memref<1x1x10x100xi32, #tpu.memory_space<hbm>> -> memref<10x100xi32, #tpu.memory_space<hbm>>
        %dma_wait3A_293 = tpu.memref_slice %arg14[%select_n3A_209] : memref<2x!tpu.dma_semaphore, #tpu.memory_space<semaphore_mem>> -> memref<1x!tpu.dma_semaphore, #tpu.memory_space<semaphore_mem>>
        %dma_wait3A_294 = tpu.memref_squeeze %dma_wait3A_293 : memref<1x!tpu.dma_semaphore, #tpu.memory_space<semaphore_mem>> -> memref<!tpu.dma_semaphore, #tpu.memory_space<semaphore_mem>>
        %dma_wait3A_295 = arith.constant 0 : i32
        %dma_wait3A_296 = arith.constant 0 : i32
        %dma_wait3A_297 = tpu.memref_slice %arg8[%select_n3A_209, %dma_wait3A_295, %dma_wait3A_296] : memref<2x10x100xi32, #tpu.memory_space<vmem>> -> memref<1x10x100xi32, #tpu.memory_space<vmem>>
        %dma_wait3A_298 = tpu.memref_squeeze %dma_wait3A_297 : memref<1x10x100xi32, #tpu.memory_space<vmem>> -> memref<10x100xi32, #tpu.memory_space<vmem>>
        %dma_wait3A_299 = arith.constant 0 : i32
        %dma_wait3A_300 = arith.constant 0 : i32
        %dma_wait3A_301 = tpu.memref_slice %arg5[%add3A, %dma_wait3A_284, %dma_wait3A_299, %dma_wait3A_300] : memref<32x10x10x100xi32, #tpu.memory_space<hbm>> -> memref<1x1x10x100xi32, #tpu.memory_space<hbm>>
        %dma_wait3A_302 = tpu.memref_squeeze %dma_wait3A_301 : memref<1x1x10x100xi32, #tpu.memory_space<hbm>> -> memref<10x100xi32, #tpu.memory_space<hbm>>
        tpu.wait_dma2 semaphore(%dma_wait3A_294 : memref<!tpu.dma_semaphore, #tpu.memory_space<semaphore_mem>>) src(%dma_wait3A_302 : memref<10x100xi32, #tpu.memory_space<hbm>>) dst(%dma_wait3A_298 : memref<10x100xi32, #tpu.memory_space<vmem>>)
      } else {
      }
      %eq3A_215 = arith.constant 2 : i32
      %eq3A_216 = arith.cmpi eq, %select_n3A_177, %eq3A_215 : i32
      %lt3A_217 = arith.constant 9 : i32
      %lt3A_218 = arith.cmpi slt, %select_n3A, %lt3A_217 : i32
      %and3A_219 = arith.andi %eq3A_216, %lt3A_218 : i1
      %convert_element_type3A_220 = arith.extui %and3A_219 : i1 to i32
      %cond3A_221 = arith.constant 0 : i32
      %cond3A_222 = arith.cmpi ne, %convert_element_type3A_220, %cond3A_221 : i32
      scf.if %cond3A_222 {
        %add3A_284 = arith.constant 1 : i32
        %add3A_285 = arith.addi %select_n3A, %add3A_284 : i32
        %sub3A_286 = arith.constant 1 : i32
        %sub3A_287 = arith.subi %sub3A_286, %select_n3A_209 : i32
        %sub3A_288 = arith.constant 1 : i32
        %sub3A_289 = arith.subi %sub3A_288, %select_n3A_209 : i32
        %dma_start3A_290 = arith.constant 0 : i32
        %dma_start3A_291 = arith.constant 0 : i32
        %dma_start3A_292 = tpu.memref_slice %arg7[%sub3A_287, %dma_start3A_290, %dma_start3A_291] : memref<2x10x100xi32, #tpu.memory_space<vmem>> -> memref<1x10x100xi32, #tpu.memory_space<vmem>>
        %dma_start3A_293 = tpu.memref_squeeze %dma_start3A_292 : memref<1x10x100xi32, #tpu.memory_space<vmem>> -> memref<10x100xi32, #tpu.memory_space<vmem>>
        %dma_start3A_294 = arith.constant 0 : i32
        %dma_start3A_295 = arith.constant 0 : i32
        %dma_start3A_296 = tpu.memref_slice %arg4[%add3A, %add3A_285, %dma_start3A_294, %dma_start3A_295] : memref<32x10x10x100xi32, #tpu.memory_space<hbm>> -> memref<1x1x10x100xi32, #tpu.memory_space<hbm>>
        %dma_start3A_297 = tpu.memref_squeeze %dma_start3A_296 : memref<1x1x10x100xi32, #tpu.memory_space<hbm>> -> memref<10x100xi32, #tpu.memory_space<hbm>>
        %dma_start3A_298 = tpu.memref_slice %arg13[%sub3A_289] : memref<2x!tpu.dma_semaphore, #tpu.memory_space<semaphore_mem>> -> memref<1x!tpu.dma_semaphore, #tpu.memory_space<semaphore_mem>>
        %dma_start3A_299 = tpu.memref_squeeze %dma_start3A_298 : memref<1x!tpu.dma_semaphore, #tpu.memory_space<semaphore_mem>> -> memref<!tpu.dma_semaphore, #tpu.memory_space<semaphore_mem>>
        %dma_start3A_300 = arith.constant 0 : i32
        %dma_start3A_301 = arith.constant 0 : i32
        %dma_start3A_302 = tpu.memref_slice %arg7[%sub3A_287, %dma_start3A_300, %dma_start3A_301] : memref<2x10x100xi32, #tpu.memory_space<vmem>> -> memref<1x10x100xi32, #tpu.memory_space<vmem>>
        %dma_start3A_303 = tpu.memref_squeeze %dma_start3A_302 : memref<1x10x100xi32, #tpu.memory_space<vmem>> -> memref<10x100xi32, #tpu.memory_space<vmem>>
        %dma_start3A_304 = arith.constant 0 : i32
        %dma_start3A_305 = arith.constant 0 : i32
        %dma_start3A_306 = tpu.memref_slice %arg4[%add3A, %add3A_285, %dma_start3A_304, %dma_start3A_305] : memref<32x10x10x100xi32, #tpu.memory_space<hbm>> -> memref<1x1x10x100xi32, #tpu.memory_space<hbm>>
        %dma_start3A_307 = tpu.memref_squeeze %dma_start3A_306 : memref<1x1x10x100xi32, #tpu.memory_space<hbm>> -> memref<10x100xi32, #tpu.memory_space<hbm>>
        tpu.enqueue_dma source(%dma_start3A_307 : memref<10x100xi32, #tpu.memory_space<hbm>>) target(%dma_start3A_303 : memref<10x100xi32, #tpu.memory_space<vmem>>) target_semaphore(%dma_start3A_299 : memref<!tpu.dma_semaphore, #tpu.memory_space<semaphore_mem>>)
        %add3A_308 = arith.constant 1 : i32
        %add3A_309 = arith.addi %select_n3A, %add3A_308 : i32
        %sub3A_310 = arith.constant 1 : i32
        %sub3A_311 = arith.subi %sub3A_310, %select_n3A_209 : i32
        %sub3A_312 = arith.constant 1 : i32
        %sub3A_313 = arith.subi %sub3A_312, %select_n3A_209 : i32
        %dma_start3A_314 = arith.constant 0 : i32
        %dma_start3A_315 = arith.constant 0 : i32
        %dma_start3A_316 = tpu.memref_slice %arg8[%sub3A_311, %dma_start3A_314, %dma_start3A_315] : memref<2x10x100xi32, #tpu.memory_space<vmem>> -> memref<1x10x100xi32, #tpu.memory_space<vmem>>
        %dma_start3A_317 = tpu.memref_squeeze %dma_start3A_316 : memref<1x10x100xi32, #tpu.memory_space<vmem>> -> memref<10x100xi32, #tpu.memory_space<vmem>>
        %dma_start3A_318 = arith.constant 0 : i32
        %dma_start3A_319 = arith.constant 0 : i32
        %dma_start3A_320 = tpu.memref_slice %arg5[%add3A, %add3A_309, %dma_start3A_318, %dma_start3A_319] : memref<32x10x10x100xi32, #tpu.memory_space<hbm>> -> memref<1x1x10x100xi32, #tpu.memory_space<hbm>>
        %dma_start3A_321 = tpu.memref_squeeze %dma_start3A_320 : memref<1x1x10x100xi32, #tpu.memory_space<hbm>> -> memref<10x100xi32, #tpu.memory_space<hbm>>
        %dma_start3A_322 = tpu.memref_slice %arg14[%sub3A_313] : memref<2x!tpu.dma_semaphore, #tpu.memory_space<semaphore_mem>> -> memref<1x!tpu.dma_semaphore, #tpu.memory_space<semaphore_mem>>
        %dma_start3A_323 = tpu.memref_squeeze %dma_start3A_322 : memref<1x!tpu.dma_semaphore, #tpu.memory_space<semaphore_mem>> -> memref<!tpu.dma_semaphore, #tpu.memory_space<semaphore_mem>>
        %dma_start3A_324 = arith.constant 0 : i32
        %dma_start3A_325 = arith.constant 0 : i32
        %dma_start3A_326 = tpu.memref_slice %arg8[%sub3A_311, %dma_start3A_324, %dma_start3A_325] : memref<2x10x100xi32, #tpu.memory_space<vmem>> -> memref<1x10x100xi32, #tpu.memory_space<vmem>>
        %dma_start3A_327 = tpu.memref_squeeze %dma_start3A_326 : memref<1x10x100xi32, #tpu.memory_space<vmem>> -> memref<10x100xi32, #tpu.memory_space<vmem>>
        %dma_start3A_328 = arith.constant 0 : i32
        %dma_start3A_329 = arith.constant 0 : i32
        %dma_start3A_330 = tpu.memref_slice %arg5[%add3A, %add3A_309, %dma_start3A_328, %dma_start3A_329] : memref<32x10x10x100xi32, #tpu.memory_space<hbm>> -> memref<1x1x10x100xi32, #tpu.memory_space<hbm>>
        %dma_start3A_331 = tpu.memref_squeeze %dma_start3A_330 : memref<1x1x10x100xi32, #tpu.memory_space<hbm>> -> memref<10x100xi32, #tpu.memory_space<hbm>>
        tpu.enqueue_dma source(%dma_start3A_331 : memref<10x100xi32, #tpu.memory_space<hbm>>) target(%dma_start3A_327 : memref<10x100xi32, #tpu.memory_space<vmem>>) target_semaphore(%dma_start3A_323 : memref<!tpu.dma_semaphore, #tpu.memory_space<semaphore_mem>>)
      } else {
      }
      %eq3A_223 = arith.constant 9 : i32
      %eq3A_224 = arith.cmpi eq, %select_n3A_177, %eq3A_223 : i32
      %add3A_225 = arith.constant 1 : i32
      %add3A_226 = arith.addi %scan3A_145, %add3A_225 : i32
      %lt3A_227 = arith.constant 100 : i32
      %lt3A_228 = arith.cmpi slt, %add3A_226, %lt3A_227 : i32
      %and3A_229 = arith.andi %eq3A_224, %lt3A_228 : i1
      %convert_element_type3A_230 = arith.extui %and3A_229 : i1 to i32
      %cond3A_231 = arith.constant 0 : i32
      %cond3A_232 = arith.cmpi ne, %convert_element_type3A_230, %cond3A_231 : i32
      scf.if %cond3A_232 {
        %sub3A_284 = arith.constant 1 : i32
        %sub3A_285 = arith.subi %sub3A_284, %select_n3A_209 : i32
        %dma_wait3A_286 = arith.constant 0 : i32
        %dma_wait3A_287 = arith.constant 0 : i32
        %dma_wait3A_288 = arith.constant 0 : i32
        %dma_wait3A_289 = tpu.memref_slice %arg7[%sub3A_285, %dma_wait3A_287, %dma_wait3A_288] : memref<2x10x100xi32, #tpu.memory_space<vmem>> -> memref<1x10x100xi32, #tpu.memory_space<vmem>>
        %dma_wait3A_290 = tpu.memref_squeeze %dma_wait3A_289 : memref<1x10x100xi32, #tpu.memory_space<vmem>> -> memref<10x100xi32, #tpu.memory_space<vmem>>
        %dma_wait3A_291 = arith.constant 0 : i32
        %dma_wait3A_292 = arith.constant 0 : i32
        %dma_wait3A_293 = tpu.memref_slice %arg4[%add3A, %dma_wait3A_286, %dma_wait3A_291, %dma_wait3A_292] : memref<32x10x10x100xi32, #tpu.memory_space<hbm>> -> memref<1x1x10x100xi32, #tpu.memory_space<hbm>>
        %dma_wait3A_294 = tpu.memref_squeeze %dma_wait3A_293 : memref<1x1x10x100xi32, #tpu.memory_space<hbm>> -> memref<10x100xi32, #tpu.memory_space<hbm>>
        %dma_wait3A_295 = tpu.memref_slice %arg13[%sub3A_285] : memref<2x!tpu.dma_semaphore, #tpu.memory_space<semaphore_mem>> -> memref<1x!tpu.dma_semaphore, #tpu.memory_space<semaphore_mem>>
        %dma_wait3A_296 = tpu.memref_squeeze %dma_wait3A_295 : memref<1x!tpu.dma_semaphore, #tpu.memory_space<semaphore_mem>> -> memref<!tpu.dma_semaphore, #tpu.memory_space<semaphore_mem>>
        %dma_wait3A_297 = arith.constant 0 : i32
        %dma_wait3A_298 = arith.constant 0 : i32
        %dma_wait3A_299 = tpu.memref_slice %arg7[%sub3A_285, %dma_wait3A_297, %dma_wait3A_298] : memref<2x10x100xi32, #tpu.memory_space<vmem>> -> memref<1x10x100xi32, #tpu.memory_space<vmem>>
        %dma_wait3A_300 = tpu.memref_squeeze %dma_wait3A_299 : memref<1x10x100xi32, #tpu.memory_space<vmem>> -> memref<10x100xi32, #tpu.memory_space<vmem>>
        %dma_wait3A_301 = arith.constant 0 : i32
        %dma_wait3A_302 = arith.constant 0 : i32
        %dma_wait3A_303 = tpu.memref_slice %arg4[%add3A, %dma_wait3A_286, %dma_wait3A_301, %dma_wait3A_302] : memref<32x10x10x100xi32, #tpu.memory_space<hbm>> -> memref<1x1x10x100xi32, #tpu.memory_space<hbm>>
        %dma_wait3A_304 = tpu.memref_squeeze %dma_wait3A_303 : memref<1x1x10x100xi32, #tpu.memory_space<hbm>> -> memref<10x100xi32, #tpu.memory_space<hbm>>
        tpu.wait_dma2 semaphore(%dma_wait3A_296 : memref<!tpu.dma_semaphore, #tpu.memory_space<semaphore_mem>>) src(%dma_wait3A_304 : memref<10x100xi32, #tpu.memory_space<hbm>>) dst(%dma_wait3A_300 : memref<10x100xi32, #tpu.memory_space<vmem>>)
      } else {
      }
      %add3A_233 = arith.constant 1 : i32
      %add3A_234 = arith.addi %scan3A_145, %add3A_233 : i32
      %jit3A_235 = arith.constant 3 : i32
      %eq3A_236 = arith.constant 0 : i32
      %eq3A_237 = arith.cmpi eq, %jit3A_235, %eq3A_236 : i32
      %jit3A_238 = arith.constant 1 : i32
      %select_n3A_239 = arith.select %eq3A_237, %jit3A_238, %jit3A_235 : i32
      %rem3A_240 = arith.remsi %add3A_234, %select_n3A_239 : i32
      %ne3A_241 = arith.constant 0 : i32
      %ne3A_242 = arith.cmpi ne, %rem3A_240, %ne3A_241 : i32
      %lt3A_243 = arith.constant 0 : i32
      %lt3A_244 = arith.cmpi slt, %rem3A_240, %lt3A_243 : i32
      %lt3A_245 = arith.constant 0 : i32
      %lt3A_246 = arith.cmpi slt, %select_n3A_239, %lt3A_245 : i32
      %ne3A_247 = arith.xori %lt3A_244, %lt3A_246 : i1
      %and3A_248 = arith.andi %ne3A_247, %ne3A_242 : i1
      %add3A_249 = arith.addi %rem3A_240, %select_n3A_239 : i32
      %select_n3A_250 = arith.select %and3A_248, %add3A_249, %rem3A_240 : i32
      %add3A_251 = arith.constant 1 : i32
      %add3A_252 = arith.addi %scan3A_145, %add3A_251 : i32
      %lt3A_253 = arith.constant 100 : i32
      %lt3A_254 = arith.cmpi slt, %add3A_252, %lt3A_253 : i32
      %convert_element_type3A_255 = arith.extui %lt3A_254 : i1 to i32
      %cond3A_256 = arith.constant 0 : i32
      %cond3A_257 = arith.cmpi ne, %convert_element_type3A_255, %cond3A_256 : i32
      scf.if %cond3A_257 {
        %ge3A = arith.constant 2 : i32
        %ge3A_284 = arith.cmpi sge, %scan3A_145, %ge3A : i32
        %convert_element_type3A_285 = arith.extui %ge3A_284 : i1 to i32
        %cond3A_286 = arith.constant 0 : i32
        %cond3A_287 = arith.cmpi ne, %convert_element_type3A_285, %cond3A_286 : i32
        scf.if %cond3A_287 {
          %dma_wait3A_360 = arith.constant 0 : i32
          %dma_wait3A_361 = arith.constant 0 : i32
          %dma_wait3A_362 = arith.constant 0 : i32
          %dma_wait3A_363 = arith.constant 0 : i32
          %dma_wait3A_364 = tpu.memref_slice %arg9[%select_n3A_250, %dma_wait3A_362, %dma_wait3A_363] : memref<3x100x128xf32, #tpu.memory_space<vmem>> -> memref<1x100x128xf32, #tpu.memory_space<vmem>>
          %dma_wait3A_365 = tpu.memref_squeeze %dma_wait3A_364 : memref<1x100x128xf32, #tpu.memory_space<vmem>> -> memref<100x128xf32, #tpu.memory_space<vmem>>
          %dma_wait3A_366 = arith.constant 0 : i32
          %dma_wait3A_367 = tpu.memref_slice %arg8[%dma_wait3A_360, %dma_wait3A_361, %dma_wait3A_366] : memref<2x10x100xi32, #tpu.memory_space<vmem>> -> memref<1x1x100xi32, #tpu.memory_space<vmem>>
          %dma_wait3A_368 = tpu.memref_squeeze %dma_wait3A_367 : memref<1x1x100xi32, #tpu.memory_space<vmem>> -> memref<100xi32, #tpu.memory_space<vmem>>
          %dma_wait3A_369 = arith.constant 0 : i32
          %dma_wait3A_370 = arith.constant 0 : i32
          %dma_wait3A_371 = tpu.memref_slice %arg10[%dma_wait3A_369, %dma_wait3A_370] : memref<10000x128xf32, #tpu.memory_space<vmem_shared>> -> memref<10000x128xf32, #tpu.memory_space<vmem_shared>>
          %dma_wait3A_372 = tpu.memref_slice %arg12[%select_n3A_250] : memref<3x!tpu.dma_semaphore, #tpu.memory_space<semaphore_mem>> -> memref<1x!tpu.dma_semaphore, #tpu.memory_space<semaphore_mem>>
          %dma_wait3A_373 = tpu.memref_squeeze %dma_wait3A_372 : memref<1x!tpu.dma_semaphore, #tpu.memory_space<semaphore_mem>> -> memref<!tpu.dma_semaphore, #tpu.memory_space<semaphore_mem>>
          tpu.wait_indirect_dma semaphore(%dma_wait3A_373 : memref<!tpu.dma_semaphore, #tpu.memory_space<semaphore_mem>>) src(%dma_wait3A_365 : memref<100x128xf32, #tpu.memory_space<vmem>>) dst(%dma_wait3A_371 : memref<10000x128xf32, #tpu.memory_space<vmem_shared>>)
        } else {
        }
        %add3A_288 = arith.constant 1 : i32
        %add3A_289 = arith.addi %scan3A_145, %add3A_288 : i32
        %jit3A_290 = arith.constant 10 : i32
        %div3A_291 = arith.divsi %add3A_289, %jit3A_290 : i32
        %sign3A_292 = arith.constant 0 : i32
        %sign3A_293 = arith.cmpi sgt, %add3A_289, %sign3A_292 : i32
        %sign3A_294 = arith.extui %sign3A_293 : i1 to i32
        %sign3A_295 = arith.constant 0 : i32
        %sign3A_296 = arith.cmpi slt, %add3A_289, %sign3A_295 : i32
        %sign3A_297 = arith.extui %sign3A_296 : i1 to i32
        %sign3A_298 = arith.subi %sign3A_294, %sign3A_297 : i32
        %sign3A_299 = arith.constant 0 : i32
        %sign3A_300 = arith.cmpi sgt, %jit3A_290, %sign3A_299 : i32
        %sign3A_301 = arith.extui %sign3A_300 : i1 to i32
        %sign3A_302 = arith.constant 0 : i32
        %sign3A_303 = arith.cmpi slt, %jit3A_290, %sign3A_302 : i32
        %sign3A_304 = arith.extui %sign3A_303 : i1 to i32
        %sign3A_305 = arith.subi %sign3A_301, %sign3A_304 : i32
        %ne3A_306 = arith.cmpi ne, %sign3A_298, %sign3A_305 : i32
        %rem3A_307 = arith.remsi %add3A_289, %jit3A_290 : i32
        %ne3A_308 = arith.constant 0 : i32
        %ne3A_309 = arith.cmpi ne, %rem3A_307, %ne3A_308 : i32
        %and3A_310 = arith.andi %ne3A_306, %ne3A_309 : i1
        %sub3A_311 = arith.constant 1 : i32
        %sub3A_312 = arith.subi %div3A_291, %sub3A_311 : i32
        %select_n3A_313 = arith.select %and3A_310, %sub3A_312, %div3A_291 : i32
        %jit3A_314 = arith.constant 2 : i32
        %eq3A_315 = arith.constant 0 : i32
        %eq3A_316 = arith.cmpi eq, %jit3A_314, %eq3A_315 : i32
        %jit3A_317 = arith.constant 1 : i32
        %select_n3A_318 = arith.select %eq3A_316, %jit3A_317, %jit3A_314 : i32
        %rem3A_319 = arith.remsi %select_n3A_313, %select_n3A_318 : i32
        %ne3A_320 = arith.constant 0 : i32
        %ne3A_321 = arith.cmpi ne, %rem3A_319, %ne3A_320 : i32
        %lt3A_322 = arith.constant 0 : i32
        %lt3A_323 = arith.cmpi slt, %rem3A_319, %lt3A_322 : i32
        %lt3A_324 = arith.constant 0 : i32
        %lt3A_325 = arith.cmpi slt, %select_n3A_318, %lt3A_324 : i32
        %ne3A_326 = arith.xori %lt3A_323, %lt3A_325 : i1
        %and3A_327 = arith.andi %ne3A_326, %ne3A_321 : i1
        %add3A_328 = arith.addi %rem3A_319, %select_n3A_318 : i32
        %select_n3A_329 = arith.select %and3A_327, %add3A_328, %rem3A_319 : i32
        %add3A_330 = arith.constant 1 : i32
        %add3A_331 = arith.addi %scan3A_145, %add3A_330 : i32
        %jit3A_332 = arith.constant 10 : i32
        %eq3A_333 = arith.constant 0 : i32
        %eq3A_334 = arith.cmpi eq, %jit3A_332, %eq3A_333 : i32
        %jit3A_335 = arith.constant 1 : i32
        %select_n3A_336 = arith.select %eq3A_334, %jit3A_335, %jit3A_332 : i32
        %rem3A_337 = arith.remsi %add3A_331, %select_n3A_336 : i32
        %ne3A_338 = arith.constant 0 : i32
        %ne3A_339 = arith.cmpi ne, %rem3A_337, %ne3A_338 : i32
        %lt3A_340 = arith.constant 0 : i32
        %lt3A_341 = arith.cmpi slt, %rem3A_337, %lt3A_340 : i32
        %lt3A_342 = arith.constant 0 : i32
        %lt3A_343 = arith.cmpi slt, %select_n3A_336, %lt3A_342 : i32
        %ne3A_344 = arith.xori %lt3A_341, %lt3A_343 : i1
        %and3A_345 = arith.andi %ne3A_344, %ne3A_339 : i1
        %add3A_346 = arith.addi %rem3A_337, %select_n3A_336 : i32
        %select_n3A_347 = arith.select %and3A_345, %add3A_346, %rem3A_337 : i32
        %dma_start3A_348 = arith.constant 0 : i32
        %dma_start3A_349 = arith.constant 0 : i32
        %dma_start3A_350 = tpu.memref_slice %arg9[%select_n3A_250, %dma_start3A_348, %dma_start3A_349] : memref<3x100x128xf32, #tpu.memory_space<vmem>> -> memref<1x100x128xf32, #tpu.memory_space<vmem>>
        %dma_start3A_351 = tpu.memref_squeeze %dma_start3A_350 : memref<1x100x128xf32, #tpu.memory_space<vmem>> -> memref<100x128xf32, #tpu.memory_space<vmem>>
        %dma_start3A_352 = arith.constant 0 : i32
        %dma_start3A_353 = tpu.memref_slice %arg7[%select_n3A_329, %select_n3A_347, %dma_start3A_352] : memref<2x10x100xi32, #tpu.memory_space<vmem>> -> memref<1x1x100xi32, #tpu.memory_space<vmem>>
        %dma_start3A_354 = tpu.memref_squeeze %dma_start3A_353 : memref<1x1x100xi32, #tpu.memory_space<vmem>> -> memref<100xi32, #tpu.memory_space<vmem>>
        %dma_start3A_355 = arith.constant 0 : i32
        %dma_start3A_356 = arith.constant 0 : i32
        %dma_start3A_357 = tpu.memref_slice %arg2[%dma_start3A_355, %dma_start3A_356] : memref<10000x128xf32, #tpu.memory_space<hbm>> -> memref<10000x128xf32, #tpu.memory_space<hbm>>
        %dma_start3A_358 = tpu.memref_slice %arg11[%select_n3A_250] : memref<3x!tpu.dma_semaphore, #tpu.memory_space<semaphore_mem>> -> memref<1x!tpu.dma_semaphore, #tpu.memory_space<semaphore_mem>>
        %dma_start3A_359 = tpu.memref_squeeze %dma_start3A_358 : memref<1x!tpu.dma_semaphore, #tpu.memory_space<semaphore_mem>> -> memref<!tpu.dma_semaphore, #tpu.memory_space<semaphore_mem>>
        tpu.enqueue_indirect_dma source(%dma_start3A_357 : memref<10000x128xf32, #tpu.memory_space<hbm>>) target(%dma_start3A_351 : memref<100x128xf32, #tpu.memory_space<vmem>>) offsets(%dma_start3A_354 : memref<100xi32, #tpu.memory_space<vmem>>) semaphore(%dma_start3A_359 : memref<!tpu.dma_semaphore, #tpu.memory_space<semaphore_mem>>)
      } else {
      }
      %dma_wait3A_258 = arith.constant 0 : i32
      %dma_wait3A_259 = arith.constant 0 : i32
      %dma_wait3A_260 = arith.constant 0 : i32
      %dma_wait3A_261 = arith.constant 0 : i32
      %dma_wait3A_262 = tpu.memref_slice %arg9[%select_n3A_193, %dma_wait3A_260, %dma_wait3A_261] : memref<3x100x128xf32, #tpu.memory_space<vmem>> -> memref<1x100x128xf32, #tpu.memory_space<vmem>>
      %dma_wait3A_263 = tpu.memref_squeeze %dma_wait3A_262 : memref<1x100x128xf32, #tpu.memory_space<vmem>> -> memref<100x128xf32, #tpu.memory_space<vmem>>
      %dma_wait3A_264 = arith.constant 0 : i32
      %dma_wait3A_265 = tpu.memref_slice %arg7[%dma_wait3A_258, %dma_wait3A_259, %dma_wait3A_264] : memref<2x10x100xi32, #tpu.memory_space<vmem>> -> memref<1x1x100xi32, #tpu.memory_space<vmem>>
      %dma_wait3A_266 = tpu.memref_squeeze %dma_wait3A_265 : memref<1x1x100xi32, #tpu.memory_space<vmem>> -> memref<100xi32, #tpu.memory_space<vmem>>
      %dma_wait3A_267 = arith.constant 0 : i32
      %dma_wait3A_268 = arith.constant 0 : i32
      %dma_wait3A_269 = tpu.memref_slice %arg2[%dma_wait3A_267, %dma_wait3A_268] : memref<10000x128xf32, #tpu.memory_space<hbm>> -> memref<10000x128xf32, #tpu.memory_space<hbm>>
      %dma_wait3A_270 = tpu.memref_slice %arg11[%select_n3A_193] : memref<3x!tpu.dma_semaphore, #tpu.memory_space<semaphore_mem>> -> memref<1x!tpu.dma_semaphore, #tpu.memory_space<semaphore_mem>>
      %dma_wait3A_271 = tpu.memref_squeeze %dma_wait3A_270 : memref<1x!tpu.dma_semaphore, #tpu.memory_space<semaphore_mem>> -> memref<!tpu.dma_semaphore, #tpu.memory_space<semaphore_mem>>
      tpu.wait_indirect_dma semaphore(%dma_wait3A_271 : memref<!tpu.dma_semaphore, #tpu.memory_space<semaphore_mem>>) src(%dma_wait3A_269 : memref<10000x128xf32, #tpu.memory_space<hbm>>) dst(%dma_wait3A_263 : memref<100x128xf32, #tpu.memory_space<vmem>>)
      %dma_start3A_272 = arith.constant 0 : i32
      %dma_start3A_273 = arith.constant 0 : i32
      %dma_start3A_274 = tpu.memref_slice %arg9[%select_n3A_193, %dma_start3A_272, %dma_start3A_273] : memref<3x100x128xf32, #tpu.memory_space<vmem>> -> memref<1x100x128xf32, #tpu.memory_space<vmem>>
      %dma_start3A_275 = tpu.memref_squeeze %dma_start3A_274 : memref<1x100x128xf32, #tpu.memory_space<vmem>> -> memref<100x128xf32, #tpu.memory_space<vmem>>
      %dma_start3A_276 = arith.constant 0 : i32
      %dma_start3A_277 = tpu.memref_slice %arg8[%select_n3A_209, %select_n3A_177, %dma_start3A_276] : memref<2x10x100xi32, #tpu.memory_space<vmem>> -> memref<1x1x100xi32, #tpu.memory_space<vmem>>
      %dma_start3A_278 = tpu.memref_squeeze %dma_start3A_277 : memref<1x1x100xi32, #tpu.memory_space<vmem>> -> memref<100xi32, #tpu.memory_space<vmem>>
      %dma_start3A_279 = arith.constant 0 : i32
      %dma_start3A_280 = arith.constant 0 : i32
      %dma_start3A_281 = tpu.memref_slice %arg10[%dma_start3A_279, %dma_start3A_280] : memref<10000x128xf32, #tpu.memory_space<vmem_shared>> -> memref<10000x128xf32, #tpu.memory_space<vmem_shared>>
      %dma_start3A_282 = tpu.memref_slice %arg12[%select_n3A_193] : memref<3x!tpu.dma_semaphore, #tpu.memory_space<semaphore_mem>> -> memref<1x!tpu.dma_semaphore, #tpu.memory_space<semaphore_mem>>
      %dma_start3A_283 = tpu.memref_squeeze %dma_start3A_282 : memref<1x!tpu.dma_semaphore, #tpu.memory_space<semaphore_mem>> -> memref<!tpu.dma_semaphore, #tpu.memory_space<semaphore_mem>>
      tpu.enqueue_indirect_dma source(%dma_start3A_275 : memref<100x128xf32, #tpu.memory_space<vmem>>) target(%dma_start3A_281 : memref<10000x128xf32, #tpu.memory_space<vmem_shared>>) offsets(%dma_start3A_278 : memref<100xi32, #tpu.memory_space<vmem>>) semaphore(%dma_start3A_283 : memref<!tpu.dma_semaphore, #tpu.memory_space<semaphore_mem>>) {add = true}
    }
    %scan3A_90 = arith.constant 100 : i32
    %dma_wait3A_91 = arith.constant 1 : i32
    %dma_wait3A_92 = arith.constant 0 : i32
    %dma_wait3A_93 = arith.constant 0 : i32
    %dma_wait3A_94 = arith.constant 1 : i32
    %dma_wait3A_95 = arith.constant 0 : i32
    %dma_wait3A_96 = arith.constant 0 : i32
    %dma_wait3A_97 = tpu.memref_slice %arg9[%dma_wait3A_91, %dma_wait3A_95, %dma_wait3A_96] : memref<3x100x128xf32, #tpu.memory_space<vmem>> -> memref<1x100x128xf32, #tpu.memory_space<vmem>>
    %dma_wait3A_98 = tpu.memref_squeeze %dma_wait3A_97 : memref<1x100x128xf32, #tpu.memory_space<vmem>> -> memref<100x128xf32, #tpu.memory_space<vmem>>
    %dma_wait3A_99 = arith.constant 0 : i32
    %dma_wait3A_100 = tpu.memref_slice %arg8[%dma_wait3A_92, %dma_wait3A_93, %dma_wait3A_99] : memref<2x10x100xi32, #tpu.memory_space<vmem>> -> memref<1x1x100xi32, #tpu.memory_space<vmem>>
    %dma_wait3A_101 = tpu.memref_squeeze %dma_wait3A_100 : memref<1x1x100xi32, #tpu.memory_space<vmem>> -> memref<100xi32, #tpu.memory_space<vmem>>
    %dma_wait3A_102 = arith.constant 0 : i32
    %dma_wait3A_103 = arith.constant 0 : i32
    %dma_wait3A_104 = tpu.memref_slice %arg10[%dma_wait3A_102, %dma_wait3A_103] : memref<10000x128xf32, #tpu.memory_space<vmem_shared>> -> memref<10000x128xf32, #tpu.memory_space<vmem_shared>>
    %dma_wait3A_105 = tpu.memref_slice %arg12[%dma_wait3A_94] : memref<3x!tpu.dma_semaphore, #tpu.memory_space<semaphore_mem>> -> memref<1x!tpu.dma_semaphore, #tpu.memory_space<semaphore_mem>>
    %dma_wait3A_106 = tpu.memref_squeeze %dma_wait3A_105 : memref<1x!tpu.dma_semaphore, #tpu.memory_space<semaphore_mem>> -> memref<!tpu.dma_semaphore, #tpu.memory_space<semaphore_mem>>
    tpu.wait_indirect_dma semaphore(%dma_wait3A_106 : memref<!tpu.dma_semaphore, #tpu.memory_space<semaphore_mem>>) src(%dma_wait3A_98 : memref<100x128xf32, #tpu.memory_space<vmem>>) dst(%dma_wait3A_104 : memref<10000x128xf32, #tpu.memory_space<vmem_shared>>)
    %dma_wait3A_107 = arith.constant 2 : i32
    %dma_wait3A_108 = arith.constant 0 : i32
    %dma_wait3A_109 = arith.constant 0 : i32
    %dma_wait3A_110 = arith.constant 2 : i32
    %dma_wait3A_111 = arith.constant 0 : i32
    %dma_wait3A_112 = arith.constant 0 : i32
    %dma_wait3A_113 = tpu.memref_slice %arg9[%dma_wait3A_107, %dma_wait3A_111, %dma_wait3A_112] : memref<3x100x128xf32, #tpu.memory_space<vmem>> -> memref<1x100x128xf32, #tpu.memory_space<vmem>>
    %dma_wait3A_114 = tpu.memref_squeeze %dma_wait3A_113 : memref<1x100x128xf32, #tpu.memory_space<vmem>> -> memref<100x128xf32, #tpu.memory_space<vmem>>
    %dma_wait3A_115 = arith.constant 0 : i32
    %dma_wait3A_116 = tpu.memref_slice %arg8[%dma_wait3A_108, %dma_wait3A_109, %dma_wait3A_115] : memref<2x10x100xi32, #tpu.memory_space<vmem>> -> memref<1x1x100xi32, #tpu.memory_space<vmem>>
    %dma_wait3A_117 = tpu.memref_squeeze %dma_wait3A_116 : memref<1x1x100xi32, #tpu.memory_space<vmem>> -> memref<100xi32, #tpu.memory_space<vmem>>
    %dma_wait3A_118 = arith.constant 0 : i32
    %dma_wait3A_119 = arith.constant 0 : i32
    %dma_wait3A_120 = tpu.memref_slice %arg10[%dma_wait3A_118, %dma_wait3A_119] : memref<10000x128xf32, #tpu.memory_space<vmem_shared>> -> memref<10000x128xf32, #tpu.memory_space<vmem_shared>>
    %dma_wait3A_121 = tpu.memref_slice %arg12[%dma_wait3A_110] : memref<3x!tpu.dma_semaphore, #tpu.memory_space<semaphore_mem>> -> memref<1x!tpu.dma_semaphore, #tpu.memory_space<semaphore_mem>>
    %dma_wait3A_122 = tpu.memref_squeeze %dma_wait3A_121 : memref<1x!tpu.dma_semaphore, #tpu.memory_space<semaphore_mem>> -> memref<!tpu.dma_semaphore, #tpu.memory_space<semaphore_mem>>
    tpu.wait_indirect_dma semaphore(%dma_wait3A_122 : memref<!tpu.dma_semaphore, #tpu.memory_space<semaphore_mem>>) src(%dma_wait3A_114 : memref<100x128xf32, #tpu.memory_space<vmem>>) dst(%dma_wait3A_120 : memref<10000x128xf32, #tpu.memory_space<vmem_shared>>)
    %dma_wait3A_123 = arith.constant 0 : i32
    %dma_wait3A_124 = arith.constant 0 : i32
    %dma_wait3A_125 = arith.constant 0 : i32
    %dma_wait3A_126 = arith.constant 0 : i32
    %dma_wait3A_127 = arith.constant 0 : i32
    %dma_wait3A_128 = arith.constant 0 : i32
    %dma_wait3A_129 = tpu.memref_slice %arg9[%dma_wait3A_123, %dma_wait3A_127, %dma_wait3A_128] : memref<3x100x128xf32, #tpu.memory_space<vmem>> -> memref<1x100x128xf32, #tpu.memory_space<vmem>>
    %dma_wait3A_130 = tpu.memref_squeeze %dma_wait3A_129 : memref<1x100x128xf32, #tpu.memory_space<vmem>> -> memref<100x128xf32, #tpu.memory_space<vmem>>
    %dma_wait3A_131 = arith.constant 0 : i32
    %dma_wait3A_132 = tpu.memref_slice %arg8[%dma_wait3A_124, %dma_wait3A_125, %dma_wait3A_131] : memref<2x10x100xi32, #tpu.memory_space<vmem>> -> memref<1x1x100xi32, #tpu.memory_space<vmem>>
    %dma_wait3A_133 = tpu.memref_squeeze %dma_wait3A_132 : memref<1x1x100xi32, #tpu.memory_space<vmem>> -> memref<100xi32, #tpu.memory_space<vmem>>
    %dma_wait3A_134 = arith.constant 0 : i32
    %dma_wait3A_135 = arith.constant 0 : i32
    %dma_wait3A_136 = tpu.memref_slice %arg10[%dma_wait3A_134, %dma_wait3A_135] : memref<10000x128xf32, #tpu.memory_space<vmem_shared>> -> memref<10000x128xf32, #tpu.memory_space<vmem_shared>>
    %dma_wait3A_137 = tpu.memref_slice %arg12[%dma_wait3A_126] : memref<3x!tpu.dma_semaphore, #tpu.memory_space<semaphore_mem>> -> memref<1x!tpu.dma_semaphore, #tpu.memory_space<semaphore_mem>>
    %dma_wait3A_138 = tpu.memref_squeeze %dma_wait3A_137 : memref<1x!tpu.dma_semaphore, #tpu.memory_space<semaphore_mem>> -> memref<!tpu.dma_semaphore, #tpu.memory_space<semaphore_mem>>
    tpu.wait_indirect_dma semaphore(%dma_wait3A_138 : memref<!tpu.dma_semaphore, #tpu.memory_space<semaphore_mem>>) src(%dma_wait3A_130 : memref<100x128xf32, #tpu.memory_space<vmem>>) dst(%dma_wait3A_136 : memref<10000x128xf32, #tpu.memory_space<vmem_shared>>)
    %barrier3A_139 = arith.constant 0 : index
    tpu.barrier barrier_id(%barrier3A_139)
    "tpu.region"() ({
      %run_scoped3A = tpu.sem_alloc : memref<!tpu.dma_semaphore, #tpu.memory_space<semaphore_mem>>
      %dma_start3A_145 = arith.constant 0 : i32
      %dma_start3A_146 = tpu.memref_slice %arg6[%arg0, %mul3A_43, %dma_start3A_145] : memref<2x10000x128xf32, #tpu.memory_space<hbm>> -> memref<1x624x128xf32, #tpu.memory_space<hbm>>
      %dma_start3A_147 = tpu.memref_squeeze %dma_start3A_146 : memref<1x624x128xf32, #tpu.memory_space<hbm>> -> memref<624x128xf32, #tpu.memory_space<hbm>>
      %dma_start3A_148 = arith.constant 0 : i32
      %dma_start3A_149 = tpu.memref_slice %arg10[%mul3A_43, %dma_start3A_148] : memref<10000x128xf32, #tpu.memory_space<vmem_shared>> -> memref<624x128xf32, #tpu.memory_space<vmem_shared>>
      tpu.enqueue_dma source(%dma_start3A_149 : memref<624x128xf32, #tpu.memory_space<vmem_shared>>) target(%dma_start3A_147 : memref<624x128xf32, #tpu.memory_space<hbm>>) target_semaphore(%run_scoped3A : memref<!tpu.dma_semaphore, #tpu.memory_space<semaphore_mem>>)
      %dma_wait3A_150 = arith.constant 0 : i32
      %dma_wait3A_151 = tpu.memref_slice %arg6[%arg0, %mul3A_43, %dma_wait3A_150] : memref<2x10000x128xf32, #tpu.memory_space<hbm>> -> memref<1x624x128xf32, #tpu.memory_space<hbm>>
      %dma_wait3A_152 = tpu.memref_squeeze %dma_wait3A_151 : memref<1x624x128xf32, #tpu.memory_space<hbm>> -> memref<624x128xf32, #tpu.memory_space<hbm>>
      %dma_wait3A_153 = arith.constant 0 : i32
      %dma_wait3A_154 = tpu.memref_slice %arg10[%mul3A_43, %dma_wait3A_153] : memref<10000x128xf32, #tpu.memory_space<vmem_shared>> -> memref<624x128xf32, #tpu.memory_space<vmem_shared>>
      tpu.wait_dma2 semaphore(%run_scoped3A : memref<!tpu.dma_semaphore, #tpu.memory_space<semaphore_mem>>) src(%dma_wait3A_154 : memref<624x128xf32, #tpu.memory_space<vmem_shared>>) dst(%dma_wait3A_152 : memref<624x128xf32, #tpu.memory_space<hbm>>)
      tpu.yield
    }) : () -> ()
    %eq3A_140 = arith.constant 15 : i32
    %eq3A_141 = arith.cmpi eq, %arg1, %eq3A_140 : i32
    %convert_element_type3A_142 = arith.extui %eq3A_141 : i1 to i32
    %cond3A_143 = arith.constant 0 : i32
    %cond3A_144 = arith.cmpi ne, %convert_element_type3A_142, %cond3A_143 : i32
    scf.if %cond3A_144 {
      "tpu.region"() ({
        %run_scoped3A = tpu.sem_alloc : memref<!tpu.dma_semaphore, #tpu.memory_space<semaphore_mem>>
        %dma_start3A_145 = arith.constant 9984 : i32
        %dma_start3A_146 = arith.constant 0 : i32
        %dma_start3A_147 = tpu.memref_slice %arg6[%arg0, %dma_start3A_145, %dma_start3A_146] : memref<2x10000x128xf32, #tpu.memory_space<hbm>> -> memref<1x16x128xf32, #tpu.memory_space<hbm>>
        %dma_start3A_148 = tpu.memref_squeeze %dma_start3A_147 : memref<1x16x128xf32, #tpu.memory_space<hbm>> -> memref<16x128xf32, #tpu.memory_space<hbm>>
        %dma_start3A_149 = arith.constant 9984 : i32
        %dma_start3A_150 = arith.constant 0 : i32
        %dma_start3A_151 = tpu.memref_slice %arg10[%dma_start3A_149, %dma_start3A_150] : memref<10000x128xf32, #tpu.memory_space<vmem_shared>> -> memref<16x128xf32, #tpu.memory_space<vmem_shared>>
        tpu.enqueue_dma source(%dma_start3A_151 : memref<16x128xf32, #tpu.memory_space<vmem_shared>>) target(%dma_start3A_148 : memref<16x128xf32, #tpu.memory_space<hbm>>) target_semaphore(%run_scoped3A : memref<!tpu.dma_semaphore, #tpu.memory_space<semaphore_mem>>)
        %dma_wait3A_152 = arith.constant 9984 : i32
        %dma_wait3A_153 = arith.constant 0 : i32
        %dma_wait3A_154 = tpu.memref_slice %arg6[%arg0, %dma_wait3A_152, %dma_wait3A_153] : memref<2x10000x128xf32, #tpu.memory_space<hbm>> -> memref<1x16x128xf32, #tpu.memory_space<hbm>>
        %dma_wait3A_155 = tpu.memref_squeeze %dma_wait3A_154 : memref<1x16x128xf32, #tpu.memory_space<hbm>> -> memref<16x128xf32, #tpu.memory_space<hbm>>
        %dma_wait3A_156 = arith.constant 9984 : i32
        %dma_wait3A_157 = arith.constant 0 : i32
        %dma_wait3A_158 = tpu.memref_slice %arg10[%dma_wait3A_156, %dma_wait3A_157] : memref<10000x128xf32, #tpu.memory_space<vmem_shared>> -> memref<16x128xf32, #tpu.memory_space<vmem_shared>>
        tpu.wait_dma2 semaphore(%run_scoped3A : memref<!tpu.dma_semaphore, #tpu.memory_space<semaphore_mem>>) src(%dma_wait3A_158 : memref<16x128xf32, #tpu.memory_space<vmem_shared>>) dst(%dma_wait3A_155 : memref<16x128xf32, #tpu.memory_space<hbm>>)
        tpu.yield
      }) : () -> ()
    } else {
    }
    return
  }
}

#map = affine_map<(d0, d1) -> (0, 0)>
#map1 = affine_map<(d0, d1) -> (0, 0, 0, 0)>
#map2 = affine_map<(d0, d1) -> (0, 0, 0)>
module attributes {stable_mosaic.version = 14 : i64} {
  func.func @_agg_body(%arg0: i32, %arg1: i32, %arg2: memref<10000x128xf32, #tpu.memory_space<hbm>>, %arg3: memref<10000x128xf32, #tpu.memory_space<hbm>>, %arg4: memref<32x10x10x100xi32, #tpu.memory_space<hbm>>, %arg5: memref<32x10x10x100xi32, #tpu.memory_space<hbm>>, %arg6: memref<2x10000x128xf32, #tpu.memory_space<hbm>>, %arg7: memref<2x10x100xi32, #tpu.memory_space<vmem>>, %arg8: memref<2x10x100xi32, #tpu.memory_space<vmem>>, %arg9: memref<3x100x128xf32, #tpu.memory_space<vmem>>, %arg10: memref<10000x128xf32, #tpu.memory_space<vmem_shared>>, %arg11: memref<3x!tpu.dma_semaphore, #tpu.memory_space<semaphore_mem>>, %arg12: memref<3x!tpu.dma_semaphore, #tpu.memory_space<semaphore_mem>>, %arg13: memref<2x!tpu.dma_semaphore, #tpu.memory_space<semaphore_mem>>, %arg14: memref<2x!tpu.dma_semaphore, #tpu.memory_space<semaphore_mem>>) attributes {dimension_semantics = [#tpu.dimension_semantics<core_parallel>, #tpu.dimension_semantics<subcore_parallel>], iteration_bounds = array<i64: 2, 16>, scalar_prefetch = 0 : i64, scratch_operands = 8 : i64, tpu.core_type = #tpu.core_type<sc_vector_subcore>, window_params = [{transform_indices = #map}, {transform_indices = #map}, {transform_indices = #map1}, {transform_indices = #map1}, {transform_indices = #map2}]} {
    %mul3A = arith.constant 16 : i32
    %mul3A_0 = arith.muli %arg0, %mul3A : i32
    %add3A = arith.addi %mul3A_0, %arg1 : i32
    %dma_start3A = arith.constant 0 : i32
    %dma_start3A_1 = arith.constant 0 : i32
    %dma_start3A_2 = arith.constant 0 : i32
    %dma_start3A_3 = arith.constant 0 : i32
    %dma_start3A_4 = arith.constant 0 : i32
    %dma_start3A_5 = tpu.memref_slice %arg7[%dma_start3A_1, %dma_start3A_3, %dma_start3A_4] : memref<2x10x100xi32, #tpu.memory_space<vmem>> -> memref<1x10x100xi32, #tpu.memory_space<vmem>>
    %dma_start3A_6 = tpu.memref_squeeze %dma_start3A_5 : memref<1x10x100xi32, #tpu.memory_space<vmem>> -> memref<10x100xi32, #tpu.memory_space<vmem>>
    %dma_start3A_7 = arith.constant 0 : i32
    %dma_start3A_8 = arith.constant 0 : i32
    %dma_start3A_9 = tpu.memref_slice %arg4[%add3A, %dma_start3A, %dma_start3A_7, %dma_start3A_8] : memref<32x10x10x100xi32, #tpu.memory_space<hbm>> -> memref<1x1x10x100xi32, #tpu.memory_space<hbm>>
    %dma_start3A_10 = tpu.memref_squeeze %dma_start3A_9 : memref<1x1x10x100xi32, #tpu.memory_space<hbm>> -> memref<10x100xi32, #tpu.memory_space<hbm>>
    %dma_start3A_11 = tpu.memref_slice %arg13[%dma_start3A_2] : memref<2x!tpu.dma_semaphore, #tpu.memory_space<semaphore_mem>> -> memref<1x!tpu.dma_semaphore, #tpu.memory_space<semaphore_mem>>
    %dma_start3A_12 = tpu.memref_squeeze %dma_start3A_11 : memref<1x!tpu.dma_semaphore, #tpu.memory_space<semaphore_mem>> -> memref<!tpu.dma_semaphore, #tpu.memory_space<semaphore_mem>>
    %dma_start3A_13 = arith.constant 0 : i32
    %dma_start3A_14 = arith.constant 0 : i32
    %dma_start3A_15 = tpu.memref_slice %arg7[%dma_start3A_1, %dma_start3A_13, %dma_start3A_14] : memref<2x10x100xi32, #tpu.memory_space<vmem>> -> memref<1x10x100xi32, #tpu.memory_space<vmem>>
    %dma_start3A_16 = tpu.memref_squeeze %dma_start3A_15 : memref<1x10x100xi32, #tpu.memory_space<vmem>> -> memref<10x100xi32, #tpu.memory_space<vmem>>
    %dma_start3A_17 = arith.constant 0 : i32
    %dma_start3A_18 = arith.constant 0 : i32
    %dma_start3A_19 = tpu.memref_slice %arg4[%add3A, %dma_start3A, %dma_start3A_17, %dma_start3A_18] : memref<32x10x10x100xi32, #tpu.memory_space<hbm>> -> memref<1x1x10x100xi32, #tpu.memory_space<hbm>>
    %dma_start3A_20 = tpu.memref_squeeze %dma_start3A_19 : memref<1x1x10x100xi32, #tpu.memory_space<hbm>> -> memref<10x100xi32, #tpu.memory_space<hbm>>
    tpu.enqueue_dma source(%dma_start3A_20 : memref<10x100xi32, #tpu.memory_space<hbm>>) target(%dma_start3A_16 : memref<10x100xi32, #tpu.memory_space<vmem>>) target_semaphore(%dma_start3A_12 : memref<!tpu.dma_semaphore, #tpu.memory_space<semaphore_mem>>)
    %dma_start3A_21 = arith.constant 0 : i32
    %dma_start3A_22 = arith.constant 0 : i32
    %dma_start3A_23 = arith.constant 0 : i32
    %dma_start3A_24 = arith.constant 0 : i32
    %dma_start3A_25 = arith.constant 0 : i32
    %dma_start3A_26 = tpu.memref_slice %arg8[%dma_start3A_22, %dma_start3A_24, %dma_start3A_25] : memref<2x10x100xi32, #tpu.memory_space<vmem>> -> memref<1x10x100xi32, #tpu.memory_space<vmem>>
    %dma_start3A_27 = tpu.memref_squeeze %dma_start3A_26 : memref<1x10x100xi32, #tpu.memory_space<vmem>> -> memref<10x100xi32, #tpu.memory_space<vmem>>
    %dma_start3A_28 = arith.constant 0 : i32
    %dma_start3A_29 = arith.constant 0 : i32
    %dma_start3A_30 = tpu.memref_slice %arg5[%add3A, %dma_start3A_21, %dma_start3A_28, %dma_start3A_29] : memref<32x10x10x100xi32, #tpu.memory_space<hbm>> -> memref<1x1x10x100xi32, #tpu.memory_space<hbm>>
    %dma_start3A_31 = tpu.memref_squeeze %dma_start3A_30 : memref<1x1x10x100xi32, #tpu.memory_space<hbm>> -> memref<10x100xi32, #tpu.memory_space<hbm>>
    %dma_start3A_32 = tpu.memref_slice %arg14[%dma_start3A_23] : memref<2x!tpu.dma_semaphore, #tpu.memory_space<semaphore_mem>> -> memref<1x!tpu.dma_semaphore, #tpu.memory_space<semaphore_mem>>
    %dma_start3A_33 = tpu.memref_squeeze %dma_start3A_32 : memref<1x!tpu.dma_semaphore, #tpu.memory_space<semaphore_mem>> -> memref<!tpu.dma_semaphore, #tpu.memory_space<semaphore_mem>>
    %dma_start3A_34 = arith.constant 0 : i32
    %dma_start3A_35 = arith.constant 0 : i32
    %dma_start3A_36 = tpu.memref_slice %arg8[%dma_start3A_22, %dma_start3A_34, %dma_start3A_35] : memref<2x10x100xi32, #tpu.memory_space<vmem>> -> memref<1x10x100xi32, #tpu.memory_space<vmem>>
    %dma_start3A_37 = tpu.memref_squeeze %dma_start3A_36 : memref<1x10x100xi32, #tpu.memory_space<vmem>> -> memref<10x100xi32, #tpu.memory_space<vmem>>
    %dma_start3A_38 = arith.constant 0 : i32
    %dma_start3A_39 = arith.constant 0 : i32
    %dma_start3A_40 = tpu.memref_slice %arg5[%add3A, %dma_start3A_21, %dma_start3A_38, %dma_start3A_39] : memref<32x10x10x100xi32, #tpu.memory_space<hbm>> -> memref<1x1x10x100xi32, #tpu.memory_space<hbm>>
    %dma_start3A_41 = tpu.memref_squeeze %dma_start3A_40 : memref<1x1x10x100xi32, #tpu.memory_space<hbm>> -> memref<10x100xi32, #tpu.memory_space<hbm>>
    tpu.enqueue_dma source(%dma_start3A_41 : memref<10x100xi32, #tpu.memory_space<hbm>>) target(%dma_start3A_37 : memref<10x100xi32, #tpu.memory_space<vmem>>) target_semaphore(%dma_start3A_33 : memref<!tpu.dma_semaphore, #tpu.memory_space<semaphore_mem>>)
    %mul3A_42 = arith.constant 624 : i32
    %mul3A_43 = arith.muli %arg1, %mul3A_42 : i32
    %eq3A = arith.constant 0 : i32
    %eq3A_44 = arith.cmpi eq, %arg0, %eq3A : i32
    %convert_element_type3A = arith.extui %eq3A_44 : i1 to i32
    %cond3A = arith.constant 0 : i32
    %cond3A_45 = arith.cmpi ne, %convert_element_type3A, %cond3A : i32
    scf.if %cond3A_45 {
      "tpu.region"() ({
        %run_scoped3A = tpu.sem_alloc : memref<!tpu.dma_semaphore, #tpu.memory_space<semaphore_mem>>
        %dma_start3A_150 = arith.constant 0 : i32
        %dma_start3A_151 = tpu.memref_slice %arg10[%mul3A_43, %dma_start3A_150] : memref<10000x128xf32, #tpu.memory_space<vmem_shared>> -> memref<624x128xf32, #tpu.memory_space<vmem_shared>>
        %dma_start3A_152 = arith.constant 0 : i32
        %dma_start3A_153 = tpu.memref_slice %arg2[%mul3A_43, %dma_start3A_152] : memref<10000x128xf32, #tpu.memory_space<hbm>> -> memref<624x128xf32, #tpu.memory_space<hbm>>
        tpu.enqueue_dma source(%dma_start3A_153 : memref<624x128xf32, #tpu.memory_space<hbm>>) target(%dma_start3A_151 : memref<624x128xf32, #tpu.memory_space<vmem_shared>>) target_semaphore(%run_scoped3A : memref<!tpu.dma_semaphore, #tpu.memory_space<semaphore_mem>>)
        %dma_wait3A_154 = arith.constant 0 : i32
        %dma_wait3A_155 = tpu.memref_slice %arg10[%mul3A_43, %dma_wait3A_154] : memref<10000x128xf32, #tpu.memory_space<vmem_shared>> -> memref<624x128xf32, #tpu.memory_space<vmem_shared>>
        %dma_wait3A_156 = arith.constant 0 : i32
        %dma_wait3A_157 = tpu.memref_slice %arg2[%mul3A_43, %dma_wait3A_156] : memref<10000x128xf32, #tpu.memory_space<hbm>> -> memref<624x128xf32, #tpu.memory_space<hbm>>
        tpu.wait_dma2 semaphore(%run_scoped3A : memref<!tpu.dma_semaphore, #tpu.memory_space<semaphore_mem>>) src(%dma_wait3A_157 : memref<624x128xf32, #tpu.memory_space<hbm>>) dst(%dma_wait3A_155 : memref<624x128xf32, #tpu.memory_space<vmem_shared>>)
        tpu.yield
      }) : () -> ()
      %eq3A_145 = arith.constant 15 : i32
      %eq3A_146 = arith.cmpi eq, %arg1, %eq3A_145 : i32
      %convert_element_type3A_147 = arith.extui %eq3A_146 : i1 to i32
      %cond3A_148 = arith.constant 0 : i32
      %cond3A_149 = arith.cmpi ne, %convert_element_type3A_147, %cond3A_148 : i32
      scf.if %cond3A_149 {
        "tpu.region"() ({
          %run_scoped3A = tpu.sem_alloc : memref<!tpu.dma_semaphore, #tpu.memory_space<semaphore_mem>>
          %dma_start3A_150 = arith.constant 9984 : i32
          %dma_start3A_151 = arith.constant 0 : i32
          %dma_start3A_152 = tpu.memref_slice %arg10[%dma_start3A_150, %dma_start3A_151] : memref<10000x128xf32, #tpu.memory_space<vmem_shared>> -> memref<16x128xf32, #tpu.memory_space<vmem_shared>>
          %dma_start3A_153 = arith.constant 9984 : i32
          %dma_start3A_154 = arith.constant 0 : i32
          %dma_start3A_155 = tpu.memref_slice %arg2[%dma_start3A_153, %dma_start3A_154] : memref<10000x128xf32, #tpu.memory_space<hbm>> -> memref<16x128xf32, #tpu.memory_space<hbm>>
          tpu.enqueue_dma source(%dma_start3A_155 : memref<16x128xf32, #tpu.memory_space<hbm>>) target(%dma_start3A_152 : memref<16x128xf32, #tpu.memory_space<vmem_shared>>) target_semaphore(%run_scoped3A : memref<!tpu.dma_semaphore, #tpu.memory_space<semaphore_mem>>)
          %dma_wait3A_156 = arith.constant 9984 : i32
          %dma_wait3A_157 = arith.constant 0 : i32
          %dma_wait3A_158 = tpu.memref_slice %arg10[%dma_wait3A_156, %dma_wait3A_157] : memref<10000x128xf32, #tpu.memory_space<vmem_shared>> -> memref<16x128xf32, #tpu.memory_space<vmem_shared>>
          %dma_wait3A_159 = arith.constant 9984 : i32
          %dma_wait3A_160 = arith.constant 0 : i32
          %dma_wait3A_161 = tpu.memref_slice %arg2[%dma_wait3A_159, %dma_wait3A_160] : memref<10000x128xf32, #tpu.memory_space<hbm>> -> memref<16x128xf32, #tpu.memory_space<hbm>>
          tpu.wait_dma2 semaphore(%run_scoped3A : memref<!tpu.dma_semaphore, #tpu.memory_space<semaphore_mem>>) src(%dma_wait3A_161 : memref<16x128xf32, #tpu.memory_space<hbm>>) dst(%dma_wait3A_158 : memref<16x128xf32, #tpu.memory_space<vmem_shared>>)
          tpu.yield
        }) : () -> ()
      } else {
      }
    } else {
    }
    %ne3A = arith.constant 0 : i32
    %ne3A_46 = arith.cmpi ne, %arg0, %ne3A : i32
    %convert_element_type3A_47 = arith.extui %ne3A_46 : i1 to i32
    %cond3A_48 = arith.constant 0 : i32
    %cond3A_49 = arith.cmpi ne, %convert_element_type3A_47, %cond3A_48 : i32
    scf.if %cond3A_49 {
      "tpu.region"() ({
        %run_scoped3A = tpu.sem_alloc : memref<!tpu.dma_semaphore, #tpu.memory_space<semaphore_mem>>
        %dma_start3A_150 = arith.constant 0 : i32
        %dma_start3A_151 = tpu.memref_slice %arg10[%mul3A_43, %dma_start3A_150] : memref<10000x128xf32, #tpu.memory_space<vmem_shared>> -> memref<624x128xf32, #tpu.memory_space<vmem_shared>>
        %dma_start3A_152 = arith.constant 0 : i32
        %dma_start3A_153 = tpu.memref_slice %arg3[%mul3A_43, %dma_start3A_152] : memref<10000x128xf32, #tpu.memory_space<hbm>> -> memref<624x128xf32, #tpu.memory_space<hbm>>
        tpu.enqueue_dma source(%dma_start3A_153 : memref<624x128xf32, #tpu.memory_space<hbm>>) target(%dma_start3A_151 : memref<624x128xf32, #tpu.memory_space<vmem_shared>>) target_semaphore(%run_scoped3A : memref<!tpu.dma_semaphore, #tpu.memory_space<semaphore_mem>>)
        %dma_wait3A_154 = arith.constant 0 : i32
        %dma_wait3A_155 = tpu.memref_slice %arg10[%mul3A_43, %dma_wait3A_154] : memref<10000x128xf32, #tpu.memory_space<vmem_shared>> -> memref<624x128xf32, #tpu.memory_space<vmem_shared>>
        %dma_wait3A_156 = arith.constant 0 : i32
        %dma_wait3A_157 = tpu.memref_slice %arg3[%mul3A_43, %dma_wait3A_156] : memref<10000x128xf32, #tpu.memory_space<hbm>> -> memref<624x128xf32, #tpu.memory_space<hbm>>
        tpu.wait_dma2 semaphore(%run_scoped3A : memref<!tpu.dma_semaphore, #tpu.memory_space<semaphore_mem>>) src(%dma_wait3A_157 : memref<624x128xf32, #tpu.memory_space<hbm>>) dst(%dma_wait3A_155 : memref<624x128xf32, #tpu.memory_space<vmem_shared>>)
        tpu.yield
      }) : () -> ()
      %eq3A_145 = arith.constant 15 : i32
      %eq3A_146 = arith.cmpi eq, %arg1, %eq3A_145 : i32
      %convert_element_type3A_147 = arith.extui %eq3A_146 : i1 to i32
      %cond3A_148 = arith.constant 0 : i32
      %cond3A_149 = arith.cmpi ne, %convert_element_type3A_147, %cond3A_148 : i32
      scf.if %cond3A_149 {
        "tpu.region"() ({
          %run_scoped3A = tpu.sem_alloc : memref<!tpu.dma_semaphore, #tpu.memory_space<semaphore_mem>>
          %dma_start3A_150 = arith.constant 9984 : i32
          %dma_start3A_151 = arith.constant 0 : i32
          %dma_start3A_152 = tpu.memref_slice %arg10[%dma_start3A_150, %dma_start3A_151] : memref<10000x128xf32, #tpu.memory_space<vmem_shared>> -> memref<16x128xf32, #tpu.memory_space<vmem_shared>>
          %dma_start3A_153 = arith.constant 9984 : i32
          %dma_start3A_154 = arith.constant 0 : i32
          %dma_start3A_155 = tpu.memref_slice %arg3[%dma_start3A_153, %dma_start3A_154] : memref<10000x128xf32, #tpu.memory_space<hbm>> -> memref<16x128xf32, #tpu.memory_space<hbm>>
          tpu.enqueue_dma source(%dma_start3A_155 : memref<16x128xf32, #tpu.memory_space<hbm>>) target(%dma_start3A_152 : memref<16x128xf32, #tpu.memory_space<vmem_shared>>) target_semaphore(%run_scoped3A : memref<!tpu.dma_semaphore, #tpu.memory_space<semaphore_mem>>)
          %dma_wait3A_156 = arith.constant 9984 : i32
          %dma_wait3A_157 = arith.constant 0 : i32
          %dma_wait3A_158 = tpu.memref_slice %arg10[%dma_wait3A_156, %dma_wait3A_157] : memref<10000x128xf32, #tpu.memory_space<vmem_shared>> -> memref<16x128xf32, #tpu.memory_space<vmem_shared>>
          %dma_wait3A_159 = arith.constant 9984 : i32
          %dma_wait3A_160 = arith.constant 0 : i32
          %dma_wait3A_161 = tpu.memref_slice %arg3[%dma_wait3A_159, %dma_wait3A_160] : memref<10000x128xf32, #tpu.memory_space<hbm>> -> memref<16x128xf32, #tpu.memory_space<hbm>>
          tpu.wait_dma2 semaphore(%run_scoped3A : memref<!tpu.dma_semaphore, #tpu.memory_space<semaphore_mem>>) src(%dma_wait3A_161 : memref<16x128xf32, #tpu.memory_space<hbm>>) dst(%dma_wait3A_158 : memref<16x128xf32, #tpu.memory_space<vmem_shared>>)
          tpu.yield
        }) : () -> ()
      } else {
      }
    } else {
    }
    %barrier3A = arith.constant 0 : index
    tpu.barrier barrier_id(%barrier3A)
    %dma_wait3A = arith.constant 0 : i32
    %dma_wait3A_50 = arith.constant 0 : i32
    %dma_wait3A_51 = arith.constant 0 : i32
    %dma_wait3A_52 = arith.constant 0 : i32
    %dma_wait3A_53 = arith.constant 0 : i32
    %dma_wait3A_54 = tpu.memref_slice %arg7[%dma_wait3A_50, %dma_wait3A_52, %dma_wait3A_53] : memref<2x10x100xi32, #tpu.memory_space<vmem>> -> memref<1x10x100xi32, #tpu.memory_space<vmem>>
    %dma_wait3A_55 = tpu.memref_squeeze %dma_wait3A_54 : memref<1x10x100xi32, #tpu.memory_space<vmem>> -> memref<10x100xi32, #tpu.memory_space<vmem>>
    %dma_wait3A_56 = arith.constant 0 : i32
    %dma_wait3A_57 = arith.constant 0 : i32
    %dma_wait3A_58 = tpu.memref_slice %arg4[%add3A, %dma_wait3A, %dma_wait3A_56, %dma_wait3A_57] : memref<32x10x10x100xi32, #tpu.memory_space<hbm>> -> memref<1x1x10x100xi32, #tpu.memory_space<hbm>>
    %dma_wait3A_59 = tpu.memref_squeeze %dma_wait3A_58 : memref<1x1x10x100xi32, #tpu.memory_space<hbm>> -> memref<10x100xi32, #tpu.memory_space<hbm>>
    %dma_wait3A_60 = tpu.memref_slice %arg13[%dma_wait3A_51] : memref<2x!tpu.dma_semaphore, #tpu.memory_space<semaphore_mem>> -> memref<1x!tpu.dma_semaphore, #tpu.memory_space<semaphore_mem>>
    %dma_wait3A_61 = tpu.memref_squeeze %dma_wait3A_60 : memref<1x!tpu.dma_semaphore, #tpu.memory_space<semaphore_mem>> -> memref<!tpu.dma_semaphore, #tpu.memory_space<semaphore_mem>>
    %dma_wait3A_62 = arith.constant 0 : i32
    %dma_wait3A_63 = arith.constant 0 : i32
    %dma_wait3A_64 = tpu.memref_slice %arg7[%dma_wait3A_50, %dma_wait3A_62, %dma_wait3A_63] : memref<2x10x100xi32, #tpu.memory_space<vmem>> -> memref<1x10x100xi32, #tpu.memory_space<vmem>>
    %dma_wait3A_65 = tpu.memref_squeeze %dma_wait3A_64 : memref<1x10x100xi32, #tpu.memory_space<vmem>> -> memref<10x100xi32, #tpu.memory_space<vmem>>
    %dma_wait3A_66 = arith.constant 0 : i32
    %dma_wait3A_67 = arith.constant 0 : i32
    %dma_wait3A_68 = tpu.memref_slice %arg4[%add3A, %dma_wait3A, %dma_wait3A_66, %dma_wait3A_67] : memref<32x10x10x100xi32, #tpu.memory_space<hbm>> -> memref<1x1x10x100xi32, #tpu.memory_space<hbm>>
    %dma_wait3A_69 = tpu.memref_squeeze %dma_wait3A_68 : memref<1x1x10x100xi32, #tpu.memory_space<hbm>> -> memref<10x100xi32, #tpu.memory_space<hbm>>
    tpu.wait_dma2 semaphore(%dma_wait3A_61 : memref<!tpu.dma_semaphore, #tpu.memory_space<semaphore_mem>>) src(%dma_wait3A_69 : memref<10x100xi32, #tpu.memory_space<hbm>>) dst(%dma_wait3A_65 : memref<10x100xi32, #tpu.memory_space<vmem>>)
    %dma_start3A_70 = arith.constant 0 : i32
    %dma_start3A_71 = arith.constant 0 : i32
    %dma_start3A_72 = arith.constant 0 : i32
    %dma_start3A_73 = arith.constant 0 : i32
    %dma_start3A_74 = arith.constant 0 : i32
    %dma_start3A_75 = arith.constant 0 : i32
    %dma_start3A_76 = tpu.memref_slice %arg9[%dma_start3A_72, %dma_start3A_74, %dma_start3A_75] : memref<3x100x128xf32, #tpu.memory_space<vmem>> -> memref<1x100x128xf32, #tpu.memory_space<vmem>>
    %dma_start3A_77 = tpu.memref_squeeze %dma_start3A_76 : memref<1x100x128xf32, #tpu.memory_space<vmem>> -> memref<100x128xf32, #tpu.memory_space<vmem>>
    %dma_start3A_78 = arith.constant 0 : i32
    %dma_start3A_79 = tpu.memref_slice %arg7[%dma_start3A_70, %dma_start3A_71, %dma_start3A_78] : memref<2x10x100xi32, #tpu.memory_space<vmem>> -> memref<1x1x100xi32, #tpu.memory_space<vmem>>
    %dma_start3A_80 = tpu.memref_squeeze %dma_start3A_79 : memref<1x1x100xi32, #tpu.memory_space<vmem>> -> memref<100xi32, #tpu.memory_space<vmem>>
    %dma_start3A_81 = arith.constant 0 : i32
    %dma_start3A_82 = arith.constant 0 : i32
    %dma_start3A_83 = tpu.memref_slice %arg2[%dma_start3A_81, %dma_start3A_82] : memref<10000x128xf32, #tpu.memory_space<hbm>> -> memref<10000x128xf32, #tpu.memory_space<hbm>>
    %dma_start3A_84 = tpu.memref_slice %arg11[%dma_start3A_73] : memref<3x!tpu.dma_semaphore, #tpu.memory_space<semaphore_mem>> -> memref<1x!tpu.dma_semaphore, #tpu.memory_space<semaphore_mem>>
    %dma_start3A_85 = tpu.memref_squeeze %dma_start3A_84 : memref<1x!tpu.dma_semaphore, #tpu.memory_space<semaphore_mem>> -> memref<!tpu.dma_semaphore, #tpu.memory_space<semaphore_mem>>
    tpu.enqueue_indirect_dma source(%dma_start3A_83 : memref<10000x128xf32, #tpu.memory_space<hbm>>) target(%dma_start3A_77 : memref<100x128xf32, #tpu.memory_space<vmem>>) offsets(%dma_start3A_80 : memref<100xi32, #tpu.memory_space<vmem>>) semaphore(%dma_start3A_85 : memref<!tpu.dma_semaphore, #tpu.memory_space<semaphore_mem>>)
    %scan3A = arith.constant 0 : i32
    %scan3A_86 = arith.constant 0 : i32
    %scan3A_87 = arith.constant 100 : i32
    %scan3A_88 = arith.addi %scan3A_86, %scan3A_87 : i32
    %scan3A_89 = arith.constant 1 : i32
    scf.for %scan3A_145 = %scan3A_86 to %scan3A_88 step %scan3A_89  : i32 {
      %jit3A = arith.constant 10 : i32
      %div3A = arith.divsi %scan3A_145, %jit3A : i32
      %sign3A = arith.constant 0 : i32
      %sign3A_146 = arith.cmpi sgt, %scan3A_145, %sign3A : i32
      %sign3A_147 = arith.extui %sign3A_146 : i1 to i32
      %sign3A_148 = arith.constant 0 : i32
      %sign3A_149 = arith.cmpi slt, %scan3A_145, %sign3A_148 : i32
      %sign3A_150 = arith.extui %sign3A_149 : i1 to i32
      %sign3A_151 = arith.subi %sign3A_147, %sign3A_150 : i32
      %sign3A_152 = arith.constant 0 : i32
      %sign3A_153 = arith.cmpi sgt, %jit3A, %sign3A_152 : i32
      %sign3A_154 = arith.extui %sign3A_153 : i1 to i32
      %sign3A_155 = arith.constant 0 : i32
      %sign3A_156 = arith.cmpi slt, %jit3A, %sign3A_155 : i32
      %sign3A_157 = arith.extui %sign3A_156 : i1 to i32
      %sign3A_158 = arith.subi %sign3A_154, %sign3A_157 : i32
      %ne3A_159 = arith.cmpi ne, %sign3A_151, %sign3A_158 : i32
      %rem3A = arith.remsi %scan3A_145, %jit3A : i32
      %ne3A_160 = arith.constant 0 : i32
      %ne3A_161 = arith.cmpi ne, %rem3A, %ne3A_160 : i32
      %and3A = arith.andi %ne3A_159, %ne3A_161 : i1
      %sub3A = arith.constant 1 : i32
      %sub3A_162 = arith.subi %div3A, %sub3A : i32
      %select_n3A = arith.select %and3A, %sub3A_162, %div3A : i32
      %jit3A_163 = arith.constant 10 : i32
      %eq3A_164 = arith.constant 0 : i32
      %eq3A_165 = arith.cmpi eq, %jit3A_163, %eq3A_164 : i32
      %jit3A_166 = arith.constant 1 : i32
      %select_n3A_167 = arith.select %eq3A_165, %jit3A_166, %jit3A_163 : i32
      %rem3A_168 = arith.remsi %scan3A_145, %select_n3A_167 : i32
      %ne3A_169 = arith.constant 0 : i32
      %ne3A_170 = arith.cmpi ne, %rem3A_168, %ne3A_169 : i32
      %lt3A = arith.constant 0 : i32
      %lt3A_171 = arith.cmpi slt, %rem3A_168, %lt3A : i32
      %lt3A_172 = arith.constant 0 : i32
      %lt3A_173 = arith.cmpi slt, %select_n3A_167, %lt3A_172 : i32
      %ne3A_174 = arith.xori %lt3A_171, %lt3A_173 : i1
      %and3A_175 = arith.andi %ne3A_174, %ne3A_170 : i1
      %add3A_176 = arith.addi %rem3A_168, %select_n3A_167 : i32
      %select_n3A_177 = arith.select %and3A_175, %add3A_176, %rem3A_168 : i32
      %jit3A_178 = arith.constant 3 : i32
      %eq3A_179 = arith.constant 0 : i32
      %eq3A_180 = arith.cmpi eq, %jit3A_178, %eq3A_179 : i32
      %jit3A_181 = arith.constant 1 : i32
      %select_n3A_182 = arith.select %eq3A_180, %jit3A_181, %jit3A_178 : i32
      %rem3A_183 = arith.remsi %scan3A_145, %select_n3A_182 : i32
      %ne3A_184 = arith.constant 0 : i32
      %ne3A_185 = arith.cmpi ne, %rem3A_183, %ne3A_184 : i32
      %lt3A_186 = arith.constant 0 : i32
      %lt3A_187 = arith.cmpi slt, %rem3A_183, %lt3A_186 : i32
      %lt3A_188 = arith.constant 0 : i32
      %lt3A_189 = arith.cmpi slt, %select_n3A_182, %lt3A_188 : i32
      %ne3A_190 = arith.xori %lt3A_187, %lt3A_189 : i1
      %and3A_191 = arith.andi %ne3A_190, %ne3A_185 : i1
      %add3A_192 = arith.addi %rem3A_183, %select_n3A_182 : i32
      %select_n3A_193 = arith.select %and3A_191, %add3A_192, %rem3A_183 : i32
      %jit3A_194 = arith.constant 2 : i32
      %eq3A_195 = arith.constant 0 : i32
      %eq3A_196 = arith.cmpi eq, %jit3A_194, %eq3A_195 : i32
      %jit3A_197 = arith.constant 1 : i32
      %select_n3A_198 = arith.select %eq3A_196, %jit3A_197, %jit3A_194 : i32
      %rem3A_199 = arith.remsi %select_n3A, %select_n3A_198 : i32
      %ne3A_200 = arith.constant 0 : i32
      %ne3A_201 = arith.cmpi ne, %rem3A_199, %ne3A_200 : i32
      %lt3A_202 = arith.constant 0 : i32
      %lt3A_203 = arith.cmpi slt, %rem3A_199, %lt3A_202 : i32
      %lt3A_204 = arith.constant 0 : i32
      %lt3A_205 = arith.cmpi slt, %select_n3A_198, %lt3A_204 : i32
      %ne3A_206 = arith.xori %lt3A_203, %lt3A_205 : i1
      %and3A_207 = arith.andi %ne3A_206, %ne3A_201 : i1
      %add3A_208 = arith.addi %rem3A_199, %select_n3A_198 : i32
      %select_n3A_209 = arith.select %and3A_207, %add3A_208, %rem3A_199 : i32
      %eq3A_210 = arith.constant 0 : i32
      %eq3A_211 = arith.cmpi eq, %select_n3A_177, %eq3A_210 : i32
      %convert_element_type3A_212 = arith.extui %eq3A_211 : i1 to i32
      %cond3A_213 = arith.constant 0 : i32
      %cond3A_214 = arith.cmpi ne, %convert_element_type3A_212, %cond3A_213 : i32
      scf.if %cond3A_214 {
        %dma_wait3A_284 = arith.constant 0 : i32
        %dma_wait3A_285 = arith.constant 0 : i32
        %dma_wait3A_286 = arith.constant 0 : i32
        %dma_wait3A_287 = tpu.memref_slice %arg8[%select_n3A_209, %dma_wait3A_285, %dma_wait3A_286] : memref<2x10x100xi32, #tpu.memory_space<vmem>> -> memref<1x10x100xi32, #tpu.memory_space<vmem>>
        %dma_wait3A_288 = tpu.memref_squeeze %dma_wait3A_287 : memref<1x10x100xi32, #tpu.memory_space<vmem>> -> memref<10x100xi32, #tpu.memory_space<vmem>>
        %dma_wait3A_289 = arith.constant 0 : i32
        %dma_wait3A_290 = arith.constant 0 : i32
        %dma_wait3A_291 = tpu.memref_slice %arg5[%add3A, %dma_wait3A_284, %dma_wait3A_289, %dma_wait3A_290] : memref<32x10x10x100xi32, #tpu.memory_space<hbm>> -> memref<1x1x10x100xi32, #tpu.memory_space<hbm>>
        %dma_wait3A_292 = tpu.memref_squeeze %dma_wait3A_291 : memref<1x1x10x100xi32, #tpu.memory_space<hbm>> -> memref<10x100xi32, #tpu.memory_space<hbm>>
        %dma_wait3A_293 = tpu.memref_slice %arg14[%select_n3A_209] : memref<2x!tpu.dma_semaphore, #tpu.memory_space<semaphore_mem>> -> memref<1x!tpu.dma_semaphore, #tpu.memory_space<semaphore_mem>>
        %dma_wait3A_294 = tpu.memref_squeeze %dma_wait3A_293 : memref<1x!tpu.dma_semaphore, #tpu.memory_space<semaphore_mem>> -> memref<!tpu.dma_semaphore, #tpu.memory_space<semaphore_mem>>
        %dma_wait3A_295 = arith.constant 0 : i32
        %dma_wait3A_296 = arith.constant 0 : i32
        %dma_wait3A_297 = tpu.memref_slice %arg8[%select_n3A_209, %dma_wait3A_295, %dma_wait3A_296] : memref<2x10x100xi32, #tpu.memory_space<vmem>> -> memref<1x10x100xi32, #tpu.memory_space<vmem>>
        %dma_wait3A_298 = tpu.memref_squeeze %dma_wait3A_297 : memref<1x10x100xi32, #tpu.memory_space<vmem>> -> memref<10x100xi32, #tpu.memory_space<vmem>>
        %dma_wait3A_299 = arith.constant 0 : i32
        %dma_wait3A_300 = arith.constant 0 : i32
        %dma_wait3A_301 = tpu.memref_slice %arg5[%add3A, %dma_wait3A_284, %dma_wait3A_299, %dma_wait3A_300] : memref<32x10x10x100xi32, #tpu.memory_space<hbm>> -> memref<1x1x10x100xi32, #tpu.memory_space<hbm>>
        %dma_wait3A_302 = tpu.memref_squeeze %dma_wait3A_301 : memref<1x1x10x100xi32, #tpu.memory_space<hbm>> -> memref<10x100xi32, #tpu.memory_space<hbm>>
        tpu.wait_dma2 semaphore(%dma_wait3A_294 : memref<!tpu.dma_semaphore, #tpu.memory_space<semaphore_mem>>) src(%dma_wait3A_302 : memref<10x100xi32, #tpu.memory_space<hbm>>) dst(%dma_wait3A_298 : memref<10x100xi32, #tpu.memory_space<vmem>>)
      } else {
      }
      %eq3A_215 = arith.constant 2 : i32
      %eq3A_216 = arith.cmpi eq, %select_n3A_177, %eq3A_215 : i32
      %lt3A_217 = arith.constant 9 : i32
      %lt3A_218 = arith.cmpi slt, %select_n3A, %lt3A_217 : i32
      %and3A_219 = arith.andi %eq3A_216, %lt3A_218 : i1
      %convert_element_type3A_220 = arith.extui %and3A_219 : i1 to i32
      %cond3A_221 = arith.constant 0 : i32
      %cond3A_222 = arith.cmpi ne, %convert_element_type3A_220, %cond3A_221 : i32
      scf.if %cond3A_222 {
        %add3A_284 = arith.constant 1 : i32
        %add3A_285 = arith.addi %select_n3A, %add3A_284 : i32
        %sub3A_286 = arith.constant 1 : i32
        %sub3A_287 = arith.subi %sub3A_286, %select_n3A_209 : i32
        %sub3A_288 = arith.constant 1 : i32
        %sub3A_289 = arith.subi %sub3A_288, %select_n3A_209 : i32
        %dma_start3A_290 = arith.constant 0 : i32
        %dma_start3A_291 = arith.constant 0 : i32
        %dma_start3A_292 = tpu.memref_slice %arg7[%sub3A_287, %dma_start3A_290, %dma_start3A_291] : memref<2x10x100xi32, #tpu.memory_space<vmem>> -> memref<1x10x100xi32, #tpu.memory_space<vmem>>
        %dma_start3A_293 = tpu.memref_squeeze %dma_start3A_292 : memref<1x10x100xi32, #tpu.memory_space<vmem>> -> memref<10x100xi32, #tpu.memory_space<vmem>>
        %dma_start3A_294 = arith.constant 0 : i32
        %dma_start3A_295 = arith.constant 0 : i32
        %dma_start3A_296 = tpu.memref_slice %arg4[%add3A, %add3A_285, %dma_start3A_294, %dma_start3A_295] : memref<32x10x10x100xi32, #tpu.memory_space<hbm>> -> memref<1x1x10x100xi32, #tpu.memory_space<hbm>>
        %dma_start3A_297 = tpu.memref_squeeze %dma_start3A_296 : memref<1x1x10x100xi32, #tpu.memory_space<hbm>> -> memref<10x100xi32, #tpu.memory_space<hbm>>
        %dma_start3A_298 = tpu.memref_slice %arg13[%sub3A_289] : memref<2x!tpu.dma_semaphore, #tpu.memory_space<semaphore_mem>> -> memref<1x!tpu.dma_semaphore, #tpu.memory_space<semaphore_mem>>
        %dma_start3A_299 = tpu.memref_squeeze %dma_start3A_298 : memref<1x!tpu.dma_semaphore, #tpu.memory_space<semaphore_mem>> -> memref<!tpu.dma_semaphore, #tpu.memory_space<semaphore_mem>>
        %dma_start3A_300 = arith.constant 0 : i32
        %dma_start3A_301 = arith.constant 0 : i32
        %dma_start3A_302 = tpu.memref_slice %arg7[%sub3A_287, %dma_start3A_300, %dma_start3A_301] : memref<2x10x100xi32, #tpu.memory_space<vmem>> -> memref<1x10x100xi32, #tpu.memory_space<vmem>>
        %dma_start3A_303 = tpu.memref_squeeze %dma_start3A_302 : memref<1x10x100xi32, #tpu.memory_space<vmem>> -> memref<10x100xi32, #tpu.memory_space<vmem>>
        %dma_start3A_304 = arith.constant 0 : i32
        %dma_start3A_305 = arith.constant 0 : i32
        %dma_start3A_306 = tpu.memref_slice %arg4[%add3A, %add3A_285, %dma_start3A_304, %dma_start3A_305] : memref<32x10x10x100xi32, #tpu.memory_space<hbm>> -> memref<1x1x10x100xi32, #tpu.memory_space<hbm>>
        %dma_start3A_307 = tpu.memref_squeeze %dma_start3A_306 : memref<1x1x10x100xi32, #tpu.memory_space<hbm>> -> memref<10x100xi32, #tpu.memory_space<hbm>>
        tpu.enqueue_dma source(%dma_start3A_307 : memref<10x100xi32, #tpu.memory_space<hbm>>) target(%dma_start3A_303 : memref<10x100xi32, #tpu.memory_space<vmem>>) target_semaphore(%dma_start3A_299 : memref<!tpu.dma_semaphore, #tpu.memory_space<semaphore_mem>>)
        %add3A_308 = arith.constant 1 : i32
        %add3A_309 = arith.addi %select_n3A, %add3A_308 : i32
        %sub3A_310 = arith.constant 1 : i32
        %sub3A_311 = arith.subi %sub3A_310, %select_n3A_209 : i32
        %sub3A_312 = arith.constant 1 : i32
        %sub3A_313 = arith.subi %sub3A_312, %select_n3A_209 : i32
        %dma_start3A_314 = arith.constant 0 : i32
        %dma_start3A_315 = arith.constant 0 : i32
        %dma_start3A_316 = tpu.memref_slice %arg8[%sub3A_311, %dma_start3A_314, %dma_start3A_315] : memref<2x10x100xi32, #tpu.memory_space<vmem>> -> memref<1x10x100xi32, #tpu.memory_space<vmem>>
        %dma_start3A_317 = tpu.memref_squeeze %dma_start3A_316 : memref<1x10x100xi32, #tpu.memory_space<vmem>> -> memref<10x100xi32, #tpu.memory_space<vmem>>
        %dma_start3A_318 = arith.constant 0 : i32
        %dma_start3A_319 = arith.constant 0 : i32
        %dma_start3A_320 = tpu.memref_slice %arg5[%add3A, %add3A_309, %dma_start3A_318, %dma_start3A_319] : memref<32x10x10x100xi32, #tpu.memory_space<hbm>> -> memref<1x1x10x100xi32, #tpu.memory_space<hbm>>
        %dma_start3A_321 = tpu.memref_squeeze %dma_start3A_320 : memref<1x1x10x100xi32, #tpu.memory_space<hbm>> -> memref<10x100xi32, #tpu.memory_space<hbm>>
        %dma_start3A_322 = tpu.memref_slice %arg14[%sub3A_313] : memref<2x!tpu.dma_semaphore, #tpu.memory_space<semaphore_mem>> -> memref<1x!tpu.dma_semaphore, #tpu.memory_space<semaphore_mem>>
        %dma_start3A_323 = tpu.memref_squeeze %dma_start3A_322 : memref<1x!tpu.dma_semaphore, #tpu.memory_space<semaphore_mem>> -> memref<!tpu.dma_semaphore, #tpu.memory_space<semaphore_mem>>
        %dma_start3A_324 = arith.constant 0 : i32
        %dma_start3A_325 = arith.constant 0 : i32
        %dma_start3A_326 = tpu.memref_slice %arg8[%sub3A_311, %dma_start3A_324, %dma_start3A_325] : memref<2x10x100xi32, #tpu.memory_space<vmem>> -> memref<1x10x100xi32, #tpu.memory_space<vmem>>
        %dma_start3A_327 = tpu.memref_squeeze %dma_start3A_326 : memref<1x10x100xi32, #tpu.memory_space<vmem>> -> memref<10x100xi32, #tpu.memory_space<vmem>>
        %dma_start3A_328 = arith.constant 0 : i32
        %dma_start3A_329 = arith.constant 0 : i32
        %dma_start3A_330 = tpu.memref_slice %arg5[%add3A, %add3A_309, %dma_start3A_328, %dma_start3A_329] : memref<32x10x10x100xi32, #tpu.memory_space<hbm>> -> memref<1x1x10x100xi32, #tpu.memory_space<hbm>>
        %dma_start3A_331 = tpu.memref_squeeze %dma_start3A_330 : memref<1x1x10x100xi32, #tpu.memory_space<hbm>> -> memref<10x100xi32, #tpu.memory_space<hbm>>
        tpu.enqueue_dma source(%dma_start3A_331 : memref<10x100xi32, #tpu.memory_space<hbm>>) target(%dma_start3A_327 : memref<10x100xi32, #tpu.memory_space<vmem>>) target_semaphore(%dma_start3A_323 : memref<!tpu.dma_semaphore, #tpu.memory_space<semaphore_mem>>)
      } else {
      }
      %eq3A_223 = arith.constant 9 : i32
      %eq3A_224 = arith.cmpi eq, %select_n3A_177, %eq3A_223 : i32
      %add3A_225 = arith.constant 1 : i32
      %add3A_226 = arith.addi %scan3A_145, %add3A_225 : i32
      %lt3A_227 = arith.constant 100 : i32
      %lt3A_228 = arith.cmpi slt, %add3A_226, %lt3A_227 : i32
      %and3A_229 = arith.andi %eq3A_224, %lt3A_228 : i1
      %convert_element_type3A_230 = arith.extui %and3A_229 : i1 to i32
      %cond3A_231 = arith.constant 0 : i32
      %cond3A_232 = arith.cmpi ne, %convert_element_type3A_230, %cond3A_231 : i32
      scf.if %cond3A_232 {
        %sub3A_284 = arith.constant 1 : i32
        %sub3A_285 = arith.subi %sub3A_284, %select_n3A_209 : i32
        %dma_wait3A_286 = arith.constant 0 : i32
        %dma_wait3A_287 = arith.constant 0 : i32
        %dma_wait3A_288 = arith.constant 0 : i32
        %dma_wait3A_289 = tpu.memref_slice %arg7[%sub3A_285, %dma_wait3A_287, %dma_wait3A_288] : memref<2x10x100xi32, #tpu.memory_space<vmem>> -> memref<1x10x100xi32, #tpu.memory_space<vmem>>
        %dma_wait3A_290 = tpu.memref_squeeze %dma_wait3A_289 : memref<1x10x100xi32, #tpu.memory_space<vmem>> -> memref<10x100xi32, #tpu.memory_space<vmem>>
        %dma_wait3A_291 = arith.constant 0 : i32
        %dma_wait3A_292 = arith.constant 0 : i32
        %dma_wait3A_293 = tpu.memref_slice %arg4[%add3A, %dma_wait3A_286, %dma_wait3A_291, %dma_wait3A_292] : memref<32x10x10x100xi32, #tpu.memory_space<hbm>> -> memref<1x1x10x100xi32, #tpu.memory_space<hbm>>
        %dma_wait3A_294 = tpu.memref_squeeze %dma_wait3A_293 : memref<1x1x10x100xi32, #tpu.memory_space<hbm>> -> memref<10x100xi32, #tpu.memory_space<hbm>>
        %dma_wait3A_295 = tpu.memref_slice %arg13[%sub3A_285] : memref<2x!tpu.dma_semaphore, #tpu.memory_space<semaphore_mem>> -> memref<1x!tpu.dma_semaphore, #tpu.memory_space<semaphore_mem>>
        %dma_wait3A_296 = tpu.memref_squeeze %dma_wait3A_295 : memref<1x!tpu.dma_semaphore, #tpu.memory_space<semaphore_mem>> -> memref<!tpu.dma_semaphore, #tpu.memory_space<semaphore_mem>>
        %dma_wait3A_297 = arith.constant 0 : i32
        %dma_wait3A_298 = arith.constant 0 : i32
        %dma_wait3A_299 = tpu.memref_slice %arg7[%sub3A_285, %dma_wait3A_297, %dma_wait3A_298] : memref<2x10x100xi32, #tpu.memory_space<vmem>> -> memref<1x10x100xi32, #tpu.memory_space<vmem>>
        %dma_wait3A_300 = tpu.memref_squeeze %dma_wait3A_299 : memref<1x10x100xi32, #tpu.memory_space<vmem>> -> memref<10x100xi32, #tpu.memory_space<vmem>>
        %dma_wait3A_301 = arith.constant 0 : i32
        %dma_wait3A_302 = arith.constant 0 : i32
        %dma_wait3A_303 = tpu.memref_slice %arg4[%add3A, %dma_wait3A_286, %dma_wait3A_301, %dma_wait3A_302] : memref<32x10x10x100xi32, #tpu.memory_space<hbm>> -> memref<1x1x10x100xi32, #tpu.memory_space<hbm>>
        %dma_wait3A_304 = tpu.memref_squeeze %dma_wait3A_303 : memref<1x1x10x100xi32, #tpu.memory_space<hbm>> -> memref<10x100xi32, #tpu.memory_space<hbm>>
        tpu.wait_dma2 semaphore(%dma_wait3A_296 : memref<!tpu.dma_semaphore, #tpu.memory_space<semaphore_mem>>) src(%dma_wait3A_304 : memref<10x100xi32, #tpu.memory_space<hbm>>) dst(%dma_wait3A_300 : memref<10x100xi32, #tpu.memory_space<vmem>>)
      } else {
      }
      %add3A_233 = arith.constant 1 : i32
      %add3A_234 = arith.addi %scan3A_145, %add3A_233 : i32
      %jit3A_235 = arith.constant 3 : i32
      %eq3A_236 = arith.constant 0 : i32
      %eq3A_237 = arith.cmpi eq, %jit3A_235, %eq3A_236 : i32
      %jit3A_238 = arith.constant 1 : i32
      %select_n3A_239 = arith.select %eq3A_237, %jit3A_238, %jit3A_235 : i32
      %rem3A_240 = arith.remsi %add3A_234, %select_n3A_239 : i32
      %ne3A_241 = arith.constant 0 : i32
      %ne3A_242 = arith.cmpi ne, %rem3A_240, %ne3A_241 : i32
      %lt3A_243 = arith.constant 0 : i32
      %lt3A_244 = arith.cmpi slt, %rem3A_240, %lt3A_243 : i32
      %lt3A_245 = arith.constant 0 : i32
      %lt3A_246 = arith.cmpi slt, %select_n3A_239, %lt3A_245 : i32
      %ne3A_247 = arith.xori %lt3A_244, %lt3A_246 : i1
      %and3A_248 = arith.andi %ne3A_247, %ne3A_242 : i1
      %add3A_249 = arith.addi %rem3A_240, %select_n3A_239 : i32
      %select_n3A_250 = arith.select %and3A_248, %add3A_249, %rem3A_240 : i32
      %add3A_251 = arith.constant 1 : i32
      %add3A_252 = arith.addi %scan3A_145, %add3A_251 : i32
      %lt3A_253 = arith.constant 100 : i32
      %lt3A_254 = arith.cmpi slt, %add3A_252, %lt3A_253 : i32
      %convert_element_type3A_255 = arith.extui %lt3A_254 : i1 to i32
      %cond3A_256 = arith.constant 0 : i32
      %cond3A_257 = arith.cmpi ne, %convert_element_type3A_255, %cond3A_256 : i32
      scf.if %cond3A_257 {
        %ge3A = arith.constant 2 : i32
        %ge3A_284 = arith.cmpi sge, %scan3A_145, %ge3A : i32
        %convert_element_type3A_285 = arith.extui %ge3A_284 : i1 to i32
        %cond3A_286 = arith.constant 0 : i32
        %cond3A_287 = arith.cmpi ne, %convert_element_type3A_285, %cond3A_286 : i32
        scf.if %cond3A_287 {
          %dma_wait3A_360 = arith.constant 0 : i32
          %dma_wait3A_361 = arith.constant 0 : i32
          %dma_wait3A_362 = arith.constant 0 : i32
          %dma_wait3A_363 = arith.constant 0 : i32
          %dma_wait3A_364 = tpu.memref_slice %arg9[%select_n3A_250, %dma_wait3A_362, %dma_wait3A_363] : memref<3x100x128xf32, #tpu.memory_space<vmem>> -> memref<1x100x128xf32, #tpu.memory_space<vmem>>
          %dma_wait3A_365 = tpu.memref_squeeze %dma_wait3A_364 : memref<1x100x128xf32, #tpu.memory_space<vmem>> -> memref<100x128xf32, #tpu.memory_space<vmem>>
          %dma_wait3A_366 = arith.constant 0 : i32
          %dma_wait3A_367 = tpu.memref_slice %arg8[%dma_wait3A_360, %dma_wait3A_361, %dma_wait3A_366] : memref<2x10x100xi32, #tpu.memory_space<vmem>> -> memref<1x1x100xi32, #tpu.memory_space<vmem>>
          %dma_wait3A_368 = tpu.memref_squeeze %dma_wait3A_367 : memref<1x1x100xi32, #tpu.memory_space<vmem>> -> memref<100xi32, #tpu.memory_space<vmem>>
          %dma_wait3A_369 = arith.constant 0 : i32
          %dma_wait3A_370 = arith.constant 0 : i32
          %dma_wait3A_371 = tpu.memref_slice %arg10[%dma_wait3A_369, %dma_wait3A_370] : memref<10000x128xf32, #tpu.memory_space<vmem_shared>> -> memref<10000x128xf32, #tpu.memory_space<vmem_shared>>
          %dma_wait3A_372 = tpu.memref_slice %arg12[%select_n3A_250] : memref<3x!tpu.dma_semaphore, #tpu.memory_space<semaphore_mem>> -> memref<1x!tpu.dma_semaphore, #tpu.memory_space<semaphore_mem>>
          %dma_wait3A_373 = tpu.memref_squeeze %dma_wait3A_372 : memref<1x!tpu.dma_semaphore, #tpu.memory_space<semaphore_mem>> -> memref<!tpu.dma_semaphore, #tpu.memory_space<semaphore_mem>>
          tpu.wait_indirect_dma semaphore(%dma_wait3A_373 : memref<!tpu.dma_semaphore, #tpu.memory_space<semaphore_mem>>) src(%dma_wait3A_365 : memref<100x128xf32, #tpu.memory_space<vmem>>) dst(%dma_wait3A_371 : memref<10000x128xf32, #tpu.memory_space<vmem_shared>>)
        } else {
        }
        %add3A_288 = arith.constant 1 : i32
        %add3A_289 = arith.addi %scan3A_145, %add3A_288 : i32
        %jit3A_290 = arith.constant 10 : i32
        %div3A_291 = arith.divsi %add3A_289, %jit3A_290 : i32
        %sign3A_292 = arith.constant 0 : i32
        %sign3A_293 = arith.cmpi sgt, %add3A_289, %sign3A_292 : i32
        %sign3A_294 = arith.extui %sign3A_293 : i1 to i32
        %sign3A_295 = arith.constant 0 : i32
        %sign3A_296 = arith.cmpi slt, %add3A_289, %sign3A_295 : i32
        %sign3A_297 = arith.extui %sign3A_296 : i1 to i32
        %sign3A_298 = arith.subi %sign3A_294, %sign3A_297 : i32
        %sign3A_299 = arith.constant 0 : i32
        %sign3A_300 = arith.cmpi sgt, %jit3A_290, %sign3A_299 : i32
        %sign3A_301 = arith.extui %sign3A_300 : i1 to i32
        %sign3A_302 = arith.constant 0 : i32
        %sign3A_303 = arith.cmpi slt, %jit3A_290, %sign3A_302 : i32
        %sign3A_304 = arith.extui %sign3A_303 : i1 to i32
        %sign3A_305 = arith.subi %sign3A_301, %sign3A_304 : i32
        %ne3A_306 = arith.cmpi ne, %sign3A_298, %sign3A_305 : i32
        %rem3A_307 = arith.remsi %add3A_289, %jit3A_290 : i32
        %ne3A_308 = arith.constant 0 : i32
        %ne3A_309 = arith.cmpi ne, %rem3A_307, %ne3A_308 : i32
        %and3A_310 = arith.andi %ne3A_306, %ne3A_309 : i1
        %sub3A_311 = arith.constant 1 : i32
        %sub3A_312 = arith.subi %div3A_291, %sub3A_311 : i32
        %select_n3A_313 = arith.select %and3A_310, %sub3A_312, %div3A_291 : i32
        %jit3A_314 = arith.constant 2 : i32
        %eq3A_315 = arith.constant 0 : i32
        %eq3A_316 = arith.cmpi eq, %jit3A_314, %eq3A_315 : i32
        %jit3A_317 = arith.constant 1 : i32
        %select_n3A_318 = arith.select %eq3A_316, %jit3A_317, %jit3A_314 : i32
        %rem3A_319 = arith.remsi %select_n3A_313, %select_n3A_318 : i32
        %ne3A_320 = arith.constant 0 : i32
        %ne3A_321 = arith.cmpi ne, %rem3A_319, %ne3A_320 : i32
        %lt3A_322 = arith.constant 0 : i32
        %lt3A_323 = arith.cmpi slt, %rem3A_319, %lt3A_322 : i32
        %lt3A_324 = arith.constant 0 : i32
        %lt3A_325 = arith.cmpi slt, %select_n3A_318, %lt3A_324 : i32
        %ne3A_326 = arith.xori %lt3A_323, %lt3A_325 : i1
        %and3A_327 = arith.andi %ne3A_326, %ne3A_321 : i1
        %add3A_328 = arith.addi %rem3A_319, %select_n3A_318 : i32
        %select_n3A_329 = arith.select %and3A_327, %add3A_328, %rem3A_319 : i32
        %add3A_330 = arith.constant 1 : i32
        %add3A_331 = arith.addi %scan3A_145, %add3A_330 : i32
        %jit3A_332 = arith.constant 10 : i32
        %eq3A_333 = arith.constant 0 : i32
        %eq3A_334 = arith.cmpi eq, %jit3A_332, %eq3A_333 : i32
        %jit3A_335 = arith.constant 1 : i32
        %select_n3A_336 = arith.select %eq3A_334, %jit3A_335, %jit3A_332 : i32
        %rem3A_337 = arith.remsi %add3A_331, %select_n3A_336 : i32
        %ne3A_338 = arith.constant 0 : i32
        %ne3A_339 = arith.cmpi ne, %rem3A_337, %ne3A_338 : i32
        %lt3A_340 = arith.constant 0 : i32
        %lt3A_341 = arith.cmpi slt, %rem3A_337, %lt3A_340 : i32
        %lt3A_342 = arith.constant 0 : i32
        %lt3A_343 = arith.cmpi slt, %select_n3A_336, %lt3A_342 : i32
        %ne3A_344 = arith.xori %lt3A_341, %lt3A_343 : i1
        %and3A_345 = arith.andi %ne3A_344, %ne3A_339 : i1
        %add3A_346 = arith.addi %rem3A_337, %select_n3A_336 : i32
        %select_n3A_347 = arith.select %and3A_345, %add3A_346, %rem3A_337 : i32
        %dma_start3A_348 = arith.constant 0 : i32
        %dma_start3A_349 = arith.constant 0 : i32
        %dma_start3A_350 = tpu.memref_slice %arg9[%select_n3A_250, %dma_start3A_348, %dma_start3A_349] : memref<3x100x128xf32, #tpu.memory_space<vmem>> -> memref<1x100x128xf32, #tpu.memory_space<vmem>>
        %dma_start3A_351 = tpu.memref_squeeze %dma_start3A_350 : memref<1x100x128xf32, #tpu.memory_space<vmem>> -> memref<100x128xf32, #tpu.memory_space<vmem>>
        %dma_start3A_352 = arith.constant 0 : i32
        %dma_start3A_353 = tpu.memref_slice %arg7[%select_n3A_329, %select_n3A_347, %dma_start3A_352] : memref<2x10x100xi32, #tpu.memory_space<vmem>> -> memref<1x1x100xi32, #tpu.memory_space<vmem>>
        %dma_start3A_354 = tpu.memref_squeeze %dma_start3A_353 : memref<1x1x100xi32, #tpu.memory_space<vmem>> -> memref<100xi32, #tpu.memory_space<vmem>>
        %dma_start3A_355 = arith.constant 0 : i32
        %dma_start3A_356 = arith.constant 0 : i32
        %dma_start3A_357 = tpu.memref_slice %arg2[%dma_start3A_355, %dma_start3A_356] : memref<10000x128xf32, #tpu.memory_space<hbm>> -> memref<10000x128xf32, #tpu.memory_space<hbm>>
        %dma_start3A_358 = tpu.memref_slice %arg11[%select_n3A_250] : memref<3x!tpu.dma_semaphore, #tpu.memory_space<semaphore_mem>> -> memref<1x!tpu.dma_semaphore, #tpu.memory_space<semaphore_mem>>
        %dma_start3A_359 = tpu.memref_squeeze %dma_start3A_358 : memref<1x!tpu.dma_semaphore, #tpu.memory_space<semaphore_mem>> -> memref<!tpu.dma_semaphore, #tpu.memory_space<semaphore_mem>>
        tpu.enqueue_indirect_dma source(%dma_start3A_357 : memref<10000x128xf32, #tpu.memory_space<hbm>>) target(%dma_start3A_351 : memref<100x128xf32, #tpu.memory_space<vmem>>) offsets(%dma_start3A_354 : memref<100xi32, #tpu.memory_space<vmem>>) semaphore(%dma_start3A_359 : memref<!tpu.dma_semaphore, #tpu.memory_space<semaphore_mem>>)
      } else {
      }
      %dma_wait3A_258 = arith.constant 0 : i32
      %dma_wait3A_259 = arith.constant 0 : i32
      %dma_wait3A_260 = arith.constant 0 : i32
      %dma_wait3A_261 = arith.constant 0 : i32
      %dma_wait3A_262 = tpu.memref_slice %arg9[%select_n3A_193, %dma_wait3A_260, %dma_wait3A_261] : memref<3x100x128xf32, #tpu.memory_space<vmem>> -> memref<1x100x128xf32, #tpu.memory_space<vmem>>
      %dma_wait3A_263 = tpu.memref_squeeze %dma_wait3A_262 : memref<1x100x128xf32, #tpu.memory_space<vmem>> -> memref<100x128xf32, #tpu.memory_space<vmem>>
      %dma_wait3A_264 = arith.constant 0 : i32
      %dma_wait3A_265 = tpu.memref_slice %arg7[%dma_wait3A_258, %dma_wait3A_259, %dma_wait3A_264] : memref<2x10x100xi32, #tpu.memory_space<vmem>> -> memref<1x1x100xi32, #tpu.memory_space<vmem>>
      %dma_wait3A_266 = tpu.memref_squeeze %dma_wait3A_265 : memref<1x1x100xi32, #tpu.memory_space<vmem>> -> memref<100xi32, #tpu.memory_space<vmem>>
      %dma_wait3A_267 = arith.constant 0 : i32
      %dma_wait3A_268 = arith.constant 0 : i32
      %dma_wait3A_269 = tpu.memref_slice %arg2[%dma_wait3A_267, %dma_wait3A_268] : memref<10000x128xf32, #tpu.memory_space<hbm>> -> memref<10000x128xf32, #tpu.memory_space<hbm>>
      %dma_wait3A_270 = tpu.memref_slice %arg11[%select_n3A_193] : memref<3x!tpu.dma_semaphore, #tpu.memory_space<semaphore_mem>> -> memref<1x!tpu.dma_semaphore, #tpu.memory_space<semaphore_mem>>
      %dma_wait3A_271 = tpu.memref_squeeze %dma_wait3A_270 : memref<1x!tpu.dma_semaphore, #tpu.memory_space<semaphore_mem>> -> memref<!tpu.dma_semaphore, #tpu.memory_space<semaphore_mem>>
      tpu.wait_indirect_dma semaphore(%dma_wait3A_271 : memref<!tpu.dma_semaphore, #tpu.memory_space<semaphore_mem>>) src(%dma_wait3A_269 : memref<10000x128xf32, #tpu.memory_space<hbm>>) dst(%dma_wait3A_263 : memref<100x128xf32, #tpu.memory_space<vmem>>)
      %dma_start3A_272 = arith.constant 0 : i32
      %dma_start3A_273 = arith.constant 0 : i32
      %dma_start3A_274 = tpu.memref_slice %arg9[%select_n3A_193, %dma_start3A_272, %dma_start3A_273] : memref<3x100x128xf32, #tpu.memory_space<vmem>> -> memref<1x100x128xf32, #tpu.memory_space<vmem>>
      %dma_start3A_275 = tpu.memref_squeeze %dma_start3A_274 : memref<1x100x128xf32, #tpu.memory_space<vmem>> -> memref<100x128xf32, #tpu.memory_space<vmem>>
      %dma_start3A_276 = arith.constant 0 : i32
      %dma_start3A_277 = tpu.memref_slice %arg8[%select_n3A_209, %select_n3A_177, %dma_start3A_276] : memref<2x10x100xi32, #tpu.memory_space<vmem>> -> memref<1x1x100xi32, #tpu.memory_space<vmem>>
      %dma_start3A_278 = tpu.memref_squeeze %dma_start3A_277 : memref<1x1x100xi32, #tpu.memory_space<vmem>> -> memref<100xi32, #tpu.memory_space<vmem>>
      %dma_start3A_279 = arith.constant 0 : i32
      %dma_start3A_280 = arith.constant 0 : i32
      %dma_start3A_281 = tpu.memref_slice %arg10[%dma_start3A_279, %dma_start3A_280] : memref<10000x128xf32, #tpu.memory_space<vmem_shared>> -> memref<10000x128xf32, #tpu.memory_space<vmem_shared>>
      %dma_start3A_282 = tpu.memref_slice %arg12[%select_n3A_193] : memref<3x!tpu.dma_semaphore, #tpu.memory_space<semaphore_mem>> -> memref<1x!tpu.dma_semaphore, #tpu.memory_space<semaphore_mem>>
      %dma_start3A_283 = tpu.memref_squeeze %dma_start3A_282 : memref<1x!tpu.dma_semaphore, #tpu.memory_space<semaphore_mem>> -> memref<!tpu.dma_semaphore, #tpu.memory_space<semaphore_mem>>
      tpu.enqueue_indirect_dma source(%dma_start3A_275 : memref<100x128xf32, #tpu.memory_space<vmem>>) target(%dma_start3A_281 : memref<10000x128xf32, #tpu.memory_space<vmem_shared>>) offsets(%dma_start3A_278 : memref<100xi32, #tpu.memory_space<vmem>>) semaphore(%dma_start3A_283 : memref<!tpu.dma_semaphore, #tpu.memory_space<semaphore_mem>>) {add = true}
    }
    %scan3A_90 = arith.constant 100 : i32
    %dma_wait3A_91 = arith.constant 1 : i32
    %dma_wait3A_92 = arith.constant 0 : i32
    %dma_wait3A_93 = arith.constant 0 : i32
    %dma_wait3A_94 = arith.constant 1 : i32
    %dma_wait3A_95 = arith.constant 0 : i32
    %dma_wait3A_96 = arith.constant 0 : i32
    %dma_wait3A_97 = tpu.memref_slice %arg9[%dma_wait3A_91, %dma_wait3A_95, %dma_wait3A_96] : memref<3x100x128xf32, #tpu.memory_space<vmem>> -> memref<1x100x128xf32, #tpu.memory_space<vmem>>
    %dma_wait3A_98 = tpu.memref_squeeze %dma_wait3A_97 : memref<1x100x128xf32, #tpu.memory_space<vmem>> -> memref<100x128xf32, #tpu.memory_space<vmem>>
    %dma_wait3A_99 = arith.constant 0 : i32
    %dma_wait3A_100 = tpu.memref_slice %arg8[%dma_wait3A_92, %dma_wait3A_93, %dma_wait3A_99] : memref<2x10x100xi32, #tpu.memory_space<vmem>> -> memref<1x1x100xi32, #tpu.memory_space<vmem>>
    %dma_wait3A_101 = tpu.memref_squeeze %dma_wait3A_100 : memref<1x1x100xi32, #tpu.memory_space<vmem>> -> memref<100xi32, #tpu.memory_space<vmem>>
    %dma_wait3A_102 = arith.constant 0 : i32
    %dma_wait3A_103 = arith.constant 0 : i32
    %dma_wait3A_104 = tpu.memref_slice %arg10[%dma_wait3A_102, %dma_wait3A_103] : memref<10000x128xf32, #tpu.memory_space<vmem_shared>> -> memref<10000x128xf32, #tpu.memory_space<vmem_shared>>
    %dma_wait3A_105 = tpu.memref_slice %arg12[%dma_wait3A_94] : memref<3x!tpu.dma_semaphore, #tpu.memory_space<semaphore_mem>> -> memref<1x!tpu.dma_semaphore, #tpu.memory_space<semaphore_mem>>
    %dma_wait3A_106 = tpu.memref_squeeze %dma_wait3A_105 : memref<1x!tpu.dma_semaphore, #tpu.memory_space<semaphore_mem>> -> memref<!tpu.dma_semaphore, #tpu.memory_space<semaphore_mem>>
    tpu.wait_indirect_dma semaphore(%dma_wait3A_106 : memref<!tpu.dma_semaphore, #tpu.memory_space<semaphore_mem>>) src(%dma_wait3A_98 : memref<100x128xf32, #tpu.memory_space<vmem>>) dst(%dma_wait3A_104 : memref<10000x128xf32, #tpu.memory_space<vmem_shared>>)
    %dma_wait3A_107 = arith.constant 2 : i32
    %dma_wait3A_108 = arith.constant 0 : i32
    %dma_wait3A_109 = arith.constant 0 : i32
    %dma_wait3A_110 = arith.constant 2 : i32
    %dma_wait3A_111 = arith.constant 0 : i32
    %dma_wait3A_112 = arith.constant 0 : i32
    %dma_wait3A_113 = tpu.memref_slice %arg9[%dma_wait3A_107, %dma_wait3A_111, %dma_wait3A_112] : memref<3x100x128xf32, #tpu.memory_space<vmem>> -> memref<1x100x128xf32, #tpu.memory_space<vmem>>
    %dma_wait3A_114 = tpu.memref_squeeze %dma_wait3A_113 : memref<1x100x128xf32, #tpu.memory_space<vmem>> -> memref<100x128xf32, #tpu.memory_space<vmem>>
    %dma_wait3A_115 = arith.constant 0 : i32
    %dma_wait3A_116 = tpu.memref_slice %arg8[%dma_wait3A_108, %dma_wait3A_109, %dma_wait3A_115] : memref<2x10x100xi32, #tpu.memory_space<vmem>> -> memref<1x1x100xi32, #tpu.memory_space<vmem>>
    %dma_wait3A_117 = tpu.memref_squeeze %dma_wait3A_116 : memref<1x1x100xi32, #tpu.memory_space<vmem>> -> memref<100xi32, #tpu.memory_space<vmem>>
    %dma_wait3A_118 = arith.constant 0 : i32
    %dma_wait3A_119 = arith.constant 0 : i32
    %dma_wait3A_120 = tpu.memref_slice %arg10[%dma_wait3A_118, %dma_wait3A_119] : memref<10000x128xf32, #tpu.memory_space<vmem_shared>> -> memref<10000x128xf32, #tpu.memory_space<vmem_shared>>
    %dma_wait3A_121 = tpu.memref_slice %arg12[%dma_wait3A_110] : memref<3x!tpu.dma_semaphore, #tpu.memory_space<semaphore_mem>> -> memref<1x!tpu.dma_semaphore, #tpu.memory_space<semaphore_mem>>
    %dma_wait3A_122 = tpu.memref_squeeze %dma_wait3A_121 : memref<1x!tpu.dma_semaphore, #tpu.memory_space<semaphore_mem>> -> memref<!tpu.dma_semaphore, #tpu.memory_space<semaphore_mem>>
    tpu.wait_indirect_dma semaphore(%dma_wait3A_122 : memref<!tpu.dma_semaphore, #tpu.memory_space<semaphore_mem>>) src(%dma_wait3A_114 : memref<100x128xf32, #tpu.memory_space<vmem>>) dst(%dma_wait3A_120 : memref<10000x128xf32, #tpu.memory_space<vmem_shared>>)
    %dma_wait3A_123 = arith.constant 0 : i32
    %dma_wait3A_124 = arith.constant 0 : i32
    %dma_wait3A_125 = arith.constant 0 : i32
    %dma_wait3A_126 = arith.constant 0 : i32
    %dma_wait3A_127 = arith.constant 0 : i32
    %dma_wait3A_128 = arith.constant 0 : i32
    %dma_wait3A_129 = tpu.memref_slice %arg9[%dma_wait3A_123, %dma_wait3A_127, %dma_wait3A_128] : memref<3x100x128xf32, #tpu.memory_space<vmem>> -> memref<1x100x128xf32, #tpu.memory_space<vmem>>
    %dma_wait3A_130 = tpu.memref_squeeze %dma_wait3A_129 : memref<1x100x128xf32, #tpu.memory_space<vmem>> -> memref<100x128xf32, #tpu.memory_space<vmem>>
    %dma_wait3A_131 = arith.constant 0 : i32
    %dma_wait3A_132 = tpu.memref_slice %arg8[%dma_wait3A_124, %dma_wait3A_125, %dma_wait3A_131] : memref<2x10x100xi32, #tpu.memory_space<vmem>> -> memref<1x1x100xi32, #tpu.memory_space<vmem>>
    %dma_wait3A_133 = tpu.memref_squeeze %dma_wait3A_132 : memref<1x1x100xi32, #tpu.memory_space<vmem>> -> memref<100xi32, #tpu.memory_space<vmem>>
    %dma_wait3A_134 = arith.constant 0 : i32
    %dma_wait3A_135 = arith.constant 0 : i32
    %dma_wait3A_136 = tpu.memref_slice %arg10[%dma_wait3A_134, %dma_wait3A_135] : memref<10000x128xf32, #tpu.memory_space<vmem_shared>> -> memref<10000x128xf32, #tpu.memory_space<vmem_shared>>
    %dma_wait3A_137 = tpu.memref_slice %arg12[%dma_wait3A_126] : memref<3x!tpu.dma_semaphore, #tpu.memory_space<semaphore_mem>> -> memref<1x!tpu.dma_semaphore, #tpu.memory_space<semaphore_mem>>
    %dma_wait3A_138 = tpu.memref_squeeze %dma_wait3A_137 : memref<1x!tpu.dma_semaphore, #tpu.memory_space<semaphore_mem>> -> memref<!tpu.dma_semaphore, #tpu.memory_space<semaphore_mem>>
    tpu.wait_indirect_dma semaphore(%dma_wait3A_138 : memref<!tpu.dma_semaphore, #tpu.memory_space<semaphore_mem>>) src(%dma_wait3A_130 : memref<100x128xf32, #tpu.memory_space<vmem>>) dst(%dma_wait3A_136 : memref<10000x128xf32, #tpu.memory_space<vmem_shared>>)
    %barrier3A_139 = arith.constant 0 : index
    tpu.barrier barrier_id(%barrier3A_139)
    "tpu.region"() ({
      %run_scoped3A = tpu.sem_alloc : memref<!tpu.dma_semaphore, #tpu.memory_space<semaphore_mem>>
      %dma_start3A_145 = arith.constant 0 : i32
      %dma_start3A_146 = tpu.memref_slice %arg6[%arg0, %mul3A_43, %dma_start3A_145] : memref<2x10000x128xf32, #tpu.memory_space<hbm>> -> memref<1x624x128xf32, #tpu.memory_space<hbm>>
      %dma_start3A_147 = tpu.memref_squeeze %dma_start3A_146 : memref<1x624x128xf32, #tpu.memory_space<hbm>> -> memref<624x128xf32, #tpu.memory_space<hbm>>
      %dma_start3A_148 = arith.constant 0 : i32
      %dma_start3A_149 = tpu.memref_slice %arg10[%mul3A_43, %dma_start3A_148] : memref<10000x128xf32, #tpu.memory_space<vmem_shared>> -> memref<624x128xf32, #tpu.memory_space<vmem_shared>>
      tpu.enqueue_dma source(%dma_start3A_149 : memref<624x128xf32, #tpu.memory_space<vmem_shared>>) target(%dma_start3A_147 : memref<624x128xf32, #tpu.memory_space<hbm>>) target_semaphore(%run_scoped3A : memref<!tpu.dma_semaphore, #tpu.memory_space<semaphore_mem>>)
      %dma_wait3A_150 = arith.constant 0 : i32
      %dma_wait3A_151 = tpu.memref_slice %arg6[%arg0, %mul3A_43, %dma_wait3A_150] : memref<2x10000x128xf32, #tpu.memory_space<hbm>> -> memref<1x624x128xf32, #tpu.memory_space<hbm>>
      %dma_wait3A_152 = tpu.memref_squeeze %dma_wait3A_151 : memref<1x624x128xf32, #tpu.memory_space<hbm>> -> memref<624x128xf32, #tpu.memory_space<hbm>>
      %dma_wait3A_153 = arith.constant 0 : i32
      %dma_wait3A_154 = tpu.memref_slice %arg10[%mul3A_43, %dma_wait3A_153] : memref<10000x128xf32, #tpu.memory_space<vmem_shared>> -> memref<624x128xf32, #tpu.memory_space<vmem_shared>>
      tpu.wait_dma2 semaphore(%run_scoped3A : memref<!tpu.dma_semaphore, #tpu.memory_space<semaphore_mem>>) src(%dma_wait3A_154 : memref<624x128xf32, #tpu.memory_space<vmem_shared>>) dst(%dma_wait3A_152 : memref<624x128xf32, #tpu.memory_space<hbm>>)
      tpu.yield
    }) : () -> ()
    %eq3A_140 = arith.constant 15 : i32
    %eq3A_141 = arith.cmpi eq, %arg1, %eq3A_140 : i32
    %convert_element_type3A_142 = arith.extui %eq3A_141 : i1 to i32
    %cond3A_143 = arith.constant 0 : i32
    %cond3A_144 = arith.cmpi ne, %convert_element_type3A_142, %cond3A_143 : i32
    scf.if %cond3A_144 {
      "tpu.region"() ({
        %run_scoped3A = tpu.sem_alloc : memref<!tpu.dma_semaphore, #tpu.memory_space<semaphore_mem>>
        %dma_start3A_145 = arith.constant 9984 : i32
        %dma_start3A_146 = arith.constant 0 : i32
        %dma_start3A_147 = tpu.memref_slice %arg6[%arg0, %dma_start3A_145, %dma_start3A_146] : memref<2x10000x128xf32, #tpu.memory_space<hbm>> -> memref<1x16x128xf32, #tpu.memory_space<hbm>>
        %dma_start3A_148 = tpu.memref_squeeze %dma_start3A_147 : memref<1x16x128xf32, #tpu.memory_space<hbm>> -> memref<16x128xf32, #tpu.memory_space<hbm>>
        %dma_start3A_149 = arith.constant 9984 : i32
        %dma_start3A_150 = arith.constant 0 : i32
        %dma_start3A_151 = tpu.memref_slice %arg10[%dma_start3A_149, %dma_start3A_150] : memref<10000x128xf32, #tpu.memory_space<vmem_shared>> -> memref<16x128xf32, #tpu.memory_space<vmem_shared>>
        tpu.enqueue_dma source(%dma_start3A_151 : memref<16x128xf32, #tpu.memory_space<vmem_shared>>) target(%dma_start3A_148 : memref<16x128xf32, #tpu.memory_space<hbm>>) target_semaphore(%run_scoped3A : memref<!tpu.dma_semaphore, #tpu.memory_space<semaphore_mem>>)
        %dma_wait3A_152 = arith.constant 9984 : i32
        %dma_wait3A_153 = arith.constant 0 : i32
        %dma_wait3A_154 = tpu.memref_slice %arg6[%arg0, %dma_wait3A_152, %dma_wait3A_153] : memref<2x10000x128xf32, #tpu.memory_space<hbm>> -> memref<1x16x128xf32, #tpu.memory_space<hbm>>
        %dma_wait3A_155 = tpu.memref_squeeze %dma_wait3A_154 : memref<1x16x128xf32, #tpu.memory_space<hbm>> -> memref<16x128xf32, #tpu.memory_space<hbm>>
        %dma_wait3A_156 = arith.constant 9984 : i32
        %dma_wait3A_157 = arith.constant 0 : i32
        %dma_wait3A_158 = tpu.memref_slice %arg10[%dma_wait3A_156, %dma_wait3A_157] : memref<10000x128xf32, #tpu.memory_space<vmem_shared>> -> memref<16x128xf32, #tpu.memory_space<vmem_shared>>
        tpu.wait_dma2 semaphore(%run_scoped3A : memref<!tpu.dma_semaphore, #tpu.memory_space<semaphore_mem>>) src(%dma_wait3A_158 : memref<16x128xf32, #tpu.memory_space<vmem_shared>>) dst(%dma_wait3A_155 : memref<16x128xf32, #tpu.memory_space<hbm>>)
        tpu.yield
      }) : () -> ()
    } else {
    }
    return
  }
}

#map = affine_map<(d0, d1) -> (0, 0)>
#map1 = affine_map<(d0, d1) -> (0, 0, 0, 0)>
#map2 = affine_map<(d0, d1) -> (0, 0, 0)>
module attributes {stable_mosaic.version = 14 : i64} {
  func.func @_agg_body(%arg0: i32, %arg1: i32, %arg2: memref<10000x128xf32, #tpu.memory_space<hbm>>, %arg3: memref<10000x128xf32, #tpu.memory_space<hbm>>, %arg4: memref<32x10x10x100xi32, #tpu.memory_space<hbm>>, %arg5: memref<32x10x10x100xi32, #tpu.memory_space<hbm>>, %arg6: memref<2x10000x128xf32, #tpu.memory_space<hbm>>, %arg7: memref<2x10x100xi32, #tpu.memory_space<vmem>>, %arg8: memref<2x10x100xi32, #tpu.memory_space<vmem>>, %arg9: memref<3x100x128xf32, #tpu.memory_space<vmem>>, %arg10: memref<10000x128xf32, #tpu.memory_space<vmem_shared>>, %arg11: memref<3x!tpu.dma_semaphore, #tpu.memory_space<semaphore_mem>>, %arg12: memref<3x!tpu.dma_semaphore, #tpu.memory_space<semaphore_mem>>, %arg13: memref<2x!tpu.dma_semaphore, #tpu.memory_space<semaphore_mem>>, %arg14: memref<2x!tpu.dma_semaphore, #tpu.memory_space<semaphore_mem>>) attributes {dimension_semantics = [#tpu.dimension_semantics<core_parallel>, #tpu.dimension_semantics<subcore_parallel>], iteration_bounds = array<i64: 2, 16>, scalar_prefetch = 0 : i64, scratch_operands = 8 : i64, tpu.core_type = #tpu.core_type<sc_vector_subcore>, window_params = [{transform_indices = #map}, {transform_indices = #map}, {transform_indices = #map1}, {transform_indices = #map1}, {transform_indices = #map2}]} {
    %mul3A = arith.constant 16 : i32
    %mul3A_0 = arith.muli %arg0, %mul3A : i32
    %add3A = arith.addi %mul3A_0, %arg1 : i32
    %dma_start3A = arith.constant 0 : i32
    %dma_start3A_1 = arith.constant 0 : i32
    %dma_start3A_2 = arith.constant 0 : i32
    %dma_start3A_3 = arith.constant 0 : i32
    %dma_start3A_4 = arith.constant 0 : i32
    %dma_start3A_5 = tpu.memref_slice %arg7[%dma_start3A_1, %dma_start3A_3, %dma_start3A_4] : memref<2x10x100xi32, #tpu.memory_space<vmem>> -> memref<1x10x100xi32, #tpu.memory_space<vmem>>
    %dma_start3A_6 = tpu.memref_squeeze %dma_start3A_5 : memref<1x10x100xi32, #tpu.memory_space<vmem>> -> memref<10x100xi32, #tpu.memory_space<vmem>>
    %dma_start3A_7 = arith.constant 0 : i32
    %dma_start3A_8 = arith.constant 0 : i32
    %dma_start3A_9 = tpu.memref_slice %arg4[%add3A, %dma_start3A, %dma_start3A_7, %dma_start3A_8] : memref<32x10x10x100xi32, #tpu.memory_space<hbm>> -> memref<1x1x10x100xi32, #tpu.memory_space<hbm>>
    %dma_start3A_10 = tpu.memref_squeeze %dma_start3A_9 : memref<1x1x10x100xi32, #tpu.memory_space<hbm>> -> memref<10x100xi32, #tpu.memory_space<hbm>>
    %dma_start3A_11 = tpu.memref_slice %arg13[%dma_start3A_2] : memref<2x!tpu.dma_semaphore, #tpu.memory_space<semaphore_mem>> -> memref<1x!tpu.dma_semaphore, #tpu.memory_space<semaphore_mem>>
    %dma_start3A_12 = tpu.memref_squeeze %dma_start3A_11 : memref<1x!tpu.dma_semaphore, #tpu.memory_space<semaphore_mem>> -> memref<!tpu.dma_semaphore, #tpu.memory_space<semaphore_mem>>
    %dma_start3A_13 = arith.constant 0 : i32
    %dma_start3A_14 = arith.constant 0 : i32
    %dma_start3A_15 = tpu.memref_slice %arg7[%dma_start3A_1, %dma_start3A_13, %dma_start3A_14] : memref<2x10x100xi32, #tpu.memory_space<vmem>> -> memref<1x10x100xi32, #tpu.memory_space<vmem>>
    %dma_start3A_16 = tpu.memref_squeeze %dma_start3A_15 : memref<1x10x100xi32, #tpu.memory_space<vmem>> -> memref<10x100xi32, #tpu.memory_space<vmem>>
    %dma_start3A_17 = arith.constant 0 : i32
    %dma_start3A_18 = arith.constant 0 : i32
    %dma_start3A_19 = tpu.memref_slice %arg4[%add3A, %dma_start3A, %dma_start3A_17, %dma_start3A_18] : memref<32x10x10x100xi32, #tpu.memory_space<hbm>> -> memref<1x1x10x100xi32, #tpu.memory_space<hbm>>
    %dma_start3A_20 = tpu.memref_squeeze %dma_start3A_19 : memref<1x1x10x100xi32, #tpu.memory_space<hbm>> -> memref<10x100xi32, #tpu.memory_space<hbm>>
    tpu.enqueue_dma source(%dma_start3A_20 : memref<10x100xi32, #tpu.memory_space<hbm>>) target(%dma_start3A_16 : memref<10x100xi32, #tpu.memory_space<vmem>>) target_semaphore(%dma_start3A_12 : memref<!tpu.dma_semaphore, #tpu.memory_space<semaphore_mem>>)
    %dma_start3A_21 = arith.constant 0 : i32
    %dma_start3A_22 = arith.constant 0 : i32
    %dma_start3A_23 = arith.constant 0 : i32
    %dma_start3A_24 = arith.constant 0 : i32
    %dma_start3A_25 = arith.constant 0 : i32
    %dma_start3A_26 = tpu.memref_slice %arg8[%dma_start3A_22, %dma_start3A_24, %dma_start3A_25] : memref<2x10x100xi32, #tpu.memory_space<vmem>> -> memref<1x10x100xi32, #tpu.memory_space<vmem>>
    %dma_start3A_27 = tpu.memref_squeeze %dma_start3A_26 : memref<1x10x100xi32, #tpu.memory_space<vmem>> -> memref<10x100xi32, #tpu.memory_space<vmem>>
    %dma_start3A_28 = arith.constant 0 : i32
    %dma_start3A_29 = arith.constant 0 : i32
    %dma_start3A_30 = tpu.memref_slice %arg5[%add3A, %dma_start3A_21, %dma_start3A_28, %dma_start3A_29] : memref<32x10x10x100xi32, #tpu.memory_space<hbm>> -> memref<1x1x10x100xi32, #tpu.memory_space<hbm>>
    %dma_start3A_31 = tpu.memref_squeeze %dma_start3A_30 : memref<1x1x10x100xi32, #tpu.memory_space<hbm>> -> memref<10x100xi32, #tpu.memory_space<hbm>>
    %dma_start3A_32 = tpu.memref_slice %arg14[%dma_start3A_23] : memref<2x!tpu.dma_semaphore, #tpu.memory_space<semaphore_mem>> -> memref<1x!tpu.dma_semaphore, #tpu.memory_space<semaphore_mem>>
    %dma_start3A_33 = tpu.memref_squeeze %dma_start3A_32 : memref<1x!tpu.dma_semaphore, #tpu.memory_space<semaphore_mem>> -> memref<!tpu.dma_semaphore, #tpu.memory_space<semaphore_mem>>
    %dma_start3A_34 = arith.constant 0 : i32
    %dma_start3A_35 = arith.constant 0 : i32
    %dma_start3A_36 = tpu.memref_slice %arg8[%dma_start3A_22, %dma_start3A_34, %dma_start3A_35] : memref<2x10x100xi32, #tpu.memory_space<vmem>> -> memref<1x10x100xi32, #tpu.memory_space<vmem>>
    %dma_start3A_37 = tpu.memref_squeeze %dma_start3A_36 : memref<1x10x100xi32, #tpu.memory_space<vmem>> -> memref<10x100xi32, #tpu.memory_space<vmem>>
    %dma_start3A_38 = arith.constant 0 : i32
    %dma_start3A_39 = arith.constant 0 : i32
    %dma_start3A_40 = tpu.memref_slice %arg5[%add3A, %dma_start3A_21, %dma_start3A_38, %dma_start3A_39] : memref<32x10x10x100xi32, #tpu.memory_space<hbm>> -> memref<1x1x10x100xi32, #tpu.memory_space<hbm>>
    %dma_start3A_41 = tpu.memref_squeeze %dma_start3A_40 : memref<1x1x10x100xi32, #tpu.memory_space<hbm>> -> memref<10x100xi32, #tpu.memory_space<hbm>>
    tpu.enqueue_dma source(%dma_start3A_41 : memref<10x100xi32, #tpu.memory_space<hbm>>) target(%dma_start3A_37 : memref<10x100xi32, #tpu.memory_space<vmem>>) target_semaphore(%dma_start3A_33 : memref<!tpu.dma_semaphore, #tpu.memory_space<semaphore_mem>>)
    %mul3A_42 = arith.constant 624 : i32
    %mul3A_43 = arith.muli %arg1, %mul3A_42 : i32
    %eq3A = arith.constant 0 : i32
    %eq3A_44 = arith.cmpi eq, %arg0, %eq3A : i32
    %convert_element_type3A = arith.extui %eq3A_44 : i1 to i32
    %cond3A = arith.constant 0 : i32
    %cond3A_45 = arith.cmpi ne, %convert_element_type3A, %cond3A : i32
    scf.if %cond3A_45 {
      "tpu.region"() ({
        %run_scoped3A = tpu.sem_alloc : memref<!tpu.dma_semaphore, #tpu.memory_space<semaphore_mem>>
        %dma_start3A_150 = arith.constant 0 : i32
        %dma_start3A_151 = tpu.memref_slice %arg10[%mul3A_43, %dma_start3A_150] : memref<10000x128xf32, #tpu.memory_space<vmem_shared>> -> memref<624x128xf32, #tpu.memory_space<vmem_shared>>
        %dma_start3A_152 = arith.constant 0 : i32
        %dma_start3A_153 = tpu.memref_slice %arg2[%mul3A_43, %dma_start3A_152] : memref<10000x128xf32, #tpu.memory_space<hbm>> -> memref<624x128xf32, #tpu.memory_space<hbm>>
        tpu.enqueue_dma source(%dma_start3A_153 : memref<624x128xf32, #tpu.memory_space<hbm>>) target(%dma_start3A_151 : memref<624x128xf32, #tpu.memory_space<vmem_shared>>) target_semaphore(%run_scoped3A : memref<!tpu.dma_semaphore, #tpu.memory_space<semaphore_mem>>)
        %dma_wait3A_154 = arith.constant 0 : i32
        %dma_wait3A_155 = tpu.memref_slice %arg10[%mul3A_43, %dma_wait3A_154] : memref<10000x128xf32, #tpu.memory_space<vmem_shared>> -> memref<624x128xf32, #tpu.memory_space<vmem_shared>>
        %dma_wait3A_156 = arith.constant 0 : i32
        %dma_wait3A_157 = tpu.memref_slice %arg2[%mul3A_43, %dma_wait3A_156] : memref<10000x128xf32, #tpu.memory_space<hbm>> -> memref<624x128xf32, #tpu.memory_space<hbm>>
        tpu.wait_dma2 semaphore(%run_scoped3A : memref<!tpu.dma_semaphore, #tpu.memory_space<semaphore_mem>>) src(%dma_wait3A_157 : memref<624x128xf32, #tpu.memory_space<hbm>>) dst(%dma_wait3A_155 : memref<624x128xf32, #tpu.memory_space<vmem_shared>>)
        tpu.yield
      }) : () -> ()
      %eq3A_145 = arith.constant 15 : i32
      %eq3A_146 = arith.cmpi eq, %arg1, %eq3A_145 : i32
      %convert_element_type3A_147 = arith.extui %eq3A_146 : i1 to i32
      %cond3A_148 = arith.constant 0 : i32
      %cond3A_149 = arith.cmpi ne, %convert_element_type3A_147, %cond3A_148 : i32
      scf.if %cond3A_149 {
        "tpu.region"() ({
          %run_scoped3A = tpu.sem_alloc : memref<!tpu.dma_semaphore, #tpu.memory_space<semaphore_mem>>
          %dma_start3A_150 = arith.constant 9984 : i32
          %dma_start3A_151 = arith.constant 0 : i32
          %dma_start3A_152 = tpu.memref_slice %arg10[%dma_start3A_150, %dma_start3A_151] : memref<10000x128xf32, #tpu.memory_space<vmem_shared>> -> memref<16x128xf32, #tpu.memory_space<vmem_shared>>
          %dma_start3A_153 = arith.constant 9984 : i32
          %dma_start3A_154 = arith.constant 0 : i32
          %dma_start3A_155 = tpu.memref_slice %arg2[%dma_start3A_153, %dma_start3A_154] : memref<10000x128xf32, #tpu.memory_space<hbm>> -> memref<16x128xf32, #tpu.memory_space<hbm>>
          tpu.enqueue_dma source(%dma_start3A_155 : memref<16x128xf32, #tpu.memory_space<hbm>>) target(%dma_start3A_152 : memref<16x128xf32, #tpu.memory_space<vmem_shared>>) target_semaphore(%run_scoped3A : memref<!tpu.dma_semaphore, #tpu.memory_space<semaphore_mem>>)
          %dma_wait3A_156 = arith.constant 9984 : i32
          %dma_wait3A_157 = arith.constant 0 : i32
          %dma_wait3A_158 = tpu.memref_slice %arg10[%dma_wait3A_156, %dma_wait3A_157] : memref<10000x128xf32, #tpu.memory_space<vmem_shared>> -> memref<16x128xf32, #tpu.memory_space<vmem_shared>>
          %dma_wait3A_159 = arith.constant 9984 : i32
          %dma_wait3A_160 = arith.constant 0 : i32
          %dma_wait3A_161 = tpu.memref_slice %arg2[%dma_wait3A_159, %dma_wait3A_160] : memref<10000x128xf32, #tpu.memory_space<hbm>> -> memref<16x128xf32, #tpu.memory_space<hbm>>
          tpu.wait_dma2 semaphore(%run_scoped3A : memref<!tpu.dma_semaphore, #tpu.memory_space<semaphore_mem>>) src(%dma_wait3A_161 : memref<16x128xf32, #tpu.memory_space<hbm>>) dst(%dma_wait3A_158 : memref<16x128xf32, #tpu.memory_space<vmem_shared>>)
          tpu.yield
        }) : () -> ()
      } else {
      }
    } else {
    }
    %ne3A = arith.constant 0 : i32
    %ne3A_46 = arith.cmpi ne, %arg0, %ne3A : i32
    %convert_element_type3A_47 = arith.extui %ne3A_46 : i1 to i32
    %cond3A_48 = arith.constant 0 : i32
    %cond3A_49 = arith.cmpi ne, %convert_element_type3A_47, %cond3A_48 : i32
    scf.if %cond3A_49 {
      "tpu.region"() ({
        %run_scoped3A = tpu.sem_alloc : memref<!tpu.dma_semaphore, #tpu.memory_space<semaphore_mem>>
        %dma_start3A_150 = arith.constant 0 : i32
        %dma_start3A_151 = tpu.memref_slice %arg10[%mul3A_43, %dma_start3A_150] : memref<10000x128xf32, #tpu.memory_space<vmem_shared>> -> memref<624x128xf32, #tpu.memory_space<vmem_shared>>
        %dma_start3A_152 = arith.constant 0 : i32
        %dma_start3A_153 = tpu.memref_slice %arg3[%mul3A_43, %dma_start3A_152] : memref<10000x128xf32, #tpu.memory_space<hbm>> -> memref<624x128xf32, #tpu.memory_space<hbm>>
        tpu.enqueue_dma source(%dma_start3A_153 : memref<624x128xf32, #tpu.memory_space<hbm>>) target(%dma_start3A_151 : memref<624x128xf32, #tpu.memory_space<vmem_shared>>) target_semaphore(%run_scoped3A : memref<!tpu.dma_semaphore, #tpu.memory_space<semaphore_mem>>)
        %dma_wait3A_154 = arith.constant 0 : i32
        %dma_wait3A_155 = tpu.memref_slice %arg10[%mul3A_43, %dma_wait3A_154] : memref<10000x128xf32, #tpu.memory_space<vmem_shared>> -> memref<624x128xf32, #tpu.memory_space<vmem_shared>>
        %dma_wait3A_156 = arith.constant 0 : i32
        %dma_wait3A_157 = tpu.memref_slice %arg3[%mul3A_43, %dma_wait3A_156] : memref<10000x128xf32, #tpu.memory_space<hbm>> -> memref<624x128xf32, #tpu.memory_space<hbm>>
        tpu.wait_dma2 semaphore(%run_scoped3A : memref<!tpu.dma_semaphore, #tpu.memory_space<semaphore_mem>>) src(%dma_wait3A_157 : memref<624x128xf32, #tpu.memory_space<hbm>>) dst(%dma_wait3A_155 : memref<624x128xf32, #tpu.memory_space<vmem_shared>>)
        tpu.yield
      }) : () -> ()
      %eq3A_145 = arith.constant 15 : i32
      %eq3A_146 = arith.cmpi eq, %arg1, %eq3A_145 : i32
      %convert_element_type3A_147 = arith.extui %eq3A_146 : i1 to i32
      %cond3A_148 = arith.constant 0 : i32
      %cond3A_149 = arith.cmpi ne, %convert_element_type3A_147, %cond3A_148 : i32
      scf.if %cond3A_149 {
        "tpu.region"() ({
          %run_scoped3A = tpu.sem_alloc : memref<!tpu.dma_semaphore, #tpu.memory_space<semaphore_mem>>
          %dma_start3A_150 = arith.constant 9984 : i32
          %dma_start3A_151 = arith.constant 0 : i32
          %dma_start3A_152 = tpu.memref_slice %arg10[%dma_start3A_150, %dma_start3A_151] : memref<10000x128xf32, #tpu.memory_space<vmem_shared>> -> memref<16x128xf32, #tpu.memory_space<vmem_shared>>
          %dma_start3A_153 = arith.constant 9984 : i32
          %dma_start3A_154 = arith.constant 0 : i32
          %dma_start3A_155 = tpu.memref_slice %arg3[%dma_start3A_153, %dma_start3A_154] : memref<10000x128xf32, #tpu.memory_space<hbm>> -> memref<16x128xf32, #tpu.memory_space<hbm>>
          tpu.enqueue_dma source(%dma_start3A_155 : memref<16x128xf32, #tpu.memory_space<hbm>>) target(%dma_start3A_152 : memref<16x128xf32, #tpu.memory_space<vmem_shared>>) target_semaphore(%run_scoped3A : memref<!tpu.dma_semaphore, #tpu.memory_space<semaphore_mem>>)
          %dma_wait3A_156 = arith.constant 9984 : i32
          %dma_wait3A_157 = arith.constant 0 : i32
          %dma_wait3A_158 = tpu.memref_slice %arg10[%dma_wait3A_156, %dma_wait3A_157] : memref<10000x128xf32, #tpu.memory_space<vmem_shared>> -> memref<16x128xf32, #tpu.memory_space<vmem_shared>>
          %dma_wait3A_159 = arith.constant 9984 : i32
          %dma_wait3A_160 = arith.constant 0 : i32
          %dma_wait3A_161 = tpu.memref_slice %arg3[%dma_wait3A_159, %dma_wait3A_160] : memref<10000x128xf32, #tpu.memory_space<hbm>> -> memref<16x128xf32, #tpu.memory_space<hbm>>
          tpu.wait_dma2 semaphore(%run_scoped3A : memref<!tpu.dma_semaphore, #tpu.memory_space<semaphore_mem>>) src(%dma_wait3A_161 : memref<16x128xf32, #tpu.memory_space<hbm>>) dst(%dma_wait3A_158 : memref<16x128xf32, #tpu.memory_space<vmem_shared>>)
          tpu.yield
        }) : () -> ()
      } else {
      }
    } else {
    }
    %barrier3A = arith.constant 0 : index
    tpu.barrier barrier_id(%barrier3A)
    %dma_wait3A = arith.constant 0 : i32
    %dma_wait3A_50 = arith.constant 0 : i32
    %dma_wait3A_51 = arith.constant 0 : i32
    %dma_wait3A_52 = arith.constant 0 : i32
    %dma_wait3A_53 = arith.constant 0 : i32
    %dma_wait3A_54 = tpu.memref_slice %arg7[%dma_wait3A_50, %dma_wait3A_52, %dma_wait3A_53] : memref<2x10x100xi32, #tpu.memory_space<vmem>> -> memref<1x10x100xi32, #tpu.memory_space<vmem>>
    %dma_wait3A_55 = tpu.memref_squeeze %dma_wait3A_54 : memref<1x10x100xi32, #tpu.memory_space<vmem>> -> memref<10x100xi32, #tpu.memory_space<vmem>>
    %dma_wait3A_56 = arith.constant 0 : i32
    %dma_wait3A_57 = arith.constant 0 : i32
    %dma_wait3A_58 = tpu.memref_slice %arg4[%add3A, %dma_wait3A, %dma_wait3A_56, %dma_wait3A_57] : memref<32x10x10x100xi32, #tpu.memory_space<hbm>> -> memref<1x1x10x100xi32, #tpu.memory_space<hbm>>
    %dma_wait3A_59 = tpu.memref_squeeze %dma_wait3A_58 : memref<1x1x10x100xi32, #tpu.memory_space<hbm>> -> memref<10x100xi32, #tpu.memory_space<hbm>>
    %dma_wait3A_60 = tpu.memref_slice %arg13[%dma_wait3A_51] : memref<2x!tpu.dma_semaphore, #tpu.memory_space<semaphore_mem>> -> memref<1x!tpu.dma_semaphore, #tpu.memory_space<semaphore_mem>>
    %dma_wait3A_61 = tpu.memref_squeeze %dma_wait3A_60 : memref<1x!tpu.dma_semaphore, #tpu.memory_space<semaphore_mem>> -> memref<!tpu.dma_semaphore, #tpu.memory_space<semaphore_mem>>
    %dma_wait3A_62 = arith.constant 0 : i32
    %dma_wait3A_63 = arith.constant 0 : i32
    %dma_wait3A_64 = tpu.memref_slice %arg7[%dma_wait3A_50, %dma_wait3A_62, %dma_wait3A_63] : memref<2x10x100xi32, #tpu.memory_space<vmem>> -> memref<1x10x100xi32, #tpu.memory_space<vmem>>
    %dma_wait3A_65 = tpu.memref_squeeze %dma_wait3A_64 : memref<1x10x100xi32, #tpu.memory_space<vmem>> -> memref<10x100xi32, #tpu.memory_space<vmem>>
    %dma_wait3A_66 = arith.constant 0 : i32
    %dma_wait3A_67 = arith.constant 0 : i32
    %dma_wait3A_68 = tpu.memref_slice %arg4[%add3A, %dma_wait3A, %dma_wait3A_66, %dma_wait3A_67] : memref<32x10x10x100xi32, #tpu.memory_space<hbm>> -> memref<1x1x10x100xi32, #tpu.memory_space<hbm>>
    %dma_wait3A_69 = tpu.memref_squeeze %dma_wait3A_68 : memref<1x1x10x100xi32, #tpu.memory_space<hbm>> -> memref<10x100xi32, #tpu.memory_space<hbm>>
    tpu.wait_dma2 semaphore(%dma_wait3A_61 : memref<!tpu.dma_semaphore, #tpu.memory_space<semaphore_mem>>) src(%dma_wait3A_69 : memref<10x100xi32, #tpu.memory_space<hbm>>) dst(%dma_wait3A_65 : memref<10x100xi32, #tpu.memory_space<vmem>>)
    %dma_start3A_70 = arith.constant 0 : i32
    %dma_start3A_71 = arith.constant 0 : i32
    %dma_start3A_72 = arith.constant 0 : i32
    %dma_start3A_73 = arith.constant 0 : i32
    %dma_start3A_74 = arith.constant 0 : i32
    %dma_start3A_75 = arith.constant 0 : i32
    %dma_start3A_76 = tpu.memref_slice %arg9[%dma_start3A_72, %dma_start3A_74, %dma_start3A_75] : memref<3x100x128xf32, #tpu.memory_space<vmem>> -> memref<1x100x128xf32, #tpu.memory_space<vmem>>
    %dma_start3A_77 = tpu.memref_squeeze %dma_start3A_76 : memref<1x100x128xf32, #tpu.memory_space<vmem>> -> memref<100x128xf32, #tpu.memory_space<vmem>>
    %dma_start3A_78 = arith.constant 0 : i32
    %dma_start3A_79 = tpu.memref_slice %arg7[%dma_start3A_70, %dma_start3A_71, %dma_start3A_78] : memref<2x10x100xi32, #tpu.memory_space<vmem>> -> memref<1x1x100xi32, #tpu.memory_space<vmem>>
    %dma_start3A_80 = tpu.memref_squeeze %dma_start3A_79 : memref<1x1x100xi32, #tpu.memory_space<vmem>> -> memref<100xi32, #tpu.memory_space<vmem>>
    %dma_start3A_81 = arith.constant 0 : i32
    %dma_start3A_82 = arith.constant 0 : i32
    %dma_start3A_83 = tpu.memref_slice %arg2[%dma_start3A_81, %dma_start3A_82] : memref<10000x128xf32, #tpu.memory_space<hbm>> -> memref<10000x128xf32, #tpu.memory_space<hbm>>
    %dma_start3A_84 = tpu.memref_slice %arg11[%dma_start3A_73] : memref<3x!tpu.dma_semaphore, #tpu.memory_space<semaphore_mem>> -> memref<1x!tpu.dma_semaphore, #tpu.memory_space<semaphore_mem>>
    %dma_start3A_85 = tpu.memref_squeeze %dma_start3A_84 : memref<1x!tpu.dma_semaphore, #tpu.memory_space<semaphore_mem>> -> memref<!tpu.dma_semaphore, #tpu.memory_space<semaphore_mem>>
    tpu.enqueue_indirect_dma source(%dma_start3A_83 : memref<10000x128xf32, #tpu.memory_space<hbm>>) target(%dma_start3A_77 : memref<100x128xf32, #tpu.memory_space<vmem>>) offsets(%dma_start3A_80 : memref<100xi32, #tpu.memory_space<vmem>>) semaphore(%dma_start3A_85 : memref<!tpu.dma_semaphore, #tpu.memory_space<semaphore_mem>>)
    %scan3A = arith.constant 0 : i32
    %scan3A_86 = arith.constant 0 : i32
    %scan3A_87 = arith.constant 100 : i32
    %scan3A_88 = arith.addi %scan3A_86, %scan3A_87 : i32
    %scan3A_89 = arith.constant 1 : i32
    scf.for %scan3A_145 = %scan3A_86 to %scan3A_88 step %scan3A_89  : i32 {
      %jit3A = arith.constant 10 : i32
      %div3A = arith.divsi %scan3A_145, %jit3A : i32
      %sign3A = arith.constant 0 : i32
      %sign3A_146 = arith.cmpi sgt, %scan3A_145, %sign3A : i32
      %sign3A_147 = arith.extui %sign3A_146 : i1 to i32
      %sign3A_148 = arith.constant 0 : i32
      %sign3A_149 = arith.cmpi slt, %scan3A_145, %sign3A_148 : i32
      %sign3A_150 = arith.extui %sign3A_149 : i1 to i32
      %sign3A_151 = arith.subi %sign3A_147, %sign3A_150 : i32
      %sign3A_152 = arith.constant 0 : i32
      %sign3A_153 = arith.cmpi sgt, %jit3A, %sign3A_152 : i32
      %sign3A_154 = arith.extui %sign3A_153 : i1 to i32
      %sign3A_155 = arith.constant 0 : i32
      %sign3A_156 = arith.cmpi slt, %jit3A, %sign3A_155 : i32
      %sign3A_157 = arith.extui %sign3A_156 : i1 to i32
      %sign3A_158 = arith.subi %sign3A_154, %sign3A_157 : i32
      %ne3A_159 = arith.cmpi ne, %sign3A_151, %sign3A_158 : i32
      %rem3A = arith.remsi %scan3A_145, %jit3A : i32
      %ne3A_160 = arith.constant 0 : i32
      %ne3A_161 = arith.cmpi ne, %rem3A, %ne3A_160 : i32
      %and3A = arith.andi %ne3A_159, %ne3A_161 : i1
      %sub3A = arith.constant 1 : i32
      %sub3A_162 = arith.subi %div3A, %sub3A : i32
      %select_n3A = arith.select %and3A, %sub3A_162, %div3A : i32
      %jit3A_163 = arith.constant 10 : i32
      %eq3A_164 = arith.constant 0 : i32
      %eq3A_165 = arith.cmpi eq, %jit3A_163, %eq3A_164 : i32
      %jit3A_166 = arith.constant 1 : i32
      %select_n3A_167 = arith.select %eq3A_165, %jit3A_166, %jit3A_163 : i32
      %rem3A_168 = arith.remsi %scan3A_145, %select_n3A_167 : i32
      %ne3A_169 = arith.constant 0 : i32
      %ne3A_170 = arith.cmpi ne, %rem3A_168, %ne3A_169 : i32
      %lt3A = arith.constant 0 : i32
      %lt3A_171 = arith.cmpi slt, %rem3A_168, %lt3A : i32
      %lt3A_172 = arith.constant 0 : i32
      %lt3A_173 = arith.cmpi slt, %select_n3A_167, %lt3A_172 : i32
      %ne3A_174 = arith.xori %lt3A_171, %lt3A_173 : i1
      %and3A_175 = arith.andi %ne3A_174, %ne3A_170 : i1
      %add3A_176 = arith.addi %rem3A_168, %select_n3A_167 : i32
      %select_n3A_177 = arith.select %and3A_175, %add3A_176, %rem3A_168 : i32
      %jit3A_178 = arith.constant 3 : i32
      %eq3A_179 = arith.constant 0 : i32
      %eq3A_180 = arith.cmpi eq, %jit3A_178, %eq3A_179 : i32
      %jit3A_181 = arith.constant 1 : i32
      %select_n3A_182 = arith.select %eq3A_180, %jit3A_181, %jit3A_178 : i32
      %rem3A_183 = arith.remsi %scan3A_145, %select_n3A_182 : i32
      %ne3A_184 = arith.constant 0 : i32
      %ne3A_185 = arith.cmpi ne, %rem3A_183, %ne3A_184 : i32
      %lt3A_186 = arith.constant 0 : i32
      %lt3A_187 = arith.cmpi slt, %rem3A_183, %lt3A_186 : i32
      %lt3A_188 = arith.constant 0 : i32
      %lt3A_189 = arith.cmpi slt, %select_n3A_182, %lt3A_188 : i32
      %ne3A_190 = arith.xori %lt3A_187, %lt3A_189 : i1
      %and3A_191 = arith.andi %ne3A_190, %ne3A_185 : i1
      %add3A_192 = arith.addi %rem3A_183, %select_n3A_182 : i32
      %select_n3A_193 = arith.select %and3A_191, %add3A_192, %rem3A_183 : i32
      %jit3A_194 = arith.constant 2 : i32
      %eq3A_195 = arith.constant 0 : i32
      %eq3A_196 = arith.cmpi eq, %jit3A_194, %eq3A_195 : i32
      %jit3A_197 = arith.constant 1 : i32
      %select_n3A_198 = arith.select %eq3A_196, %jit3A_197, %jit3A_194 : i32
      %rem3A_199 = arith.remsi %select_n3A, %select_n3A_198 : i32
      %ne3A_200 = arith.constant 0 : i32
      %ne3A_201 = arith.cmpi ne, %rem3A_199, %ne3A_200 : i32
      %lt3A_202 = arith.constant 0 : i32
      %lt3A_203 = arith.cmpi slt, %rem3A_199, %lt3A_202 : i32
      %lt3A_204 = arith.constant 0 : i32
      %lt3A_205 = arith.cmpi slt, %select_n3A_198, %lt3A_204 : i32
      %ne3A_206 = arith.xori %lt3A_203, %lt3A_205 : i1
      %and3A_207 = arith.andi %ne3A_206, %ne3A_201 : i1
      %add3A_208 = arith.addi %rem3A_199, %select_n3A_198 : i32
      %select_n3A_209 = arith.select %and3A_207, %add3A_208, %rem3A_199 : i32
      %eq3A_210 = arith.constant 0 : i32
      %eq3A_211 = arith.cmpi eq, %select_n3A_177, %eq3A_210 : i32
      %convert_element_type3A_212 = arith.extui %eq3A_211 : i1 to i32
      %cond3A_213 = arith.constant 0 : i32
      %cond3A_214 = arith.cmpi ne, %convert_element_type3A_212, %cond3A_213 : i32
      scf.if %cond3A_214 {
        %dma_wait3A_284 = arith.constant 0 : i32
        %dma_wait3A_285 = arith.constant 0 : i32
        %dma_wait3A_286 = arith.constant 0 : i32
        %dma_wait3A_287 = tpu.memref_slice %arg8[%select_n3A_209, %dma_wait3A_285, %dma_wait3A_286] : memref<2x10x100xi32, #tpu.memory_space<vmem>> -> memref<1x10x100xi32, #tpu.memory_space<vmem>>
        %dma_wait3A_288 = tpu.memref_squeeze %dma_wait3A_287 : memref<1x10x100xi32, #tpu.memory_space<vmem>> -> memref<10x100xi32, #tpu.memory_space<vmem>>
        %dma_wait3A_289 = arith.constant 0 : i32
        %dma_wait3A_290 = arith.constant 0 : i32
        %dma_wait3A_291 = tpu.memref_slice %arg5[%add3A, %dma_wait3A_284, %dma_wait3A_289, %dma_wait3A_290] : memref<32x10x10x100xi32, #tpu.memory_space<hbm>> -> memref<1x1x10x100xi32, #tpu.memory_space<hbm>>
        %dma_wait3A_292 = tpu.memref_squeeze %dma_wait3A_291 : memref<1x1x10x100xi32, #tpu.memory_space<hbm>> -> memref<10x100xi32, #tpu.memory_space<hbm>>
        %dma_wait3A_293 = tpu.memref_slice %arg14[%select_n3A_209] : memref<2x!tpu.dma_semaphore, #tpu.memory_space<semaphore_mem>> -> memref<1x!tpu.dma_semaphore, #tpu.memory_space<semaphore_mem>>
        %dma_wait3A_294 = tpu.memref_squeeze %dma_wait3A_293 : memref<1x!tpu.dma_semaphore, #tpu.memory_space<semaphore_mem>> -> memref<!tpu.dma_semaphore, #tpu.memory_space<semaphore_mem>>
        %dma_wait3A_295 = arith.constant 0 : i32
        %dma_wait3A_296 = arith.constant 0 : i32
        %dma_wait3A_297 = tpu.memref_slice %arg8[%select_n3A_209, %dma_wait3A_295, %dma_wait3A_296] : memref<2x10x100xi32, #tpu.memory_space<vmem>> -> memref<1x10x100xi32, #tpu.memory_space<vmem>>
        %dma_wait3A_298 = tpu.memref_squeeze %dma_wait3A_297 : memref<1x10x100xi32, #tpu.memory_space<vmem>> -> memref<10x100xi32, #tpu.memory_space<vmem>>
        %dma_wait3A_299 = arith.constant 0 : i32
        %dma_wait3A_300 = arith.constant 0 : i32
        %dma_wait3A_301 = tpu.memref_slice %arg5[%add3A, %dma_wait3A_284, %dma_wait3A_299, %dma_wait3A_300] : memref<32x10x10x100xi32, #tpu.memory_space<hbm>> -> memref<1x1x10x100xi32, #tpu.memory_space<hbm>>
        %dma_wait3A_302 = tpu.memref_squeeze %dma_wait3A_301 : memref<1x1x10x100xi32, #tpu.memory_space<hbm>> -> memref<10x100xi32, #tpu.memory_space<hbm>>
        tpu.wait_dma2 semaphore(%dma_wait3A_294 : memref<!tpu.dma_semaphore, #tpu.memory_space<semaphore_mem>>) src(%dma_wait3A_302 : memref<10x100xi32, #tpu.memory_space<hbm>>) dst(%dma_wait3A_298 : memref<10x100xi32, #tpu.memory_space<vmem>>)
      } else {
      }
      %eq3A_215 = arith.constant 2 : i32
      %eq3A_216 = arith.cmpi eq, %select_n3A_177, %eq3A_215 : i32
      %lt3A_217 = arith.constant 9 : i32
      %lt3A_218 = arith.cmpi slt, %select_n3A, %lt3A_217 : i32
      %and3A_219 = arith.andi %eq3A_216, %lt3A_218 : i1
      %convert_element_type3A_220 = arith.extui %and3A_219 : i1 to i32
      %cond3A_221 = arith.constant 0 : i32
      %cond3A_222 = arith.cmpi ne, %convert_element_type3A_220, %cond3A_221 : i32
      scf.if %cond3A_222 {
        %add3A_284 = arith.constant 1 : i32
        %add3A_285 = arith.addi %select_n3A, %add3A_284 : i32
        %sub3A_286 = arith.constant 1 : i32
        %sub3A_287 = arith.subi %sub3A_286, %select_n3A_209 : i32
        %sub3A_288 = arith.constant 1 : i32
        %sub3A_289 = arith.subi %sub3A_288, %select_n3A_209 : i32
        %dma_start3A_290 = arith.constant 0 : i32
        %dma_start3A_291 = arith.constant 0 : i32
        %dma_start3A_292 = tpu.memref_slice %arg7[%sub3A_287, %dma_start3A_290, %dma_start3A_291] : memref<2x10x100xi32, #tpu.memory_space<vmem>> -> memref<1x10x100xi32, #tpu.memory_space<vmem>>
        %dma_start3A_293 = tpu.memref_squeeze %dma_start3A_292 : memref<1x10x100xi32, #tpu.memory_space<vmem>> -> memref<10x100xi32, #tpu.memory_space<vmem>>
        %dma_start3A_294 = arith.constant 0 : i32
        %dma_start3A_295 = arith.constant 0 : i32
        %dma_start3A_296 = tpu.memref_slice %arg4[%add3A, %add3A_285, %dma_start3A_294, %dma_start3A_295] : memref<32x10x10x100xi32, #tpu.memory_space<hbm>> -> memref<1x1x10x100xi32, #tpu.memory_space<hbm>>
        %dma_start3A_297 = tpu.memref_squeeze %dma_start3A_296 : memref<1x1x10x100xi32, #tpu.memory_space<hbm>> -> memref<10x100xi32, #tpu.memory_space<hbm>>
        %dma_start3A_298 = tpu.memref_slice %arg13[%sub3A_289] : memref<2x!tpu.dma_semaphore, #tpu.memory_space<semaphore_mem>> -> memref<1x!tpu.dma_semaphore, #tpu.memory_space<semaphore_mem>>
        %dma_start3A_299 = tpu.memref_squeeze %dma_start3A_298 : memref<1x!tpu.dma_semaphore, #tpu.memory_space<semaphore_mem>> -> memref<!tpu.dma_semaphore, #tpu.memory_space<semaphore_mem>>
        %dma_start3A_300 = arith.constant 0 : i32
        %dma_start3A_301 = arith.constant 0 : i32
        %dma_start3A_302 = tpu.memref_slice %arg7[%sub3A_287, %dma_start3A_300, %dma_start3A_301] : memref<2x10x100xi32, #tpu.memory_space<vmem>> -> memref<1x10x100xi32, #tpu.memory_space<vmem>>
        %dma_start3A_303 = tpu.memref_squeeze %dma_start3A_302 : memref<1x10x100xi32, #tpu.memory_space<vmem>> -> memref<10x100xi32, #tpu.memory_space<vmem>>
        %dma_start3A_304 = arith.constant 0 : i32
        %dma_start3A_305 = arith.constant 0 : i32
        %dma_start3A_306 = tpu.memref_slice %arg4[%add3A, %add3A_285, %dma_start3A_304, %dma_start3A_305] : memref<32x10x10x100xi32, #tpu.memory_space<hbm>> -> memref<1x1x10x100xi32, #tpu.memory_space<hbm>>
        %dma_start3A_307 = tpu.memref_squeeze %dma_start3A_306 : memref<1x1x10x100xi32, #tpu.memory_space<hbm>> -> memref<10x100xi32, #tpu.memory_space<hbm>>
        tpu.enqueue_dma source(%dma_start3A_307 : memref<10x100xi32, #tpu.memory_space<hbm>>) target(%dma_start3A_303 : memref<10x100xi32, #tpu.memory_space<vmem>>) target_semaphore(%dma_start3A_299 : memref<!tpu.dma_semaphore, #tpu.memory_space<semaphore_mem>>)
        %add3A_308 = arith.constant 1 : i32
        %add3A_309 = arith.addi %select_n3A, %add3A_308 : i32
        %sub3A_310 = arith.constant 1 : i32
        %sub3A_311 = arith.subi %sub3A_310, %select_n3A_209 : i32
        %sub3A_312 = arith.constant 1 : i32
        %sub3A_313 = arith.subi %sub3A_312, %select_n3A_209 : i32
        %dma_start3A_314 = arith.constant 0 : i32
        %dma_start3A_315 = arith.constant 0 : i32
        %dma_start3A_316 = tpu.memref_slice %arg8[%sub3A_311, %dma_start3A_314, %dma_start3A_315] : memref<2x10x100xi32, #tpu.memory_space<vmem>> -> memref<1x10x100xi32, #tpu.memory_space<vmem>>
        %dma_start3A_317 = tpu.memref_squeeze %dma_start3A_316 : memref<1x10x100xi32, #tpu.memory_space<vmem>> -> memref<10x100xi32, #tpu.memory_space<vmem>>
        %dma_start3A_318 = arith.constant 0 : i32
        %dma_start3A_319 = arith.constant 0 : i32
        %dma_start3A_320 = tpu.memref_slice %arg5[%add3A, %add3A_309, %dma_start3A_318, %dma_start3A_319] : memref<32x10x10x100xi32, #tpu.memory_space<hbm>> -> memref<1x1x10x100xi32, #tpu.memory_space<hbm>>
        %dma_start3A_321 = tpu.memref_squeeze %dma_start3A_320 : memref<1x1x10x100xi32, #tpu.memory_space<hbm>> -> memref<10x100xi32, #tpu.memory_space<hbm>>
        %dma_start3A_322 = tpu.memref_slice %arg14[%sub3A_313] : memref<2x!tpu.dma_semaphore, #tpu.memory_space<semaphore_mem>> -> memref<1x!tpu.dma_semaphore, #tpu.memory_space<semaphore_mem>>
        %dma_start3A_323 = tpu.memref_squeeze %dma_start3A_322 : memref<1x!tpu.dma_semaphore, #tpu.memory_space<semaphore_mem>> -> memref<!tpu.dma_semaphore, #tpu.memory_space<semaphore_mem>>
        %dma_start3A_324 = arith.constant 0 : i32
        %dma_start3A_325 = arith.constant 0 : i32
        %dma_start3A_326 = tpu.memref_slice %arg8[%sub3A_311, %dma_start3A_324, %dma_start3A_325] : memref<2x10x100xi32, #tpu.memory_space<vmem>> -> memref<1x10x100xi32, #tpu.memory_space<vmem>>
        %dma_start3A_327 = tpu.memref_squeeze %dma_start3A_326 : memref<1x10x100xi32, #tpu.memory_space<vmem>> -> memref<10x100xi32, #tpu.memory_space<vmem>>
        %dma_start3A_328 = arith.constant 0 : i32
        %dma_start3A_329 = arith.constant 0 : i32
        %dma_start3A_330 = tpu.memref_slice %arg5[%add3A, %add3A_309, %dma_start3A_328, %dma_start3A_329] : memref<32x10x10x100xi32, #tpu.memory_space<hbm>> -> memref<1x1x10x100xi32, #tpu.memory_space<hbm>>
        %dma_start3A_331 = tpu.memref_squeeze %dma_start3A_330 : memref<1x1x10x100xi32, #tpu.memory_space<hbm>> -> memref<10x100xi32, #tpu.memory_space<hbm>>
        tpu.enqueue_dma source(%dma_start3A_331 : memref<10x100xi32, #tpu.memory_space<hbm>>) target(%dma_start3A_327 : memref<10x100xi32, #tpu.memory_space<vmem>>) target_semaphore(%dma_start3A_323 : memref<!tpu.dma_semaphore, #tpu.memory_space<semaphore_mem>>)
      } else {
      }
      %eq3A_223 = arith.constant 9 : i32
      %eq3A_224 = arith.cmpi eq, %select_n3A_177, %eq3A_223 : i32
      %add3A_225 = arith.constant 1 : i32
      %add3A_226 = arith.addi %scan3A_145, %add3A_225 : i32
      %lt3A_227 = arith.constant 100 : i32
      %lt3A_228 = arith.cmpi slt, %add3A_226, %lt3A_227 : i32
      %and3A_229 = arith.andi %eq3A_224, %lt3A_228 : i1
      %convert_element_type3A_230 = arith.extui %and3A_229 : i1 to i32
      %cond3A_231 = arith.constant 0 : i32
      %cond3A_232 = arith.cmpi ne, %convert_element_type3A_230, %cond3A_231 : i32
      scf.if %cond3A_232 {
        %sub3A_284 = arith.constant 1 : i32
        %sub3A_285 = arith.subi %sub3A_284, %select_n3A_209 : i32
        %dma_wait3A_286 = arith.constant 0 : i32
        %dma_wait3A_287 = arith.constant 0 : i32
        %dma_wait3A_288 = arith.constant 0 : i32
        %dma_wait3A_289 = tpu.memref_slice %arg7[%sub3A_285, %dma_wait3A_287, %dma_wait3A_288] : memref<2x10x100xi32, #tpu.memory_space<vmem>> -> memref<1x10x100xi32, #tpu.memory_space<vmem>>
        %dma_wait3A_290 = tpu.memref_squeeze %dma_wait3A_289 : memref<1x10x100xi32, #tpu.memory_space<vmem>> -> memref<10x100xi32, #tpu.memory_space<vmem>>
        %dma_wait3A_291 = arith.constant 0 : i32
        %dma_wait3A_292 = arith.constant 0 : i32
        %dma_wait3A_293 = tpu.memref_slice %arg4[%add3A, %dma_wait3A_286, %dma_wait3A_291, %dma_wait3A_292] : memref<32x10x10x100xi32, #tpu.memory_space<hbm>> -> memref<1x1x10x100xi32, #tpu.memory_space<hbm>>
        %dma_wait3A_294 = tpu.memref_squeeze %dma_wait3A_293 : memref<1x1x10x100xi32, #tpu.memory_space<hbm>> -> memref<10x100xi32, #tpu.memory_space<hbm>>
        %dma_wait3A_295 = tpu.memref_slice %arg13[%sub3A_285] : memref<2x!tpu.dma_semaphore, #tpu.memory_space<semaphore_mem>> -> memref<1x!tpu.dma_semaphore, #tpu.memory_space<semaphore_mem>>
        %dma_wait3A_296 = tpu.memref_squeeze %dma_wait3A_295 : memref<1x!tpu.dma_semaphore, #tpu.memory_space<semaphore_mem>> -> memref<!tpu.dma_semaphore, #tpu.memory_space<semaphore_mem>>
        %dma_wait3A_297 = arith.constant 0 : i32
        %dma_wait3A_298 = arith.constant 0 : i32
        %dma_wait3A_299 = tpu.memref_slice %arg7[%sub3A_285, %dma_wait3A_297, %dma_wait3A_298] : memref<2x10x100xi32, #tpu.memory_space<vmem>> -> memref<1x10x100xi32, #tpu.memory_space<vmem>>
        %dma_wait3A_300 = tpu.memref_squeeze %dma_wait3A_299 : memref<1x10x100xi32, #tpu.memory_space<vmem>> -> memref<10x100xi32, #tpu.memory_space<vmem>>
        %dma_wait3A_301 = arith.constant 0 : i32
        %dma_wait3A_302 = arith.constant 0 : i32
        %dma_wait3A_303 = tpu.memref_slice %arg4[%add3A, %dma_wait3A_286, %dma_wait3A_301, %dma_wait3A_302] : memref<32x10x10x100xi32, #tpu.memory_space<hbm>> -> memref<1x1x10x100xi32, #tpu.memory_space<hbm>>
        %dma_wait3A_304 = tpu.memref_squeeze %dma_wait3A_303 : memref<1x1x10x100xi32, #tpu.memory_space<hbm>> -> memref<10x100xi32, #tpu.memory_space<hbm>>
        tpu.wait_dma2 semaphore(%dma_wait3A_296 : memref<!tpu.dma_semaphore, #tpu.memory_space<semaphore_mem>>) src(%dma_wait3A_304 : memref<10x100xi32, #tpu.memory_space<hbm>>) dst(%dma_wait3A_300 : memref<10x100xi32, #tpu.memory_space<vmem>>)
      } else {
      }
      %add3A_233 = arith.constant 1 : i32
      %add3A_234 = arith.addi %scan3A_145, %add3A_233 : i32
      %jit3A_235 = arith.constant 3 : i32
      %eq3A_236 = arith.constant 0 : i32
      %eq3A_237 = arith.cmpi eq, %jit3A_235, %eq3A_236 : i32
      %jit3A_238 = arith.constant 1 : i32
      %select_n3A_239 = arith.select %eq3A_237, %jit3A_238, %jit3A_235 : i32
      %rem3A_240 = arith.remsi %add3A_234, %select_n3A_239 : i32
      %ne3A_241 = arith.constant 0 : i32
      %ne3A_242 = arith.cmpi ne, %rem3A_240, %ne3A_241 : i32
      %lt3A_243 = arith.constant 0 : i32
      %lt3A_244 = arith.cmpi slt, %rem3A_240, %lt3A_243 : i32
      %lt3A_245 = arith.constant 0 : i32
      %lt3A_246 = arith.cmpi slt, %select_n3A_239, %lt3A_245 : i32
      %ne3A_247 = arith.xori %lt3A_244, %lt3A_246 : i1
      %and3A_248 = arith.andi %ne3A_247, %ne3A_242 : i1
      %add3A_249 = arith.addi %rem3A_240, %select_n3A_239 : i32
      %select_n3A_250 = arith.select %and3A_248, %add3A_249, %rem3A_240 : i32
      %add3A_251 = arith.constant 1 : i32
      %add3A_252 = arith.addi %scan3A_145, %add3A_251 : i32
      %lt3A_253 = arith.constant 100 : i32
      %lt3A_254 = arith.cmpi slt, %add3A_252, %lt3A_253 : i32
      %convert_element_type3A_255 = arith.extui %lt3A_254 : i1 to i32
      %cond3A_256 = arith.constant 0 : i32
      %cond3A_257 = arith.cmpi ne, %convert_element_type3A_255, %cond3A_256 : i32
      scf.if %cond3A_257 {
        %ge3A = arith.constant 2 : i32
        %ge3A_284 = arith.cmpi sge, %scan3A_145, %ge3A : i32
        %convert_element_type3A_285 = arith.extui %ge3A_284 : i1 to i32
        %cond3A_286 = arith.constant 0 : i32
        %cond3A_287 = arith.cmpi ne, %convert_element_type3A_285, %cond3A_286 : i32
        scf.if %cond3A_287 {
          %dma_wait3A_360 = arith.constant 0 : i32
          %dma_wait3A_361 = arith.constant 0 : i32
          %dma_wait3A_362 = arith.constant 0 : i32
          %dma_wait3A_363 = arith.constant 0 : i32
          %dma_wait3A_364 = tpu.memref_slice %arg9[%select_n3A_250, %dma_wait3A_362, %dma_wait3A_363] : memref<3x100x128xf32, #tpu.memory_space<vmem>> -> memref<1x100x128xf32, #tpu.memory_space<vmem>>
          %dma_wait3A_365 = tpu.memref_squeeze %dma_wait3A_364 : memref<1x100x128xf32, #tpu.memory_space<vmem>> -> memref<100x128xf32, #tpu.memory_space<vmem>>
          %dma_wait3A_366 = arith.constant 0 : i32
          %dma_wait3A_367 = tpu.memref_slice %arg8[%dma_wait3A_360, %dma_wait3A_361, %dma_wait3A_366] : memref<2x10x100xi32, #tpu.memory_space<vmem>> -> memref<1x1x100xi32, #tpu.memory_space<vmem>>
          %dma_wait3A_368 = tpu.memref_squeeze %dma_wait3A_367 : memref<1x1x100xi32, #tpu.memory_space<vmem>> -> memref<100xi32, #tpu.memory_space<vmem>>
          %dma_wait3A_369 = arith.constant 0 : i32
          %dma_wait3A_370 = arith.constant 0 : i32
          %dma_wait3A_371 = tpu.memref_slice %arg10[%dma_wait3A_369, %dma_wait3A_370] : memref<10000x128xf32, #tpu.memory_space<vmem_shared>> -> memref<10000x128xf32, #tpu.memory_space<vmem_shared>>
          %dma_wait3A_372 = tpu.memref_slice %arg12[%select_n3A_250] : memref<3x!tpu.dma_semaphore, #tpu.memory_space<semaphore_mem>> -> memref<1x!tpu.dma_semaphore, #tpu.memory_space<semaphore_mem>>
          %dma_wait3A_373 = tpu.memref_squeeze %dma_wait3A_372 : memref<1x!tpu.dma_semaphore, #tpu.memory_space<semaphore_mem>> -> memref<!tpu.dma_semaphore, #tpu.memory_space<semaphore_mem>>
          tpu.wait_indirect_dma semaphore(%dma_wait3A_373 : memref<!tpu.dma_semaphore, #tpu.memory_space<semaphore_mem>>) src(%dma_wait3A_365 : memref<100x128xf32, #tpu.memory_space<vmem>>) dst(%dma_wait3A_371 : memref<10000x128xf32, #tpu.memory_space<vmem_shared>>)
        } else {
        }
        %add3A_288 = arith.constant 1 : i32
        %add3A_289 = arith.addi %scan3A_145, %add3A_288 : i32
        %jit3A_290 = arith.constant 10 : i32
        %div3A_291 = arith.divsi %add3A_289, %jit3A_290 : i32
        %sign3A_292 = arith.constant 0 : i32
        %sign3A_293 = arith.cmpi sgt, %add3A_289, %sign3A_292 : i32
        %sign3A_294 = arith.extui %sign3A_293 : i1 to i32
        %sign3A_295 = arith.constant 0 : i32
        %sign3A_296 = arith.cmpi slt, %add3A_289, %sign3A_295 : i32
        %sign3A_297 = arith.extui %sign3A_296 : i1 to i32
        %sign3A_298 = arith.subi %sign3A_294, %sign3A_297 : i32
        %sign3A_299 = arith.constant 0 : i32
        %sign3A_300 = arith.cmpi sgt, %jit3A_290, %sign3A_299 : i32
        %sign3A_301 = arith.extui %sign3A_300 : i1 to i32
        %sign3A_302 = arith.constant 0 : i32
        %sign3A_303 = arith.cmpi slt, %jit3A_290, %sign3A_302 : i32
        %sign3A_304 = arith.extui %sign3A_303 : i1 to i32
        %sign3A_305 = arith.subi %sign3A_301, %sign3A_304 : i32
        %ne3A_306 = arith.cmpi ne, %sign3A_298, %sign3A_305 : i32
        %rem3A_307 = arith.remsi %add3A_289, %jit3A_290 : i32
        %ne3A_308 = arith.constant 0 : i32
        %ne3A_309 = arith.cmpi ne, %rem3A_307, %ne3A_308 : i32
        %and3A_310 = arith.andi %ne3A_306, %ne3A_309 : i1
        %sub3A_311 = arith.constant 1 : i32
        %sub3A_312 = arith.subi %div3A_291, %sub3A_311 : i32
        %select_n3A_313 = arith.select %and3A_310, %sub3A_312, %div3A_291 : i32
        %jit3A_314 = arith.constant 2 : i32
        %eq3A_315 = arith.constant 0 : i32
        %eq3A_316 = arith.cmpi eq, %jit3A_314, %eq3A_315 : i32
        %jit3A_317 = arith.constant 1 : i32
        %select_n3A_318 = arith.select %eq3A_316, %jit3A_317, %jit3A_314 : i32
        %rem3A_319 = arith.remsi %select_n3A_313, %select_n3A_318 : i32
        %ne3A_320 = arith.constant 0 : i32
        %ne3A_321 = arith.cmpi ne, %rem3A_319, %ne3A_320 : i32
        %lt3A_322 = arith.constant 0 : i32
        %lt3A_323 = arith.cmpi slt, %rem3A_319, %lt3A_322 : i32
        %lt3A_324 = arith.constant 0 : i32
        %lt3A_325 = arith.cmpi slt, %select_n3A_318, %lt3A_324 : i32
        %ne3A_326 = arith.xori %lt3A_323, %lt3A_325 : i1
        %and3A_327 = arith.andi %ne3A_326, %ne3A_321 : i1
        %add3A_328 = arith.addi %rem3A_319, %select_n3A_318 : i32
        %select_n3A_329 = arith.select %and3A_327, %add3A_328, %rem3A_319 : i32
        %add3A_330 = arith.constant 1 : i32
        %add3A_331 = arith.addi %scan3A_145, %add3A_330 : i32
        %jit3A_332 = arith.constant 10 : i32
        %eq3A_333 = arith.constant 0 : i32
        %eq3A_334 = arith.cmpi eq, %jit3A_332, %eq3A_333 : i32
        %jit3A_335 = arith.constant 1 : i32
        %select_n3A_336 = arith.select %eq3A_334, %jit3A_335, %jit3A_332 : i32
        %rem3A_337 = arith.remsi %add3A_331, %select_n3A_336 : i32
        %ne3A_338 = arith.constant 0 : i32
        %ne3A_339 = arith.cmpi ne, %rem3A_337, %ne3A_338 : i32
        %lt3A_340 = arith.constant 0 : i32
        %lt3A_341 = arith.cmpi slt, %rem3A_337, %lt3A_340 : i32
        %lt3A_342 = arith.constant 0 : i32
        %lt3A_343 = arith.cmpi slt, %select_n3A_336, %lt3A_342 : i32
        %ne3A_344 = arith.xori %lt3A_341, %lt3A_343 : i1
        %and3A_345 = arith.andi %ne3A_344, %ne3A_339 : i1
        %add3A_346 = arith.addi %rem3A_337, %select_n3A_336 : i32
        %select_n3A_347 = arith.select %and3A_345, %add3A_346, %rem3A_337 : i32
        %dma_start3A_348 = arith.constant 0 : i32
        %dma_start3A_349 = arith.constant 0 : i32
        %dma_start3A_350 = tpu.memref_slice %arg9[%select_n3A_250, %dma_start3A_348, %dma_start3A_349] : memref<3x100x128xf32, #tpu.memory_space<vmem>> -> memref<1x100x128xf32, #tpu.memory_space<vmem>>
        %dma_start3A_351 = tpu.memref_squeeze %dma_start3A_350 : memref<1x100x128xf32, #tpu.memory_space<vmem>> -> memref<100x128xf32, #tpu.memory_space<vmem>>
        %dma_start3A_352 = arith.constant 0 : i32
        %dma_start3A_353 = tpu.memref_slice %arg7[%select_n3A_329, %select_n3A_347, %dma_start3A_352] : memref<2x10x100xi32, #tpu.memory_space<vmem>> -> memref<1x1x100xi32, #tpu.memory_space<vmem>>
        %dma_start3A_354 = tpu.memref_squeeze %dma_start3A_353 : memref<1x1x100xi32, #tpu.memory_space<vmem>> -> memref<100xi32, #tpu.memory_space<vmem>>
        %dma_start3A_355 = arith.constant 0 : i32
        %dma_start3A_356 = arith.constant 0 : i32
        %dma_start3A_357 = tpu.memref_slice %arg2[%dma_start3A_355, %dma_start3A_356] : memref<10000x128xf32, #tpu.memory_space<hbm>> -> memref<10000x128xf32, #tpu.memory_space<hbm>>
        %dma_start3A_358 = tpu.memref_slice %arg11[%select_n3A_250] : memref<3x!tpu.dma_semaphore, #tpu.memory_space<semaphore_mem>> -> memref<1x!tpu.dma_semaphore, #tpu.memory_space<semaphore_mem>>
        %dma_start3A_359 = tpu.memref_squeeze %dma_start3A_358 : memref<1x!tpu.dma_semaphore, #tpu.memory_space<semaphore_mem>> -> memref<!tpu.dma_semaphore, #tpu.memory_space<semaphore_mem>>
        tpu.enqueue_indirect_dma source(%dma_start3A_357 : memref<10000x128xf32, #tpu.memory_space<hbm>>) target(%dma_start3A_351 : memref<100x128xf32, #tpu.memory_space<vmem>>) offsets(%dma_start3A_354 : memref<100xi32, #tpu.memory_space<vmem>>) semaphore(%dma_start3A_359 : memref<!tpu.dma_semaphore, #tpu.memory_space<semaphore_mem>>)
      } else {
      }
      %dma_wait3A_258 = arith.constant 0 : i32
      %dma_wait3A_259 = arith.constant 0 : i32
      %dma_wait3A_260 = arith.constant 0 : i32
      %dma_wait3A_261 = arith.constant 0 : i32
      %dma_wait3A_262 = tpu.memref_slice %arg9[%select_n3A_193, %dma_wait3A_260, %dma_wait3A_261] : memref<3x100x128xf32, #tpu.memory_space<vmem>> -> memref<1x100x128xf32, #tpu.memory_space<vmem>>
      %dma_wait3A_263 = tpu.memref_squeeze %dma_wait3A_262 : memref<1x100x128xf32, #tpu.memory_space<vmem>> -> memref<100x128xf32, #tpu.memory_space<vmem>>
      %dma_wait3A_264 = arith.constant 0 : i32
      %dma_wait3A_265 = tpu.memref_slice %arg7[%dma_wait3A_258, %dma_wait3A_259, %dma_wait3A_264] : memref<2x10x100xi32, #tpu.memory_space<vmem>> -> memref<1x1x100xi32, #tpu.memory_space<vmem>>
      %dma_wait3A_266 = tpu.memref_squeeze %dma_wait3A_265 : memref<1x1x100xi32, #tpu.memory_space<vmem>> -> memref<100xi32, #tpu.memory_space<vmem>>
      %dma_wait3A_267 = arith.constant 0 : i32
      %dma_wait3A_268 = arith.constant 0 : i32
      %dma_wait3A_269 = tpu.memref_slice %arg2[%dma_wait3A_267, %dma_wait3A_268] : memref<10000x128xf32, #tpu.memory_space<hbm>> -> memref<10000x128xf32, #tpu.memory_space<hbm>>
      %dma_wait3A_270 = tpu.memref_slice %arg11[%select_n3A_193] : memref<3x!tpu.dma_semaphore, #tpu.memory_space<semaphore_mem>> -> memref<1x!tpu.dma_semaphore, #tpu.memory_space<semaphore_mem>>
      %dma_wait3A_271 = tpu.memref_squeeze %dma_wait3A_270 : memref<1x!tpu.dma_semaphore, #tpu.memory_space<semaphore_mem>> -> memref<!tpu.dma_semaphore, #tpu.memory_space<semaphore_mem>>
      tpu.wait_indirect_dma semaphore(%dma_wait3A_271 : memref<!tpu.dma_semaphore, #tpu.memory_space<semaphore_mem>>) src(%dma_wait3A_269 : memref<10000x128xf32, #tpu.memory_space<hbm>>) dst(%dma_wait3A_263 : memref<100x128xf32, #tpu.memory_space<vmem>>)
      %dma_start3A_272 = arith.constant 0 : i32
      %dma_start3A_273 = arith.constant 0 : i32
      %dma_start3A_274 = tpu.memref_slice %arg9[%select_n3A_193, %dma_start3A_272, %dma_start3A_273] : memref<3x100x128xf32, #tpu.memory_space<vmem>> -> memref<1x100x128xf32, #tpu.memory_space<vmem>>
      %dma_start3A_275 = tpu.memref_squeeze %dma_start3A_274 : memref<1x100x128xf32, #tpu.memory_space<vmem>> -> memref<100x128xf32, #tpu.memory_space<vmem>>
      %dma_start3A_276 = arith.constant 0 : i32
      %dma_start3A_277 = tpu.memref_slice %arg8[%select_n3A_209, %select_n3A_177, %dma_start3A_276] : memref<2x10x100xi32, #tpu.memory_space<vmem>> -> memref<1x1x100xi32, #tpu.memory_space<vmem>>
      %dma_start3A_278 = tpu.memref_squeeze %dma_start3A_277 : memref<1x1x100xi32, #tpu.memory_space<vmem>> -> memref<100xi32, #tpu.memory_space<vmem>>
      %dma_start3A_279 = arith.constant 0 : i32
      %dma_start3A_280 = arith.constant 0 : i32
      %dma_start3A_281 = tpu.memref_slice %arg10[%dma_start3A_279, %dma_start3A_280] : memref<10000x128xf32, #tpu.memory_space<vmem_shared>> -> memref<10000x128xf32, #tpu.memory_space<vmem_shared>>
      %dma_start3A_282 = tpu.memref_slice %arg12[%select_n3A_193] : memref<3x!tpu.dma_semaphore, #tpu.memory_space<semaphore_mem>> -> memref<1x!tpu.dma_semaphore, #tpu.memory_space<semaphore_mem>>
      %dma_start3A_283 = tpu.memref_squeeze %dma_start3A_282 : memref<1x!tpu.dma_semaphore, #tpu.memory_space<semaphore_mem>> -> memref<!tpu.dma_semaphore, #tpu.memory_space<semaphore_mem>>
      tpu.enqueue_indirect_dma source(%dma_start3A_275 : memref<100x128xf32, #tpu.memory_space<vmem>>) target(%dma_start3A_281 : memref<10000x128xf32, #tpu.memory_space<vmem_shared>>) offsets(%dma_start3A_278 : memref<100xi32, #tpu.memory_space<vmem>>) semaphore(%dma_start3A_283 : memref<!tpu.dma_semaphore, #tpu.memory_space<semaphore_mem>>) {add = true}
    }
    %scan3A_90 = arith.constant 100 : i32
    %dma_wait3A_91 = arith.constant 1 : i32
    %dma_wait3A_92 = arith.constant 0 : i32
    %dma_wait3A_93 = arith.constant 0 : i32
    %dma_wait3A_94 = arith.constant 1 : i32
    %dma_wait3A_95 = arith.constant 0 : i32
    %dma_wait3A_96 = arith.constant 0 : i32
    %dma_wait3A_97 = tpu.memref_slice %arg9[%dma_wait3A_91, %dma_wait3A_95, %dma_wait3A_96] : memref<3x100x128xf32, #tpu.memory_space<vmem>> -> memref<1x100x128xf32, #tpu.memory_space<vmem>>
    %dma_wait3A_98 = tpu.memref_squeeze %dma_wait3A_97 : memref<1x100x128xf32, #tpu.memory_space<vmem>> -> memref<100x128xf32, #tpu.memory_space<vmem>>
    %dma_wait3A_99 = arith.constant 0 : i32
    %dma_wait3A_100 = tpu.memref_slice %arg8[%dma_wait3A_92, %dma_wait3A_93, %dma_wait3A_99] : memref<2x10x100xi32, #tpu.memory_space<vmem>> -> memref<1x1x100xi32, #tpu.memory_space<vmem>>
    %dma_wait3A_101 = tpu.memref_squeeze %dma_wait3A_100 : memref<1x1x100xi32, #tpu.memory_space<vmem>> -> memref<100xi32, #tpu.memory_space<vmem>>
    %dma_wait3A_102 = arith.constant 0 : i32
    %dma_wait3A_103 = arith.constant 0 : i32
    %dma_wait3A_104 = tpu.memref_slice %arg10[%dma_wait3A_102, %dma_wait3A_103] : memref<10000x128xf32, #tpu.memory_space<vmem_shared>> -> memref<10000x128xf32, #tpu.memory_space<vmem_shared>>
    %dma_wait3A_105 = tpu.memref_slice %arg12[%dma_wait3A_94] : memref<3x!tpu.dma_semaphore, #tpu.memory_space<semaphore_mem>> -> memref<1x!tpu.dma_semaphore, #tpu.memory_space<semaphore_mem>>
    %dma_wait3A_106 = tpu.memref_squeeze %dma_wait3A_105 : memref<1x!tpu.dma_semaphore, #tpu.memory_space<semaphore_mem>> -> memref<!tpu.dma_semaphore, #tpu.memory_space<semaphore_mem>>
    tpu.wait_indirect_dma semaphore(%dma_wait3A_106 : memref<!tpu.dma_semaphore, #tpu.memory_space<semaphore_mem>>) src(%dma_wait3A_98 : memref<100x128xf32, #tpu.memory_space<vmem>>) dst(%dma_wait3A_104 : memref<10000x128xf32, #tpu.memory_space<vmem_shared>>)
    %dma_wait3A_107 = arith.constant 2 : i32
    %dma_wait3A_108 = arith.constant 0 : i32
    %dma_wait3A_109 = arith.constant 0 : i32
    %dma_wait3A_110 = arith.constant 2 : i32
    %dma_wait3A_111 = arith.constant 0 : i32
    %dma_wait3A_112 = arith.constant 0 : i32
    %dma_wait3A_113 = tpu.memref_slice %arg9[%dma_wait3A_107, %dma_wait3A_111, %dma_wait3A_112] : memref<3x100x128xf32, #tpu.memory_space<vmem>> -> memref<1x100x128xf32, #tpu.memory_space<vmem>>
    %dma_wait3A_114 = tpu.memref_squeeze %dma_wait3A_113 : memref<1x100x128xf32, #tpu.memory_space<vmem>> -> memref<100x128xf32, #tpu.memory_space<vmem>>
    %dma_wait3A_115 = arith.constant 0 : i32
    %dma_wait3A_116 = tpu.memref_slice %arg8[%dma_wait3A_108, %dma_wait3A_109, %dma_wait3A_115] : memref<2x10x100xi32, #tpu.memory_space<vmem>> -> memref<1x1x100xi32, #tpu.memory_space<vmem>>
    %dma_wait3A_117 = tpu.memref_squeeze %dma_wait3A_116 : memref<1x1x100xi32, #tpu.memory_space<vmem>> -> memref<100xi32, #tpu.memory_space<vmem>>
    %dma_wait3A_118 = arith.constant 0 : i32
    %dma_wait3A_119 = arith.constant 0 : i32
    %dma_wait3A_120 = tpu.memref_slice %arg10[%dma_wait3A_118, %dma_wait3A_119] : memref<10000x128xf32, #tpu.memory_space<vmem_shared>> -> memref<10000x128xf32, #tpu.memory_space<vmem_shared>>
    %dma_wait3A_121 = tpu.memref_slice %arg12[%dma_wait3A_110] : memref<3x!tpu.dma_semaphore, #tpu.memory_space<semaphore_mem>> -> memref<1x!tpu.dma_semaphore, #tpu.memory_space<semaphore_mem>>
    %dma_wait3A_122 = tpu.memref_squeeze %dma_wait3A_121 : memref<1x!tpu.dma_semaphore, #tpu.memory_space<semaphore_mem>> -> memref<!tpu.dma_semaphore, #tpu.memory_space<semaphore_mem>>
    tpu.wait_indirect_dma semaphore(%dma_wait3A_122 : memref<!tpu.dma_semaphore, #tpu.memory_space<semaphore_mem>>) src(%dma_wait3A_114 : memref<100x128xf32, #tpu.memory_space<vmem>>) dst(%dma_wait3A_120 : memref<10000x128xf32, #tpu.memory_space<vmem_shared>>)
    %dma_wait3A_123 = arith.constant 0 : i32
    %dma_wait3A_124 = arith.constant 0 : i32
    %dma_wait3A_125 = arith.constant 0 : i32
    %dma_wait3A_126 = arith.constant 0 : i32
    %dma_wait3A_127 = arith.constant 0 : i32
    %dma_wait3A_128 = arith.constant 0 : i32
    %dma_wait3A_129 = tpu.memref_slice %arg9[%dma_wait3A_123, %dma_wait3A_127, %dma_wait3A_128] : memref<3x100x128xf32, #tpu.memory_space<vmem>> -> memref<1x100x128xf32, #tpu.memory_space<vmem>>
    %dma_wait3A_130 = tpu.memref_squeeze %dma_wait3A_129 : memref<1x100x128xf32, #tpu.memory_space<vmem>> -> memref<100x128xf32, #tpu.memory_space<vmem>>
    %dma_wait3A_131 = arith.constant 0 : i32
    %dma_wait3A_132 = tpu.memref_slice %arg8[%dma_wait3A_124, %dma_wait3A_125, %dma_wait3A_131] : memref<2x10x100xi32, #tpu.memory_space<vmem>> -> memref<1x1x100xi32, #tpu.memory_space<vmem>>
    %dma_wait3A_133 = tpu.memref_squeeze %dma_wait3A_132 : memref<1x1x100xi32, #tpu.memory_space<vmem>> -> memref<100xi32, #tpu.memory_space<vmem>>
    %dma_wait3A_134 = arith.constant 0 : i32
    %dma_wait3A_135 = arith.constant 0 : i32
    %dma_wait3A_136 = tpu.memref_slice %arg10[%dma_wait3A_134, %dma_wait3A_135] : memref<10000x128xf32, #tpu.memory_space<vmem_shared>> -> memref<10000x128xf32, #tpu.memory_space<vmem_shared>>
    %dma_wait3A_137 = tpu.memref_slice %arg12[%dma_wait3A_126] : memref<3x!tpu.dma_semaphore, #tpu.memory_space<semaphore_mem>> -> memref<1x!tpu.dma_semaphore, #tpu.memory_space<semaphore_mem>>
    %dma_wait3A_138 = tpu.memref_squeeze %dma_wait3A_137 : memref<1x!tpu.dma_semaphore, #tpu.memory_space<semaphore_mem>> -> memref<!tpu.dma_semaphore, #tpu.memory_space<semaphore_mem>>
    tpu.wait_indirect_dma semaphore(%dma_wait3A_138 : memref<!tpu.dma_semaphore, #tpu.memory_space<semaphore_mem>>) src(%dma_wait3A_130 : memref<100x128xf32, #tpu.memory_space<vmem>>) dst(%dma_wait3A_136 : memref<10000x128xf32, #tpu.memory_space<vmem_shared>>)
    %barrier3A_139 = arith.constant 0 : index
    tpu.barrier barrier_id(%barrier3A_139)
    "tpu.region"() ({
      %run_scoped3A = tpu.sem_alloc : memref<!tpu.dma_semaphore, #tpu.memory_space<semaphore_mem>>
      %dma_start3A_145 = arith.constant 0 : i32
      %dma_start3A_146 = tpu.memref_slice %arg6[%arg0, %mul3A_43, %dma_start3A_145] : memref<2x10000x128xf32, #tpu.memory_space<hbm>> -> memref<1x624x128xf32, #tpu.memory_space<hbm>>
      %dma_start3A_147 = tpu.memref_squeeze %dma_start3A_146 : memref<1x624x128xf32, #tpu.memory_space<hbm>> -> memref<624x128xf32, #tpu.memory_space<hbm>>
      %dma_start3A_148 = arith.constant 0 : i32
      %dma_start3A_149 = tpu.memref_slice %arg10[%mul3A_43, %dma_start3A_148] : memref<10000x128xf32, #tpu.memory_space<vmem_shared>> -> memref<624x128xf32, #tpu.memory_space<vmem_shared>>
      tpu.enqueue_dma source(%dma_start3A_149 : memref<624x128xf32, #tpu.memory_space<vmem_shared>>) target(%dma_start3A_147 : memref<624x128xf32, #tpu.memory_space<hbm>>) target_semaphore(%run_scoped3A : memref<!tpu.dma_semaphore, #tpu.memory_space<semaphore_mem>>)
      %dma_wait3A_150 = arith.constant 0 : i32
      %dma_wait3A_151 = tpu.memref_slice %arg6[%arg0, %mul3A_43, %dma_wait3A_150] : memref<2x10000x128xf32, #tpu.memory_space<hbm>> -> memref<1x624x128xf32, #tpu.memory_space<hbm>>
      %dma_wait3A_152 = tpu.memref_squeeze %dma_wait3A_151 : memref<1x624x128xf32, #tpu.memory_space<hbm>> -> memref<624x128xf32, #tpu.memory_space<hbm>>
      %dma_wait3A_153 = arith.constant 0 : i32
      %dma_wait3A_154 = tpu.memref_slice %arg10[%mul3A_43, %dma_wait3A_153] : memref<10000x128xf32, #tpu.memory_space<vmem_shared>> -> memref<624x128xf32, #tpu.memory_space<vmem_shared>>
      tpu.wait_dma2 semaphore(%run_scoped3A : memref<!tpu.dma_semaphore, #tpu.memory_space<semaphore_mem>>) src(%dma_wait3A_154 : memref<624x128xf32, #tpu.memory_space<vmem_shared>>) dst(%dma_wait3A_152 : memref<624x128xf32, #tpu.memory_space<hbm>>)
      tpu.yield
    }) : () -> ()
    %eq3A_140 = arith.constant 15 : i32
    %eq3A_141 = arith.cmpi eq, %arg1, %eq3A_140 : i32
    %convert_element_type3A_142 = arith.extui %eq3A_141 : i1 to i32
    %cond3A_143 = arith.constant 0 : i32
    %cond3A_144 = arith.cmpi ne, %convert_element_type3A_142, %cond3A_143 : i32
    scf.if %cond3A_144 {
      "tpu.region"() ({
        %run_scoped3A = tpu.sem_alloc : memref<!tpu.dma_semaphore, #tpu.memory_space<semaphore_mem>>
        %dma_start3A_145 = arith.constant 9984 : i32
        %dma_start3A_146 = arith.constant 0 : i32
        %dma_start3A_147 = tpu.memref_slice %arg6[%arg0, %dma_start3A_145, %dma_start3A_146] : memref<2x10000x128xf32, #tpu.memory_space<hbm>> -> memref<1x16x128xf32, #tpu.memory_space<hbm>>
        %dma_start3A_148 = tpu.memref_squeeze %dma_start3A_147 : memref<1x16x128xf32, #tpu.memory_space<hbm>> -> memref<16x128xf32, #tpu.memory_space<hbm>>
        %dma_start3A_149 = arith.constant 9984 : i32
        %dma_start3A_150 = arith.constant 0 : i32
        %dma_start3A_151 = tpu.memref_slice %arg10[%dma_start3A_149, %dma_start3A_150] : memref<10000x128xf32, #tpu.memory_space<vmem_shared>> -> memref<16x128xf32, #tpu.memory_space<vmem_shared>>
        tpu.enqueue_dma source(%dma_start3A_151 : memref<16x128xf32, #tpu.memory_space<vmem_shared>>) target(%dma_start3A_148 : memref<16x128xf32, #tpu.memory_space<hbm>>) target_semaphore(%run_scoped3A : memref<!tpu.dma_semaphore, #tpu.memory_space<semaphore_mem>>)
        %dma_wait3A_152 = arith.constant 9984 : i32
        %dma_wait3A_153 = arith.constant 0 : i32
        %dma_wait3A_154 = tpu.memref_slice %arg6[%arg0, %dma_wait3A_152, %dma_wait3A_153] : memref<2x10000x128xf32, #tpu.memory_space<hbm>> -> memref<1x16x128xf32, #tpu.memory_space<hbm>>
        %dma_wait3A_155 = tpu.memref_squeeze %dma_wait3A_154 : memref<1x16x128xf32, #tpu.memory_space<hbm>> -> memref<16x128xf32, #tpu.memory_space<hbm>>
        %dma_wait3A_156 = arith.constant 9984 : i32
        %dma_wait3A_157 = arith.constant 0 : i32
        %dma_wait3A_158 = tpu.memref_slice %arg10[%dma_wait3A_156, %dma_wait3A_157] : memref<10000x128xf32, #tpu.memory_space<vmem_shared>> -> memref<16x128xf32, #tpu.memory_space<vmem_shared>>
        tpu.wait_dma2 semaphore(%run_scoped3A : memref<!tpu.dma_semaphore, #tpu.memory_space<semaphore_mem>>) src(%dma_wait3A_158 : memref<16x128xf32, #tpu.memory_space<vmem_shared>>) dst(%dma_wait3A_155 : memref<16x128xf32, #tpu.memory_space<hbm>>)
        tpu.yield
      }) : () -> ()
    } else {
    }
    return
  }
}

#map = affine_map<(d0, d1) -> (0, 0)>
#map1 = affine_map<(d0, d1) -> (0, 0, 0, 0)>
#map2 = affine_map<(d0, d1) -> (0, 0, 0)>
module attributes {stable_mosaic.version = 14 : i64} {
  func.func @_agg_body(%arg0: i32, %arg1: i32, %arg2: memref<10000x128xf32, #tpu.memory_space<hbm>>, %arg3: memref<10000x128xf32, #tpu.memory_space<hbm>>, %arg4: memref<32x10x10x100xi32, #tpu.memory_space<hbm>>, %arg5: memref<32x10x10x100xi32, #tpu.memory_space<hbm>>, %arg6: memref<2x10000x128xf32, #tpu.memory_space<hbm>>, %arg7: memref<2x10x100xi32, #tpu.memory_space<vmem>>, %arg8: memref<2x10x100xi32, #tpu.memory_space<vmem>>, %arg9: memref<3x100x128xf32, #tpu.memory_space<vmem>>, %arg10: memref<10000x128xf32, #tpu.memory_space<vmem_shared>>, %arg11: memref<3x!tpu.dma_semaphore, #tpu.memory_space<semaphore_mem>>, %arg12: memref<3x!tpu.dma_semaphore, #tpu.memory_space<semaphore_mem>>, %arg13: memref<2x!tpu.dma_semaphore, #tpu.memory_space<semaphore_mem>>, %arg14: memref<2x!tpu.dma_semaphore, #tpu.memory_space<semaphore_mem>>) attributes {dimension_semantics = [#tpu.dimension_semantics<core_parallel>, #tpu.dimension_semantics<subcore_parallel>], iteration_bounds = array<i64: 2, 16>, scalar_prefetch = 0 : i64, scratch_operands = 8 : i64, tpu.core_type = #tpu.core_type<sc_vector_subcore>, window_params = [{transform_indices = #map}, {transform_indices = #map}, {transform_indices = #map1}, {transform_indices = #map1}, {transform_indices = #map2}]} {
    %mul3A = arith.constant 16 : i32
    %mul3A_0 = arith.muli %arg0, %mul3A : i32
    %add3A = arith.addi %mul3A_0, %arg1 : i32
    %dma_start3A = arith.constant 0 : i32
    %dma_start3A_1 = arith.constant 0 : i32
    %dma_start3A_2 = arith.constant 0 : i32
    %dma_start3A_3 = arith.constant 0 : i32
    %dma_start3A_4 = arith.constant 0 : i32
    %dma_start3A_5 = tpu.memref_slice %arg7[%dma_start3A_1, %dma_start3A_3, %dma_start3A_4] : memref<2x10x100xi32, #tpu.memory_space<vmem>> -> memref<1x10x100xi32, #tpu.memory_space<vmem>>
    %dma_start3A_6 = tpu.memref_squeeze %dma_start3A_5 : memref<1x10x100xi32, #tpu.memory_space<vmem>> -> memref<10x100xi32, #tpu.memory_space<vmem>>
    %dma_start3A_7 = arith.constant 0 : i32
    %dma_start3A_8 = arith.constant 0 : i32
    %dma_start3A_9 = tpu.memref_slice %arg4[%add3A, %dma_start3A, %dma_start3A_7, %dma_start3A_8] : memref<32x10x10x100xi32, #tpu.memory_space<hbm>> -> memref<1x1x10x100xi32, #tpu.memory_space<hbm>>
    %dma_start3A_10 = tpu.memref_squeeze %dma_start3A_9 : memref<1x1x10x100xi32, #tpu.memory_space<hbm>> -> memref<10x100xi32, #tpu.memory_space<hbm>>
    %dma_start3A_11 = tpu.memref_slice %arg13[%dma_start3A_2] : memref<2x!tpu.dma_semaphore, #tpu.memory_space<semaphore_mem>> -> memref<1x!tpu.dma_semaphore, #tpu.memory_space<semaphore_mem>>
    %dma_start3A_12 = tpu.memref_squeeze %dma_start3A_11 : memref<1x!tpu.dma_semaphore, #tpu.memory_space<semaphore_mem>> -> memref<!tpu.dma_semaphore, #tpu.memory_space<semaphore_mem>>
    %dma_start3A_13 = arith.constant 0 : i32
    %dma_start3A_14 = arith.constant 0 : i32
    %dma_start3A_15 = tpu.memref_slice %arg7[%dma_start3A_1, %dma_start3A_13, %dma_start3A_14] : memref<2x10x100xi32, #tpu.memory_space<vmem>> -> memref<1x10x100xi32, #tpu.memory_space<vmem>>
    %dma_start3A_16 = tpu.memref_squeeze %dma_start3A_15 : memref<1x10x100xi32, #tpu.memory_space<vmem>> -> memref<10x100xi32, #tpu.memory_space<vmem>>
    %dma_start3A_17 = arith.constant 0 : i32
    %dma_start3A_18 = arith.constant 0 : i32
    %dma_start3A_19 = tpu.memref_slice %arg4[%add3A, %dma_start3A, %dma_start3A_17, %dma_start3A_18] : memref<32x10x10x100xi32, #tpu.memory_space<hbm>> -> memref<1x1x10x100xi32, #tpu.memory_space<hbm>>
    %dma_start3A_20 = tpu.memref_squeeze %dma_start3A_19 : memref<1x1x10x100xi32, #tpu.memory_space<hbm>> -> memref<10x100xi32, #tpu.memory_space<hbm>>
    tpu.enqueue_dma source(%dma_start3A_20 : memref<10x100xi32, #tpu.memory_space<hbm>>) target(%dma_start3A_16 : memref<10x100xi32, #tpu.memory_space<vmem>>) target_semaphore(%dma_start3A_12 : memref<!tpu.dma_semaphore, #tpu.memory_space<semaphore_mem>>)
    %dma_start3A_21 = arith.constant 0 : i32
    %dma_start3A_22 = arith.constant 0 : i32
    %dma_start3A_23 = arith.constant 0 : i32
    %dma_start3A_24 = arith.constant 0 : i32
    %dma_start3A_25 = arith.constant 0 : i32
    %dma_start3A_26 = tpu.memref_slice %arg8[%dma_start3A_22, %dma_start3A_24, %dma_start3A_25] : memref<2x10x100xi32, #tpu.memory_space<vmem>> -> memref<1x10x100xi32, #tpu.memory_space<vmem>>
    %dma_start3A_27 = tpu.memref_squeeze %dma_start3A_26 : memref<1x10x100xi32, #tpu.memory_space<vmem>> -> memref<10x100xi32, #tpu.memory_space<vmem>>
    %dma_start3A_28 = arith.constant 0 : i32
    %dma_start3A_29 = arith.constant 0 : i32
    %dma_start3A_30 = tpu.memref_slice %arg5[%add3A, %dma_start3A_21, %dma_start3A_28, %dma_start3A_29] : memref<32x10x10x100xi32, #tpu.memory_space<hbm>> -> memref<1x1x10x100xi32, #tpu.memory_space<hbm>>
    %dma_start3A_31 = tpu.memref_squeeze %dma_start3A_30 : memref<1x1x10x100xi32, #tpu.memory_space<hbm>> -> memref<10x100xi32, #tpu.memory_space<hbm>>
    %dma_start3A_32 = tpu.memref_slice %arg14[%dma_start3A_23] : memref<2x!tpu.dma_semaphore, #tpu.memory_space<semaphore_mem>> -> memref<1x!tpu.dma_semaphore, #tpu.memory_space<semaphore_mem>>
    %dma_start3A_33 = tpu.memref_squeeze %dma_start3A_32 : memref<1x!tpu.dma_semaphore, #tpu.memory_space<semaphore_mem>> -> memref<!tpu.dma_semaphore, #tpu.memory_space<semaphore_mem>>
    %dma_start3A_34 = arith.constant 0 : i32
    %dma_start3A_35 = arith.constant 0 : i32
    %dma_start3A_36 = tpu.memref_slice %arg8[%dma_start3A_22, %dma_start3A_34, %dma_start3A_35] : memref<2x10x100xi32, #tpu.memory_space<vmem>> -> memref<1x10x100xi32, #tpu.memory_space<vmem>>
    %dma_start3A_37 = tpu.memref_squeeze %dma_start3A_36 : memref<1x10x100xi32, #tpu.memory_space<vmem>> -> memref<10x100xi32, #tpu.memory_space<vmem>>
    %dma_start3A_38 = arith.constant 0 : i32
    %dma_start3A_39 = arith.constant 0 : i32
    %dma_start3A_40 = tpu.memref_slice %arg5[%add3A, %dma_start3A_21, %dma_start3A_38, %dma_start3A_39] : memref<32x10x10x100xi32, #tpu.memory_space<hbm>> -> memref<1x1x10x100xi32, #tpu.memory_space<hbm>>
    %dma_start3A_41 = tpu.memref_squeeze %dma_start3A_40 : memref<1x1x10x100xi32, #tpu.memory_space<hbm>> -> memref<10x100xi32, #tpu.memory_space<hbm>>
    tpu.enqueue_dma source(%dma_start3A_41 : memref<10x100xi32, #tpu.memory_space<hbm>>) target(%dma_start3A_37 : memref<10x100xi32, #tpu.memory_space<vmem>>) target_semaphore(%dma_start3A_33 : memref<!tpu.dma_semaphore, #tpu.memory_space<semaphore_mem>>)
    %mul3A_42 = arith.constant 624 : i32
    %mul3A_43 = arith.muli %arg1, %mul3A_42 : i32
    %eq3A = arith.constant 0 : i32
    %eq3A_44 = arith.cmpi eq, %arg0, %eq3A : i32
    %convert_element_type3A = arith.extui %eq3A_44 : i1 to i32
    %cond3A = arith.constant 0 : i32
    %cond3A_45 = arith.cmpi ne, %convert_element_type3A, %cond3A : i32
    scf.if %cond3A_45 {
      "tpu.region"() ({
        %run_scoped3A = tpu.sem_alloc : memref<!tpu.dma_semaphore, #tpu.memory_space<semaphore_mem>>
        %dma_start3A_150 = arith.constant 0 : i32
        %dma_start3A_151 = tpu.memref_slice %arg10[%mul3A_43, %dma_start3A_150] : memref<10000x128xf32, #tpu.memory_space<vmem_shared>> -> memref<624x128xf32, #tpu.memory_space<vmem_shared>>
        %dma_start3A_152 = arith.constant 0 : i32
        %dma_start3A_153 = tpu.memref_slice %arg2[%mul3A_43, %dma_start3A_152] : memref<10000x128xf32, #tpu.memory_space<hbm>> -> memref<624x128xf32, #tpu.memory_space<hbm>>
        tpu.enqueue_dma source(%dma_start3A_153 : memref<624x128xf32, #tpu.memory_space<hbm>>) target(%dma_start3A_151 : memref<624x128xf32, #tpu.memory_space<vmem_shared>>) target_semaphore(%run_scoped3A : memref<!tpu.dma_semaphore, #tpu.memory_space<semaphore_mem>>)
        %dma_wait3A_154 = arith.constant 0 : i32
        %dma_wait3A_155 = tpu.memref_slice %arg10[%mul3A_43, %dma_wait3A_154] : memref<10000x128xf32, #tpu.memory_space<vmem_shared>> -> memref<624x128xf32, #tpu.memory_space<vmem_shared>>
        %dma_wait3A_156 = arith.constant 0 : i32
        %dma_wait3A_157 = tpu.memref_slice %arg2[%mul3A_43, %dma_wait3A_156] : memref<10000x128xf32, #tpu.memory_space<hbm>> -> memref<624x128xf32, #tpu.memory_space<hbm>>
        tpu.wait_dma2 semaphore(%run_scoped3A : memref<!tpu.dma_semaphore, #tpu.memory_space<semaphore_mem>>) src(%dma_wait3A_157 : memref<624x128xf32, #tpu.memory_space<hbm>>) dst(%dma_wait3A_155 : memref<624x128xf32, #tpu.memory_space<vmem_shared>>)
        tpu.yield
      }) : () -> ()
      %eq3A_145 = arith.constant 15 : i32
      %eq3A_146 = arith.cmpi eq, %arg1, %eq3A_145 : i32
      %convert_element_type3A_147 = arith.extui %eq3A_146 : i1 to i32
      %cond3A_148 = arith.constant 0 : i32
      %cond3A_149 = arith.cmpi ne, %convert_element_type3A_147, %cond3A_148 : i32
      scf.if %cond3A_149 {
        "tpu.region"() ({
          %run_scoped3A = tpu.sem_alloc : memref<!tpu.dma_semaphore, #tpu.memory_space<semaphore_mem>>
          %dma_start3A_150 = arith.constant 9984 : i32
          %dma_start3A_151 = arith.constant 0 : i32
          %dma_start3A_152 = tpu.memref_slice %arg10[%dma_start3A_150, %dma_start3A_151] : memref<10000x128xf32, #tpu.memory_space<vmem_shared>> -> memref<16x128xf32, #tpu.memory_space<vmem_shared>>
          %dma_start3A_153 = arith.constant 9984 : i32
          %dma_start3A_154 = arith.constant 0 : i32
          %dma_start3A_155 = tpu.memref_slice %arg2[%dma_start3A_153, %dma_start3A_154] : memref<10000x128xf32, #tpu.memory_space<hbm>> -> memref<16x128xf32, #tpu.memory_space<hbm>>
          tpu.enqueue_dma source(%dma_start3A_155 : memref<16x128xf32, #tpu.memory_space<hbm>>) target(%dma_start3A_152 : memref<16x128xf32, #tpu.memory_space<vmem_shared>>) target_semaphore(%run_scoped3A : memref<!tpu.dma_semaphore, #tpu.memory_space<semaphore_mem>>)
          %dma_wait3A_156 = arith.constant 9984 : i32
          %dma_wait3A_157 = arith.constant 0 : i32
          %dma_wait3A_158 = tpu.memref_slice %arg10[%dma_wait3A_156, %dma_wait3A_157] : memref<10000x128xf32, #tpu.memory_space<vmem_shared>> -> memref<16x128xf32, #tpu.memory_space<vmem_shared>>
          %dma_wait3A_159 = arith.constant 9984 : i32
          %dma_wait3A_160 = arith.constant 0 : i32
          %dma_wait3A_161 = tpu.memref_slice %arg2[%dma_wait3A_159, %dma_wait3A_160] : memref<10000x128xf32, #tpu.memory_space<hbm>> -> memref<16x128xf32, #tpu.memory_space<hbm>>
          tpu.wait_dma2 semaphore(%run_scoped3A : memref<!tpu.dma_semaphore, #tpu.memory_space<semaphore_mem>>) src(%dma_wait3A_161 : memref<16x128xf32, #tpu.memory_space<hbm>>) dst(%dma_wait3A_158 : memref<16x128xf32, #tpu.memory_space<vmem_shared>>)
          tpu.yield
        }) : () -> ()
      } else {
      }
    } else {
    }
    %ne3A = arith.constant 0 : i32
    %ne3A_46 = arith.cmpi ne, %arg0, %ne3A : i32
    %convert_element_type3A_47 = arith.extui %ne3A_46 : i1 to i32
    %cond3A_48 = arith.constant 0 : i32
    %cond3A_49 = arith.cmpi ne, %convert_element_type3A_47, %cond3A_48 : i32
    scf.if %cond3A_49 {
      "tpu.region"() ({
        %run_scoped3A = tpu.sem_alloc : memref<!tpu.dma_semaphore, #tpu.memory_space<semaphore_mem>>
        %dma_start3A_150 = arith.constant 0 : i32
        %dma_start3A_151 = tpu.memref_slice %arg10[%mul3A_43, %dma_start3A_150] : memref<10000x128xf32, #tpu.memory_space<vmem_shared>> -> memref<624x128xf32, #tpu.memory_space<vmem_shared>>
        %dma_start3A_152 = arith.constant 0 : i32
        %dma_start3A_153 = tpu.memref_slice %arg3[%mul3A_43, %dma_start3A_152] : memref<10000x128xf32, #tpu.memory_space<hbm>> -> memref<624x128xf32, #tpu.memory_space<hbm>>
        tpu.enqueue_dma source(%dma_start3A_153 : memref<624x128xf32, #tpu.memory_space<hbm>>) target(%dma_start3A_151 : memref<624x128xf32, #tpu.memory_space<vmem_shared>>) target_semaphore(%run_scoped3A : memref<!tpu.dma_semaphore, #tpu.memory_space<semaphore_mem>>)
        %dma_wait3A_154 = arith.constant 0 : i32
        %dma_wait3A_155 = tpu.memref_slice %arg10[%mul3A_43, %dma_wait3A_154] : memref<10000x128xf32, #tpu.memory_space<vmem_shared>> -> memref<624x128xf32, #tpu.memory_space<vmem_shared>>
        %dma_wait3A_156 = arith.constant 0 : i32
        %dma_wait3A_157 = tpu.memref_slice %arg3[%mul3A_43, %dma_wait3A_156] : memref<10000x128xf32, #tpu.memory_space<hbm>> -> memref<624x128xf32, #tpu.memory_space<hbm>>
        tpu.wait_dma2 semaphore(%run_scoped3A : memref<!tpu.dma_semaphore, #tpu.memory_space<semaphore_mem>>) src(%dma_wait3A_157 : memref<624x128xf32, #tpu.memory_space<hbm>>) dst(%dma_wait3A_155 : memref<624x128xf32, #tpu.memory_space<vmem_shared>>)
        tpu.yield
      }) : () -> ()
      %eq3A_145 = arith.constant 15 : i32
      %eq3A_146 = arith.cmpi eq, %arg1, %eq3A_145 : i32
      %convert_element_type3A_147 = arith.extui %eq3A_146 : i1 to i32
      %cond3A_148 = arith.constant 0 : i32
      %cond3A_149 = arith.cmpi ne, %convert_element_type3A_147, %cond3A_148 : i32
      scf.if %cond3A_149 {
        "tpu.region"() ({
          %run_scoped3A = tpu.sem_alloc : memref<!tpu.dma_semaphore, #tpu.memory_space<semaphore_mem>>
          %dma_start3A_150 = arith.constant 9984 : i32
          %dma_start3A_151 = arith.constant 0 : i32
          %dma_start3A_152 = tpu.memref_slice %arg10[%dma_start3A_150, %dma_start3A_151] : memref<10000x128xf32, #tpu.memory_space<vmem_shared>> -> memref<16x128xf32, #tpu.memory_space<vmem_shared>>
          %dma_start3A_153 = arith.constant 9984 : i32
          %dma_start3A_154 = arith.constant 0 : i32
          %dma_start3A_155 = tpu.memref_slice %arg3[%dma_start3A_153, %dma_start3A_154] : memref<10000x128xf32, #tpu.memory_space<hbm>> -> memref<16x128xf32, #tpu.memory_space<hbm>>
          tpu.enqueue_dma source(%dma_start3A_155 : memref<16x128xf32, #tpu.memory_space<hbm>>) target(%dma_start3A_152 : memref<16x128xf32, #tpu.memory_space<vmem_shared>>) target_semaphore(%run_scoped3A : memref<!tpu.dma_semaphore, #tpu.memory_space<semaphore_mem>>)
          %dma_wait3A_156 = arith.constant 9984 : i32
          %dma_wait3A_157 = arith.constant 0 : i32
          %dma_wait3A_158 = tpu.memref_slice %arg10[%dma_wait3A_156, %dma_wait3A_157] : memref<10000x128xf32, #tpu.memory_space<vmem_shared>> -> memref<16x128xf32, #tpu.memory_space<vmem_shared>>
          %dma_wait3A_159 = arith.constant 9984 : i32
          %dma_wait3A_160 = arith.constant 0 : i32
          %dma_wait3A_161 = tpu.memref_slice %arg3[%dma_wait3A_159, %dma_wait3A_160] : memref<10000x128xf32, #tpu.memory_space<hbm>> -> memref<16x128xf32, #tpu.memory_space<hbm>>
          tpu.wait_dma2 semaphore(%run_scoped3A : memref<!tpu.dma_semaphore, #tpu.memory_space<semaphore_mem>>) src(%dma_wait3A_161 : memref<16x128xf32, #tpu.memory_space<hbm>>) dst(%dma_wait3A_158 : memref<16x128xf32, #tpu.memory_space<vmem_shared>>)
          tpu.yield
        }) : () -> ()
      } else {
      }
    } else {
    }
    %barrier3A = arith.constant 0 : index
    tpu.barrier barrier_id(%barrier3A)
    %dma_wait3A = arith.constant 0 : i32
    %dma_wait3A_50 = arith.constant 0 : i32
    %dma_wait3A_51 = arith.constant 0 : i32
    %dma_wait3A_52 = arith.constant 0 : i32
    %dma_wait3A_53 = arith.constant 0 : i32
    %dma_wait3A_54 = tpu.memref_slice %arg7[%dma_wait3A_50, %dma_wait3A_52, %dma_wait3A_53] : memref<2x10x100xi32, #tpu.memory_space<vmem>> -> memref<1x10x100xi32, #tpu.memory_space<vmem>>
    %dma_wait3A_55 = tpu.memref_squeeze %dma_wait3A_54 : memref<1x10x100xi32, #tpu.memory_space<vmem>> -> memref<10x100xi32, #tpu.memory_space<vmem>>
    %dma_wait3A_56 = arith.constant 0 : i32
    %dma_wait3A_57 = arith.constant 0 : i32
    %dma_wait3A_58 = tpu.memref_slice %arg4[%add3A, %dma_wait3A, %dma_wait3A_56, %dma_wait3A_57] : memref<32x10x10x100xi32, #tpu.memory_space<hbm>> -> memref<1x1x10x100xi32, #tpu.memory_space<hbm>>
    %dma_wait3A_59 = tpu.memref_squeeze %dma_wait3A_58 : memref<1x1x10x100xi32, #tpu.memory_space<hbm>> -> memref<10x100xi32, #tpu.memory_space<hbm>>
    %dma_wait3A_60 = tpu.memref_slice %arg13[%dma_wait3A_51] : memref<2x!tpu.dma_semaphore, #tpu.memory_space<semaphore_mem>> -> memref<1x!tpu.dma_semaphore, #tpu.memory_space<semaphore_mem>>
    %dma_wait3A_61 = tpu.memref_squeeze %dma_wait3A_60 : memref<1x!tpu.dma_semaphore, #tpu.memory_space<semaphore_mem>> -> memref<!tpu.dma_semaphore, #tpu.memory_space<semaphore_mem>>
    %dma_wait3A_62 = arith.constant 0 : i32
    %dma_wait3A_63 = arith.constant 0 : i32
    %dma_wait3A_64 = tpu.memref_slice %arg7[%dma_wait3A_50, %dma_wait3A_62, %dma_wait3A_63] : memref<2x10x100xi32, #tpu.memory_space<vmem>> -> memref<1x10x100xi32, #tpu.memory_space<vmem>>
    %dma_wait3A_65 = tpu.memref_squeeze %dma_wait3A_64 : memref<1x10x100xi32, #tpu.memory_space<vmem>> -> memref<10x100xi32, #tpu.memory_space<vmem>>
    %dma_wait3A_66 = arith.constant 0 : i32
    %dma_wait3A_67 = arith.constant 0 : i32
    %dma_wait3A_68 = tpu.memref_slice %arg4[%add3A, %dma_wait3A, %dma_wait3A_66, %dma_wait3A_67] : memref<32x10x10x100xi32, #tpu.memory_space<hbm>> -> memref<1x1x10x100xi32, #tpu.memory_space<hbm>>
    %dma_wait3A_69 = tpu.memref_squeeze %dma_wait3A_68 : memref<1x1x10x100xi32, #tpu.memory_space<hbm>> -> memref<10x100xi32, #tpu.memory_space<hbm>>
    tpu.wait_dma2 semaphore(%dma_wait3A_61 : memref<!tpu.dma_semaphore, #tpu.memory_space<semaphore_mem>>) src(%dma_wait3A_69 : memref<10x100xi32, #tpu.memory_space<hbm>>) dst(%dma_wait3A_65 : memref<10x100xi32, #tpu.memory_space<vmem>>)
    %dma_start3A_70 = arith.constant 0 : i32
    %dma_start3A_71 = arith.constant 0 : i32
    %dma_start3A_72 = arith.constant 0 : i32
    %dma_start3A_73 = arith.constant 0 : i32
    %dma_start3A_74 = arith.constant 0 : i32
    %dma_start3A_75 = arith.constant 0 : i32
    %dma_start3A_76 = tpu.memref_slice %arg9[%dma_start3A_72, %dma_start3A_74, %dma_start3A_75] : memref<3x100x128xf32, #tpu.memory_space<vmem>> -> memref<1x100x128xf32, #tpu.memory_space<vmem>>
    %dma_start3A_77 = tpu.memref_squeeze %dma_start3A_76 : memref<1x100x128xf32, #tpu.memory_space<vmem>> -> memref<100x128xf32, #tpu.memory_space<vmem>>
    %dma_start3A_78 = arith.constant 0 : i32
    %dma_start3A_79 = tpu.memref_slice %arg7[%dma_start3A_70, %dma_start3A_71, %dma_start3A_78] : memref<2x10x100xi32, #tpu.memory_space<vmem>> -> memref<1x1x100xi32, #tpu.memory_space<vmem>>
    %dma_start3A_80 = tpu.memref_squeeze %dma_start3A_79 : memref<1x1x100xi32, #tpu.memory_space<vmem>> -> memref<100xi32, #tpu.memory_space<vmem>>
    %dma_start3A_81 = arith.constant 0 : i32
    %dma_start3A_82 = arith.constant 0 : i32
    %dma_start3A_83 = tpu.memref_slice %arg2[%dma_start3A_81, %dma_start3A_82] : memref<10000x128xf32, #tpu.memory_space<hbm>> -> memref<10000x128xf32, #tpu.memory_space<hbm>>
    %dma_start3A_84 = tpu.memref_slice %arg11[%dma_start3A_73] : memref<3x!tpu.dma_semaphore, #tpu.memory_space<semaphore_mem>> -> memref<1x!tpu.dma_semaphore, #tpu.memory_space<semaphore_mem>>
    %dma_start3A_85 = tpu.memref_squeeze %dma_start3A_84 : memref<1x!tpu.dma_semaphore, #tpu.memory_space<semaphore_mem>> -> memref<!tpu.dma_semaphore, #tpu.memory_space<semaphore_mem>>
    tpu.enqueue_indirect_dma source(%dma_start3A_83 : memref<10000x128xf32, #tpu.memory_space<hbm>>) target(%dma_start3A_77 : memref<100x128xf32, #tpu.memory_space<vmem>>) offsets(%dma_start3A_80 : memref<100xi32, #tpu.memory_space<vmem>>) semaphore(%dma_start3A_85 : memref<!tpu.dma_semaphore, #tpu.memory_space<semaphore_mem>>)
    %scan3A = arith.constant 0 : i32
    %scan3A_86 = arith.constant 0 : i32
    %scan3A_87 = arith.constant 100 : i32
    %scan3A_88 = arith.addi %scan3A_86, %scan3A_87 : i32
    %scan3A_89 = arith.constant 1 : i32
    scf.for %scan3A_145 = %scan3A_86 to %scan3A_88 step %scan3A_89  : i32 {
      %jit3A = arith.constant 10 : i32
      %div3A = arith.divsi %scan3A_145, %jit3A : i32
      %sign3A = arith.constant 0 : i32
      %sign3A_146 = arith.cmpi sgt, %scan3A_145, %sign3A : i32
      %sign3A_147 = arith.extui %sign3A_146 : i1 to i32
      %sign3A_148 = arith.constant 0 : i32
      %sign3A_149 = arith.cmpi slt, %scan3A_145, %sign3A_148 : i32
      %sign3A_150 = arith.extui %sign3A_149 : i1 to i32
      %sign3A_151 = arith.subi %sign3A_147, %sign3A_150 : i32
      %sign3A_152 = arith.constant 0 : i32
      %sign3A_153 = arith.cmpi sgt, %jit3A, %sign3A_152 : i32
      %sign3A_154 = arith.extui %sign3A_153 : i1 to i32
      %sign3A_155 = arith.constant 0 : i32
      %sign3A_156 = arith.cmpi slt, %jit3A, %sign3A_155 : i32
      %sign3A_157 = arith.extui %sign3A_156 : i1 to i32
      %sign3A_158 = arith.subi %sign3A_154, %sign3A_157 : i32
      %ne3A_159 = arith.cmpi ne, %sign3A_151, %sign3A_158 : i32
      %rem3A = arith.remsi %scan3A_145, %jit3A : i32
      %ne3A_160 = arith.constant 0 : i32
      %ne3A_161 = arith.cmpi ne, %rem3A, %ne3A_160 : i32
      %and3A = arith.andi %ne3A_159, %ne3A_161 : i1
      %sub3A = arith.constant 1 : i32
      %sub3A_162 = arith.subi %div3A, %sub3A : i32
      %select_n3A = arith.select %and3A, %sub3A_162, %div3A : i32
      %jit3A_163 = arith.constant 10 : i32
      %eq3A_164 = arith.constant 0 : i32
      %eq3A_165 = arith.cmpi eq, %jit3A_163, %eq3A_164 : i32
      %jit3A_166 = arith.constant 1 : i32
      %select_n3A_167 = arith.select %eq3A_165, %jit3A_166, %jit3A_163 : i32
      %rem3A_168 = arith.remsi %scan3A_145, %select_n3A_167 : i32
      %ne3A_169 = arith.constant 0 : i32
      %ne3A_170 = arith.cmpi ne, %rem3A_168, %ne3A_169 : i32
      %lt3A = arith.constant 0 : i32
      %lt3A_171 = arith.cmpi slt, %rem3A_168, %lt3A : i32
      %lt3A_172 = arith.constant 0 : i32
      %lt3A_173 = arith.cmpi slt, %select_n3A_167, %lt3A_172 : i32
      %ne3A_174 = arith.xori %lt3A_171, %lt3A_173 : i1
      %and3A_175 = arith.andi %ne3A_174, %ne3A_170 : i1
      %add3A_176 = arith.addi %rem3A_168, %select_n3A_167 : i32
      %select_n3A_177 = arith.select %and3A_175, %add3A_176, %rem3A_168 : i32
      %jit3A_178 = arith.constant 3 : i32
      %eq3A_179 = arith.constant 0 : i32
      %eq3A_180 = arith.cmpi eq, %jit3A_178, %eq3A_179 : i32
      %jit3A_181 = arith.constant 1 : i32
      %select_n3A_182 = arith.select %eq3A_180, %jit3A_181, %jit3A_178 : i32
      %rem3A_183 = arith.remsi %scan3A_145, %select_n3A_182 : i32
      %ne3A_184 = arith.constant 0 : i32
      %ne3A_185 = arith.cmpi ne, %rem3A_183, %ne3A_184 : i32
      %lt3A_186 = arith.constant 0 : i32
      %lt3A_187 = arith.cmpi slt, %rem3A_183, %lt3A_186 : i32
      %lt3A_188 = arith.constant 0 : i32
      %lt3A_189 = arith.cmpi slt, %select_n3A_182, %lt3A_188 : i32
      %ne3A_190 = arith.xori %lt3A_187, %lt3A_189 : i1
      %and3A_191 = arith.andi %ne3A_190, %ne3A_185 : i1
      %add3A_192 = arith.addi %rem3A_183, %select_n3A_182 : i32
      %select_n3A_193 = arith.select %and3A_191, %add3A_192, %rem3A_183 : i32
      %jit3A_194 = arith.constant 2 : i32
      %eq3A_195 = arith.constant 0 : i32
      %eq3A_196 = arith.cmpi eq, %jit3A_194, %eq3A_195 : i32
      %jit3A_197 = arith.constant 1 : i32
      %select_n3A_198 = arith.select %eq3A_196, %jit3A_197, %jit3A_194 : i32
      %rem3A_199 = arith.remsi %select_n3A, %select_n3A_198 : i32
      %ne3A_200 = arith.constant 0 : i32
      %ne3A_201 = arith.cmpi ne, %rem3A_199, %ne3A_200 : i32
      %lt3A_202 = arith.constant 0 : i32
      %lt3A_203 = arith.cmpi slt, %rem3A_199, %lt3A_202 : i32
      %lt3A_204 = arith.constant 0 : i32
      %lt3A_205 = arith.cmpi slt, %select_n3A_198, %lt3A_204 : i32
      %ne3A_206 = arith.xori %lt3A_203, %lt3A_205 : i1
      %and3A_207 = arith.andi %ne3A_206, %ne3A_201 : i1
      %add3A_208 = arith.addi %rem3A_199, %select_n3A_198 : i32
      %select_n3A_209 = arith.select %and3A_207, %add3A_208, %rem3A_199 : i32
      %eq3A_210 = arith.constant 0 : i32
      %eq3A_211 = arith.cmpi eq, %select_n3A_177, %eq3A_210 : i32
      %convert_element_type3A_212 = arith.extui %eq3A_211 : i1 to i32
      %cond3A_213 = arith.constant 0 : i32
      %cond3A_214 = arith.cmpi ne, %convert_element_type3A_212, %cond3A_213 : i32
      scf.if %cond3A_214 {
        %dma_wait3A_284 = arith.constant 0 : i32
        %dma_wait3A_285 = arith.constant 0 : i32
        %dma_wait3A_286 = arith.constant 0 : i32
        %dma_wait3A_287 = tpu.memref_slice %arg8[%select_n3A_209, %dma_wait3A_285, %dma_wait3A_286] : memref<2x10x100xi32, #tpu.memory_space<vmem>> -> memref<1x10x100xi32, #tpu.memory_space<vmem>>
        %dma_wait3A_288 = tpu.memref_squeeze %dma_wait3A_287 : memref<1x10x100xi32, #tpu.memory_space<vmem>> -> memref<10x100xi32, #tpu.memory_space<vmem>>
        %dma_wait3A_289 = arith.constant 0 : i32
        %dma_wait3A_290 = arith.constant 0 : i32
        %dma_wait3A_291 = tpu.memref_slice %arg5[%add3A, %dma_wait3A_284, %dma_wait3A_289, %dma_wait3A_290] : memref<32x10x10x100xi32, #tpu.memory_space<hbm>> -> memref<1x1x10x100xi32, #tpu.memory_space<hbm>>
        %dma_wait3A_292 = tpu.memref_squeeze %dma_wait3A_291 : memref<1x1x10x100xi32, #tpu.memory_space<hbm>> -> memref<10x100xi32, #tpu.memory_space<hbm>>
        %dma_wait3A_293 = tpu.memref_slice %arg14[%select_n3A_209] : memref<2x!tpu.dma_semaphore, #tpu.memory_space<semaphore_mem>> -> memref<1x!tpu.dma_semaphore, #tpu.memory_space<semaphore_mem>>
        %dma_wait3A_294 = tpu.memref_squeeze %dma_wait3A_293 : memref<1x!tpu.dma_semaphore, #tpu.memory_space<semaphore_mem>> -> memref<!tpu.dma_semaphore, #tpu.memory_space<semaphore_mem>>
        %dma_wait3A_295 = arith.constant 0 : i32
        %dma_wait3A_296 = arith.constant 0 : i32
        %dma_wait3A_297 = tpu.memref_slice %arg8[%select_n3A_209, %dma_wait3A_295, %dma_wait3A_296] : memref<2x10x100xi32, #tpu.memory_space<vmem>> -> memref<1x10x100xi32, #tpu.memory_space<vmem>>
        %dma_wait3A_298 = tpu.memref_squeeze %dma_wait3A_297 : memref<1x10x100xi32, #tpu.memory_space<vmem>> -> memref<10x100xi32, #tpu.memory_space<vmem>>
        %dma_wait3A_299 = arith.constant 0 : i32
        %dma_wait3A_300 = arith.constant 0 : i32
        %dma_wait3A_301 = tpu.memref_slice %arg5[%add3A, %dma_wait3A_284, %dma_wait3A_299, %dma_wait3A_300] : memref<32x10x10x100xi32, #tpu.memory_space<hbm>> -> memref<1x1x10x100xi32, #tpu.memory_space<hbm>>
        %dma_wait3A_302 = tpu.memref_squeeze %dma_wait3A_301 : memref<1x1x10x100xi32, #tpu.memory_space<hbm>> -> memref<10x100xi32, #tpu.memory_space<hbm>>
        tpu.wait_dma2 semaphore(%dma_wait3A_294 : memref<!tpu.dma_semaphore, #tpu.memory_space<semaphore_mem>>) src(%dma_wait3A_302 : memref<10x100xi32, #tpu.memory_space<hbm>>) dst(%dma_wait3A_298 : memref<10x100xi32, #tpu.memory_space<vmem>>)
      } else {
      }
      %eq3A_215 = arith.constant 2 : i32
      %eq3A_216 = arith.cmpi eq, %select_n3A_177, %eq3A_215 : i32
      %lt3A_217 = arith.constant 9 : i32
      %lt3A_218 = arith.cmpi slt, %select_n3A, %lt3A_217 : i32
      %and3A_219 = arith.andi %eq3A_216, %lt3A_218 : i1
      %convert_element_type3A_220 = arith.extui %and3A_219 : i1 to i32
      %cond3A_221 = arith.constant 0 : i32
      %cond3A_222 = arith.cmpi ne, %convert_element_type3A_220, %cond3A_221 : i32
      scf.if %cond3A_222 {
        %add3A_284 = arith.constant 1 : i32
        %add3A_285 = arith.addi %select_n3A, %add3A_284 : i32
        %sub3A_286 = arith.constant 1 : i32
        %sub3A_287 = arith.subi %sub3A_286, %select_n3A_209 : i32
        %sub3A_288 = arith.constant 1 : i32
        %sub3A_289 = arith.subi %sub3A_288, %select_n3A_209 : i32
        %dma_start3A_290 = arith.constant 0 : i32
        %dma_start3A_291 = arith.constant 0 : i32
        %dma_start3A_292 = tpu.memref_slice %arg7[%sub3A_287, %dma_start3A_290, %dma_start3A_291] : memref<2x10x100xi32, #tpu.memory_space<vmem>> -> memref<1x10x100xi32, #tpu.memory_space<vmem>>
        %dma_start3A_293 = tpu.memref_squeeze %dma_start3A_292 : memref<1x10x100xi32, #tpu.memory_space<vmem>> -> memref<10x100xi32, #tpu.memory_space<vmem>>
        %dma_start3A_294 = arith.constant 0 : i32
        %dma_start3A_295 = arith.constant 0 : i32
        %dma_start3A_296 = tpu.memref_slice %arg4[%add3A, %add3A_285, %dma_start3A_294, %dma_start3A_295] : memref<32x10x10x100xi32, #tpu.memory_space<hbm>> -> memref<1x1x10x100xi32, #tpu.memory_space<hbm>>
        %dma_start3A_297 = tpu.memref_squeeze %dma_start3A_296 : memref<1x1x10x100xi32, #tpu.memory_space<hbm>> -> memref<10x100xi32, #tpu.memory_space<hbm>>
        %dma_start3A_298 = tpu.memref_slice %arg13[%sub3A_289] : memref<2x!tpu.dma_semaphore, #tpu.memory_space<semaphore_mem>> -> memref<1x!tpu.dma_semaphore, #tpu.memory_space<semaphore_mem>>
        %dma_start3A_299 = tpu.memref_squeeze %dma_start3A_298 : memref<1x!tpu.dma_semaphore, #tpu.memory_space<semaphore_mem>> -> memref<!tpu.dma_semaphore, #tpu.memory_space<semaphore_mem>>
        %dma_start3A_300 = arith.constant 0 : i32
        %dma_start3A_301 = arith.constant 0 : i32
        %dma_start3A_302 = tpu.memref_slice %arg7[%sub3A_287, %dma_start3A_300, %dma_start3A_301] : memref<2x10x100xi32, #tpu.memory_space<vmem>> -> memref<1x10x100xi32, #tpu.memory_space<vmem>>
        %dma_start3A_303 = tpu.memref_squeeze %dma_start3A_302 : memref<1x10x100xi32, #tpu.memory_space<vmem>> -> memref<10x100xi32, #tpu.memory_space<vmem>>
        %dma_start3A_304 = arith.constant 0 : i32
        %dma_start3A_305 = arith.constant 0 : i32
        %dma_start3A_306 = tpu.memref_slice %arg4[%add3A, %add3A_285, %dma_start3A_304, %dma_start3A_305] : memref<32x10x10x100xi32, #tpu.memory_space<hbm>> -> memref<1x1x10x100xi32, #tpu.memory_space<hbm>>
        %dma_start3A_307 = tpu.memref_squeeze %dma_start3A_306 : memref<1x1x10x100xi32, #tpu.memory_space<hbm>> -> memref<10x100xi32, #tpu.memory_space<hbm>>
        tpu.enqueue_dma source(%dma_start3A_307 : memref<10x100xi32, #tpu.memory_space<hbm>>) target(%dma_start3A_303 : memref<10x100xi32, #tpu.memory_space<vmem>>) target_semaphore(%dma_start3A_299 : memref<!tpu.dma_semaphore, #tpu.memory_space<semaphore_mem>>)
        %add3A_308 = arith.constant 1 : i32
        %add3A_309 = arith.addi %select_n3A, %add3A_308 : i32
        %sub3A_310 = arith.constant 1 : i32
        %sub3A_311 = arith.subi %sub3A_310, %select_n3A_209 : i32
        %sub3A_312 = arith.constant 1 : i32
        %sub3A_313 = arith.subi %sub3A_312, %select_n3A_209 : i32
        %dma_start3A_314 = arith.constant 0 : i32
        %dma_start3A_315 = arith.constant 0 : i32
        %dma_start3A_316 = tpu.memref_slice %arg8[%sub3A_311, %dma_start3A_314, %dma_start3A_315] : memref<2x10x100xi32, #tpu.memory_space<vmem>> -> memref<1x10x100xi32, #tpu.memory_space<vmem>>
        %dma_start3A_317 = tpu.memref_squeeze %dma_start3A_316 : memref<1x10x100xi32, #tpu.memory_space<vmem>> -> memref<10x100xi32, #tpu.memory_space<vmem>>
        %dma_start3A_318 = arith.constant 0 : i32
        %dma_start3A_319 = arith.constant 0 : i32
        %dma_start3A_320 = tpu.memref_slice %arg5[%add3A, %add3A_309, %dma_start3A_318, %dma_start3A_319] : memref<32x10x10x100xi32, #tpu.memory_space<hbm>> -> memref<1x1x10x100xi32, #tpu.memory_space<hbm>>
        %dma_start3A_321 = tpu.memref_squeeze %dma_start3A_320 : memref<1x1x10x100xi32, #tpu.memory_space<hbm>> -> memref<10x100xi32, #tpu.memory_space<hbm>>
        %dma_start3A_322 = tpu.memref_slice %arg14[%sub3A_313] : memref<2x!tpu.dma_semaphore, #tpu.memory_space<semaphore_mem>> -> memref<1x!tpu.dma_semaphore, #tpu.memory_space<semaphore_mem>>
        %dma_start3A_323 = tpu.memref_squeeze %dma_start3A_322 : memref<1x!tpu.dma_semaphore, #tpu.memory_space<semaphore_mem>> -> memref<!tpu.dma_semaphore, #tpu.memory_space<semaphore_mem>>
        %dma_start3A_324 = arith.constant 0 : i32
        %dma_start3A_325 = arith.constant 0 : i32
        %dma_start3A_326 = tpu.memref_slice %arg8[%sub3A_311, %dma_start3A_324, %dma_start3A_325] : memref<2x10x100xi32, #tpu.memory_space<vmem>> -> memref<1x10x100xi32, #tpu.memory_space<vmem>>
        %dma_start3A_327 = tpu.memref_squeeze %dma_start3A_326 : memref<1x10x100xi32, #tpu.memory_space<vmem>> -> memref<10x100xi32, #tpu.memory_space<vmem>>
        %dma_start3A_328 = arith.constant 0 : i32
        %dma_start3A_329 = arith.constant 0 : i32
        %dma_start3A_330 = tpu.memref_slice %arg5[%add3A, %add3A_309, %dma_start3A_328, %dma_start3A_329] : memref<32x10x10x100xi32, #tpu.memory_space<hbm>> -> memref<1x1x10x100xi32, #tpu.memory_space<hbm>>
        %dma_start3A_331 = tpu.memref_squeeze %dma_start3A_330 : memref<1x1x10x100xi32, #tpu.memory_space<hbm>> -> memref<10x100xi32, #tpu.memory_space<hbm>>
        tpu.enqueue_dma source(%dma_start3A_331 : memref<10x100xi32, #tpu.memory_space<hbm>>) target(%dma_start3A_327 : memref<10x100xi32, #tpu.memory_space<vmem>>) target_semaphore(%dma_start3A_323 : memref<!tpu.dma_semaphore, #tpu.memory_space<semaphore_mem>>)
      } else {
      }
      %eq3A_223 = arith.constant 9 : i32
      %eq3A_224 = arith.cmpi eq, %select_n3A_177, %eq3A_223 : i32
      %add3A_225 = arith.constant 1 : i32
      %add3A_226 = arith.addi %scan3A_145, %add3A_225 : i32
      %lt3A_227 = arith.constant 100 : i32
      %lt3A_228 = arith.cmpi slt, %add3A_226, %lt3A_227 : i32
      %and3A_229 = arith.andi %eq3A_224, %lt3A_228 : i1
      %convert_element_type3A_230 = arith.extui %and3A_229 : i1 to i32
      %cond3A_231 = arith.constant 0 : i32
      %cond3A_232 = arith.cmpi ne, %convert_element_type3A_230, %cond3A_231 : i32
      scf.if %cond3A_232 {
        %sub3A_284 = arith.constant 1 : i32
        %sub3A_285 = arith.subi %sub3A_284, %select_n3A_209 : i32
        %dma_wait3A_286 = arith.constant 0 : i32
        %dma_wait3A_287 = arith.constant 0 : i32
        %dma_wait3A_288 = arith.constant 0 : i32
        %dma_wait3A_289 = tpu.memref_slice %arg7[%sub3A_285, %dma_wait3A_287, %dma_wait3A_288] : memref<2x10x100xi32, #tpu.memory_space<vmem>> -> memref<1x10x100xi32, #tpu.memory_space<vmem>>
        %dma_wait3A_290 = tpu.memref_squeeze %dma_wait3A_289 : memref<1x10x100xi32, #tpu.memory_space<vmem>> -> memref<10x100xi32, #tpu.memory_space<vmem>>
        %dma_wait3A_291 = arith.constant 0 : i32
        %dma_wait3A_292 = arith.constant 0 : i32
        %dma_wait3A_293 = tpu.memref_slice %arg4[%add3A, %dma_wait3A_286, %dma_wait3A_291, %dma_wait3A_292] : memref<32x10x10x100xi32, #tpu.memory_space<hbm>> -> memref<1x1x10x100xi32, #tpu.memory_space<hbm>>
        %dma_wait3A_294 = tpu.memref_squeeze %dma_wait3A_293 : memref<1x1x10x100xi32, #tpu.memory_space<hbm>> -> memref<10x100xi32, #tpu.memory_space<hbm>>
        %dma_wait3A_295 = tpu.memref_slice %arg13[%sub3A_285] : memref<2x!tpu.dma_semaphore, #tpu.memory_space<semaphore_mem>> -> memref<1x!tpu.dma_semaphore, #tpu.memory_space<semaphore_mem>>
        %dma_wait3A_296 = tpu.memref_squeeze %dma_wait3A_295 : memref<1x!tpu.dma_semaphore, #tpu.memory_space<semaphore_mem>> -> memref<!tpu.dma_semaphore, #tpu.memory_space<semaphore_mem>>
        %dma_wait3A_297 = arith.constant 0 : i32
        %dma_wait3A_298 = arith.constant 0 : i32
        %dma_wait3A_299 = tpu.memref_slice %arg7[%sub3A_285, %dma_wait3A_297, %dma_wait3A_298] : memref<2x10x100xi32, #tpu.memory_space<vmem>> -> memref<1x10x100xi32, #tpu.memory_space<vmem>>
        %dma_wait3A_300 = tpu.memref_squeeze %dma_wait3A_299 : memref<1x10x100xi32, #tpu.memory_space<vmem>> -> memref<10x100xi32, #tpu.memory_space<vmem>>
        %dma_wait3A_301 = arith.constant 0 : i32
        %dma_wait3A_302 = arith.constant 0 : i32
        %dma_wait3A_303 = tpu.memref_slice %arg4[%add3A, %dma_wait3A_286, %dma_wait3A_301, %dma_wait3A_302] : memref<32x10x10x100xi32, #tpu.memory_space<hbm>> -> memref<1x1x10x100xi32, #tpu.memory_space<hbm>>
        %dma_wait3A_304 = tpu.memref_squeeze %dma_wait3A_303 : memref<1x1x10x100xi32, #tpu.memory_space<hbm>> -> memref<10x100xi32, #tpu.memory_space<hbm>>
        tpu.wait_dma2 semaphore(%dma_wait3A_296 : memref<!tpu.dma_semaphore, #tpu.memory_space<semaphore_mem>>) src(%dma_wait3A_304 : memref<10x100xi32, #tpu.memory_space<hbm>>) dst(%dma_wait3A_300 : memref<10x100xi32, #tpu.memory_space<vmem>>)
      } else {
      }
      %add3A_233 = arith.constant 1 : i32
      %add3A_234 = arith.addi %scan3A_145, %add3A_233 : i32
      %jit3A_235 = arith.constant 3 : i32
      %eq3A_236 = arith.constant 0 : i32
      %eq3A_237 = arith.cmpi eq, %jit3A_235, %eq3A_236 : i32
      %jit3A_238 = arith.constant 1 : i32
      %select_n3A_239 = arith.select %eq3A_237, %jit3A_238, %jit3A_235 : i32
      %rem3A_240 = arith.remsi %add3A_234, %select_n3A_239 : i32
      %ne3A_241 = arith.constant 0 : i32
      %ne3A_242 = arith.cmpi ne, %rem3A_240, %ne3A_241 : i32
      %lt3A_243 = arith.constant 0 : i32
      %lt3A_244 = arith.cmpi slt, %rem3A_240, %lt3A_243 : i32
      %lt3A_245 = arith.constant 0 : i32
      %lt3A_246 = arith.cmpi slt, %select_n3A_239, %lt3A_245 : i32
      %ne3A_247 = arith.xori %lt3A_244, %lt3A_246 : i1
      %and3A_248 = arith.andi %ne3A_247, %ne3A_242 : i1
      %add3A_249 = arith.addi %rem3A_240, %select_n3A_239 : i32
      %select_n3A_250 = arith.select %and3A_248, %add3A_249, %rem3A_240 : i32
      %add3A_251 = arith.constant 1 : i32
      %add3A_252 = arith.addi %scan3A_145, %add3A_251 : i32
      %lt3A_253 = arith.constant 100 : i32
      %lt3A_254 = arith.cmpi slt, %add3A_252, %lt3A_253 : i32
      %convert_element_type3A_255 = arith.extui %lt3A_254 : i1 to i32
      %cond3A_256 = arith.constant 0 : i32
      %cond3A_257 = arith.cmpi ne, %convert_element_type3A_255, %cond3A_256 : i32
      scf.if %cond3A_257 {
        %ge3A = arith.constant 2 : i32
        %ge3A_284 = arith.cmpi sge, %scan3A_145, %ge3A : i32
        %convert_element_type3A_285 = arith.extui %ge3A_284 : i1 to i32
        %cond3A_286 = arith.constant 0 : i32
        %cond3A_287 = arith.cmpi ne, %convert_element_type3A_285, %cond3A_286 : i32
        scf.if %cond3A_287 {
          %dma_wait3A_360 = arith.constant 0 : i32
          %dma_wait3A_361 = arith.constant 0 : i32
          %dma_wait3A_362 = arith.constant 0 : i32
          %dma_wait3A_363 = arith.constant 0 : i32
          %dma_wait3A_364 = tpu.memref_slice %arg9[%select_n3A_250, %dma_wait3A_362, %dma_wait3A_363] : memref<3x100x128xf32, #tpu.memory_space<vmem>> -> memref<1x100x128xf32, #tpu.memory_space<vmem>>
          %dma_wait3A_365 = tpu.memref_squeeze %dma_wait3A_364 : memref<1x100x128xf32, #tpu.memory_space<vmem>> -> memref<100x128xf32, #tpu.memory_space<vmem>>
          %dma_wait3A_366 = arith.constant 0 : i32
          %dma_wait3A_367 = tpu.memref_slice %arg8[%dma_wait3A_360, %dma_wait3A_361, %dma_wait3A_366] : memref<2x10x100xi32, #tpu.memory_space<vmem>> -> memref<1x1x100xi32, #tpu.memory_space<vmem>>
          %dma_wait3A_368 = tpu.memref_squeeze %dma_wait3A_367 : memref<1x1x100xi32, #tpu.memory_space<vmem>> -> memref<100xi32, #tpu.memory_space<vmem>>
          %dma_wait3A_369 = arith.constant 0 : i32
          %dma_wait3A_370 = arith.constant 0 : i32
          %dma_wait3A_371 = tpu.memref_slice %arg10[%dma_wait3A_369, %dma_wait3A_370] : memref<10000x128xf32, #tpu.memory_space<vmem_shared>> -> memref<10000x128xf32, #tpu.memory_space<vmem_shared>>
          %dma_wait3A_372 = tpu.memref_slice %arg12[%select_n3A_250] : memref<3x!tpu.dma_semaphore, #tpu.memory_space<semaphore_mem>> -> memref<1x!tpu.dma_semaphore, #tpu.memory_space<semaphore_mem>>
          %dma_wait3A_373 = tpu.memref_squeeze %dma_wait3A_372 : memref<1x!tpu.dma_semaphore, #tpu.memory_space<semaphore_mem>> -> memref<!tpu.dma_semaphore, #tpu.memory_space<semaphore_mem>>
          tpu.wait_indirect_dma semaphore(%dma_wait3A_373 : memref<!tpu.dma_semaphore, #tpu.memory_space<semaphore_mem>>) src(%dma_wait3A_365 : memref<100x128xf32, #tpu.memory_space<vmem>>) dst(%dma_wait3A_371 : memref<10000x128xf32, #tpu.memory_space<vmem_shared>>)
        } else {
        }
        %add3A_288 = arith.constant 1 : i32
        %add3A_289 = arith.addi %scan3A_145, %add3A_288 : i32
        %jit3A_290 = arith.constant 10 : i32
        %div3A_291 = arith.divsi %add3A_289, %jit3A_290 : i32
        %sign3A_292 = arith.constant 0 : i32
        %sign3A_293 = arith.cmpi sgt, %add3A_289, %sign3A_292 : i32
        %sign3A_294 = arith.extui %sign3A_293 : i1 to i32
        %sign3A_295 = arith.constant 0 : i32
        %sign3A_296 = arith.cmpi slt, %add3A_289, %sign3A_295 : i32
        %sign3A_297 = arith.extui %sign3A_296 : i1 to i32
        %sign3A_298 = arith.subi %sign3A_294, %sign3A_297 : i32
        %sign3A_299 = arith.constant 0 : i32
        %sign3A_300 = arith.cmpi sgt, %jit3A_290, %sign3A_299 : i32
        %sign3A_301 = arith.extui %sign3A_300 : i1 to i32
        %sign3A_302 = arith.constant 0 : i32
        %sign3A_303 = arith.cmpi slt, %jit3A_290, %sign3A_302 : i32
        %sign3A_304 = arith.extui %sign3A_303 : i1 to i32
        %sign3A_305 = arith.subi %sign3A_301, %sign3A_304 : i32
        %ne3A_306 = arith.cmpi ne, %sign3A_298, %sign3A_305 : i32
        %rem3A_307 = arith.remsi %add3A_289, %jit3A_290 : i32
        %ne3A_308 = arith.constant 0 : i32
        %ne3A_309 = arith.cmpi ne, %rem3A_307, %ne3A_308 : i32
        %and3A_310 = arith.andi %ne3A_306, %ne3A_309 : i1
        %sub3A_311 = arith.constant 1 : i32
        %sub3A_312 = arith.subi %div3A_291, %sub3A_311 : i32
        %select_n3A_313 = arith.select %and3A_310, %sub3A_312, %div3A_291 : i32
        %jit3A_314 = arith.constant 2 : i32
        %eq3A_315 = arith.constant 0 : i32
        %eq3A_316 = arith.cmpi eq, %jit3A_314, %eq3A_315 : i32
        %jit3A_317 = arith.constant 1 : i32
        %select_n3A_318 = arith.select %eq3A_316, %jit3A_317, %jit3A_314 : i32
        %rem3A_319 = arith.remsi %select_n3A_313, %select_n3A_318 : i32
        %ne3A_320 = arith.constant 0 : i32
        %ne3A_321 = arith.cmpi ne, %rem3A_319, %ne3A_320 : i32
        %lt3A_322 = arith.constant 0 : i32
        %lt3A_323 = arith.cmpi slt, %rem3A_319, %lt3A_322 : i32
        %lt3A_324 = arith.constant 0 : i32
        %lt3A_325 = arith.cmpi slt, %select_n3A_318, %lt3A_324 : i32
        %ne3A_326 = arith.xori %lt3A_323, %lt3A_325 : i1
        %and3A_327 = arith.andi %ne3A_326, %ne3A_321 : i1
        %add3A_328 = arith.addi %rem3A_319, %select_n3A_318 : i32
        %select_n3A_329 = arith.select %and3A_327, %add3A_328, %rem3A_319 : i32
        %add3A_330 = arith.constant 1 : i32
        %add3A_331 = arith.addi %scan3A_145, %add3A_330 : i32
        %jit3A_332 = arith.constant 10 : i32
        %eq3A_333 = arith.constant 0 : i32
        %eq3A_334 = arith.cmpi eq, %jit3A_332, %eq3A_333 : i32
        %jit3A_335 = arith.constant 1 : i32
        %select_n3A_336 = arith.select %eq3A_334, %jit3A_335, %jit3A_332 : i32
        %rem3A_337 = arith.remsi %add3A_331, %select_n3A_336 : i32
        %ne3A_338 = arith.constant 0 : i32
        %ne3A_339 = arith.cmpi ne, %rem3A_337, %ne3A_338 : i32
        %lt3A_340 = arith.constant 0 : i32
        %lt3A_341 = arith.cmpi slt, %rem3A_337, %lt3A_340 : i32
        %lt3A_342 = arith.constant 0 : i32
        %lt3A_343 = arith.cmpi slt, %select_n3A_336, %lt3A_342 : i32
        %ne3A_344 = arith.xori %lt3A_341, %lt3A_343 : i1
        %and3A_345 = arith.andi %ne3A_344, %ne3A_339 : i1
        %add3A_346 = arith.addi %rem3A_337, %select_n3A_336 : i32
        %select_n3A_347 = arith.select %and3A_345, %add3A_346, %rem3A_337 : i32
        %dma_start3A_348 = arith.constant 0 : i32
        %dma_start3A_349 = arith.constant 0 : i32
        %dma_start3A_350 = tpu.memref_slice %arg9[%select_n3A_250, %dma_start3A_348, %dma_start3A_349] : memref<3x100x128xf32, #tpu.memory_space<vmem>> -> memref<1x100x128xf32, #tpu.memory_space<vmem>>
        %dma_start3A_351 = tpu.memref_squeeze %dma_start3A_350 : memref<1x100x128xf32, #tpu.memory_space<vmem>> -> memref<100x128xf32, #tpu.memory_space<vmem>>
        %dma_start3A_352 = arith.constant 0 : i32
        %dma_start3A_353 = tpu.memref_slice %arg7[%select_n3A_329, %select_n3A_347, %dma_start3A_352] : memref<2x10x100xi32, #tpu.memory_space<vmem>> -> memref<1x1x100xi32, #tpu.memory_space<vmem>>
        %dma_start3A_354 = tpu.memref_squeeze %dma_start3A_353 : memref<1x1x100xi32, #tpu.memory_space<vmem>> -> memref<100xi32, #tpu.memory_space<vmem>>
        %dma_start3A_355 = arith.constant 0 : i32
        %dma_start3A_356 = arith.constant 0 : i32
        %dma_start3A_357 = tpu.memref_slice %arg2[%dma_start3A_355, %dma_start3A_356] : memref<10000x128xf32, #tpu.memory_space<hbm>> -> memref<10000x128xf32, #tpu.memory_space<hbm>>
        %dma_start3A_358 = tpu.memref_slice %arg11[%select_n3A_250] : memref<3x!tpu.dma_semaphore, #tpu.memory_space<semaphore_mem>> -> memref<1x!tpu.dma_semaphore, #tpu.memory_space<semaphore_mem>>
        %dma_start3A_359 = tpu.memref_squeeze %dma_start3A_358 : memref<1x!tpu.dma_semaphore, #tpu.memory_space<semaphore_mem>> -> memref<!tpu.dma_semaphore, #tpu.memory_space<semaphore_mem>>
        tpu.enqueue_indirect_dma source(%dma_start3A_357 : memref<10000x128xf32, #tpu.memory_space<hbm>>) target(%dma_start3A_351 : memref<100x128xf32, #tpu.memory_space<vmem>>) offsets(%dma_start3A_354 : memref<100xi32, #tpu.memory_space<vmem>>) semaphore(%dma_start3A_359 : memref<!tpu.dma_semaphore, #tpu.memory_space<semaphore_mem>>)
      } else {
      }
      %dma_wait3A_258 = arith.constant 0 : i32
      %dma_wait3A_259 = arith.constant 0 : i32
      %dma_wait3A_260 = arith.constant 0 : i32
      %dma_wait3A_261 = arith.constant 0 : i32
      %dma_wait3A_262 = tpu.memref_slice %arg9[%select_n3A_193, %dma_wait3A_260, %dma_wait3A_261] : memref<3x100x128xf32, #tpu.memory_space<vmem>> -> memref<1x100x128xf32, #tpu.memory_space<vmem>>
      %dma_wait3A_263 = tpu.memref_squeeze %dma_wait3A_262 : memref<1x100x128xf32, #tpu.memory_space<vmem>> -> memref<100x128xf32, #tpu.memory_space<vmem>>
      %dma_wait3A_264 = arith.constant 0 : i32
      %dma_wait3A_265 = tpu.memref_slice %arg7[%dma_wait3A_258, %dma_wait3A_259, %dma_wait3A_264] : memref<2x10x100xi32, #tpu.memory_space<vmem>> -> memref<1x1x100xi32, #tpu.memory_space<vmem>>
      %dma_wait3A_266 = tpu.memref_squeeze %dma_wait3A_265 : memref<1x1x100xi32, #tpu.memory_space<vmem>> -> memref<100xi32, #tpu.memory_space<vmem>>
      %dma_wait3A_267 = arith.constant 0 : i32
      %dma_wait3A_268 = arith.constant 0 : i32
      %dma_wait3A_269 = tpu.memref_slice %arg2[%dma_wait3A_267, %dma_wait3A_268] : memref<10000x128xf32, #tpu.memory_space<hbm>> -> memref<10000x128xf32, #tpu.memory_space<hbm>>
      %dma_wait3A_270 = tpu.memref_slice %arg11[%select_n3A_193] : memref<3x!tpu.dma_semaphore, #tpu.memory_space<semaphore_mem>> -> memref<1x!tpu.dma_semaphore, #tpu.memory_space<semaphore_mem>>
      %dma_wait3A_271 = tpu.memref_squeeze %dma_wait3A_270 : memref<1x!tpu.dma_semaphore, #tpu.memory_space<semaphore_mem>> -> memref<!tpu.dma_semaphore, #tpu.memory_space<semaphore_mem>>
      tpu.wait_indirect_dma semaphore(%dma_wait3A_271 : memref<!tpu.dma_semaphore, #tpu.memory_space<semaphore_mem>>) src(%dma_wait3A_269 : memref<10000x128xf32, #tpu.memory_space<hbm>>) dst(%dma_wait3A_263 : memref<100x128xf32, #tpu.memory_space<vmem>>)
      %dma_start3A_272 = arith.constant 0 : i32
      %dma_start3A_273 = arith.constant 0 : i32
      %dma_start3A_274 = tpu.memref_slice %arg9[%select_n3A_193, %dma_start3A_272, %dma_start3A_273] : memref<3x100x128xf32, #tpu.memory_space<vmem>> -> memref<1x100x128xf32, #tpu.memory_space<vmem>>
      %dma_start3A_275 = tpu.memref_squeeze %dma_start3A_274 : memref<1x100x128xf32, #tpu.memory_space<vmem>> -> memref<100x128xf32, #tpu.memory_space<vmem>>
      %dma_start3A_276 = arith.constant 0 : i32
      %dma_start3A_277 = tpu.memref_slice %arg8[%select_n3A_209, %select_n3A_177, %dma_start3A_276] : memref<2x10x100xi32, #tpu.memory_space<vmem>> -> memref<1x1x100xi32, #tpu.memory_space<vmem>>
      %dma_start3A_278 = tpu.memref_squeeze %dma_start3A_277 : memref<1x1x100xi32, #tpu.memory_space<vmem>> -> memref<100xi32, #tpu.memory_space<vmem>>
      %dma_start3A_279 = arith.constant 0 : i32
      %dma_start3A_280 = arith.constant 0 : i32
      %dma_start3A_281 = tpu.memref_slice %arg10[%dma_start3A_279, %dma_start3A_280] : memref<10000x128xf32, #tpu.memory_space<vmem_shared>> -> memref<10000x128xf32, #tpu.memory_space<vmem_shared>>
      %dma_start3A_282 = tpu.memref_slice %arg12[%select_n3A_193] : memref<3x!tpu.dma_semaphore, #tpu.memory_space<semaphore_mem>> -> memref<1x!tpu.dma_semaphore, #tpu.memory_space<semaphore_mem>>
      %dma_start3A_283 = tpu.memref_squeeze %dma_start3A_282 : memref<1x!tpu.dma_semaphore, #tpu.memory_space<semaphore_mem>> -> memref<!tpu.dma_semaphore, #tpu.memory_space<semaphore_mem>>
      tpu.enqueue_indirect_dma source(%dma_start3A_275 : memref<100x128xf32, #tpu.memory_space<vmem>>) target(%dma_start3A_281 : memref<10000x128xf32, #tpu.memory_space<vmem_shared>>) offsets(%dma_start3A_278 : memref<100xi32, #tpu.memory_space<vmem>>) semaphore(%dma_start3A_283 : memref<!tpu.dma_semaphore, #tpu.memory_space<semaphore_mem>>) {add = true}
    }
    %scan3A_90 = arith.constant 100 : i32
    %dma_wait3A_91 = arith.constant 1 : i32
    %dma_wait3A_92 = arith.constant 0 : i32
    %dma_wait3A_93 = arith.constant 0 : i32
    %dma_wait3A_94 = arith.constant 1 : i32
    %dma_wait3A_95 = arith.constant 0 : i32
    %dma_wait3A_96 = arith.constant 0 : i32
    %dma_wait3A_97 = tpu.memref_slice %arg9[%dma_wait3A_91, %dma_wait3A_95, %dma_wait3A_96] : memref<3x100x128xf32, #tpu.memory_space<vmem>> -> memref<1x100x128xf32, #tpu.memory_space<vmem>>
    %dma_wait3A_98 = tpu.memref_squeeze %dma_wait3A_97 : memref<1x100x128xf32, #tpu.memory_space<vmem>> -> memref<100x128xf32, #tpu.memory_space<vmem>>
    %dma_wait3A_99 = arith.constant 0 : i32
    %dma_wait3A_100 = tpu.memref_slice %arg8[%dma_wait3A_92, %dma_wait3A_93, %dma_wait3A_99] : memref<2x10x100xi32, #tpu.memory_space<vmem>> -> memref<1x1x100xi32, #tpu.memory_space<vmem>>
    %dma_wait3A_101 = tpu.memref_squeeze %dma_wait3A_100 : memref<1x1x100xi32, #tpu.memory_space<vmem>> -> memref<100xi32, #tpu.memory_space<vmem>>
    %dma_wait3A_102 = arith.constant 0 : i32
    %dma_wait3A_103 = arith.constant 0 : i32
    %dma_wait3A_104 = tpu.memref_slice %arg10[%dma_wait3A_102, %dma_wait3A_103] : memref<10000x128xf32, #tpu.memory_space<vmem_shared>> -> memref<10000x128xf32, #tpu.memory_space<vmem_shared>>
    %dma_wait3A_105 = tpu.memref_slice %arg12[%dma_wait3A_94] : memref<3x!tpu.dma_semaphore, #tpu.memory_space<semaphore_mem>> -> memref<1x!tpu.dma_semaphore, #tpu.memory_space<semaphore_mem>>
    %dma_wait3A_106 = tpu.memref_squeeze %dma_wait3A_105 : memref<1x!tpu.dma_semaphore, #tpu.memory_space<semaphore_mem>> -> memref<!tpu.dma_semaphore, #tpu.memory_space<semaphore_mem>>
    tpu.wait_indirect_dma semaphore(%dma_wait3A_106 : memref<!tpu.dma_semaphore, #tpu.memory_space<semaphore_mem>>) src(%dma_wait3A_98 : memref<100x128xf32, #tpu.memory_space<vmem>>) dst(%dma_wait3A_104 : memref<10000x128xf32, #tpu.memory_space<vmem_shared>>)
    %dma_wait3A_107 = arith.constant 2 : i32
    %dma_wait3A_108 = arith.constant 0 : i32
    %dma_wait3A_109 = arith.constant 0 : i32
    %dma_wait3A_110 = arith.constant 2 : i32
    %dma_wait3A_111 = arith.constant 0 : i32
    %dma_wait3A_112 = arith.constant 0 : i32
    %dma_wait3A_113 = tpu.memref_slice %arg9[%dma_wait3A_107, %dma_wait3A_111, %dma_wait3A_112] : memref<3x100x128xf32, #tpu.memory_space<vmem>> -> memref<1x100x128xf32, #tpu.memory_space<vmem>>
    %dma_wait3A_114 = tpu.memref_squeeze %dma_wait3A_113 : memref<1x100x128xf32, #tpu.memory_space<vmem>> -> memref<100x128xf32, #tpu.memory_space<vmem>>
    %dma_wait3A_115 = arith.constant 0 : i32
    %dma_wait3A_116 = tpu.memref_slice %arg8[%dma_wait3A_108, %dma_wait3A_109, %dma_wait3A_115] : memref<2x10x100xi32, #tpu.memory_space<vmem>> -> memref<1x1x100xi32, #tpu.memory_space<vmem>>
    %dma_wait3A_117 = tpu.memref_squeeze %dma_wait3A_116 : memref<1x1x100xi32, #tpu.memory_space<vmem>> -> memref<100xi32, #tpu.memory_space<vmem>>
    %dma_wait3A_118 = arith.constant 0 : i32
    %dma_wait3A_119 = arith.constant 0 : i32
    %dma_wait3A_120 = tpu.memref_slice %arg10[%dma_wait3A_118, %dma_wait3A_119] : memref<10000x128xf32, #tpu.memory_space<vmem_shared>> -> memref<10000x128xf32, #tpu.memory_space<vmem_shared>>
    %dma_wait3A_121 = tpu.memref_slice %arg12[%dma_wait3A_110] : memref<3x!tpu.dma_semaphore, #tpu.memory_space<semaphore_mem>> -> memref<1x!tpu.dma_semaphore, #tpu.memory_space<semaphore_mem>>
    %dma_wait3A_122 = tpu.memref_squeeze %dma_wait3A_121 : memref<1x!tpu.dma_semaphore, #tpu.memory_space<semaphore_mem>> -> memref<!tpu.dma_semaphore, #tpu.memory_space<semaphore_mem>>
    tpu.wait_indirect_dma semaphore(%dma_wait3A_122 : memref<!tpu.dma_semaphore, #tpu.memory_space<semaphore_mem>>) src(%dma_wait3A_114 : memref<100x128xf32, #tpu.memory_space<vmem>>) dst(%dma_wait3A_120 : memref<10000x128xf32, #tpu.memory_space<vmem_shared>>)
    %dma_wait3A_123 = arith.constant 0 : i32
    %dma_wait3A_124 = arith.constant 0 : i32
    %dma_wait3A_125 = arith.constant 0 : i32
    %dma_wait3A_126 = arith.constant 0 : i32
    %dma_wait3A_127 = arith.constant 0 : i32
    %dma_wait3A_128 = arith.constant 0 : i32
    %dma_wait3A_129 = tpu.memref_slice %arg9[%dma_wait3A_123, %dma_wait3A_127, %dma_wait3A_128] : memref<3x100x128xf32, #tpu.memory_space<vmem>> -> memref<1x100x128xf32, #tpu.memory_space<vmem>>
    %dma_wait3A_130 = tpu.memref_squeeze %dma_wait3A_129 : memref<1x100x128xf32, #tpu.memory_space<vmem>> -> memref<100x128xf32, #tpu.memory_space<vmem>>
    %dma_wait3A_131 = arith.constant 0 : i32
    %dma_wait3A_132 = tpu.memref_slice %arg8[%dma_wait3A_124, %dma_wait3A_125, %dma_wait3A_131] : memref<2x10x100xi32, #tpu.memory_space<vmem>> -> memref<1x1x100xi32, #tpu.memory_space<vmem>>
    %dma_wait3A_133 = tpu.memref_squeeze %dma_wait3A_132 : memref<1x1x100xi32, #tpu.memory_space<vmem>> -> memref<100xi32, #tpu.memory_space<vmem>>
    %dma_wait3A_134 = arith.constant 0 : i32
    %dma_wait3A_135 = arith.constant 0 : i32
    %dma_wait3A_136 = tpu.memref_slice %arg10[%dma_wait3A_134, %dma_wait3A_135] : memref<10000x128xf32, #tpu.memory_space<vmem_shared>> -> memref<10000x128xf32, #tpu.memory_space<vmem_shared>>
    %dma_wait3A_137 = tpu.memref_slice %arg12[%dma_wait3A_126] : memref<3x!tpu.dma_semaphore, #tpu.memory_space<semaphore_mem>> -> memref<1x!tpu.dma_semaphore, #tpu.memory_space<semaphore_mem>>
    %dma_wait3A_138 = tpu.memref_squeeze %dma_wait3A_137 : memref<1x!tpu.dma_semaphore, #tpu.memory_space<semaphore_mem>> -> memref<!tpu.dma_semaphore, #tpu.memory_space<semaphore_mem>>
    tpu.wait_indirect_dma semaphore(%dma_wait3A_138 : memref<!tpu.dma_semaphore, #tpu.memory_space<semaphore_mem>>) src(%dma_wait3A_130 : memref<100x128xf32, #tpu.memory_space<vmem>>) dst(%dma_wait3A_136 : memref<10000x128xf32, #tpu.memory_space<vmem_shared>>)
    %barrier3A_139 = arith.constant 0 : index
    tpu.barrier barrier_id(%barrier3A_139)
    "tpu.region"() ({
      %run_scoped3A = tpu.sem_alloc : memref<!tpu.dma_semaphore, #tpu.memory_space<semaphore_mem>>
      %dma_start3A_145 = arith.constant 0 : i32
      %dma_start3A_146 = tpu.memref_slice %arg6[%arg0, %mul3A_43, %dma_start3A_145] : memref<2x10000x128xf32, #tpu.memory_space<hbm>> -> memref<1x624x128xf32, #tpu.memory_space<hbm>>
      %dma_start3A_147 = tpu.memref_squeeze %dma_start3A_146 : memref<1x624x128xf32, #tpu.memory_space<hbm>> -> memref<624x128xf32, #tpu.memory_space<hbm>>
      %dma_start3A_148 = arith.constant 0 : i32
      %dma_start3A_149 = tpu.memref_slice %arg10[%mul3A_43, %dma_start3A_148] : memref<10000x128xf32, #tpu.memory_space<vmem_shared>> -> memref<624x128xf32, #tpu.memory_space<vmem_shared>>
      tpu.enqueue_dma source(%dma_start3A_149 : memref<624x128xf32, #tpu.memory_space<vmem_shared>>) target(%dma_start3A_147 : memref<624x128xf32, #tpu.memory_space<hbm>>) target_semaphore(%run_scoped3A : memref<!tpu.dma_semaphore, #tpu.memory_space<semaphore_mem>>)
      %dma_wait3A_150 = arith.constant 0 : i32
      %dma_wait3A_151 = tpu.memref_slice %arg6[%arg0, %mul3A_43, %dma_wait3A_150] : memref<2x10000x128xf32, #tpu.memory_space<hbm>> -> memref<1x624x128xf32, #tpu.memory_space<hbm>>
      %dma_wait3A_152 = tpu.memref_squeeze %dma_wait3A_151 : memref<1x624x128xf32, #tpu.memory_space<hbm>> -> memref<624x128xf32, #tpu.memory_space<hbm>>
      %dma_wait3A_153 = arith.constant 0 : i32
      %dma_wait3A_154 = tpu.memref_slice %arg10[%mul3A_43, %dma_wait3A_153] : memref<10000x128xf32, #tpu.memory_space<vmem_shared>> -> memref<624x128xf32, #tpu.memory_space<vmem_shared>>
      tpu.wait_dma2 semaphore(%run_scoped3A : memref<!tpu.dma_semaphore, #tpu.memory_space<semaphore_mem>>) src(%dma_wait3A_154 : memref<624x128xf32, #tpu.memory_space<vmem_shared>>) dst(%dma_wait3A_152 : memref<624x128xf32, #tpu.memory_space<hbm>>)
      tpu.yield
    }) : () -> ()
    %eq3A_140 = arith.constant 15 : i32
    %eq3A_141 = arith.cmpi eq, %arg1, %eq3A_140 : i32
    %convert_element_type3A_142 = arith.extui %eq3A_141 : i1 to i32
    %cond3A_143 = arith.constant 0 : i32
    %cond3A_144 = arith.cmpi ne, %convert_element_type3A_142, %cond3A_143 : i32
    scf.if %cond3A_144 {
      "tpu.region"() ({
        %run_scoped3A = tpu.sem_alloc : memref<!tpu.dma_semaphore, #tpu.memory_space<semaphore_mem>>
        %dma_start3A_145 = arith.constant 9984 : i32
        %dma_start3A_146 = arith.constant 0 : i32
        %dma_start3A_147 = tpu.memref_slice %arg6[%arg0, %dma_start3A_145, %dma_start3A_146] : memref<2x10000x128xf32, #tpu.memory_space<hbm>> -> memref<1x16x128xf32, #tpu.memory_space<hbm>>
        %dma_start3A_148 = tpu.memref_squeeze %dma_start3A_147 : memref<1x16x128xf32, #tpu.memory_space<hbm>> -> memref<16x128xf32, #tpu.memory_space<hbm>>
        %dma_start3A_149 = arith.constant 9984 : i32
        %dma_start3A_150 = arith.constant 0 : i32
        %dma_start3A_151 = tpu.memref_slice %arg10[%dma_start3A_149, %dma_start3A_150] : memref<10000x128xf32, #tpu.memory_space<vmem_shared>> -> memref<16x128xf32, #tpu.memory_space<vmem_shared>>
        tpu.enqueue_dma source(%dma_start3A_151 : memref<16x128xf32, #tpu.memory_space<vmem_shared>>) target(%dma_start3A_148 : memref<16x128xf32, #tpu.memory_space<hbm>>) target_semaphore(%run_scoped3A : memref<!tpu.dma_semaphore, #tpu.memory_space<semaphore_mem>>)
        %dma_wait3A_152 = arith.constant 9984 : i32
        %dma_wait3A_153 = arith.constant 0 : i32
        %dma_wait3A_154 = tpu.memref_slice %arg6[%arg0, %dma_wait3A_152, %dma_wait3A_153] : memref<2x10000x128xf32, #tpu.memory_space<hbm>> -> memref<1x16x128xf32, #tpu.memory_space<hbm>>
        %dma_wait3A_155 = tpu.memref_squeeze %dma_wait3A_154 : memref<1x16x128xf32, #tpu.memory_space<hbm>> -> memref<16x128xf32, #tpu.memory_space<hbm>>
        %dma_wait3A_156 = arith.constant 9984 : i32
        %dma_wait3A_157 = arith.constant 0 : i32
        %dma_wait3A_158 = tpu.memref_slice %arg10[%dma_wait3A_156, %dma_wait3A_157] : memref<10000x128xf32, #tpu.memory_space<vmem_shared>> -> memref<16x128xf32, #tpu.memory_space<vmem_shared>>
        tpu.wait_dma2 semaphore(%run_scoped3A : memref<!tpu.dma_semaphore, #tpu.memory_space<semaphore_mem>>) src(%dma_wait3A_158 : memref<16x128xf32, #tpu.memory_space<vmem_shared>>) dst(%dma_wait3A_155 : memref<16x128xf32, #tpu.memory_space<hbm>>)
        tpu.yield
      }) : () -> ()
    } else {
    }
    return
  }
}

module attributes {stable_mosaic.version = 14 : i64} {
  func.func @_mlp1_body(%arg0: i32, %arg1: memref<2x2000x128xf32, #tpu.memory_space<vmem>>, %arg2: memref<128x128xf32, #tpu.memory_space<vmem>>, %arg3: memref<1x128xf32, #tpu.memory_space<vmem>>, %arg4: memref<2000x128xf32, #tpu.memory_space<vmem>>, %arg5: memref<8x128xf32, #tpu.memory_space<vmem>>) attributes {dimension_semantics = [#tpu.dimension_semantics<arbitrary>], iteration_bounds = array<i64: 5>, scalar_prefetch = 0 : i64, scratch_operands = 0 : i64, tpu.core_type = #tpu.core_type<tc>, window_params = [{transform_indices = @transform_0, window_bounds = array<i64: 2, 2000, 128>}, {pipeline_mode = #tpu.pipeline_mode<synchronous>, transform_indices = @transform_1, window_bounds = array<i64: 128, 128>}, {pipeline_mode = #tpu.pipeline_mode<synchronous>, transform_indices = @transform_2, window_bounds = array<i64: 1, 128>}, {transform_indices = @transform_3, window_bounds = array<i64: 2000, 128>}, {pipeline_mode = #tpu.pipeline_mode<synchronous>, transform_indices = @transform_4, window_bounds = array<i64: 8, 128>}]} {
    %get3A = arith.constant 0 : index
    %get3A_0 = arith.constant 0 : index
    %get3A_1 = arith.constant 0 : index
    %get3A_2 = vector.load %arg1[%get3A, %get3A_0, %get3A_1] : memref<2x2000x128xf32, #tpu.memory_space<vmem>>, vector<1x2000x128xf32>
    %get3A_3 = vector.shape_cast %get3A_2 : vector<1x2000x128xf32> to vector<2000x128xf32>
    %get3A_4 = arith.constant 1 : index
    %get3A_5 = arith.constant 0 : index
    %get3A_6 = arith.constant 0 : index
    %get3A_7 = vector.load %arg1[%get3A_4, %get3A_5, %get3A_6] : memref<2x2000x128xf32, #tpu.memory_space<vmem>>, vector<1x2000x128xf32>
    %get3A_8 = vector.shape_cast %get3A_7 : vector<1x2000x128xf32> to vector<2000x128xf32>
    %add3A = arith.addf %get3A_3, %get3A_8 : vector<2000x128xf32>
    %get3A_9 = arith.constant 0 : index
    %get3A_10 = arith.constant 0 : index
    %get3A_11 = vector.load %arg2[%get3A_9, %get3A_10] : memref<128x128xf32, #tpu.memory_space<vmem>>, vector<128x128xf32>
    %dot_general3A = arith.constant dense<0.000000e+00> : vector<2000x128xf32>
    %dot_general3A_12 = tpu.matmul %add3A, %get3A_11, %dot_general3A {dimension_numbers = #tpu.dot_dimension_numbers<[1], [0], [0], [1], [0, 0, 1, 1], [], []>, transpose_lhs_hint = false} : vector<2000x128xf32>, vector<128x128xf32>, vector<2000x128xf32> -> vector<2000x128xf32>
    %get3A_13 = arith.constant 0 : index
    %get3A_14 = arith.constant 0 : index
    %get3A_15 = vector.load %arg3[%get3A_13, %get3A_14] : memref<1x128xf32, #tpu.memory_space<vmem>>, vector<1x128xf32>
    %add3A_16 = vector.broadcast %get3A_15 : vector<1x128xf32> to vector<2000x128xf32>
    %add3A_17 = arith.addf %dot_general3A_12, %add3A_16 : vector<2000x128xf32>
    %swap3A = arith.constant 0 : index
    %swap3A_18 = arith.constant 0 : index
    %swap3A_19 = vector.load %arg4[%swap3A, %swap3A_18] : memref<2000x128xf32, #tpu.memory_space<vmem>>, vector<2000x128xf32>
    tpu.vector_store %arg4[%swap3A, %swap3A_18], %add3A_17 {strides = array<i32>} : memref<2000x128xf32, #tpu.memory_space<vmem>>, vector<2000x128xf32>,
    %reduce_sum3A = arith.constant dense<0.000000e+00> : vector<128xf32>
    %reduce_sum3A_20 = vector.multi_reduction <add>, %add3A_17, %reduce_sum3A [0] : vector<2000x128xf32> to vector<128xf32>
    %broadcast_in_dim3A = vector.shape_cast %reduce_sum3A_20 : vector<128xf32> to vector<1x128xf32>
    %mul3A = arith.mulf %add3A_17, %add3A_17 : vector<2000x128xf32>
    %reduce_sum3A_21 = arith.constant dense<0.000000e+00> : vector<128xf32>
    %reduce_sum3A_22 = vector.multi_reduction <add>, %mul3A, %reduce_sum3A_21 [0] : vector<2000x128xf32> to vector<128xf32>
    %broadcast_in_dim3A_23 = vector.shape_cast %reduce_sum3A_22 : vector<128xf32> to vector<1x128xf32>
    %broadcast_in_dim3A_24 = arith.constant 0.000000e+00 : f32
    %broadcast_in_dim3A_25 = vector.broadcast %broadcast_in_dim3A_24 : f32 to vector<6x128xf32>
    %concatenate3A = tpu.concatenate %broadcast_in_dim3A, %broadcast_in_dim3A_23, %broadcast_in_dim3A_25 in 0 : vector<1x128xf32>, vector<1x128xf32>, vector<6x128xf32> -> vector<8x128xf32>
    %eq3A = arith.constant 0 : i32
    %eq3A_26 = arith.cmpi eq, %arg0, %eq3A : i32
    %convert_element_type3A = arith.extui %eq3A_26 : i1 to i32
    %cond3A = arith.constant 0 : i32
    %cond3A_27 = arith.cmpi ne, %convert_element_type3A, %cond3A : i32
    scf.if %cond3A_27 {
      %broadcast_in_dim3A_35 = arith.constant 0.000000e+00 : f32
      %broadcast_in_dim3A_36 = vector.broadcast %broadcast_in_dim3A_35 : f32 to vector<8x128xf32>
      %swap3A_37 = arith.constant 0 : index
      %swap3A_38 = arith.constant 0 : index
      %swap3A_39 = vector.load %arg5[%swap3A_37, %swap3A_38] : memref<8x128xf32, #tpu.memory_space<vmem>>, vector<8x128xf32>
      tpu.vector_store %arg5[%swap3A_37, %swap3A_38], %broadcast_in_dim3A_36 {strides = array<i32>} : memref<8x128xf32, #tpu.memory_space<vmem>>, vector<8x128xf32>,
    } else {
    }
    %get3A_28 = arith.constant 0 : index
    %get3A_29 = arith.constant 0 : index
    %get3A_30 = vector.load %arg5[%get3A_28, %get3A_29] : memref<8x128xf32, #tpu.memory_space<vmem>>, vector<8x128xf32>
    %add3A_31 = arith.addf %get3A_30, %concatenate3A : vector<8x128xf32>
    %swap3A_32 = arith.constant 0 : index
    %swap3A_33 = arith.constant 0 : index
    %swap3A_34 = vector.load %arg5[%swap3A_32, %swap3A_33] : memref<8x128xf32, #tpu.memory_space<vmem>>, vector<8x128xf32>
    tpu.vector_store %arg5[%swap3A_32, %swap3A_33], %add3A_31 {strides = array<i32>} : memref<8x128xf32, #tpu.memory_space<vmem>>, vector<8x128xf32>,
    return
  }
  func.func @transform_0(%arg0: i32) -> (i32, i32, i32) {
    %c0_i32 = arith.constant 0 : i32
    %c0_i32_0 = arith.constant 0 : i32
    %c0_i32_1 = arith.constant 0 : i32
    return %c0_i32, %arg0, %c0_i32_0 : i32, i32, i32
  }
  func.func @transform_1(%arg0: i32) -> (i32, i32) {
    %c0_i32 = arith.constant 0 : i32
    %c0_i32_0 = arith.constant 0 : i32
    %c0_i32_1 = arith.constant 0 : i32
    return %c0_i32, %c0_i32_0 : i32, i32
  }
  func.func @transform_2(%arg0: i32) -> (i32, i32) {
    %c0_i32 = arith.constant 0 : i32
    %c0_i32_0 = arith.constant 0 : i32
    %c0_i32_1 = arith.constant 0 : i32
    return %c0_i32, %c0_i32_0 : i32, i32
  }
  func.func @transform_3(%arg0: i32) -> (i32, i32) {
    %c0_i32 = arith.constant 0 : i32
    %c0_i32_0 = arith.constant 0 : i32
    return %arg0, %c0_i32 : i32, i32
  }
  func.func @transform_4(%arg0: i32) -> (i32, i32) {
    %c0_i32 = arith.constant 0 : i32
    %c0_i32_0 = arith.constant 0 : i32
    %c0_i32_1 = arith.constant 0 : i32
    return %c0_i32, %c0_i32_0 : i32, i32
  }
}

module attributes {stable_mosaic.version = 14 : i64} {
  func.func @_mlp2_body(%arg0: i32, %arg1: memref<2000x128xf32, #tpu.memory_space<vmem>>, %arg2: memref<1x128xf32, #tpu.memory_space<vmem>>, %arg3: memref<1x128xf32, #tpu.memory_space<vmem>>, %arg4: memref<128x128xf32, #tpu.memory_space<vmem>>, %arg5: memref<1x128xf32, #tpu.memory_space<vmem>>, %arg6: memref<2000x128xf32, #tpu.memory_space<vmem>>) attributes {dimension_semantics = [#tpu.dimension_semantics<arbitrary>], iteration_bounds = array<i64: 5>, scalar_prefetch = 0 : i64, scratch_operands = 0 : i64, tpu.core_type = #tpu.core_type<tc>, window_params = [{transform_indices = @transform_0, window_bounds = array<i64: 2000, 128>}, {pipeline_mode = #tpu.pipeline_mode<synchronous>, transform_indices = @transform_1, window_bounds = array<i64: 1, 128>}, {pipeline_mode = #tpu.pipeline_mode<synchronous>, transform_indices = @transform_2, window_bounds = array<i64: 1, 128>}, {pipeline_mode = #tpu.pipeline_mode<synchronous>, transform_indices = @transform_3, window_bounds = array<i64: 128, 128>}, {pipeline_mode = #tpu.pipeline_mode<synchronous>, transform_indices = @transform_4, window_bounds = array<i64: 1, 128>}, {transform_indices = @transform_5, window_bounds = array<i64: 2000, 128>}]} {
    %get3A = arith.constant 0 : index
    %get3A_0 = arith.constant 0 : index
    %get3A_1 = vector.load %arg1[%get3A, %get3A_0] : memref<2000x128xf32, #tpu.memory_space<vmem>>, vector<2000x128xf32>
    %get3A_2 = arith.constant 0 : index
    %get3A_3 = arith.constant 0 : index
    %get3A_4 = vector.load %arg2[%get3A_2, %get3A_3] : memref<1x128xf32, #tpu.memory_space<vmem>>, vector<1x128xf32>
    %mul3A = vector.broadcast %get3A_4 : vector<1x128xf32> to vector<2000x128xf32>
    %mul3A_5 = arith.mulf %get3A_1, %mul3A : vector<2000x128xf32>
    %get3A_6 = arith.constant 0 : index
    %get3A_7 = arith.constant 0 : index
    %get3A_8 = vector.load %arg3[%get3A_6, %get3A_7] : memref<1x128xf32, #tpu.memory_space<vmem>>, vector<1x128xf32>
    %add3A = vector.broadcast %get3A_8 : vector<1x128xf32> to vector<2000x128xf32>
    %add3A_9 = arith.addf %mul3A_5, %add3A : vector<2000x128xf32>
    %max3A = arith.constant 0.000000e+00 : f32
    %max3A_10 = vector.broadcast %max3A : f32 to vector<2000x128xf32>
    %max3A_11 = arith.maximumf %add3A_9, %max3A_10 : vector<2000x128xf32>
    %get3A_12 = arith.constant 0 : index
    %get3A_13 = arith.constant 0 : index
    %get3A_14 = vector.load %arg4[%get3A_12, %get3A_13] : memref<128x128xf32, #tpu.memory_space<vmem>>, vector<128x128xf32>
    %dot_general3A = arith.constant dense<0.000000e+00> : vector<2000x128xf32>
    %dot_general3A_15 = tpu.matmul %max3A_11, %get3A_14, %dot_general3A {dimension_numbers = #tpu.dot_dimension_numbers<[1], [0], [0], [1], [0, 0, 1, 1], [], []>, transpose_lhs_hint = false} : vector<2000x128xf32>, vector<128x128xf32>, vector<2000x128xf32> -> vector<2000x128xf32>
    %get3A_16 = arith.constant 0 : index
    %get3A_17 = arith.constant 0 : index
    %get3A_18 = vector.load %arg5[%get3A_16, %get3A_17] : memref<1x128xf32, #tpu.memory_space<vmem>>, vector<1x128xf32>
    %add3A_19 = vector.broadcast %get3A_18 : vector<1x128xf32> to vector<2000x128xf32>
    %add3A_20 = arith.addf %dot_general3A_15, %add3A_19 : vector<2000x128xf32>
    %max3A_21 = arith.constant 0.000000e+00 : f32
    %max3A_22 = vector.broadcast %max3A_21 : f32 to vector<2000x128xf32>
    %max3A_23 = arith.maximumf %add3A_20, %max3A_22 : vector<2000x128xf32>
    %swap3A = arith.constant 0 : index
    %swap3A_24 = arith.constant 0 : index
    %swap3A_25 = vector.load %arg6[%swap3A, %swap3A_24] : memref<2000x128xf32, #tpu.memory_space<vmem>>, vector<2000x128xf32>
    tpu.vector_store %arg6[%swap3A, %swap3A_24], %max3A_23 {strides = array<i32>} : memref<2000x128xf32, #tpu.memory_space<vmem>>, vector<2000x128xf32>,
    return
  }
  func.func @transform_0(%arg0: i32) -> (i32, i32) {
    %c0_i32 = arith.constant 0 : i32
    %c0_i32_0 = arith.constant 0 : i32
    return %arg0, %c0_i32 : i32, i32
  }
  func.func @transform_1(%arg0: i32) -> (i32, i32) {
    %c0_i32 = arith.constant 0 : i32
    %c0_i32_0 = arith.constant 0 : i32
    %c0_i32_1 = arith.constant 0 : i32
    return %c0_i32, %c0_i32_0 : i32, i32
  }
  func.func @transform_2(%arg0: i32) -> (i32, i32) {
    %c0_i32 = arith.constant 0 : i32
    %c0_i32_0 = arith.constant 0 : i32
    %c0_i32_1 = arith.constant 0 : i32
    return %c0_i32, %c0_i32_0 : i32, i32
  }
  func.func @transform_3(%arg0: i32) -> (i32, i32) {
    %c0_i32 = arith.constant 0 : i32
    %c0_i32_0 = arith.constant 0 : i32
    %c0_i32_1 = arith.constant 0 : i32
    return %c0_i32, %c0_i32_0 : i32, i32
  }
  func.func @transform_4(%arg0: i32) -> (i32, i32) {
    %c0_i32 = arith.constant 0 : i32
    %c0_i32_0 = arith.constant 0 : i32
    %c0_i32_1 = arith.constant 0 : i32
    return %c0_i32, %c0_i32_0 : i32, i32
  }
  func.func @transform_5(%arg0: i32) -> (i32, i32) {
    %c0_i32 = arith.constant 0 : i32
    %c0_i32_0 = arith.constant 0 : i32
    return %arg0, %c0_i32 : i32, i32
  }
}

module attributes {stable_mosaic.version = 14 : i64} {
  func.func @_pool_head_body(%arg0: i32, %arg1: memref<2000x128xf32, #tpu.memory_space<vmem>>, %arg2: memref<1x1x2000xi32, #tpu.memory_space<vmem>>, %arg3: memref<128x128xf32, #tpu.memory_space<vmem>>, %arg4: memref<1x128xf32, #tpu.memory_space<vmem>>, %arg5: memref<128x128xf32, #tpu.memory_space<vmem>>, %arg6: memref<1x128xf32, #tpu.memory_space<vmem>>, %arg7: memref<64x128xf32, #tpu.memory_space<vmem>>, %arg8: memref<64x128xf32, #tpu.memory_space<vmem>>) attributes {dimension_semantics = [#tpu.dimension_semantics<arbitrary>], iteration_bounds = array<i64: 5>, scalar_prefetch = 0 : i64, scratch_operands = 1 : i64, tpu.core_type = #tpu.core_type<tc>, window_params = [{transform_indices = @transform_0, window_bounds = array<i64: 2000, 128>}, {transform_indices = @transform_1, window_bounds = array<i64: 1, 1, 2000>}, {pipeline_mode = #tpu.pipeline_mode<synchronous>, transform_indices = @transform_2, window_bounds = array<i64: 128, 128>}, {pipeline_mode = #tpu.pipeline_mode<synchronous>, transform_indices = @transform_3, window_bounds = array<i64: 1, 128>}, {pipeline_mode = #tpu.pipeline_mode<synchronous>, transform_indices = @transform_4, window_bounds = array<i64: 128, 128>}, {pipeline_mode = #tpu.pipeline_mode<synchronous>, transform_indices = @transform_5, window_bounds = array<i64: 1, 128>}, {pipeline_mode = #tpu.pipeline_mode<synchronous>, transform_indices = @transform_6, window_bounds = array<i64: 64, 128>}]} {
    %eq3A = arith.constant 0 : i32
    %eq3A_0 = arith.cmpi eq, %arg0, %eq3A : i32
    %convert_element_type3A = arith.extui %eq3A_0 : i1 to i32
    %cond3A = arith.constant 0 : i32
    %cond3A_1 = arith.cmpi ne, %convert_element_type3A, %cond3A : i32
    scf.if %cond3A_1 {
      %broadcast_in_dim3A_24 = arith.constant 0.000000e+00 : f32
      %broadcast_in_dim3A_25 = vector.broadcast %broadcast_in_dim3A_24 : f32 to vector<64x128xf32>
      %swap3A_26 = arith.constant 0 : index
      %swap3A_27 = arith.constant 0 : index
      %swap3A_28 = vector.load %arg8[%swap3A_26, %swap3A_27] : memref<64x128xf32, #tpu.memory_space<vmem>>, vector<64x128xf32>
      tpu.vector_store %arg8[%swap3A_26, %swap3A_27], %broadcast_in_dim3A_25 {strides = array<i32>} : memref<64x128xf32, #tpu.memory_space<vmem>>, vector<64x128xf32>,
    } else {
    }
    %get3A = arith.constant 0 : index
    %get3A_2 = arith.constant 0 : index
    %get3A_3 = arith.constant 0 : index
    %get3A_4 = vector.load %arg2[%get3A, %get3A_2, %get3A_3] : memref<1x1x2000xi32, #tpu.memory_space<vmem>>, vector<1x1x2000xi32>
    %get3A_5 = vector.shape_cast %get3A_4 : vector<1x1x2000xi32> to vector<2000xi32>
    %iota3A = tpu.iota {dimensions = array<i32: 0>} : vector<64x2000xi32>
    %broadcast_in_dim3A = vector.shape_cast %get3A_5 : vector<2000xi32> to vector<1x2000xi32>
    %eq3A_6 = vector.broadcast %broadcast_in_dim3A : vector<1x2000xi32> to vector<64x2000xi32>
    %eq3A_7 = arith.cmpi eq, %iota3A, %eq3A_6 : vector<64x2000xi32>
    %convert_element_type3A_8 = arith.extui %eq3A_7 : vector<64x2000xi1> to vector<64x2000xi32>
    %convert_element_type3A_9 = arith.sitofp %convert_element_type3A_8 : vector<64x2000xi32> to vector<64x2000xf32>
    %get3A_10 = arith.constant 0 : index
    %get3A_11 = arith.constant 0 : index
    %get3A_12 = vector.load %arg8[%get3A_10, %get3A_11] : memref<64x128xf32, #tpu.memory_space<vmem>>, vector<64x128xf32>
    %get3A_13 = arith.constant 0 : index
    %get3A_14 = arith.constant 0 : index
    %get3A_15 = vector.load %arg1[%get3A_13, %get3A_14] : memref<2000x128xf32, #tpu.memory_space<vmem>>, vector<2000x128xf32>
    %dot_general3A = arith.constant dense<0.000000e+00> : vector<64x128xf32>
    %dot_general3A_16 = tpu.matmul %convert_element_type3A_9, %get3A_15, %dot_general3A {dimension_numbers = #tpu.dot_dimension_numbers<[1], [0], [0], [1], [0, 0, 1, 1], [], []>, transpose_lhs_hint = false} : vector<64x2000xf32>, vector<2000x128xf32>, vector<64x128xf32> -> vector<64x128xf32>
    %add3A = arith.addf %get3A_12, %dot_general3A_16 : vector<64x128xf32>
    %swap3A = arith.constant 0 : index
    %swap3A_17 = arith.constant 0 : index
    %swap3A_18 = vector.load %arg8[%swap3A, %swap3A_17] : memref<64x128xf32, #tpu.memory_space<vmem>>, vector<64x128xf32>
    tpu.vector_store %arg8[%swap3A, %swap3A_17], %add3A {strides = array<i32>} : memref<64x128xf32, #tpu.memory_space<vmem>>, vector<64x128xf32>,
    %eq3A_19 = arith.constant 4 : i32
    %eq3A_20 = arith.cmpi eq, %arg0, %eq3A_19 : i32
    %convert_element_type3A_21 = arith.extui %eq3A_20 : i1 to i32
    %cond3A_22 = arith.constant 0 : i32
    %cond3A_23 = arith.cmpi ne, %convert_element_type3A_21, %cond3A_22 : i32
    scf.if %cond3A_23 {
      %get3A_24 = arith.constant 0 : index
      %get3A_25 = arith.constant 0 : index
      %get3A_26 = vector.load %arg8[%get3A_24, %get3A_25] : memref<64x128xf32, #tpu.memory_space<vmem>>, vector<64x128xf32>
      %get3A_27 = arith.constant 0 : index
      %get3A_28 = arith.constant 0 : index
      %get3A_29 = vector.load %arg3[%get3A_27, %get3A_28] : memref<128x128xf32, #tpu.memory_space<vmem>>, vector<128x128xf32>
      %dot_general3A_30 = arith.constant dense<0.000000e+00> : vector<64x128xf32>
      %dot_general3A_31 = tpu.matmul %get3A_26, %get3A_29, %dot_general3A_30 {dimension_numbers = #tpu.dot_dimension_numbers<[1], [0], [0], [1], [0, 0, 1, 1], [], []>, transpose_lhs_hint = false} : vector<64x128xf32>, vector<128x128xf32>, vector<64x128xf32> -> vector<64x128xf32>
      %get3A_32 = arith.constant 0 : index
      %get3A_33 = arith.constant 0 : index
      %get3A_34 = vector.load %arg4[%get3A_32, %get3A_33] : memref<1x128xf32, #tpu.memory_space<vmem>>, vector<1x128xf32>
      %add3A_35 = vector.broadcast %get3A_34 : vector<1x128xf32> to vector<64x128xf32>
      %add3A_36 = arith.addf %dot_general3A_31, %add3A_35 : vector<64x128xf32>
      %max3A = arith.constant 0.000000e+00 : f32
      %max3A_37 = vector.broadcast %max3A : f32 to vector<64x128xf32>
      %max3A_38 = arith.maximumf %add3A_36, %max3A_37 : vector<64x128xf32>
      %get3A_39 = arith.constant 0 : index
      %get3A_40 = arith.constant 0 : index
      %get3A_41 = vector.load %arg5[%get3A_39, %get3A_40] : memref<128x128xf32, #tpu.memory_space<vmem>>, vector<128x128xf32>
      %dot_general3A_42 = arith.constant dense<0.000000e+00> : vector<64x128xf32>
      %dot_general3A_43 = tpu.matmul %max3A_38, %get3A_41, %dot_general3A_42 {dimension_numbers = #tpu.dot_dimension_numbers<[1], [0], [0], [1], [0, 0, 1, 1], [], []>, transpose_lhs_hint = false} : vector<64x128xf32>, vector<128x128xf32>, vector<64x128xf32> -> vector<64x128xf32>
      %get3A_44 = arith.constant 0 : index
      %get3A_45 = arith.constant 0 : index
      %get3A_46 = vector.load %arg6[%get3A_44, %get3A_45] : memref<1x128xf32, #tpu.memory_space<vmem>>, vector<1x128xf32>
      %add3A_47 = vector.broadcast %get3A_46 : vector<1x128xf32> to vector<64x128xf32>
      %add3A_48 = arith.addf %dot_general3A_43, %add3A_47 : vector<64x128xf32>
      %iota3A_49 = tpu.iota {dimensions = array<i32: 1>} : vector<64x128xi32>
      %lt3A = arith.constant 10 : i32
      %lt3A_50 = vector.broadcast %lt3A : i32 to vector<64x128xi32>
      %lt3A_51 = arith.cmpi slt, %iota3A_49, %lt3A_50 : vector<64x128xi32>
      %jit3A = arith.constant 0xFF800000 : f32
      %broadcast_in_dim3A_52 = vector.broadcast %jit3A : f32 to vector<64x128xf32>
      %select_n3A = arith.select %lt3A_51, %add3A_48, %broadcast_in_dim3A_52 : vector<64x128xi1>, vector<64x128xf32>
      %reduce_max3A = arith.constant dense<0xFF800000> : vector<64xf32>
      %reduce_max3A_53 = vector.multi_reduction <maximumf>, %select_n3A, %reduce_max3A [1] : vector<64x128xf32> to vector<64xf32>
      %broadcast_in_dim3A_54 = vector.shape_cast %reduce_max3A_53 : vector<64xf32> to vector<64x1xf32>
      %sub3A = vector.broadcast %broadcast_in_dim3A_54 : vector<64x1xf32> to vector<64x128xf32>
      %sub3A_55 = arith.subf %select_n3A, %sub3A : vector<64x128xf32>
      %exp3A = math.exp %sub3A_55 : vector<64x128xf32>
      %jit3A_56 = arith.constant 0.000000e+00 : f32
      %broadcast_in_dim3A_57 = vector.broadcast %jit3A_56 : f32 to vector<64x128xf32>
      %select_n3A_58 = arith.select %lt3A_51, %exp3A, %broadcast_in_dim3A_57 : vector<64x128xi1>, vector<64x128xf32>
      %reduce_sum3A = arith.constant dense<0.000000e+00> : vector<64xf32>
      %reduce_sum3A_59 = vector.multi_reduction <add>, %select_n3A_58, %reduce_sum3A [1] : vector<64x128xf32> to vector<64xf32>
      %broadcast_in_dim3A_60 = vector.shape_cast %reduce_sum3A_59 : vector<64xf32> to vector<64x1xf32>
      %log3A = math.log %broadcast_in_dim3A_60 : vector<64x1xf32>
      %add3A_61 = arith.addf %log3A, %broadcast_in_dim3A_54 : vector<64x1xf32>
      %sub3A_62 = vector.broadcast %add3A_61 : vector<64x1xf32> to vector<64x128xf32>
      %sub3A_63 = arith.subf %add3A_48, %sub3A_62 : vector<64x128xf32>
      %swap3A_64 = arith.constant 0 : index
      %swap3A_65 = arith.constant 0 : index
      %swap3A_66 = vector.load %arg7[%swap3A_64, %swap3A_65] : memref<64x128xf32, #tpu.memory_space<vmem>>, vector<64x128xf32>
      tpu.vector_store %arg7[%swap3A_64, %swap3A_65], %sub3A_63 {strides = array<i32>} : memref<64x128xf32, #tpu.memory_space<vmem>>, vector<64x128xf32>,
    } else {
    }
    return
  }
  func.func @transform_0(%arg0: i32) -> (i32, i32) {
    %c0_i32 = arith.constant 0 : i32
    %c0_i32_0 = arith.constant 0 : i32
    return %arg0, %c0_i32 : i32, i32
  }
  func.func @transform_1(%arg0: i32) -> (i32, i32, i32) {
    %c0_i32 = arith.constant 0 : i32
    %c0_i32_0 = arith.constant 0 : i32
    %c0_i32_1 = arith.constant 0 : i32
    return %arg0, %c0_i32, %c0_i32_0 : i32, i32, i32
  }
  func.func @transform_2(%arg0: i32) -> (i32, i32) {
    %c0_i32 = arith.constant 0 : i32
    %c0_i32_0 = arith.constant 0 : i32
    %c0_i32_1 = arith.constant 0 : i32
    return %c0_i32, %c0_i32_0 : i32, i32
  }
  func.func @transform_3(%arg0: i32) -> (i32, i32) {
    %c0_i32 = arith.constant 0 : i32
    %c0_i32_0 = arith.constant 0 : i32
    %c0_i32_1 = arith.constant 0 : i32
    return %c0_i32, %c0_i32_0 : i32, i32
  }
  func.func @transform_4(%arg0: i32) -> (i32, i32) {
    %c0_i32 = arith.constant 0 : i32
    %c0_i32_0 = arith.constant 0 : i32
    %c0_i32_1 = arith.constant 0 : i32
    return %c0_i32, %c0_i32_0 : i32, i32
  }
  func.func @transform_5(%arg0: i32) -> (i32, i32) {
    %c0_i32 = arith.constant 0 : i32
    %c0_i32_0 = arith.constant 0 : i32
    %c0_i32_1 = arith.constant 0 : i32
    return %c0_i32, %c0_i32_0 : i32, i32
  }
  func.func @transform_6(%arg0: i32) -> (i32, i32) {
    %c0_i32 = arith.constant 0 : i32
    %c0_i32_0 = arith.constant 0 : i32
    %c0_i32_1 = arith.constant 0 : i32
    return %c0_i32, %c0_i32_0 : i32, i32
  }
}

</mosaic_0001>

<sc_bundles>
// kernel: kernel.18.cloned.1.call-start
scs
__scs_entry_jumppad:
0x0: {  	(pc) =	sbr.rel $0x88, $3  }
0x1: {  	(tag) =	ssettag $0x0;
	lr =	simm.s32 $0x1  }
0x2: {  	[smem:$0x3F7C] =	sst lr;
	_ =	strace $0xD0000000  }
0x3: {  	_ = 	snop  }
0x4: {  	_ = 	snop  }
0x5: {  	_ = 	snop  }
0x6: {  	_ = 	snop  }
0x7: {  	_ = 	snop  }
__scs_overlays_trampoline_lowered:
0x8: {  	[smem:$0x3F8B] =	sst s0  }
0x9: {  	[smem:$0x3F8C] =	sst s1  }
0xa: {  	[smem:$0x3F8D] =	sst s2  }
0xb: {  	[smem:$0x3F8E] =	sst s3  }
0xc: {  	[smem:$0x3F8F] =	sst s4  }
0xd: {  	[smem:$0x3F90] =	sst s5  }
0xe: {  	[smem:$0x3F91] =	sst s6  }
0xf: {  	[smem:$0x3F92] =	sst s7  }
0x10: {  	[smem:$0x3F93] =	sst s8  }
0x11: {  	[smem:$0x3F94] =	sst s9;
	s0 =	simm.s32 @!p0 $0x0  }
0x12: {  	s1 =	sld [smem:$0x3F7A];
	s0 =	simm.s32 @p0 $0x1  }
0x13: {  	[smem:$0x3F95] =	sst s0;
	s0 =	simm.s32 @!p1 $0x0  }
0x14: {  	s2 =	sld [smem:$0x3F79];
	s0 =	simm.s32 @p1 $0x1  }
0x15: {  	[smem:$0x3F96] =	sst s0;
	s0 =	simm.s32 @!p2 $0x0  }
0x16: {  	s3 =	sld [smem:$0x3FDB];
	s0 =	simm.s32 @p2 $0x1  }
0x17: {  	s4 =	simm.s32 $0x1BF5;
	[smem:$0x3F98] =	sst s0  }
0x18: {  	s0 =	sld [smem:$0x3F7B];
	_ =	swait.ge [sflag:s4], $0x0  }
0x19: {  	s7 =	sld [smem:$0x3F7C]  }
0x1a: {  	s8 =	sadd.s32 $0xFFFFE003, lr  }
0x1b: {  	s9 =	sadd.s32 $0xFFFFFEF7, lr;
	s5 =	simm.s32 $0xFFFFFFFF;
	p2 =	slt.u32 s8, $0xFFFFF086  }
0x1c: {  	p1 =	slt.u32 s9, $0xF7A;
	s5 =	simm.s32 @!p2 $0x0  }
0x1d: {  	s5 =	simm.s32 @p1 $0x1;
	p0 =	seq.s32 s7, s2  }
0x1e: {  	s7 =	smul.u32 @!p0 $0xF7A, s2;
	p2 =	seq.s32 @!p0 s5, $0x0  }
0x1f: {  	s9 =	smul.u32 $0xF7A, s1;
	s8 =	simm.s32 @!p0 $0x1BF5;
	p2 =	por !p2, p0  }
0x20: {  	[sflag:s8] =	ssyncset.s32 @!p0 $0xFFFFF086;
	s6 =	sadd.s32 @!p0 s3, s7;
	s7 =	simm.s32 @!p0 $0x108  }
0x21: {  	s3 =	sadd.s32 s3, s9;
	s6 =	sadd.s32 @!p0 $0x88, s6;
	s7 =	simm.s32 @p2 $0x1082  }
0x22: {  	[simem:s7], [sflag:s8] =	dma.local @!p0 [hbm:s6], $0xF7A  }
0x23: {  	s9 =	sor.u32 $0xD0000000, s2;
	s6 =	simm.s32 $0x108;
	_ =	swait.ge @!p0 [sflag:s8], $0x0  }
0x24: {  	s3 =	sadd.s32 $0x88, s3;
	s6 =	simm.s32 @!p1 $0x1082;
	[sflag:s4] =	ssyncset.s32 $0xFFFFF086  }
0x25: {  	[simem:s6], [sflag:s4] =	dma.local [hbm:s3], $0xF7A  }
0x26: {  	[smem:$0x3F7C] =	sst s1;
	(tag) =	ssettag s2;
	_ =	strace s9  }
0x27: {  	s1 =	sld [smem:$0x3F8C]  }
0x28: {  	s2 =	sld [smem:$0x3F8D]  }
0x29: {  	s4 =	sld [smem:$0x3F8F]  }
0x2a: {  	p0 =	seq.s32 s5, $0x0;
	s5 =	sld [smem:$0x3F90]  }
0x2b: {  	s6 =	sld [smem:$0x3F91]  }
0x2c: {  	s7 =	sld [smem:$0x3F92]  }
0x2d: {  	s3 =	simm.s32 $0x108;
	s8 =	sld [smem:$0x3F93]  }
0x2e: {  	s3 =	simm.s32 @!p0 $0x1082;
	s9 =	sld [smem:$0x3F94]  }
0x2f: {  	lr =	sadd.s32 s0, s3;
	s0 =	sld [smem:$0x3F8B]  }
0x30: {  	s3 =	sld [smem:$0x3F8E]  }
0x31: {  	[smem:$0x3F97] =	sst s10  }
0x32: {  	s10 =	sld [smem:$0x3F95];
	_ =	sdelay $0x3  }
0x33: {  	p0 =	seq.s32 s10, $0x1;
	s10 =	sld [smem:$0x3F97];
	_ =	sdelay $0x3  }
0x34: {  	[smem:$0x3F97] =	sst s10  }
0x35: {  	s10 =	sld [smem:$0x3F96];
	_ =	sdelay $0x3  }
0x36: {  	p1 =	seq.s32 s10, $0x1;
	s10 =	sld [smem:$0x3F97];
	_ =	sdelay $0x3  }
0x37: {  	[smem:$0x3F97] =	sst s10  }
0x38: {  	s10 =	sld [smem:$0x3F98]  }
0x39: {  	_ = 	snop;
	(pc) =	sbr.ind lr, $3  }
0x3a: {  	_ = 	snop  }
0x3b: {  	_ = 	snop  }
0x3c: {  	p2 =	seq.s32 s10, $0x1;
	s10 =	sld [smem:$0x3F97]  }
0x3d: {  	_ =	shalt  }
0x3e: {  	_ =	shalt  }
0x3f: {  	_ =	shalt  }
0x40: {  	_ =	shalt  }
0x41: {  	_ =	shalt  }
0x42: {  	_ =	shalt  }
0x43: {  	_ =	shalt  }
0x44: {  	_ =	shalt  }
0x45: {  	_ =	shalt  }
0x46: {  	_ =	shalt  }
0x47: {  	_ =	shalt  }
0x48: {  	_ =	shalt  }
0x49: {  	_ =	shalt  }
0x4a: {  	_ =	shalt  }
0x4b: {  	_ =	shalt  }
0x4c: {  	_ =	shalt  }
0x4d: {  	_ =	shalt  }
0x4e: {  	_ =	shalt  }
0x4f: {  	_ =	shalt  }
0x50: {  	_ =	shalt  }
0x51: {  	_ =	shalt  }
0x52: {  	_ =	shalt  }
0x53: {  	_ =	shalt  }
0x54: {  	_ =	shalt  }
0x55: {  	_ =	shalt  }
0x56: {  	_ =	shalt  }
0x57: {  	_ =	shalt  }
0x58: {  	_ =	shalt  }
0x59: {  	_ =	shalt  }
0x5a: {  	_ =	shalt  }
0x5b: {  	_ =	shalt  }
0x5c: {  	_ =	shalt  }
0x5d: {  	_ =	shalt  }
0x5e: {  	_ =	shalt  }
0x5f: {  	_ =	shalt  }
0x60: {  	_ =	shalt  }
0x61: {  	_ =	shalt  }
0x62: {  	_ =	shalt  }
0x63: {  	_ =	shalt  }
0x64: {  	_ =	shalt  }
0x65: {  	_ =	shalt  }
0x66: {  	_ =	shalt  }
0x67: {  	_ =	shalt  }
0x68: {  	_ =	shalt  }
0x69: {  	_ =	shalt  }
0x6a: {  	_ =	shalt  }
0x6b: {  	_ =	shalt  }
0x6c: {  	_ =	shalt  }
0x6d: {  	_ =	shalt  }
0x6e: {  	_ =	shalt  }
0x6f: {  	_ =	shalt  }
0x70: {  	_ =	shalt  }
0x71: {  	_ =	shalt  }
0x72: {  	_ =	shalt  }
0x73: {  	_ =	shalt  }
0x74: {  	_ =	shalt  }
0x75: {  	_ =	shalt  }
0x76: {  	_ =	shalt  }
0x77: {  	_ =	shalt  }
0x78: {  	_ =	shalt  }
0x79: {  	_ =	shalt  }
0x7a: {  	_ =	shalt  }
0x7b: {  	_ =	shalt  }
0x7c: {  	_ =	shalt  }
0x7d: {  	_ =	shalt  }
0x7e: {  	_ =	shalt  }
0x7f: {  	_ =	shalt  }
0x80: {  	_ =	shalt  }
0x81: {  	_ =	shalt  }
0x82: {  	_ =	shalt  }
0x83: {  	_ =	shalt  }
0x84: {  	_ =	shalt  }
0x85: {  	_ =	shalt  }
0x86: {  	_ =	shalt  }
0x87: {  	_ =	shalt  }
.Lfunc_end0:
.L_simem_size_0:
called_computation_lowered:
.L_overlay_start_0:
0x88: {  	s2 =	sld [smem:$0x3FD9]  }
0x89: {  	s3 =	sld [smem:$0x3FFE];
	_ =	sdelay $0x1  }
0x8a: {  	s1 =	srdreg.scid  }
0x8b: {  	s0 =	sand.u32 $0x1, s1  }
0x8c: {  	s17 =	sshll.u32 s0, $0xA;
	s2 =	sadd.s32 s3, s2  }
0x8d: {  	s2 =	sadd.s32 s2, s17  }
0x8e: {  	[smem:$0x3FA3] =	sst s2  }
0x8f: {  	_ = 	snop  }
0x90: {  	s2 =	sld [smem:$0x3FC9];
	(tm) =	ssettm $0x1  }
0x91: {  	s18 =	sld [smem:$0x3FFB];
	_ =	sdelay $0x3  }
0x92: {  	_ =	strace s18  }
0x93: {  	s3 =	sld [smem:$0x3FFC];
	_ =	sdelay $0x3  }
0x94: {  	_ =	strace s3  }
0x95: {  	s3 =	sld [smem:$0x3FFD];
	_ =	sdelay $0x3  }
0x96: {  	_ =	strace s3  }
0x97: {  	_ =	strace $0x8FFFFFFF  }
0x98: {  	s19 =	sld [smem:$0x3FDB];
	_ =	sdelay $0x1  }
0x99: {  	s4 =	simm.s32 $_scs_section_size  }
0x9a: {  	s5 =	simm.s32 $_size__tile_overlayer_lowered;
	s6 =	simm.s32 $_tile_overlayer_lowered  }
0x9b: {  	s22 =	simm.s32 $0x1BFF;
	s21 =	sshll.u32 s6, $0x1;
	s3 =	sadd.s32 s4, s19  }
0x9c: {  	s7 =	simm.s32 $0x0;
	s20 =	sshll.u32 s5, $0x1;
	s5 =	sadd.s32 s21, s3  }
0x9d: {  	[timem:s7], [sflag:s22] =	dma.local [hbm:s5], s20  }
0x9e: {  	_ =	swait.ge [sflag:s22], s20  }
0x9f: {  	s4 =	ssub.s32 $0x0, s20;
	[sflag:s22] =	ssyncset.done $0x0  }
0xa0: {  	[sflag:s22] =	ssyncadd.s32 s4;
	_ =	sdelay $0x1  }
0xa1: {  	s23 =	simm.s32 $0x1B8B  }
0xa2: {  	_ =	swait.ge [sflag:s23], $0x1  }
0xa3: {  	[sflag:s23] =	ssyncset.done $0x0  }
0xa4: {  	s25 =	simm.s32 $0x1B8E;
	s24 =	sld [smem:$0x3FFE];
	[sflag:s23] =	ssyncadd.s32 $0xFFFFFFFF  }
0xa5: {  	s26 =	simm.s32 $execute0_lowered;
	[smem:$0x3FD2] =	sst s25  }
0xa6: {  	s5 =	sshll.u32 s26, $0x1;
	_ =	strace $0x80000046;
	[dreg:$0x1] =	wrdreg $0xFFFFFFFF  }
0xa7: {  	s28 =	simm.s32 $_size_execute0_lowered;
	s3 =	sadd.s32 s3, s5;
	[dreg:$0x0] =	wrdreg $0x0  }
0xa8: {  	s5 =	sshll.u32 s28, $0x1;
	[dreg:$0x2] =	wrdreg s3  }
0xa9: {  	[dreg:$0x3] =	wrdreg s5  }
0xaa: {  	[dreg:$0x4] =	wrdreg $0xC0  }
0xab: {  	_ =	task [dreg:s7], $0x5FFFF  }
0xac: {  	[dreg:$0x1] =	wrdreg $0xFFFFFFFF  }
0xad: {  	[dreg:$0x0] =	wrdreg $0x60  }
0xae: {  	[dreg:$0x2] =	wrdreg s2  }
0xaf: {  	[dreg:$0x3] =	wrdreg s24  }
0xb0: {  	[dreg:$0x4] =	wrdreg $0xBC000  }
0xb1: {  	[dreg:$0x5] =	wrdreg $0x9  }
0xb2: {  	_ =	task.clear_ibuf [dreg:s7], $0x6FFFF;
	_ =	strace $0x90000046  }
0xb3: {  	s29 =	simm.s32 $0x9;
	_ =	strace $0x80000048  }
0xb4: {  	_ =	swait.ge [sflag:s29], $0x1  }
0xb5: {  	[sflag:s29] =	ssyncadd.s32 $0xFFFFFFFF  }
0xb6: {  	_ =	strace $0x90000048  }
0xb7: {  	_ =	sfence  }
0xb8: {  	s30 =	sld [smem:$0x0];
	_ =	sdelay $0x2  }
0xb9: {  	s31 =	sshll.u32 s1, $0xD;
	s1 =	sshrl.u32 s1, $0x2  }
0xba: {  	s3 =	sand.u32 $0x4000, s31;
	s1 =	sadd.s32 s1, s30  }
0xbb: {  	s0 =	sor.u32 s3, s0;
	s1 =	sshll.u32 s1, $0x11  }
0xbc: {  	s0 =	sor.u32 s1, s0  }
0xbd: {  	s0 =	sadd.s32 $0x8F2B, s0  }
0xbe: {  	[sflag:s0] =	ssyncadd.remote.s32 $0x1  }
0xbf: {  	_ =	sfence.sel $0xFFFF  }
0xc0: {  	[dreg:$0x0] =	wrdreg $0xFFFFFFFF;
	(pc) =	sbr.abs _section_cstart, $3  }
0xc1: {  	[dreg:$0x1] =	wrdreg $0xFFFFFFFF  }
0xc2: {  	_ =	task.clear_ibuf [dreg:s7], $0x2FFFF;
	_ =	strace $0x9FFFFFFF  }
0xc3: {  	(tm) =	ssettm $0x7FFFFFFF  }
tec
execute0_lowered:
.L_overlay_start_1:
0x0: {  	(tag) =	ssettag $0x1  }
0x1: {  	s1 =	rddreg [dreg:$0x0]  }
0x2: {  	s0 =	rddreg [dreg:$0x1]  }
0x3: {  	s2 =	rddreg [dreg:$0x2];
	s3 =	srdreg.scid;
	s4 =	simm.s32 $0x0  }
0x4: {  	s17 =	stileid.u32;
	s21 =	simm.s32 $0xB;
	s28 =	simm.s32 $0x6  }
0x5: {  	s29 =	simm.s32 $0x4;
	s30 =	simm.s32 $0x0;
	s3 =	sand.u32 $0x1, s3  }
0x6: {  	[smem:$0x7FF] =	sst s4;
	s16 =	sadd.s32 $0x2F200, s0;
	s9 =	smul.u32 $0x4E000, s17  }
0x7: {  	s6 =	sadd.s32 $0x7200, s0;
	s7 =	sadd.s32 $0x1B200, s0;
	s12 =	smul.u32 $0x2700, s17  }
0x8: {  	s0 =	sadd.s32 $0x56400, s0;
	s15 =	smul.u32 $0x13800, s17;
	p1 =	seq.s32 s17, $0xF  }
0x9: {  	s18 =	sshll.u32 s17, $0x6;
	p2 =	sne.s32 s17, $0xF;
	s5 =	sshll.u32 s3, $0x4  }
0xa: {  	_ =	strace $0x80000047;
	s8 =	ssub.s32 $0x2, s3;
	s13 =	smul.u32 $0x138800, s3  }
0xb: {  	[dreg:$0x4] =	wrdreg s16;
	p0 =	sne.s32 s3, $0x0;
	s19 =	sor.u32 $0x1C0B, s18  }
0xc: {  	s5 =	sor.u32 s17, s5;
	s10 =	sshrl.u32 s8, $0x1;
	s14 =	sshrl.u32 s9, $0x2  }
0xd: {  	s23 =	sadd.s32 s16, s12;
	s25 =	sadd.s32 s1, s12;
	s5 =	smul.u32 $0x5000, s5  }
0xe: {  	s10 =	ssub.s32 s8, s10;
	s20 =	sadd.s32 s14, s2;
	[dreg:$0x6] =	wrdreg s23  }
0xf: {  	s24 =	sadd.s32 s15, s13;
	[dreg:$0x7] =	wrdreg s25;
	s26 =	sshrl.u32 s13, $0x3  }
0x10: {  	s23 =	simm.s32 $0x7;
	s14 =	sshrl.u32 s24, $0x3;
	s16 =	smax.u32 s10, $0x1  }
.Ltmp0:
0x11: {  	s20 =	sshrl.u32 s20, $0x3;
	s24 =	simm.s32 $0x64;
	(pc) =	sbr.rel .LBB2_1-.Ltmp0, $4  }
0x12: {  	s11 =	sshrl.u32 s5, $0x3;
	s13 =	sor.u32 $0x800, s5;
	s14 =	sadd.s32 s0, s14  }
0x13: {  	s22 =	sadd.s32 s6, s11;
	s9 =	sadd.s32 s7, s11;
	s11 =	sadd.s32 $0x138000, s2  }
0x14: {  	s0 =	sadd.s32 s0, s26;
	[dreg:$0x5] =	wrdreg s22;
	s31 =	sshrl.u32 s11, $0x3  }
0x15: {  	s26 =	simm.s32 $0x5;
	s15 =	sadd.s32 $0x27000, s0;
	[dreg:$0x8] =	wrdreg s31  }
.LBB2_18:
0x16: {  	_ =	swait.ge [sflag:s26], $0x3200  }
0x17: {  	[sflag:s26] =	ssyncset.done $0x0  }
0x18: {  	[sflag:s26] =	ssyncadd.s32 $0xFFFFCE00  }
0x19: {  	_ =	swait.ge [sflag:s28], $0x3200  }
0x1a: {  	[sflag:s28] =	ssyncset.done $0x0  }
0x1b: {  	[sflag:s28] =	ssyncadd.s32 $0xFFFFCE00  }
0x1c: {  	_ =	swait.ge [sflag:s29], $0x3200  }
0x1d: {  	[sflag:s29] =	ssyncset.done $0x0  }
0x1e: {  	[sflag:s29] =	ssyncadd.s32 $0xFFFFCE00  }
0x1f: {  	s0 =	sor.u32 $0x1C0B, s18;
	[bflag:$0x0] =	sbarrier.arrive $0xFFFF  }
0x20: {  	[hbm:s14], [sflag:s0] =	dma.local [spmem:s20], $0x2700  }
0x21: {  	_ =	swait.ge [sflag:s21], $0x2700  }
0x22: {  	s30 =	sadd.s32 $0x1, s30;
	[sflag:s21] =	ssyncset.done $0x0  }
0x23: {  	s3 =	sshrl.u32 @!p2 s11, $0x3;
	p3 =	sne.s32 s30, s16;
	[sflag:s21] =	ssyncadd.s32 $0xFFFFD900  }
0x24: {  	[hbm:s15], [sflag:s0] =	dma.local @!p2 [spmem:s3], $0x100  }
.Ltmp1:
0x25: {  	_ = 	snop;
	(pc) =	sbr.rel @!p3 .LBB2_19-.Ltmp1, $4  }
0x26: {  	s0 =	simm.s32 @!p2 $0xB  }
0x27: {  	_ =	swait.ge @!p2 [sflag:s0], $0x100  }
0x28: {  	[sflag:s0] =	ssyncset.done @!p2 $0x0  }
0x29: {  	[sflag:s0] =	ssyncadd.s32 @!p2 $0xFFFFFF00  }
.LBB2_1:
.Ltmp2:
0x2a: {  	(pc) =	sbr.rel @p0 .LBB2_3-.Ltmp2, $4  }
0x2b: {  	s0 =	rddreg [dreg:$0x5]  }
0x2c: {  	[tilespmem:s4], [sflag:$0x7] =	stream.linear.gather [hbm4b:s0+s4], $0x500, $0x38;
	[tilespmem:$0x1F480] =	vst v63  }
0x2d: {  	s31 =	simm.s32 $0x1000  }
0x2e: {  	[tilespmem:s31], [sflag:$0x9] =	stream.linear.gather [hbm4b:s9+s4], $0x500, $0x38;
	[tilespmem:$0x1F480] =	vst v63  }
0x2f: {  	s0 =	rddreg [dreg:$0x7]  }
0x30: {  	[spmem:s20], [sflag:s19] =	dma.local [hbm:s0], $0x2700  }
.Ltmp3:
0x31: {  	_ = 	snop;
	(pc) =	sbr.rel @p1 .LBB2_4-.Ltmp3, $4  }
.Ltmp4:
0x32: {  	_ = 	snop;
	(pc) =	sbr.rel @!p1 .LBB2_5-.Ltmp4, $4  }
0x33: {  	_ =	swait.ge [sflag:s21], $0x2700  }
0x34: {  	[sflag:s21] =	ssyncset.done $0x0  }
0x35: {  	s3 =	smov.u32 s1;
	s0 =	smov.u32 s19;
	[sflag:s21] =	ssyncadd.s32 $0xFFFFD900  }
0x36: {  	_ = 	snop  }
.LBB2_3:
.Ltmp5:
0x37: {  	s0 =	sor.u32 $0x1C0B, s18;
	s3 =	rddreg [dreg:$0x6];
	(pc) =	sbr.rel @p2 .LBB2_5-.Ltmp5, $4  }
0x38: {  	[spmem:s20], [sflag:s0] =	dma.local [hbm:s3], $0x2700  }
0x39: {  	_ =	swait.ge [sflag:s21], $0x2700  }
0x3a: {  	[sflag:s21] =	ssyncset.done $0x0  }
0x3b: {  	s3 =	rddreg [dreg:$0x4];
	[sflag:s21] =	ssyncadd.s32 $0xFFFFD900  }
.LBB2_4:
0x3c: {  	s3 =	sadd.s32 $0x27000, s3;
	s5 =	rddreg [dreg:$0x8]  }
0x3d: {  	[spmem:s5], [sflag:s0] =	dma.local [hbm:s3], $0x100  }
0x3e: {  	_ =	swait.ge [sflag:s21], $0x100  }
0x3f: {  	[sflag:s21] =	ssyncset.done $0x0  }
0x40: {  	[sflag:s21] =	ssyncadd.s32 $0xFFFFFF00  }
.LBB2_5:
.Ltmp6:
0x41: {  	[bflag:$0x0] =	sbarrier.arrive $0xFFFF;
	(pc) =	sbr.rel .LBB2_6-.Ltmp6, $4  }
0x42: {  	_ =	swait.ge [sflag:s23], $0x500  }
0x43: {  	[sflag:s23] =	ssyncset.done $0x0  }
0x44: {  	s31 =	simm.s32 $0x0;
	s0 =	simm.s32 $0x2000;
	[sflag:s23] =	ssyncadd.s32 $0xFFFFFB00  }
0x45: {  	[tilespmem:s0], [sflag:$0x1] =	stream.indirect.gather [hbm4b:s1+s24], $0x80, s31, s24, $0xb8;
	[tilespmem:$0x1F480] =	vst v63  }
.LBB2_8:
0x46: {  	s5 =	sshll.u32 s5, $0xB;
	s10 =	sadd.s32 $0x1, s31  }
0x47: {  	s12 =	sxor.u32 $0x1, s3;
	s5 =	sadd.s32 s5, s13;
	s8 =	smul.u32 $0xAB, s10  }
0x48: {  	s17 =	sshll.u32 s12, $0xB;
	s5 =	sshrl.u32 s5, $0x3  }
0x49: {  	s25 =	sadd.s32 $0x7, s12;
	s22 =	sadd.s32 s6, s5;
	s8 =	sshrl.u32 s8, $0x9  }
0x4a: {  	[tilespmem:s17], [sflag:s25] =	stream.linear.gather [hbm4b:s22+s4], $0x500, $0x38;
	[tilespmem:$0x1F480] =	vst v63  }
0x4b: {  	s12 =	sadd.s32 $0x9, s12;
	s8 =	sand.u32 $0x7F, s8  }
0x4c: {  	s5 =	sadd.s32 s7, s5;
	s17 =	sor.u32 $0x1000, s17;
	s8 =	smul.u32 $0x3, s8  }
0x4d: {  	[tilespmem:s17], [sflag:s12] =	stream.linear.gather [hbm4b:s5+s4], $0x500, $0x38;
	[tilespmem:$0x1F480] =	vst v63  }
0x4e: {  	s25 =	ssub.s32 s10, s8  }
0x4f: {  	s5 =	sand.u32 $0xFF, s25  }
.LBB2_15:
0x50: {  	s8 =	sadd.s32 $0x4, s5  }
0x51: {  	_ =	swait.ge [sflag:s8], $0x3200  }
0x52: {  	[sflag:s8] =	ssyncset.done $0x0  }
0x53: {  	[sflag:s8] =	ssyncadd.s32 $0xFFFFCE00  }
.LBB2_16:
0x54: {  	s8 =	sand.u32 $0xFF, s10  }
0x55: {  	s8 =	smul.u32 $0xCD, s8;
	_ =	sdelay $0x1  }
0x56: {  	s12 =	sshrl.u32 s8, $0xB  }
0x57: {  	s12 =	smul.u32 $0xA, s12;
	_ =	sdelay $0x1  }
0x58: {  	s17 =	smul.u32 $0xD000, s5;
	s12 =	ssub.s32 s10, s12  }
0x59: {  	s25 =	sadd.s32 $0x1, s5;
	s12 =	sand.u32 $0xFF, s12  }
0x5a: {  	s17 =	sshrl.u32 s17, $0x2;
	s8 =	sand.u32 $0x800, s8;
	s12 =	sshll.u32 s12, $0x7  }
0x5b: {  	s5 =	smov.u32 s10;
	s17 =	sadd.s32 $0x2000, s17;
	s8 =	sor.u32 s12, s8  }
0x5c: {  	[tilespmem:s17], [sflag:s25] =	stream.indirect.gather [hbm4b:s1+s24], $0x80, s8, s24, $0xb8;
	[tilespmem:$0x1F480] =	vst v63  }
.LBB2_17:
0x5d: {  	s8 =	smul.u32 $0xAB, s31;
	_ =	sdelay $0x1  }
0x5e: {  	s8 =	sshrl.u32 s8, $0x9  }
0x5f: {  	s8 =	sand.u32 $0x7F, s8  }
0x60: {  	s8 =	smul.u32 $0x3, s8;
	_ =	sdelay $0x1  }
0x61: {  	s8 =	ssub.s32 s31, s8  }
0x62: {  	s3 =	sshll.u32 s3, $0xB;
	s8 =	sand.u32 $0xFF, s8  }
0x63: {  	s0 =	sshll.u32 s0, $0x7;
	p3 =	slt.u32 s5, $0x64;
	s10 =	smul.u32 $0xD000, s8  }
.Ltmp7:
0x64: {  	s0 =	sadd.s32 s0, s3;
	s12 =	sadd.s32 $0x1, s8;
	(pc) =	sbr.rel @!p3 .LBB2_18-.Ltmp7, $4  }
0x65: {  	s0 =	sadd.s32 $0x1000, s0;
	_ =	swait.ge [sflag:s12], $0x3200  }
0x66: {  	s31 =	smov.u32 s5;
	s10 =	sshrl.u32 s10, $0x2;
	[sflag:s12] =	ssyncset.done $0x0  }
0x67: {  	s25 =	sadd.s32 $0x4, s8;
	s10 =	sadd.s32 $0x2000, s10;
	[sflag:s12] =	ssyncadd.s32 $0xFFFFCE00  }
0x68: {  	[spmem:s2] =	stream.indirect.scatter.add.f32 [tilespmem:s10], [sflag:s25], $0x80, s0, s24, $0xb8;
	[tilespmem:$0x1F480] =	vst v63  }
.LBB2_6:
0x69: {  	s0 =	smul.u32 $0xCD, s31;
	_ =	sdelay $0x1  }
0x6a: {  	s3 =	sshrl.u32 s0, $0xB  }
0x6b: {  	s5 =	sand.u32 $0x1F, s3  }
0x6c: {  	s25 =	smul.u32 $0xA, s5;
	_ =	sdelay $0x1  }
0x6d: {  	s10 =	ssub.s32 s31, s25  }
0x6e: {  	s0 =	sand.u32 $0xFF, s10  }
0x6f: {  	p3 =	seq.s32 s0, $0x0  }
.Ltmp8:
0x70: {  	_ = 	snop;
	(pc) =	sbr.rel @p3 .LBB2_9-.Ltmp8, $2  }
0x71: {  	_ =	sdelay $0x2  }
0x72: {  	s3 =	sand.u32 $0x1, s3  }
0x73: {  	p3 =	sgt.u32 s31, $0x59  }
0x74: {  	s12 =	sand.u32 @!p3 $0xFF, s10  }
0x75: {  	p4 =	sne.s32 @!p3 s12, $0x2  }
0x76: {  	p3 =	por p3, p4  }
.Ltmp9:
0x77: {  	_ = 	snop;
	(pc) =	sbr.rel @!p3 .LBB2_8-.Ltmp9, $1  }
0x78: {  	_ =	sdelay $0x3  }
0x79: {  	p3 =	seq.s32 s31, $0x63  }
0x7a: {  	s5 =	sand.u32 @!p3 $0xFF, s10  }
0x7b: {  	p4 =	sne.s32 @!p3 s5, $0x9  }
0x7c: {  	p4 =	por p3, p4  }
.Ltmp10:
0x7d: {  	_ = 	snop;
	(pc) =	sbr.rel @p4 .LBB2_13-.Ltmp10, $2  }
0x7e: {  	_ =	sdelay $0x2  }
0x7f: {  	s10 =	sadd.s32 $0x1, s31  }
0x80: {  	s5 =	smul.u32 $0xAB, s10;
	_ =	sdelay $0x1  }
0x81: {  	s5 =	sshrl.u32 s5, $0x9  }
.Ltmp11:
0x82: {  	s8 =	sxor.u32 $0x1, s3;
	s5 =	sand.u32 $0x7F, s5;
	(pc) =	sbr.rel .LBB2_15-.Ltmp11, $4  }
0x83: {  	s8 =	sadd.s32 $0x7, s8;
	s5 =	smul.u32 $0x3, s5  }
0x84: {  	_ =	swait.ge [sflag:s8], $0x500  }
0x85: {  	[sflag:s8] =	ssyncset.done $0x0;
	s5 =	ssub.s32 s10, s5  }
0x86: {  	[sflag:s8] =	ssyncadd.s32 $0xFFFFFB00;
	s5 =	sand.u32 $0xFF, s5  }
.LBB2_9:
0x87: {  	p3 =	seq.s32 s31, $0x63  }
.Ltmp12:
0x88: {  	_ = 	snop;
	(pc) =	sbr.rel @p3 .LBB2_17-.Ltmp12, $4  }
0x89: {  	s5 =	sadd.s32 $0x9, s3  }
0x8a: {  	_ =	swait.ge [sflag:s5], $0x500  }
0x8b: {  	[sflag:s5] =	ssyncset.done $0x0  }
0x8c: {  	[sflag:s5] =	ssyncadd.s32 $0xFFFFFB00;
	s5 =	simm.s32 $0x64  }
0x8d: {  	s10 =	sadd.s32 $0x1, s31  }
.LBB2_14:
0x8e: {  	s5 =	sand.u32 $0xFF, s10  }
0x8f: {  	s5 =	smul.u32 $0xAB, s5;
	_ =	sdelay $0x1  }
0x90: {  	s5 =	sshrl.u32 s5, $0x9  }
0x91: {  	p3 =	slt.u32 s31, $0x2;
	s5 =	smul.u32 $0x3, s5  }
.Ltmp13:
0x92: {  	_ = 	snop;
	(pc) =	sbr.rel @p3 .LBB2_16-.Ltmp13, $4  }
.Ltmp14:
0x93: {  	_ = 	snop;
	(pc) =	sbr.rel @!p3 .LBB2_15-.Ltmp14, $4  }
0x94: {  	_ = 	snop  }
0x95: {  	s5 =	ssub.s32 s10, s5  }
0x96: {  	s5 =	sand.u32 $0xFF, s5  }
0x97: {  	_ = 	snop  }
.LBB2_13:
.Ltmp15:
0x98: {  	(pc) =	sbr.rel @p3 .LBB2_17-.Ltmp15, $4  }
.Ltmp16:
0x99: {  	(pc) =	sbr.rel @!p3 .LBB2_14-.Ltmp16, $4  }
0x9a: {  	_ = 	snop  }
0x9b: {  	_ = 	snop  }
0x9c: {  	s5 =	simm.s32 $0x64  }
0x9d: {  	_ = 	snop  }
.LBB2_19:
0x9e: {  	_ =	sfence.sel $0x180000  }
0x9f: {  	[bflag:$0x0] =	sbarrier.arrive $0xFFFF  }
0xa0: {  	_ =	strace $0x90000047  }
0xa1: {  	s0 =	stileid.u32;
	[bflag:$0x2] =	sbarrier.arrive $0xFFFF  }
0xa2: {  	p0 =	sne.s32 s0, $0x0;
	s0 =	rddreg [dreg:$0x3]  }
0xa3: {  	s0 =	sadd.s32 @!p0 $0x100000, s0  }
0xa4: {  	[sflag:s0] =	ssyncadd.tile.s32 @!p0 $0x1;
	_ =	shalt  }
.Lfunc_end2:
_tile_overlayer_lowered:
.L_overlay_start_2:
0xa5: {  	(tag) =	ssettag $0x2  }
0xa6: {  	s0 =	rddreg [dreg:$0x0];
	s2 =	stileid.u32  }
0xa7: {  	s1 =	rddreg [dreg:$0x1];
	p0 =	sne.s32 s2, $0x0  }
0xa8: {  	s3 =	rddreg [dreg:$0x2];
	[bflag:$0x3] =	sbarrier.arrive $0xFFFF;
	s2 =	simm.s32 @!p0 $0x1C0B  }
0xa9: {  	[timem:s3], [sflag:s2] =	dma.local @!p0 [hbm:s0], s1  }
0xaa: {  	s0 =	simm.s32 @!p0 $0xB  }
0xab: {  	_ =	swait.ge @!p0 [sflag:s0], s1  }
0xac: {  	s1 =	ssub.s32 @!p0 $0x0, s1;
	[sflag:s0] =	ssyncset.done @!p0 $0x0  }
0xad: {  	[sflag:s0] =	ssyncadd.s32 @!p0 s1  }
0xae: {  	[bflag:$0x3] =	sbarrier.arrive $0xFFFF  }
0xaf: {  	_ =	shalt  }

// kernel: kernel.21.cloned.1.call-start
scs
__scs_entry_jumppad:
0x0: {  	(pc) =	sbr.rel $0x88, $3  }
0x1: {  	(tag) =	ssettag $0x0;
	lr =	simm.s32 $0x1  }
0x2: {  	[smem:$0x3F7C] =	sst lr;
	_ =	strace $0xD0000000  }
0x3: {  	_ = 	snop  }
0x4: {  	_ = 	snop  }
0x5: {  	_ = 	snop  }
0x6: {  	_ = 	snop  }
0x7: {  	_ = 	snop  }
__scs_overlays_trampoline_lowered:
0x8: {  	[smem:$0x3F8B] =	sst s0  }
0x9: {  	[smem:$0x3F8C] =	sst s1  }
0xa: {  	[smem:$0x3F8D] =	sst s2  }
0xb: {  	[smem:$0x3F8E] =	sst s3  }
0xc: {  	[smem:$0x3F8F] =	sst s4  }
0xd: {  	[smem:$0x3F90] =	sst s5  }
0xe: {  	[smem:$0x3F91] =	sst s6  }
0xf: {  	[smem:$0x3F92] =	sst s7  }
0x10: {  	[smem:$0x3F93] =	sst s8  }
0x11: {  	[smem:$0x3F94] =	sst s9;
	s0 =	simm.s32 @!p0 $0x0  }
0x12: {  	s1 =	sld [smem:$0x3F7A];
	s0 =	simm.s32 @p0 $0x1  }
0x13: {  	[smem:$0x3F95] =	sst s0;
	s0 =	simm.s32 @!p1 $0x0  }
0x14: {  	s2 =	sld [smem:$0x3F79];
	s0 =	simm.s32 @p1 $0x1  }
0x15: {  	[smem:$0x3F96] =	sst s0;
	s0 =	simm.s32 @!p2 $0x0  }
0x16: {  	s3 =	sld [smem:$0x3FDB];
	s0 =	simm.s32 @p2 $0x1  }
0x17: {  	s4 =	simm.s32 $0x1BF5;
	[smem:$0x3F98] =	sst s0  }
0x18: {  	s0 =	sld [smem:$0x3F7B];
	_ =	swait.ge [sflag:s4], $0x0  }
0x19: {  	s7 =	sld [smem:$0x3F7C]  }
0x1a: {  	s8 =	sadd.s32 $0xFFFFE003, lr  }
0x1b: {  	s9 =	sadd.s32 $0xFFFFFEF7, lr;
	s5 =	simm.s32 $0xFFFFFFFF;
	p2 =	slt.u32 s8, $0xFFFFF086  }
0x1c: {  	p1 =	slt.u32 s9, $0xF7A;
	s5 =	simm.s32 @!p2 $0x0  }
0x1d: {  	s5 =	simm.s32 @p1 $0x1;
	p0 =	seq.s32 s7, s2  }
0x1e: {  	s7 =	smul.u32 @!p0 $0xF7A, s2;
	p2 =	seq.s32 @!p0 s5, $0x0  }
0x1f: {  	s9 =	smul.u32 $0xF7A, s1;
	s8 =	simm.s32 @!p0 $0x1BF5;
	p2 =	por !p2, p0  }
0x20: {  	[sflag:s8] =	ssyncset.s32 @!p0 $0xFFFFF086;
	s6 =	sadd.s32 @!p0 s3, s7;
	s7 =	simm.s32 @!p0 $0x108  }
0x21: {  	s3 =	sadd.s32 s3, s9;
	s6 =	sadd.s32 @!p0 $0x88, s6;
	s7 =	simm.s32 @p2 $0x1082  }
0x22: {  	[simem:s7], [sflag:s8] =	dma.local @!p0 [hbm:s6], $0xF7A  }
0x23: {  	s9 =	sor.u32 $0xD0000000, s2;
	s6 =	simm.s32 $0x108;
	_ =	swait.ge @!p0 [sflag:s8], $0x0  }
0x24: {  	s3 =	sadd.s32 $0x88, s3;
	s6 =	simm.s32 @!p1 $0x1082;
	[sflag:s4] =	ssyncset.s32 $0xFFFFF086  }
0x25: {  	[simem:s6], [sflag:s4] =	dma.local [hbm:s3], $0xF7A  }
0x26: {  	[smem:$0x3F7C] =	sst s1;
	(tag) =	ssettag s2;
	_ =	strace s9  }
0x27: {  	s1 =	sld [smem:$0x3F8C]  }
0x28: {  	s2 =	sld [smem:$0x3F8D]  }
0x29: {  	s4 =	sld [smem:$0x3F8F]  }
0x2a: {  	p0 =	seq.s32 s5, $0x0;
	s5 =	sld [smem:$0x3F90]  }
0x2b: {  	s6 =	sld [smem:$0x3F91]  }
0x2c: {  	s7 =	sld [smem:$0x3F92]  }
0x2d: {  	s3 =	simm.s32 $0x108;
	s8 =	sld [smem:$0x3F93]  }
0x2e: {  	s3 =	simm.s32 @!p0 $0x1082;
	s9 =	sld [smem:$0x3F94]  }
0x2f: {  	lr =	sadd.s32 s0, s3;
	s0 =	sld [smem:$0x3F8B]  }
0x30: {  	s3 =	sld [smem:$0x3F8E]  }
0x31: {  	[smem:$0x3F97] =	sst s10  }
0x32: {  	s10 =	sld [smem:$0x3F95];
	_ =	sdelay $0x3  }
0x33: {  	p0 =	seq.s32 s10, $0x1;
	s10 =	sld [smem:$0x3F97];
	_ =	sdelay $0x3  }
0x34: {  	[smem:$0x3F97] =	sst s10  }
0x35: {  	s10 =	sld [smem:$0x3F96];
	_ =	sdelay $0x3  }
0x36: {  	p1 =	seq.s32 s10, $0x1;
	s10 =	sld [smem:$0x3F97];
	_ =	sdelay $0x3  }
0x37: {  	[smem:$0x3F97] =	sst s10  }
0x38: {  	s10 =	sld [smem:$0x3F98]  }
0x39: {  	_ = 	snop;
	(pc) =	sbr.ind lr, $3  }
0x3a: {  	_ = 	snop  }
0x3b: {  	_ = 	snop  }
0x3c: {  	p2 =	seq.s32 s10, $0x1;
	s10 =	sld [smem:$0x3F97]  }
0x3d: {  	_ =	shalt  }
0x3e: {  	_ =	shalt  }
0x3f: {  	_ =	shalt  }
0x40: {  	_ =	shalt  }
0x41: {  	_ =	shalt  }
0x42: {  	_ =	shalt  }
0x43: {  	_ =	shalt  }
0x44: {  	_ =	shalt  }
0x45: {  	_ =	shalt  }
0x46: {  	_ =	shalt  }
0x47: {  	_ =	shalt  }
0x48: {  	_ =	shalt  }
0x49: {  	_ =	shalt  }
0x4a: {  	_ =	shalt  }
0x4b: {  	_ =	shalt  }
0x4c: {  	_ =	shalt  }
0x4d: {  	_ =	shalt  }
0x4e: {  	_ =	shalt  }
0x4f: {  	_ =	shalt  }
0x50: {  	_ =	shalt  }
0x51: {  	_ =	shalt  }
0x52: {  	_ =	shalt  }
0x53: {  	_ =	shalt  }
0x54: {  	_ =	shalt  }
0x55: {  	_ =	shalt  }
0x56: {  	_ =	shalt  }
0x57: {  	_ =	shalt  }
0x58: {  	_ =	shalt  }
0x59: {  	_ =	shalt  }
0x5a: {  	_ =	shalt  }
0x5b: {  	_ =	shalt  }
0x5c: {  	_ =	shalt  }
0x5d: {  	_ =	shalt  }
0x5e: {  	_ =	shalt  }
0x5f: {  	_ =	shalt  }
0x60: {  	_ =	shalt  }
0x61: {  	_ =	shalt  }
0x62: {  	_ =	shalt  }
0x63: {  	_ =	shalt  }
0x64: {  	_ =	shalt  }
0x65: {  	_ =	shalt  }
0x66: {  	_ =	shalt  }
0x67: {  	_ =	shalt  }
0x68: {  	_ =	shalt  }
0x69: {  	_ =	shalt  }
0x6a: {  	_ =	shalt  }
0x6b: {  	_ =	shalt  }
0x6c: {  	_ =	shalt  }
0x6d: {  	_ =	shalt  }
0x6e: {  	_ =	shalt  }
0x6f: {  	_ =	shalt  }
0x70: {  	_ =	shalt  }
0x71: {  	_ =	shalt  }
0x72: {  	_ =	shalt  }
0x73: {  	_ =	shalt  }
0x74: {  	_ =	shalt  }
0x75: {  	_ =	shalt  }
0x76: {  	_ =	shalt  }
0x77: {  	_ =	shalt  }
0x78: {  	_ =	shalt  }
0x79: {  	_ =	shalt  }
0x7a: {  	_ =	shalt  }
0x7b: {  	_ =	shalt  }
0x7c: {  	_ =	shalt  }
0x7d: {  	_ =	shalt  }
0x7e: {  	_ =	shalt  }
0x7f: {  	_ =	shalt  }
0x80: {  	_ =	shalt  }
0x81: {  	_ =	shalt  }
0x82: {  	_ =	shalt  }
0x83: {  	_ =	shalt  }
0x84: {  	_ =	shalt  }
0x85: {  	_ =	shalt  }
0x86: {  	_ =	shalt  }
0x87: {  	_ =	shalt  }
.Lfunc_end0:
.L_simem_size_0:
called_computation.1_lowered:
.L_overlay_start_0:
0x88: {  	s2 =	sld [smem:$0x3FD9]  }
0x89: {  	s3 =	sld [smem:$0x3FFE];
	_ =	sdelay $0x1  }
0x8a: {  	s1 =	srdreg.scid  }
0x8b: {  	s0 =	sand.u32 $0x1, s1  }
0x8c: {  	s16 =	sshll.u32 s0, $0xA;
	s2 =	sadd.s32 s3, s2  }
0x8d: {  	s2 =	sadd.s32 s2, s16  }
0x8e: {  	[smem:$0x3FA3] =	sst s2  }
0x8f: {  	_ = 	snop  }
0x90: {  	(tm) =	ssettm $0x1  }
0x91: {  	s17 =	sld [smem:$0x3FFB];
	_ =	sdelay $0x3  }
0x92: {  	_ =	strace s17  }
0x93: {  	s2 =	sld [smem:$0x3FFC];
	_ =	sdelay $0x3  }
0x94: {  	_ =	strace s2  }
0x95: {  	s2 =	sld [smem:$0x3FFD];
	_ =	sdelay $0x3  }
0x96: {  	_ =	strace s2  }
0x97: {  	_ =	strace $0x8FFFFFFF  }
0x98: {  	s18 =	sld [smem:$0x3FDB];
	_ =	sdelay $0x1  }
0x99: {  	s19 =	simm.s32 $_scs_section_size  }
0x9a: {  	s4 =	simm.s32 $_size__tile_overlayer_lowered;
	s5 =	simm.s32 $_tile_overlayer_lowered  }
0x9b: {  	s22 =	simm.s32 $0x1BFF;
	s21 =	sshll.u32 s5, $0x1;
	s2 =	sadd.s32 s19, s18  }
0x9c: {  	s6 =	simm.s32 $0x0;
	s20 =	sshll.u32 s4, $0x1;
	s4 =	sadd.s32 s21, s2  }
0x9d: {  	[timem:s6], [sflag:s22] =	dma.local [hbm:s4], s20  }
0x9e: {  	_ =	swait.ge [sflag:s22], s20  }
0x9f: {  	s3 =	ssub.s32 $0x0, s20;
	[sflag:s22] =	ssyncset.done $0x0  }
0xa0: {  	[sflag:s22] =	ssyncadd.s32 s3;
	_ =	sdelay $0x1  }
0xa1: {  	s23 =	simm.s32 $0x1B8B  }
0xa2: {  	_ =	swait.ge [sflag:s23], $0x1  }
0xa3: {  	[sflag:s23] =	ssyncset.done $0x0  }
0xa4: {  	s25 =	simm.s32 $0x1B8E;
	s24 =	sld [smem:$0x3FFE];
	[sflag:s23] =	ssyncadd.s32 $0xFFFFFFFF  }
0xa5: {  	s26 =	simm.s32 $execute0_lowered;
	[smem:$0x3FD2] =	sst s25  }
0xa6: {  	s4 =	sshll.u32 s26, $0x1;
	_ =	strace $0x80000049;
	[dreg:$0x1] =	wrdreg $0xFFFFFFFF  }
0xa7: {  	s28 =	simm.s32 $_size_execute0_lowered;
	s2 =	sadd.s32 s2, s4;
	[dreg:$0x0] =	wrdreg $0x0  }
0xa8: {  	s4 =	sshll.u32 s28, $0x1;
	[dreg:$0x2] =	wrdreg s2  }
0xa9: {  	[dreg:$0x3] =	wrdreg s4  }
0xaa: {  	[dreg:$0x4] =	wrdreg $0xC0  }
0xab: {  	_ =	task [dreg:s6], $0x5FFFF  }
0xac: {  	[dreg:$0x1] =	wrdreg $0xFFFFFFFF  }
0xad: {  	[dreg:$0x0] =	wrdreg $0x60  }
0xae: {  	[dreg:$0x2] =	wrdreg s24  }
0xaf: {  	[dreg:$0x3] =	wrdreg $0xBC000  }
0xb0: {  	[dreg:$0x4] =	wrdreg $0x9  }
0xb1: {  	_ =	task.clear_ibuf [dreg:s6], $0x5FFFF;
	_ =	strace $0x90000049  }
0xb2: {  	s29 =	simm.s32 $0x9;
	_ =	strace $0x8000004B  }
0xb3: {  	_ =	swait.ge [sflag:s29], $0x1  }
0xb4: {  	[sflag:s29] =	ssyncadd.s32 $0xFFFFFFFF  }
0xb5: {  	_ =	strace $0x9000004B  }
0xb6: {  	_ =	sfence  }
0xb7: {  	s30 =	sld [smem:$0x0];
	_ =	sdelay $0x2  }
0xb8: {  	s31 =	sshll.u32 s1, $0xD;
	s1 =	sshrl.u32 s1, $0x2  }
0xb9: {  	s3 =	sand.u32 $0x4000, s31;
	s1 =	sadd.s32 s1, s30  }
0xba: {  	s0 =	sor.u32 s3, s0;
	s1 =	sshll.u32 s1, $0x11  }
0xbb: {  	s0 =	sor.u32 s1, s0  }
0xbc: {  	s0 =	sadd.s32 $0x8F2B, s0  }
0xbd: {  	[sflag:s0] =	ssyncadd.remote.s32 $0x1  }
0xbe: {  	_ =	sfence.sel $0xFFFF  }
0xbf: {  	[dreg:$0x0] =	wrdreg $0xFFFFFFFF;
	(pc) =	sbr.abs _section_cstart, $3  }
0xc0: {  	[dreg:$0x1] =	wrdreg $0xFFFFFFFF  }
0xc1: {  	_ =	task.clear_ibuf [dreg:s6], $0x2FFFF;
	_ =	strace $0x9FFFFFFF  }
0xc2: {  	(tm) =	ssettm $0x7FFFFFFF  }
0xc3: {  	_ =	shalt  }
tec
execute0_lowered:
.L_overlay_start_1:
0x0: {  	(tag) =	ssettag $0x1  }
0x1: {  	s0 =	rddreg [dreg:$0x0]  }
0x2: {  	s1 =	rddreg [dreg:$0x1]  }
0x3: {  	s2 =	srdreg.scid;
	s3 =	simm.s32 $0x0;
	s17 =	stileid.u32  }
0x4: {  	s21 =	simm.s32 $0xB;
	s28 =	simm.s32 $0x6;
	s29 =	simm.s32 $0x4  }
0x5: {  	s30 =	simm.s32 $0x0;
	s2 =	sand.u32 $0x1, s2;
	s9 =	smul.u32 $0x4E000, s17  }
0x6: {  	[smem:$0x7FF] =	sst s3;
	s16 =	sadd.s32 $0x2F200, s0;
	s12 =	smul.u32 $0x2700, s17  }
0x7: {  	s6 =	sadd.s32 $0x7200, s0;
	s7 =	sadd.s32 $0x1B200, s0;
	s15 =	smul.u32 $0x13800, s17  }
0x8: {  	p1 =	seq.s32 s17, $0xF;
	s18 =	sshll.u32 s17, $0x6;
	p2 =	sne.s32 s17, $0xF  }
0x9: {  	s4 =	sshll.u32 s2, $0x4;
	_ =	strace $0x8000004A;
	s8 =	ssub.s32 $0x2, s2  }
0xa: {  	s13 =	smul.u32 $0x138800, s2;
	[dreg:$0x3] =	wrdreg s16;
	p0 =	sne.s32 s2, $0x0  }
0xb: {  	s19 =	sor.u32 $0x1C0B, s18;
	s5 =	sor.u32 s17, s4;
	s4 =	sadd.s32 $0x56400, s0  }
0xc: {  	s10 =	sshrl.u32 s8, $0x1;
	s0 =	sadd.s32 $0x7D600, s0;
	s14 =	sshrl.u32 s9, $0x2  }
0xd: {  	s23 =	sadd.s32 s16, s12;
	s5 =	smul.u32 $0x5000, s5;
	s10 =	ssub.s32 s8, s10  }
0xe: {  	s20 =	sadd.s32 s14, s1;
	[dreg:$0x5] =	wrdreg s23;
	s24 =	sadd.s32 s15, s13  }
0xf: {  	s25 =	sadd.s32 s4, s12;
	s26 =	sshrl.u32 s13, $0x3;
	s23 =	simm.s32 $0x7  }
0x10: {  	[dreg:$0x6] =	wrdreg s25;
	s14 =	sshrl.u32 s24, $0x3;
	s16 =	smax.u32 s10, $0x1  }
.Ltmp0:
0x11: {  	s20 =	sshrl.u32 s20, $0x3;
	s24 =	simm.s32 $0x64;
	(pc) =	sbr.rel .LBB2_1-.Ltmp0, $4  }
0x12: {  	s11 =	sshrl.u32 s5, $0x3;
	s13 =	sor.u32 $0x800, s5;
	s14 =	sadd.s32 s0, s14  }
0x13: {  	s22 =	sadd.s32 s6, s11;
	s9 =	sadd.s32 s7, s11;
	s11 =	sadd.s32 $0x138000, s1  }
0x14: {  	s0 =	sadd.s32 s0, s26;
	[dreg:$0x4] =	wrdreg s22;
	s31 =	sshrl.u32 s11, $0x3  }
0x15: {  	s26 =	simm.s32 $0x5;
	s15 =	sadd.s32 $0x27000, s0;
	[dreg:$0x7] =	wrdreg s31  }
.LBB2_18:
0x16: {  	_ =	swait.ge [sflag:s26], $0x3200  }
0x17: {  	[sflag:s26] =	ssyncset.done $0x0  }
0x18: {  	[sflag:s26] =	ssyncadd.s32 $0xFFFFCE00  }
0x19: {  	_ =	swait.ge [sflag:s28], $0x3200  }
0x1a: {  	[sflag:s28] =	ssyncset.done $0x0  }
0x1b: {  	[sflag:s28] =	ssyncadd.s32 $0xFFFFCE00  }
0x1c: {  	_ =	swait.ge [sflag:s29], $0x3200  }
0x1d: {  	[sflag:s29] =	ssyncset.done $0x0  }
0x1e: {  	[sflag:s29] =	ssyncadd.s32 $0xFFFFCE00  }
0x1f: {  	s0 =	sor.u32 $0x1C0B, s18;
	[bflag:$0x0] =	sbarrier.arrive $0xFFFF  }
0x20: {  	[hbm:s14], [sflag:s0] =	dma.local [spmem:s20], $0x2700  }
0x21: {  	_ =	swait.ge [sflag:s21], $0x2700  }
0x22: {  	s30 =	sadd.s32 $0x1, s30;
	[sflag:s21] =	ssyncset.done $0x0  }
0x23: {  	s2 =	sshrl.u32 @!p2 s11, $0x3;
	p3 =	sne.s32 s30, s16;
	[sflag:s21] =	ssyncadd.s32 $0xFFFFD900  }
0x24: {  	[hbm:s15], [sflag:s0] =	dma.local @!p2 [spmem:s2], $0x100  }
.Ltmp1:
0x25: {  	_ = 	snop;
	(pc) =	sbr.rel @!p3 .LBB2_19-.Ltmp1, $4  }
0x26: {  	s0 =	simm.s32 @!p2 $0xB  }
0x27: {  	_ =	swait.ge @!p2 [sflag:s0], $0x100  }
0x28: {  	[sflag:s0] =	ssyncset.done @!p2 $0x0  }
0x29: {  	[sflag:s0] =	ssyncadd.s32 @!p2 $0xFFFFFF00  }
.LBB2_1:
.Ltmp2:
0x2a: {  	(pc) =	sbr.rel @p0 .LBB2_3-.Ltmp2, $4  }
0x2b: {  	s0 =	rddreg [dreg:$0x4]  }
0x2c: {  	[tilespmem:s3], [sflag:$0x7] =	stream.linear.gather [hbm4b:s0+s3], $0x500, $0x38;
	[tilespmem:$0x1F480] =	vst v63  }
0x2d: {  	s31 =	simm.s32 $0x1000  }
0x2e: {  	[tilespmem:s31], [sflag:$0x9] =	stream.linear.gather [hbm4b:s9+s3], $0x500, $0x38;
	[tilespmem:$0x1F480] =	vst v63  }
0x2f: {  	s0 =	rddreg [dreg:$0x6]  }
0x30: {  	[spmem:s20], [sflag:s19] =	dma.local [hbm:s0], $0x2700  }
.Ltmp3:
0x31: {  	_ = 	snop;
	(pc) =	sbr.rel @p1 .LBB2_4-.Ltmp3, $4  }
.Ltmp4:
0x32: {  	_ = 	snop;
	(pc) =	sbr.rel @!p1 .LBB2_5-.Ltmp4, $4  }
0x33: {  	_ =	swait.ge [sflag:s21], $0x2700  }
0x34: {  	[sflag:s21] =	ssyncset.done $0x0  }
0x35: {  	s2 =	smov.u32 s4;
	s0 =	smov.u32 s19;
	[sflag:s21] =	ssyncadd.s32 $0xFFFFD900  }
0x36: {  	_ = 	snop  }
.LBB2_3:
.Ltmp5:
0x37: {  	s0 =	sor.u32 $0x1C0B, s18;
	s2 =	rddreg [dreg:$0x5];
	(pc) =	sbr.rel @p2 .LBB2_5-.Ltmp5, $4  }
0x38: {  	[spmem:s20], [sflag:s0] =	dma.local [hbm:s2], $0x2700  }
0x39: {  	_ =	swait.ge [sflag:s21], $0x2700  }
0x3a: {  	[sflag:s21] =	ssyncset.done $0x0  }
0x3b: {  	s2 =	rddreg [dreg:$0x3];
	[sflag:s21] =	ssyncadd.s32 $0xFFFFD900  }
.LBB2_4:
0x3c: {  	s2 =	sadd.s32 $0x27000, s2;
	s5 =	rddreg [dreg:$0x7]  }
0x3d: {  	[spmem:s5], [sflag:s0] =	dma.local [hbm:s2], $0x100  }
0x3e: {  	_ =	swait.ge [sflag:s21], $0x100  }
0x3f: {  	[sflag:s21] =	ssyncset.done $0x0  }
0x40: {  	[sflag:s21] =	ssyncadd.s32 $0xFFFFFF00  }
.LBB2_5:
.Ltmp6:
0x41: {  	[bflag:$0x0] =	sbarrier.arrive $0xFFFF;
	(pc) =	sbr.rel .LBB2_6-.Ltmp6, $4  }
0x42: {  	_ =	swait.ge [sflag:s23], $0x500  }
0x43: {  	[sflag:s23] =	ssyncset.done $0x0  }
0x44: {  	s31 =	simm.s32 $0x0;
	s0 =	simm.s32 $0x2000;
	[sflag:s23] =	ssyncadd.s32 $0xFFFFFB00  }
0x45: {  	[tilespmem:s0], [sflag:$0x1] =	stream.indirect.gather [hbm4b:s4+s24], $0x80, s31, s24, $0xb8;
	[tilespmem:$0x1F480] =	vst v63  }
.LBB2_8:
0x46: {  	s5 =	sshll.u32 s5, $0xB;
	s10 =	sadd.s32 $0x1, s31  }
0x47: {  	s12 =	sxor.u32 $0x1, s2;
	s5 =	sadd.s32 s5, s13;
	s8 =	smul.u32 $0xAB, s10  }
0x48: {  	s17 =	sshll.u32 s12, $0xB;
	s5 =	sshrl.u32 s5, $0x3  }
0x49: {  	s25 =	sadd.s32 $0x7, s12;
	s22 =	sadd.s32 s6, s5;
	s8 =	sshrl.u32 s8, $0x9  }
0x4a: {  	[tilespmem:s17], [sflag:s25] =	stream.linear.gather [hbm4b:s22+s3], $0x500, $0x38;
	[tilespmem:$0x1F480] =	vst v63  }
0x4b: {  	s12 =	sadd.s32 $0x9, s12;
	s8 =	sand.u32 $0x7F, s8  }
0x4c: {  	s5 =	sadd.s32 s7, s5;
	s17 =	sor.u32 $0x1000, s17;
	s8 =	smul.u32 $0x3, s8  }
0x4d: {  	[tilespmem:s17], [sflag:s12] =	stream.linear.gather [hbm4b:s5+s3], $0x500, $0x38;
	[tilespmem:$0x1F480] =	vst v63  }
0x4e: {  	s25 =	ssub.s32 s10, s8  }
0x4f: {  	s5 =	sand.u32 $0xFF, s25  }
.LBB2_15:
0x50: {  	s8 =	sadd.s32 $0x4, s5  }
0x51: {  	_ =	swait.ge [sflag:s8], $0x3200  }
0x52: {  	[sflag:s8] =	ssyncset.done $0x0  }
0x53: {  	[sflag:s8] =	ssyncadd.s32 $0xFFFFCE00  }
.LBB2_16:
0x54: {  	s8 =	sand.u32 $0xFF, s10  }
0x55: {  	s8 =	smul.u32 $0xCD, s8;
	_ =	sdelay $0x1  }
0x56: {  	s12 =	sshrl.u32 s8, $0xB  }
0x57: {  	s12 =	smul.u32 $0xA, s12;
	_ =	sdelay $0x1  }
0x58: {  	s17 =	smul.u32 $0xD000, s5;
	s12 =	ssub.s32 s10, s12  }
0x59: {  	s25 =	sadd.s32 $0x1, s5;
	s12 =	sand.u32 $0xFF, s12  }
0x5a: {  	s17 =	sshrl.u32 s17, $0x2;
	s8 =	sand.u32 $0x800, s8;
	s12 =	sshll.u32 s12, $0x7  }
0x5b: {  	s5 =	smov.u32 s10;
	s17 =	sadd.s32 $0x2000, s17;
	s8 =	sor.u32 s12, s8  }
0x5c: {  	[tilespmem:s17], [sflag:s25] =	stream.indirect.gather [hbm4b:s4+s24], $0x80, s8, s24, $0xb8;
	[tilespmem:$0x1F480] =	vst v63  }
.LBB2_17:
0x5d: {  	s8 =	smul.u32 $0xAB, s31;
	_ =	sdelay $0x1  }
0x5e: {  	s8 =	sshrl.u32 s8, $0x9  }
0x5f: {  	s8 =	sand.u32 $0x7F, s8  }
0x60: {  	s8 =	smul.u32 $0x3, s8;
	_ =	sdelay $0x1  }
0x61: {  	s8 =	ssub.s32 s31, s8  }
0x62: {  	s2 =	sshll.u32 s2, $0xB;
	s8 =	sand.u32 $0xFF, s8  }
0x63: {  	s0 =	sshll.u32 s0, $0x7;
	p3 =	slt.u32 s5, $0x64;
	s10 =	smul.u32 $0xD000, s8  }
.Ltmp7:
0x64: {  	s0 =	sadd.s32 s0, s2;
	s12 =	sadd.s32 $0x1, s8;
	(pc) =	sbr.rel @!p3 .LBB2_18-.Ltmp7, $4  }
0x65: {  	s0 =	sadd.s32 $0x1000, s0;
	_ =	swait.ge [sflag:s12], $0x3200  }
0x66: {  	s31 =	smov.u32 s5;
	s10 =	sshrl.u32 s10, $0x2;
	[sflag:s12] =	ssyncset.done $0x0  }
0x67: {  	s25 =	sadd.s32 $0x4, s8;
	s10 =	sadd.s32 $0x2000, s10;
	[sflag:s12] =	ssyncadd.s32 $0xFFFFCE00  }
0x68: {  	[spmem:s1] =	stream.indirect.scatter.add.f32 [tilespmem:s10], [sflag:s25], $0x80, s0, s24, $0xb8;
	[tilespmem:$0x1F480] =	vst v63  }
.LBB2_6:
0x69: {  	s0 =	smul.u32 $0xCD, s31;
	_ =	sdelay $0x1  }
0x6a: {  	s2 =	sshrl.u32 s0, $0xB  }
0x6b: {  	s5 =	sand.u32 $0x1F, s2  }
0x6c: {  	s25 =	smul.u32 $0xA, s5;
	_ =	sdelay $0x1  }
0x6d: {  	s10 =	ssub.s32 s31, s25  }
0x6e: {  	s0 =	sand.u32 $0xFF, s10  }
0x6f: {  	p3 =	seq.s32 s0, $0x0  }
.Ltmp8:
0x70: {  	_ = 	snop;
	(pc) =	sbr.rel @p3 .LBB2_9-.Ltmp8, $2  }
0x71: {  	_ =	sdelay $0x2  }
0x72: {  	s2 =	sand.u32 $0x1, s2  }
0x73: {  	p3 =	sgt.u32 s31, $0x59  }
0x74: {  	s12 =	sand.u32 @!p3 $0xFF, s10  }
0x75: {  	p4 =	sne.s32 @!p3 s12, $0x2  }
0x76: {  	p3 =	por p3, p4  }
.Ltmp9:
0x77: {  	_ = 	snop;
	(pc) =	sbr.rel @!p3 .LBB2_8-.Ltmp9, $1  }
0x78: {  	_ =	sdelay $0x3  }
0x79: {  	p3 =	seq.s32 s31, $0x63  }
0x7a: {  	s5 =	sand.u32 @!p3 $0xFF, s10  }
0x7b: {  	p4 =	sne.s32 @!p3 s5, $0x9  }
0x7c: {  	p4 =	por p3, p4  }
.Ltmp10:
0x7d: {  	_ = 	snop;
	(pc) =	sbr.rel @p4 .LBB2_13-.Ltmp10, $2  }
0x7e: {  	_ =	sdelay $0x2  }
0x7f: {  	s10 =	sadd.s32 $0x1, s31  }
0x80: {  	s5 =	smul.u32 $0xAB, s10;
	_ =	sdelay $0x1  }
0x81: {  	s5 =	sshrl.u32 s5, $0x9  }
.Ltmp11:
0x82: {  	s8 =	sxor.u32 $0x1, s2;
	s5 =	sand.u32 $0x7F, s5;
	(pc) =	sbr.rel .LBB2_15-.Ltmp11, $4  }
0x83: {  	s8 =	sadd.s32 $0x7, s8;
	s5 =	smul.u32 $0x3, s5  }
0x84: {  	_ =	swait.ge [sflag:s8], $0x500  }
0x85: {  	[sflag:s8] =	ssyncset.done $0x0;
	s5 =	ssub.s32 s10, s5  }
0x86: {  	[sflag:s8] =	ssyncadd.s32 $0xFFFFFB00;
	s5 =	sand.u32 $0xFF, s5  }
.LBB2_9:
0x87: {  	p3 =	seq.s32 s31, $0x63  }
.Ltmp12:
0x88: {  	_ = 	snop;
	(pc) =	sbr.rel @p3 .LBB2_17-.Ltmp12, $4  }
0x89: {  	s5 =	sadd.s32 $0x9, s2  }
0x8a: {  	_ =	swait.ge [sflag:s5], $0x500  }
0x8b: {  	[sflag:s5] =	ssyncset.done $0x0  }
0x8c: {  	[sflag:s5] =	ssyncadd.s32 $0xFFFFFB00;
	s5 =	simm.s32 $0x64  }
0x8d: {  	s10 =	sadd.s32 $0x1, s31  }
.LBB2_14:
0x8e: {  	s5 =	sand.u32 $0xFF, s10  }
0x8f: {  	s5 =	smul.u32 $0xAB, s5;
	_ =	sdelay $0x1  }
0x90: {  	s5 =	sshrl.u32 s5, $0x9  }
0x91: {  	p3 =	slt.u32 s31, $0x2;
	s5 =	smul.u32 $0x3, s5  }
.Ltmp13:
0x92: {  	_ = 	snop;
	(pc) =	sbr.rel @p3 .LBB2_16-.Ltmp13, $4  }
.Ltmp14:
0x93: {  	_ = 	snop;
	(pc) =	sbr.rel @!p3 .LBB2_15-.Ltmp14, $4  }
0x94: {  	_ = 	snop  }
0x95: {  	s5 =	ssub.s32 s10, s5  }
0x96: {  	s5 =	sand.u32 $0xFF, s5  }
0x97: {  	_ = 	snop  }
.LBB2_13:
.Ltmp15:
0x98: {  	(pc) =	sbr.rel @p3 .LBB2_17-.Ltmp15, $4  }
.Ltmp16:
0x99: {  	(pc) =	sbr.rel @!p3 .LBB2_14-.Ltmp16, $4  }
0x9a: {  	_ = 	snop  }
0x9b: {  	_ = 	snop  }
0x9c: {  	s5 =	simm.s32 $0x64  }
0x9d: {  	_ = 	snop  }
.LBB2_19:
0x9e: {  	_ =	sfence.sel $0x180000  }
0x9f: {  	[bflag:$0x0] =	sbarrier.arrive $0xFFFF  }
0xa0: {  	_ =	strace $0x9000004A  }
0xa1: {  	s0 =	stileid.u32;
	[bflag:$0x2] =	sbarrier.arrive $0xFFFF  }
0xa2: {  	p0 =	sne.s32 s0, $0x0;
	s0 =	rddreg [dreg:$0x2]  }
0xa3: {  	s0 =	sadd.s32 @!p0 $0x100000, s0  }
0xa4: {  	[sflag:s0] =	ssyncadd.tile.s32 @!p0 $0x1;
	_ =	shalt  }
.Lfunc_end2:
_tile_overlayer_lowered:
.L_overlay_start_2:
0xa5: {  	(tag) =	ssettag $0x2  }
0xa6: {  	s0 =	rddreg [dreg:$0x0];
	s2 =	stileid.u32  }
0xa7: {  	s1 =	rddreg [dreg:$0x1];
	p0 =	sne.s32 s2, $0x0  }
0xa8: {  	s3 =	rddreg [dreg:$0x2];
	[bflag:$0x3] =	sbarrier.arrive $0xFFFF;
	s2 =	simm.s32 @!p0 $0x1C0B  }
0xa9: {  	[timem:s3], [sflag:s2] =	dma.local @!p0 [hbm:s0], s1  }
0xaa: {  	s0 =	simm.s32 @!p0 $0xB  }
0xab: {  	_ =	swait.ge @!p0 [sflag:s0], s1  }
0xac: {  	s1 =	ssub.s32 @!p0 $0x0, s1;
	[sflag:s0] =	ssyncset.done @!p0 $0x0  }
0xad: {  	[sflag:s0] =	ssyncadd.s32 @!p0 s1  }
0xae: {  	[bflag:$0x3] =	sbarrier.arrive $0xFFFF  }
0xaf: {  	_ =	shalt  }

// kernel: kernel.24.cloned.1.call-start
scs
__scs_entry_jumppad:
0x0: {  	(pc) =	sbr.rel $0x88, $3  }
0x1: {  	(tag) =	ssettag $0x0;
	lr =	simm.s32 $0x1  }
0x2: {  	[smem:$0x3F7C] =	sst lr;
	_ =	strace $0xD0000000  }
0x3: {  	_ = 	snop  }
0x4: {  	_ = 	snop  }
0x5: {  	_ = 	snop  }
0x6: {  	_ = 	snop  }
0x7: {  	_ = 	snop  }
__scs_overlays_trampoline_lowered:
0x8: {  	[smem:$0x3F8B] =	sst s0  }
0x9: {  	[smem:$0x3F8C] =	sst s1  }
0xa: {  	[smem:$0x3F8D] =	sst s2  }
0xb: {  	[smem:$0x3F8E] =	sst s3  }
0xc: {  	[smem:$0x3F8F] =	sst s4  }
0xd: {  	[smem:$0x3F90] =	sst s5  }
0xe: {  	[smem:$0x3F91] =	sst s6  }
0xf: {  	[smem:$0x3F92] =	sst s7  }
0x10: {  	[smem:$0x3F93] =	sst s8  }
0x11: {  	[smem:$0x3F94] =	sst s9;
	s0 =	simm.s32 @!p0 $0x0  }
0x12: {  	s1 =	sld [smem:$0x3F7A];
	s0 =	simm.s32 @p0 $0x1  }
0x13: {  	[smem:$0x3F95] =	sst s0;
	s0 =	simm.s32 @!p1 $0x0  }
0x14: {  	s2 =	sld [smem:$0x3F79];
	s0 =	simm.s32 @p1 $0x1  }
0x15: {  	[smem:$0x3F96] =	sst s0;
	s0 =	simm.s32 @!p2 $0x0  }
0x16: {  	s3 =	sld [smem:$0x3FDB];
	s0 =	simm.s32 @p2 $0x1  }
0x17: {  	s4 =	simm.s32 $0x1BF5;
	[smem:$0x3F98] =	sst s0  }
0x18: {  	s0 =	sld [smem:$0x3F7B];
	_ =	swait.ge [sflag:s4], $0x0  }
0x19: {  	s7 =	sld [smem:$0x3F7C]  }
0x1a: {  	s8 =	sadd.s32 $0xFFFFE003, lr  }
0x1b: {  	s9 =	sadd.s32 $0xFFFFFEF7, lr;
	s5 =	simm.s32 $0xFFFFFFFF;
	p2 =	slt.u32 s8, $0xFFFFF086  }
0x1c: {  	p1 =	slt.u32 s9, $0xF7A;
	s5 =	simm.s32 @!p2 $0x0  }
0x1d: {  	s5 =	simm.s32 @p1 $0x1;
	p0 =	seq.s32 s7, s2  }
0x1e: {  	s7 =	smul.u32 @!p0 $0xF7A, s2;
	p2 =	seq.s32 @!p0 s5, $0x0  }
0x1f: {  	s9 =	smul.u32 $0xF7A, s1;
	s8 =	simm.s32 @!p0 $0x1BF5;
	p2 =	por !p2, p0  }
0x20: {  	[sflag:s8] =	ssyncset.s32 @!p0 $0xFFFFF086;
	s6 =	sadd.s32 @!p0 s3, s7;
	s7 =	simm.s32 @!p0 $0x108  }
0x21: {  	s3 =	sadd.s32 s3, s9;
	s6 =	sadd.s32 @!p0 $0x88, s6;
	s7 =	simm.s32 @p2 $0x1082  }
0x22: {  	[simem:s7], [sflag:s8] =	dma.local @!p0 [hbm:s6], $0xF7A  }
0x23: {  	s9 =	sor.u32 $0xD0000000, s2;
	s6 =	simm.s32 $0x108;
	_ =	swait.ge @!p0 [sflag:s8], $0x0  }
0x24: {  	s3 =	sadd.s32 $0x88, s3;
	s6 =	simm.s32 @!p1 $0x1082;
	[sflag:s4] =	ssyncset.s32 $0xFFFFF086  }
0x25: {  	[simem:s6], [sflag:s4] =	dma.local [hbm:s3], $0xF7A  }
0x26: {  	[smem:$0x3F7C] =	sst s1;
	(tag) =	ssettag s2;
	_ =	strace s9  }
0x27: {  	s1 =	sld [smem:$0x3F8C]  }
0x28: {  	s2 =	sld [smem:$0x3F8D]  }
0x29: {  	s4 =	sld [smem:$0x3F8F]  }
0x2a: {  	p0 =	seq.s32 s5, $0x0;
	s5 =	sld [smem:$0x3F90]  }
0x2b: {  	s6 =	sld [smem:$0x3F91]  }
0x2c: {  	s7 =	sld [smem:$0x3F92]  }
0x2d: {  	s3 =	simm.s32 $0x108;
	s8 =	sld [smem:$0x3F93]  }
0x2e: {  	s3 =	simm.s32 @!p0 $0x1082;
	s9 =	sld [smem:$0x3F94]  }
0x2f: {  	lr =	sadd.s32 s0, s3;
	s0 =	sld [smem:$0x3F8B]  }
0x30: {  	s3 =	sld [smem:$0x3F8E]  }
0x31: {  	[smem:$0x3F97] =	sst s10  }
0x32: {  	s10 =	sld [smem:$0x3F95];
	_ =	sdelay $0x3  }
0x33: {  	p0 =	seq.s32 s10, $0x1;
	s10 =	sld [smem:$0x3F97];
	_ =	sdelay $0x3  }
0x34: {  	[smem:$0x3F97] =	sst s10  }
0x35: {  	s10 =	sld [smem:$0x3F96];
	_ =	sdelay $0x3  }
0x36: {  	p1 =	seq.s32 s10, $0x1;
	s10 =	sld [smem:$0x3F97];
	_ =	sdelay $0x3  }
0x37: {  	[smem:$0x3F97] =	sst s10  }
0x38: {  	s10 =	sld [smem:$0x3F98]  }
0x39: {  	_ = 	snop;
	(pc) =	sbr.ind lr, $3  }
0x3a: {  	_ = 	snop  }
0x3b: {  	_ = 	snop  }
0x3c: {  	p2 =	seq.s32 s10, $0x1;
	s10 =	sld [smem:$0x3F97]  }
0x3d: {  	_ =	shalt  }
0x3e: {  	_ =	shalt  }
0x3f: {  	_ =	shalt  }
0x40: {  	_ =	shalt  }
0x41: {  	_ =	shalt  }
0x42: {  	_ =	shalt  }
0x43: {  	_ =	shalt  }
0x44: {  	_ =	shalt  }
0x45: {  	_ =	shalt  }
0x46: {  	_ =	shalt  }
0x47: {  	_ =	shalt  }
0x48: {  	_ =	shalt  }
0x49: {  	_ =	shalt  }
0x4a: {  	_ =	shalt  }
0x4b: {  	_ =	shalt  }
0x4c: {  	_ =	shalt  }
0x4d: {  	_ =	shalt  }
0x4e: {  	_ =	shalt  }
0x4f: {  	_ =	shalt  }
0x50: {  	_ =	shalt  }
0x51: {  	_ =	shalt  }
0x52: {  	_ =	shalt  }
0x53: {  	_ =	shalt  }
0x54: {  	_ =	shalt  }
0x55: {  	_ =	shalt  }
0x56: {  	_ =	shalt  }
0x57: {  	_ =	shalt  }
0x58: {  	_ =	shalt  }
0x59: {  	_ =	shalt  }
0x5a: {  	_ =	shalt  }
0x5b: {  	_ =	shalt  }
0x5c: {  	_ =	shalt  }
0x5d: {  	_ =	shalt  }
0x5e: {  	_ =	shalt  }
0x5f: {  	_ =	shalt  }
0x60: {  	_ =	shalt  }
0x61: {  	_ =	shalt  }
0x62: {  	_ =	shalt  }
0x63: {  	_ =	shalt  }
0x64: {  	_ =	shalt  }
0x65: {  	_ =	shalt  }
0x66: {  	_ =	shalt  }
0x67: {  	_ =	shalt  }
0x68: {  	_ =	shalt  }
0x69: {  	_ =	shalt  }
0x6a: {  	_ =	shalt  }
0x6b: {  	_ =	shalt  }
0x6c: {  	_ =	shalt  }
0x6d: {  	_ =	shalt  }
0x6e: {  	_ =	shalt  }
0x6f: {  	_ =	shalt  }
0x70: {  	_ =	shalt  }
0x71: {  	_ =	shalt  }
0x72: {  	_ =	shalt  }
0x73: {  	_ =	shalt  }
0x74: {  	_ =	shalt  }
0x75: {  	_ =	shalt  }
0x76: {  	_ =	shalt  }
0x77: {  	_ =	shalt  }
0x78: {  	_ =	shalt  }
0x79: {  	_ =	shalt  }
0x7a: {  	_ =	shalt  }
0x7b: {  	_ =	shalt  }
0x7c: {  	_ =	shalt  }
0x7d: {  	_ =	shalt  }
0x7e: {  	_ =	shalt  }
0x7f: {  	_ =	shalt  }
0x80: {  	_ =	shalt  }
0x81: {  	_ =	shalt  }
0x82: {  	_ =	shalt  }
0x83: {  	_ =	shalt  }
0x84: {  	_ =	shalt  }
0x85: {  	_ =	shalt  }
0x86: {  	_ =	shalt  }
0x87: {  	_ =	shalt  }
.Lfunc_end0:
.L_simem_size_0:
called_computation.2_lowered:
.L_overlay_start_0:
0x88: {  	s2 =	sld [smem:$0x3FD9]  }
0x89: {  	s3 =	sld [smem:$0x3FFE];
	_ =	sdelay $0x1  }
0x8a: {  	s1 =	srdreg.scid  }
0x8b: {  	s0 =	sand.u32 $0x1, s1  }
0x8c: {  	s16 =	sshll.u32 s0, $0xA;
	s2 =	sadd.s32 s3, s2  }
0x8d: {  	s2 =	sadd.s32 s2, s16  }
0x8e: {  	[smem:$0x3FA3] =	sst s2  }
0x8f: {  	_ = 	snop  }
0x90: {  	(tm) =	ssettm $0x1  }
0x91: {  	s17 =	sld [smem:$0x3FFB];
	_ =	sdelay $0x3  }
0x92: {  	_ =	strace s17  }
0x93: {  	s2 =	sld [smem:$0x3FFC];
	_ =	sdelay $0x3  }
0x94: {  	_ =	strace s2  }
0x95: {  	s2 =	sld [smem:$0x3FFD];
	_ =	sdelay $0x3  }
0x96: {  	_ =	strace s2  }
0x97: {  	_ =	strace $0x8FFFFFFF  }
0x98: {  	s18 =	sld [smem:$0x3FDB];
	_ =	sdelay $0x1  }
0x99: {  	s19 =	simm.s32 $_scs_section_size  }
0x9a: {  	s4 =	simm.s32 $_size__tile_overlayer_lowered;
	s5 =	simm.s32 $_tile_overlayer_lowered  }
0x9b: {  	s22 =	simm.s32 $0x1BFF;
	s21 =	sshll.u32 s5, $0x1;
	s2 =	sadd.s32 s19, s18  }
0x9c: {  	s6 =	simm.s32 $0x0;
	s20 =	sshll.u32 s4, $0x1;
	s4 =	sadd.s32 s21, s2  }
0x9d: {  	[timem:s6], [sflag:s22] =	dma.local [hbm:s4], s20  }
0x9e: {  	_ =	swait.ge [sflag:s22], s20  }
0x9f: {  	s3 =	ssub.s32 $0x0, s20;
	[sflag:s22] =	ssyncset.done $0x0  }
0xa0: {  	[sflag:s22] =	ssyncadd.s32 s3;
	_ =	sdelay $0x1  }
0xa1: {  	s23 =	simm.s32 $0x1B8B  }
0xa2: {  	_ =	swait.ge [sflag:s23], $0x1  }
0xa3: {  	[sflag:s23] =	ssyncset.done $0x0  }
0xa4: {  	s25 =	simm.s32 $0x1B8E;
	s24 =	sld [smem:$0x3FFE];
	[sflag:s23] =	ssyncadd.s32 $0xFFFFFFFF  }
0xa5: {  	s26 =	simm.s32 $execute0_lowered;
	[smem:$0x3FD2] =	sst s25  }
0xa6: {  	s4 =	sshll.u32 s26, $0x1;
	_ =	strace $0x8000004C;
	[dreg:$0x1] =	wrdreg $0xFFFFFFFF  }
0xa7: {  	s28 =	simm.s32 $_size_execute0_lowered;
	s2 =	sadd.s32 s2, s4;
	[dreg:$0x0] =	wrdreg $0x0  }
0xa8: {  	s4 =	sshll.u32 s28, $0x1;
	[dreg:$0x2] =	wrdreg s2  }
0xa9: {  	[dreg:$0x3] =	wrdreg s4  }
0xaa: {  	[dreg:$0x4] =	wrdreg $0xC0  }
0xab: {  	_ =	task [dreg:s6], $0x5FFFF  }
0xac: {  	[dreg:$0x1] =	wrdreg $0xFFFFFFFF  }
0xad: {  	[dreg:$0x0] =	wrdreg $0x60  }
0xae: {  	[dreg:$0x2] =	wrdreg s24  }
0xaf: {  	[dreg:$0x3] =	wrdreg $0xBC000  }
0xb0: {  	[dreg:$0x4] =	wrdreg $0x9  }
0xb1: {  	_ =	task.clear_ibuf [dreg:s6], $0x5FFFF;
	_ =	strace $0x9000004C  }
0xb2: {  	s29 =	simm.s32 $0x9;
	_ =	strace $0x8000004E  }
0xb3: {  	_ =	swait.ge [sflag:s29], $0x1  }
0xb4: {  	[sflag:s29] =	ssyncadd.s32 $0xFFFFFFFF  }
0xb5: {  	_ =	strace $0x9000004E  }
0xb6: {  	_ =	sfence  }
0xb7: {  	s30 =	sld [smem:$0x0];
	_ =	sdelay $0x2  }
0xb8: {  	s31 =	sshll.u32 s1, $0xD;
	s1 =	sshrl.u32 s1, $0x2  }
0xb9: {  	s3 =	sand.u32 $0x4000, s31;
	s1 =	sadd.s32 s1, s30  }
0xba: {  	s0 =	sor.u32 s3, s0;
	s1 =	sshll.u32 s1, $0x11  }
0xbb: {  	s0 =	sor.u32 s1, s0  }
0xbc: {  	s0 =	sadd.s32 $0x8F2B, s0  }
0xbd: {  	[sflag:s0] =	ssyncadd.remote.s32 $0x1  }
0xbe: {  	_ =	sfence.sel $0xFFFF  }
0xbf: {  	[dreg:$0x0] =	wrdreg $0xFFFFFFFF;
	(pc) =	sbr.abs _section_cstart, $3  }
0xc0: {  	[dreg:$0x1] =	wrdreg $0xFFFFFFFF  }
0xc1: {  	_ =	task.clear_ibuf [dreg:s6], $0x2FFFF;
	_ =	strace $0x9FFFFFFF  }
0xc2: {  	(tm) =	ssettm $0x7FFFFFFF  }
0xc3: {  	_ =	shalt  }
tec
execute0_lowered:
.L_overlay_start_1:
0x0: {  	(tag) =	ssettag $0x1  }
0x1: {  	s0 =	rddreg [dreg:$0x0]  }
0x2: {  	s1 =	rddreg [dreg:$0x1]  }
0x3: {  	s2 =	srdreg.scid;
	s3 =	simm.s32 $0x0;
	s17 =	stileid.u32  }
0x4: {  	s21 =	simm.s32 $0xB;
	s28 =	simm.s32 $0x6;
	s29 =	simm.s32 $0x4  }
0x5: {  	s30 =	simm.s32 $0x0;
	s2 =	sand.u32 $0x1, s2;
	s9 =	smul.u32 $0x4E000, s17  }
0x6: {  	[smem:$0x7FF] =	sst s3;
	s16 =	sadd.s32 $0x2F200, s0;
	s12 =	smul.u32 $0x2700, s17  }
0x7: {  	s6 =	sadd.s32 $0x7200, s0;
	s7 =	sadd.s32 $0x1B200, s0;
	s15 =	smul.u32 $0x13800, s17  }
0x8: {  	p1 =	seq.s32 s17, $0xF;
	s18 =	sshll.u32 s17, $0x6;
	p2 =	sne.s32 s17, $0xF  }
0x9: {  	s4 =	sshll.u32 s2, $0x4;
	_ =	strace $0x8000004D;
	s8 =	ssub.s32 $0x2, s2  }
0xa: {  	s13 =	smul.u32 $0x138800, s2;
	[dreg:$0x3] =	wrdreg s16;
	p0 =	sne.s32 s2, $0x0  }
0xb: {  	s19 =	sor.u32 $0x1C0B, s18;
	s5 =	sor.u32 s17, s4;
	s4 =	sadd.s32 $0x56400, s0  }
0xc: {  	s10 =	sshrl.u32 s8, $0x1;
	s0 =	sadd.s32 $0x7D600, s0;
	s14 =	sshrl.u32 s9, $0x2  }
0xd: {  	s23 =	sadd.s32 s16, s12;
	s5 =	smul.u32 $0x5000, s5;
	s10 =	ssub.s32 s8, s10  }
0xe: {  	s20 =	sadd.s32 s14, s1;
	[dreg:$0x5] =	wrdreg s23;
	s24 =	sadd.s32 s15, s13  }
0xf: {  	s25 =	sadd.s32 s4, s12;
	s26 =	sshrl.u32 s13, $0x3;
	s23 =	simm.s32 $0x7  }
0x10: {  	[dreg:$0x6] =	wrdreg s25;
	s14 =	sshrl.u32 s24, $0x3;
	s16 =	smax.u32 s10, $0x1  }
.Ltmp0:
0x11: {  	s20 =	sshrl.u32 s20, $0x3;
	s24 =	simm.s32 $0x64;
	(pc) =	sbr.rel .LBB2_1-.Ltmp0, $4  }
0x12: {  	s11 =	sshrl.u32 s5, $0x3;
	s13 =	sor.u32 $0x800, s5;
	s14 =	sadd.s32 s0, s14  }
0x13: {  	s22 =	sadd.s32 s6, s11;
	s9 =	sadd.s32 s7, s11;
	s11 =	sadd.s32 $0x138000, s1  }
0x14: {  	s0 =	sadd.s32 s0, s26;
	[dreg:$0x4] =	wrdreg s22;
	s31 =	sshrl.u32 s11, $0x3  }
0x15: {  	s26 =	simm.s32 $0x5;
	s15 =	sadd.s32 $0x27000, s0;
	[dreg:$0x7] =	wrdreg s31  }
.LBB2_18:
0x16: {  	_ =	swait.ge [sflag:s26], $0x3200  }
0x17: {  	[sflag:s26] =	ssyncset.done $0x0  }
0x18: {  	[sflag:s26] =	ssyncadd.s32 $0xFFFFCE00  }
0x19: {  	_ =	swait.ge [sflag:s28], $0x3200  }
0x1a: {  	[sflag:s28] =	ssyncset.done $0x0  }
0x1b: {  	[sflag:s28] =	ssyncadd.s32 $0xFFFFCE00  }
0x1c: {  	_ =	swait.ge [sflag:s29], $0x3200  }
0x1d: {  	[sflag:s29] =	ssyncset.done $0x0  }
0x1e: {  	[sflag:s29] =	ssyncadd.s32 $0xFFFFCE00  }
0x1f: {  	s0 =	sor.u32 $0x1C0B, s18;
	[bflag:$0x0] =	sbarrier.arrive $0xFFFF  }
0x20: {  	[hbm:s14], [sflag:s0] =	dma.local [spmem:s20], $0x2700  }
0x21: {  	_ =	swait.ge [sflag:s21], $0x2700  }
0x22: {  	s30 =	sadd.s32 $0x1, s30;
	[sflag:s21] =	ssyncset.done $0x0  }
0x23: {  	s2 =	sshrl.u32 @!p2 s11, $0x3;
	p3 =	sne.s32 s30, s16;
	[sflag:s21] =	ssyncadd.s32 $0xFFFFD900  }
0x24: {  	[hbm:s15], [sflag:s0] =	dma.local @!p2 [spmem:s2], $0x100  }
.Ltmp1:
0x25: {  	_ = 	snop;
	(pc) =	sbr.rel @!p3 .LBB2_19-.Ltmp1, $4  }
0x26: {  	s0 =	simm.s32 @!p2 $0xB  }
0x27: {  	_ =	swait.ge @!p2 [sflag:s0], $0x100  }
0x28: {  	[sflag:s0] =	ssyncset.done @!p2 $0x0  }
0x29: {  	[sflag:s0] =	ssyncadd.s32 @!p2 $0xFFFFFF00  }
.LBB2_1:
.Ltmp2:
0x2a: {  	(pc) =	sbr.rel @p0 .LBB2_3-.Ltmp2, $4  }
0x2b: {  	s0 =	rddreg [dreg:$0x4]  }
0x2c: {  	[tilespmem:s3], [sflag:$0x7] =	stream.linear.gather [hbm4b:s0+s3], $0x500, $0x38;
	[tilespmem:$0x1F480] =	vst v63  }
0x2d: {  	s31 =	simm.s32 $0x1000  }
0x2e: {  	[tilespmem:s31], [sflag:$0x9] =	stream.linear.gather [hbm4b:s9+s3], $0x500, $0x38;
	[tilespmem:$0x1F480] =	vst v63  }
0x2f: {  	s0 =	rddreg [dreg:$0x6]  }
0x30: {  	[spmem:s20], [sflag:s19] =	dma.local [hbm:s0], $0x2700  }
.Ltmp3:
0x31: {  	_ = 	snop;
	(pc) =	sbr.rel @p1 .LBB2_4-.Ltmp3, $4  }
.Ltmp4:
0x32: {  	_ = 	snop;
	(pc) =	sbr.rel @!p1 .LBB2_5-.Ltmp4, $4  }
0x33: {  	_ =	swait.ge [sflag:s21], $0x2700  }
0x34: {  	[sflag:s21] =	ssyncset.done $0x0  }
0x35: {  	s2 =	smov.u32 s4;
	s0 =	smov.u32 s19;
	[sflag:s21] =	ssyncadd.s32 $0xFFFFD900  }
0x36: {  	_ = 	snop  }
.LBB2_3:
.Ltmp5:
0x37: {  	s0 =	sor.u32 $0x1C0B, s18;
	s2 =	rddreg [dreg:$0x5];
	(pc) =	sbr.rel @p2 .LBB2_5-.Ltmp5, $4  }
0x38: {  	[spmem:s20], [sflag:s0] =	dma.local [hbm:s2], $0x2700  }
0x39: {  	_ =	swait.ge [sflag:s21], $0x2700  }
0x3a: {  	[sflag:s21] =	ssyncset.done $0x0  }
0x3b: {  	s2 =	rddreg [dreg:$0x3];
	[sflag:s21] =	ssyncadd.s32 $0xFFFFD900  }
.LBB2_4:
0x3c: {  	s2 =	sadd.s32 $0x27000, s2;
	s5 =	rddreg [dreg:$0x7]  }
0x3d: {  	[spmem:s5], [sflag:s0] =	dma.local [hbm:s2], $0x100  }
0x3e: {  	_ =	swait.ge [sflag:s21], $0x100  }
0x3f: {  	[sflag:s21] =	ssyncset.done $0x0  }
0x40: {  	[sflag:s21] =	ssyncadd.s32 $0xFFFFFF00  }
.LBB2_5:
.Ltmp6:
0x41: {  	[bflag:$0x0] =	sbarrier.arrive $0xFFFF;
	(pc) =	sbr.rel .LBB2_6-.Ltmp6, $4  }
0x42: {  	_ =	swait.ge [sflag:s23], $0x500  }
0x43: {  	[sflag:s23] =	ssyncset.done $0x0  }
0x44: {  	s31 =	simm.s32 $0x0;
	s0 =	simm.s32 $0x2000;
	[sflag:s23] =	ssyncadd.s32 $0xFFFFFB00  }
0x45: {  	[tilespmem:s0], [sflag:$0x1] =	stream.indirect.gather [hbm4b:s4+s24], $0x80, s31, s24, $0xb8;
	[tilespmem:$0x1F480] =	vst v63  }
.LBB2_8:
0x46: {  	s5 =	sshll.u32 s5, $0xB;
	s10 =	sadd.s32 $0x1, s31  }
0x47: {  	s12 =	sxor.u32 $0x1, s2;
	s5 =	sadd.s32 s5, s13;
	s8 =	smul.u32 $0xAB, s10  }
0x48: {  	s17 =	sshll.u32 s12, $0xB;
	s5 =	sshrl.u32 s5, $0x3  }
0x49: {  	s25 =	sadd.s32 $0x7, s12;
	s22 =	sadd.s32 s6, s5;
	s8 =	sshrl.u32 s8, $0x9  }
0x4a: {  	[tilespmem:s17], [sflag:s25] =	stream.linear.gather [hbm4b:s22+s3], $0x500, $0x38;
	[tilespmem:$0x1F480] =	vst v63  }
0x4b: {  	s12 =	sadd.s32 $0x9, s12;
	s8 =	sand.u32 $0x7F, s8  }
0x4c: {  	s5 =	sadd.s32 s7, s5;
	s17 =	sor.u32 $0x1000, s17;
	s8 =	smul.u32 $0x3, s8  }
0x4d: {  	[tilespmem:s17], [sflag:s12] =	stream.linear.gather [hbm4b:s5+s3], $0x500, $0x38;
	[tilespmem:$0x1F480] =	vst v63  }
0x4e: {  	s25 =	ssub.s32 s10, s8  }
0x4f: {  	s5 =	sand.u32 $0xFF, s25  }
.LBB2_15:
0x50: {  	s8 =	sadd.s32 $0x4, s5  }
0x51: {  	_ =	swait.ge [sflag:s8], $0x3200  }
0x52: {  	[sflag:s8] =	ssyncset.done $0x0  }
0x53: {  	[sflag:s8] =	ssyncadd.s32 $0xFFFFCE00  }
.LBB2_16:
0x54: {  	s8 =	sand.u32 $0xFF, s10  }
0x55: {  	s8 =	smul.u32 $0xCD, s8;
	_ =	sdelay $0x1  }
0x56: {  	s12 =	sshrl.u32 s8, $0xB  }
0x57: {  	s12 =	smul.u32 $0xA, s12;
	_ =	sdelay $0x1  }
0x58: {  	s17 =	smul.u32 $0xD000, s5;
	s12 =	ssub.s32 s10, s12  }
0x59: {  	s25 =	sadd.s32 $0x1, s5;
	s12 =	sand.u32 $0xFF, s12  }
0x5a: {  	s17 =	sshrl.u32 s17, $0x2;
	s8 =	sand.u32 $0x800, s8;
	s12 =	sshll.u32 s12, $0x7  }
0x5b: {  	s5 =	smov.u32 s10;
	s17 =	sadd.s32 $0x2000, s17;
	s8 =	sor.u32 s12, s8  }
0x5c: {  	[tilespmem:s17], [sflag:s25] =	stream.indirect.gather [hbm4b:s4+s24], $0x80, s8, s24, $0xb8;
	[tilespmem:$0x1F480] =	vst v63  }
.LBB2_17:
0x5d: {  	s8 =	smul.u32 $0xAB, s31;
	_ =	sdelay $0x1  }
0x5e: {  	s8 =	sshrl.u32 s8, $0x9  }
0x5f: {  	s8 =	sand.u32 $0x7F, s8  }
0x60: {  	s8 =	smul.u32 $0x3, s8;
	_ =	sdelay $0x1  }
0x61: {  	s8 =	ssub.s32 s31, s8  }
0x62: {  	s2 =	sshll.u32 s2, $0xB;
	s8 =	sand.u32 $0xFF, s8  }
0x63: {  	s0 =	sshll.u32 s0, $0x7;
	p3 =	slt.u32 s5, $0x64;
	s10 =	smul.u32 $0xD000, s8  }
.Ltmp7:
0x64: {  	s0 =	sadd.s32 s0, s2;
	s12 =	sadd.s32 $0x1, s8;
	(pc) =	sbr.rel @!p3 .LBB2_18-.Ltmp7, $4  }
0x65: {  	s0 =	sadd.s32 $0x1000, s0;
	_ =	swait.ge [sflag:s12], $0x3200  }
0x66: {  	s31 =	smov.u32 s5;
	s10 =	sshrl.u32 s10, $0x2;
	[sflag:s12] =	ssyncset.done $0x0  }
0x67: {  	s25 =	sadd.s32 $0x4, s8;
	s10 =	sadd.s32 $0x2000, s10;
	[sflag:s12] =	ssyncadd.s32 $0xFFFFCE00  }
0x68: {  	[spmem:s1] =	stream.indirect.scatter.add.f32 [tilespmem:s10], [sflag:s25], $0x80, s0, s24, $0xb8;
	[tilespmem:$0x1F480] =	vst v63  }
.LBB2_6:
0x69: {  	s0 =	smul.u32 $0xCD, s31;
	_ =	sdelay $0x1  }
0x6a: {  	s2 =	sshrl.u32 s0, $0xB  }
0x6b: {  	s5 =	sand.u32 $0x1F, s2  }
0x6c: {  	s25 =	smul.u32 $0xA, s5;
	_ =	sdelay $0x1  }
0x6d: {  	s10 =	ssub.s32 s31, s25  }
0x6e: {  	s0 =	sand.u32 $0xFF, s10  }
0x6f: {  	p3 =	seq.s32 s0, $0x0  }
.Ltmp8:
0x70: {  	_ = 	snop;
	(pc) =	sbr.rel @p3 .LBB2_9-.Ltmp8, $2  }
0x71: {  	_ =	sdelay $0x2  }
0x72: {  	s2 =	sand.u32 $0x1, s2  }
0x73: {  	p3 =	sgt.u32 s31, $0x59  }
0x74: {  	s12 =	sand.u32 @!p3 $0xFF, s10  }
0x75: {  	p4 =	sne.s32 @!p3 s12, $0x2  }
0x76: {  	p3 =	por p3, p4  }
.Ltmp9:
0x77: {  	_ = 	snop;
	(pc) =	sbr.rel @!p3 .LBB2_8-.Ltmp9, $1  }
0x78: {  	_ =	sdelay $0x3  }
0x79: {  	p3 =	seq.s32 s31, $0x63  }
0x7a: {  	s5 =	sand.u32 @!p3 $0xFF, s10  }
0x7b: {  	p4 =	sne.s32 @!p3 s5, $0x9  }
0x7c: {  	p4 =	por p3, p4  }
.Ltmp10:
0x7d: {  	_ = 	snop;
	(pc) =	sbr.rel @p4 .LBB2_13-.Ltmp10, $2  }
0x7e: {  	_ =	sdelay $0x2  }
0x7f: {  	s10 =	sadd.s32 $0x1, s31  }
0x80: {  	s5 =	smul.u32 $0xAB, s10;
	_ =	sdelay $0x1  }
0x81: {  	s5 =	sshrl.u32 s5, $0x9  }
.Ltmp11:
0x82: {  	s8 =	sxor.u32 $0x1, s2;
	s5 =	sand.u32 $0x7F, s5;
	(pc) =	sbr.rel .LBB2_15-.Ltmp11, $4  }
0x83: {  	s8 =	sadd.s32 $0x7, s8;
	s5 =	smul.u32 $0x3, s5  }
0x84: {  	_ =	swait.ge [sflag:s8], $0x500  }
0x85: {  	[sflag:s8] =	ssyncset.done $0x0;
	s5 =	ssub.s32 s10, s5  }
0x86: {  	[sflag:s8] =	ssyncadd.s32 $0xFFFFFB00;
	s5 =	sand.u32 $0xFF, s5  }
.LBB2_9:
0x87: {  	p3 =	seq.s32 s31, $0x63  }
.Ltmp12:
0x88: {  	_ = 	snop;
	(pc) =	sbr.rel @p3 .LBB2_17-.Ltmp12, $4  }
0x89: {  	s5 =	sadd.s32 $0x9, s2  }
0x8a: {  	_ =	swait.ge [sflag:s5], $0x500  }
0x8b: {  	[sflag:s5] =	ssyncset.done $0x0  }
0x8c: {  	[sflag:s5] =	ssyncadd.s32 $0xFFFFFB00;
	s5 =	simm.s32 $0x64  }
0x8d: {  	s10 =	sadd.s32 $0x1, s31  }
.LBB2_14:
0x8e: {  	s5 =	sand.u32 $0xFF, s10  }
0x8f: {  	s5 =	smul.u32 $0xAB, s5;
	_ =	sdelay $0x1  }
0x90: {  	s5 =	sshrl.u32 s5, $0x9  }
0x91: {  	p3 =	slt.u32 s31, $0x2;
	s5 =	smul.u32 $0x3, s5  }
.Ltmp13:
0x92: {  	_ = 	snop;
	(pc) =	sbr.rel @p3 .LBB2_16-.Ltmp13, $4  }
.Ltmp14:
0x93: {  	_ = 	snop;
	(pc) =	sbr.rel @!p3 .LBB2_15-.Ltmp14, $4  }
0x94: {  	_ = 	snop  }
0x95: {  	s5 =	ssub.s32 s10, s5  }
0x96: {  	s5 =	sand.u32 $0xFF, s5  }
0x97: {  	_ = 	snop  }
.LBB2_13:
.Ltmp15:
0x98: {  	(pc) =	sbr.rel @p3 .LBB2_17-.Ltmp15, $4  }
.Ltmp16:
0x99: {  	(pc) =	sbr.rel @!p3 .LBB2_14-.Ltmp16, $4  }
0x9a: {  	_ = 	snop  }
0x9b: {  	_ = 	snop  }
0x9c: {  	s5 =	simm.s32 $0x64  }
0x9d: {  	_ = 	snop  }
.LBB2_19:
0x9e: {  	_ =	sfence.sel $0x180000  }
0x9f: {  	[bflag:$0x0] =	sbarrier.arrive $0xFFFF  }
0xa0: {  	_ =	strace $0x9000004D  }
0xa1: {  	s0 =	stileid.u32;
	[bflag:$0x2] =	sbarrier.arrive $0xFFFF  }
0xa2: {  	p0 =	sne.s32 s0, $0x0;
	s0 =	rddreg [dreg:$0x2]  }
0xa3: {  	s0 =	sadd.s32 @!p0 $0x100000, s0  }
0xa4: {  	[sflag:s0] =	ssyncadd.tile.s32 @!p0 $0x1;
	_ =	shalt  }
.Lfunc_end2:
_tile_overlayer_lowered:
.L_overlay_start_2:
0xa5: {  	(tag) =	ssettag $0x2  }
0xa6: {  	s0 =	rddreg [dreg:$0x0];
	s2 =	stileid.u32  }
0xa7: {  	s1 =	rddreg [dreg:$0x1];
	p0 =	sne.s32 s2, $0x0  }
0xa8: {  	s3 =	rddreg [dreg:$0x2];
	[bflag:$0x3] =	sbarrier.arrive $0xFFFF;
	s2 =	simm.s32 @!p0 $0x1C0B  }
0xa9: {  	[timem:s3], [sflag:s2] =	dma.local @!p0 [hbm:s0], s1  }
0xaa: {  	s0 =	simm.s32 @!p0 $0xB  }
0xab: {  	_ =	swait.ge @!p0 [sflag:s0], s1  }
0xac: {  	s1 =	ssub.s32 @!p0 $0x0, s1;
	[sflag:s0] =	ssyncset.done @!p0 $0x0  }
0xad: {  	[sflag:s0] =	ssyncadd.s32 @!p0 s1  }
0xae: {  	[bflag:$0x3] =	sbarrier.arrive $0xFFFF  }
0xaf: {  	_ =	shalt  }

// kernel: kernel.27.cloned.1.call-start
scs
__scs_entry_jumppad:
0x0: {  	(pc) =	sbr.rel $0x88, $3  }
0x1: {  	(tag) =	ssettag $0x0;
	lr =	simm.s32 $0x1  }
0x2: {  	[smem:$0x3F7C] =	sst lr;
	_ =	strace $0xD0000000  }
0x3: {  	_ = 	snop  }
0x4: {  	_ = 	snop  }
0x5: {  	_ = 	snop  }
0x6: {  	_ = 	snop  }
0x7: {  	_ = 	snop  }
__scs_overlays_trampoline_lowered:
0x8: {  	[smem:$0x3F8B] =	sst s0  }
0x9: {  	[smem:$0x3F8C] =	sst s1  }
0xa: {  	[smem:$0x3F8D] =	sst s2  }
0xb: {  	[smem:$0x3F8E] =	sst s3  }
0xc: {  	[smem:$0x3F8F] =	sst s4  }
0xd: {  	[smem:$0x3F90] =	sst s5  }
0xe: {  	[smem:$0x3F91] =	sst s6  }
0xf: {  	[smem:$0x3F92] =	sst s7  }
0x10: {  	[smem:$0x3F93] =	sst s8  }
0x11: {  	[smem:$0x3F94] =	sst s9;
	s0 =	simm.s32 @!p0 $0x0  }
0x12: {  	s1 =	sld [smem:$0x3F7A];
	s0 =	simm.s32 @p0 $0x1  }
0x13: {  	[smem:$0x3F95] =	sst s0;
	s0 =	simm.s32 @!p1 $0x0  }
0x14: {  	s2 =	sld [smem:$0x3F79];
	s0 =	simm.s32 @p1 $0x1  }
0x15: {  	[smem:$0x3F96] =	sst s0;
	s0 =	simm.s32 @!p2 $0x0  }
0x16: {  	s3 =	sld [smem:$0x3FDB];
	s0 =	simm.s32 @p2 $0x1  }
0x17: {  	s4 =	simm.s32 $0x1BF5;
	[smem:$0x3F98] =	sst s0  }
0x18: {  	s0 =	sld [smem:$0x3F7B];
	_ =	swait.ge [sflag:s4], $0x0  }
0x19: {  	s7 =	sld [smem:$0x3F7C]  }
0x1a: {  	s8 =	sadd.s32 $0xFFFFE003, lr  }
0x1b: {  	s9 =	sadd.s32 $0xFFFFFEF7, lr;
	s5 =	simm.s32 $0xFFFFFFFF;
	p2 =	slt.u32 s8, $0xFFFFF086  }
0x1c: {  	p1 =	slt.u32 s9, $0xF7A;
	s5 =	simm.s32 @!p2 $0x0  }
0x1d: {  	s5 =	simm.s32 @p1 $0x1;
	p0 =	seq.s32 s7, s2  }
0x1e: {  	s7 =	smul.u32 @!p0 $0xF7A, s2;
	p2 =	seq.s32 @!p0 s5, $0x0  }
0x1f: {  	s9 =	smul.u32 $0xF7A, s1;
	s8 =	simm.s32 @!p0 $0x1BF5;
	p2 =	por !p2, p0  }
0x20: {  	[sflag:s8] =	ssyncset.s32 @!p0 $0xFFFFF086;
	s6 =	sadd.s32 @!p0 s3, s7;
	s7 =	simm.s32 @!p0 $0x108  }
0x21: {  	s3 =	sadd.s32 s3, s9;
	s6 =	sadd.s32 @!p0 $0x88, s6;
	s7 =	simm.s32 @p2 $0x1082  }
0x22: {  	[simem:s7], [sflag:s8] =	dma.local @!p0 [hbm:s6], $0xF7A  }
0x23: {  	s9 =	sor.u32 $0xD0000000, s2;
	s6 =	simm.s32 $0x108;
	_ =	swait.ge @!p0 [sflag:s8], $0x0  }
0x24: {  	s3 =	sadd.s32 $0x88, s3;
	s6 =	simm.s32 @!p1 $0x1082;
	[sflag:s4] =	ssyncset.s32 $0xFFFFF086  }
0x25: {  	[simem:s6], [sflag:s4] =	dma.local [hbm:s3], $0xF7A  }
0x26: {  	[smem:$0x3F7C] =	sst s1;
	(tag) =	ssettag s2;
	_ =	strace s9  }
0x27: {  	s1 =	sld [smem:$0x3F8C]  }
0x28: {  	s2 =	sld [smem:$0x3F8D]  }
0x29: {  	s4 =	sld [smem:$0x3F8F]  }
0x2a: {  	p0 =	seq.s32 s5, $0x0;
	s5 =	sld [smem:$0x3F90]  }
0x2b: {  	s6 =	sld [smem:$0x3F91]  }
0x2c: {  	s7 =	sld [smem:$0x3F92]  }
0x2d: {  	s3 =	simm.s32 $0x108;
	s8 =	sld [smem:$0x3F93]  }
0x2e: {  	s3 =	simm.s32 @!p0 $0x1082;
	s9 =	sld [smem:$0x3F94]  }
0x2f: {  	lr =	sadd.s32 s0, s3;
	s0 =	sld [smem:$0x3F8B]  }
0x30: {  	s3 =	sld [smem:$0x3F8E]  }
0x31: {  	[smem:$0x3F97] =	sst s10  }
0x32: {  	s10 =	sld [smem:$0x3F95];
	_ =	sdelay $0x3  }
0x33: {  	p0 =	seq.s32 s10, $0x1;
	s10 =	sld [smem:$0x3F97];
	_ =	sdelay $0x3  }
0x34: {  	[smem:$0x3F97] =	sst s10  }
0x35: {  	s10 =	sld [smem:$0x3F96];
	_ =	sdelay $0x3  }
0x36: {  	p1 =	seq.s32 s10, $0x1;
	s10 =	sld [smem:$0x3F97];
	_ =	sdelay $0x3  }
0x37: {  	[smem:$0x3F97] =	sst s10  }
0x38: {  	s10 =	sld [smem:$0x3F98]  }
0x39: {  	_ = 	snop;
	(pc) =	sbr.ind lr, $3  }
0x3a: {  	_ = 	snop  }
0x3b: {  	_ = 	snop  }
0x3c: {  	p2 =	seq.s32 s10, $0x1;
	s10 =	sld [smem:$0x3F97]  }
0x3d: {  	_ =	shalt  }
0x3e: {  	_ =	shalt  }
0x3f: {  	_ =	shalt  }
0x40: {  	_ =	shalt  }
0x41: {  	_ =	shalt  }
0x42: {  	_ =	shalt  }
0x43: {  	_ =	shalt  }
0x44: {  	_ =	shalt  }
0x45: {  	_ =	shalt  }
0x46: {  	_ =	shalt  }
0x47: {  	_ =	shalt  }
0x48: {  	_ =	shalt  }
0x49: {  	_ =	shalt  }
0x4a: {  	_ =	shalt  }
0x4b: {  	_ =	shalt  }
0x4c: {  	_ =	shalt  }
0x4d: {  	_ =	shalt  }
0x4e: {  	_ =	shalt  }
0x4f: {  	_ =	shalt  }
0x50: {  	_ =	shalt  }
0x51: {  	_ =	shalt  }
0x52: {  	_ =	shalt  }
0x53: {  	_ =	shalt  }
0x54: {  	_ =	shalt  }
0x55: {  	_ =	shalt  }
0x56: {  	_ =	shalt  }
0x57: {  	_ =	shalt  }
0x58: {  	_ =	shalt  }
0x59: {  	_ =	shalt  }
0x5a: {  	_ =	shalt  }
0x5b: {  	_ =	shalt  }
0x5c: {  	_ =	shalt  }
0x5d: {  	_ =	shalt  }
0x5e: {  	_ =	shalt  }
0x5f: {  	_ =	shalt  }
0x60: {  	_ =	shalt  }
0x61: {  	_ =	shalt  }
0x62: {  	_ =	shalt  }
0x63: {  	_ =	shalt  }
0x64: {  	_ =	shalt  }
0x65: {  	_ =	shalt  }
0x66: {  	_ =	shalt  }
0x67: {  	_ =	shalt  }
0x68: {  	_ =	shalt  }
0x69: {  	_ =	shalt  }
0x6a: {  	_ =	shalt  }
0x6b: {  	_ =	shalt  }
0x6c: {  	_ =	shalt  }
0x6d: {  	_ =	shalt  }
0x6e: {  	_ =	shalt  }
0x6f: {  	_ =	shalt  }
0x70: {  	_ =	shalt  }
0x71: {  	_ =	shalt  }
0x72: {  	_ =	shalt  }
0x73: {  	_ =	shalt  }
0x74: {  	_ =	shalt  }
0x75: {  	_ =	shalt  }
0x76: {  	_ =	shalt  }
0x77: {  	_ =	shalt  }
0x78: {  	_ =	shalt  }
0x79: {  	_ =	shalt  }
0x7a: {  	_ =	shalt  }
0x7b: {  	_ =	shalt  }
0x7c: {  	_ =	shalt  }
0x7d: {  	_ =	shalt  }
0x7e: {  	_ =	shalt  }
0x7f: {  	_ =	shalt  }
0x80: {  	_ =	shalt  }
0x81: {  	_ =	shalt  }
0x82: {  	_ =	shalt  }
0x83: {  	_ =	shalt  }
0x84: {  	_ =	shalt  }
0x85: {  	_ =	shalt  }
0x86: {  	_ =	shalt  }
0x87: {  	_ =	shalt  }
.Lfunc_end0:
.L_simem_size_0:
called_computation.3_lowered:
.L_overlay_start_0:
0x88: {  	s2 =	sld [smem:$0x3FD9]  }
0x89: {  	s3 =	sld [smem:$0x3FFE];
	_ =	sdelay $0x1  }
0x8a: {  	s1 =	srdreg.scid  }
0x8b: {  	s0 =	sand.u32 $0x1, s1  }
0x8c: {  	s16 =	sshll.u32 s0, $0xA;
	s2 =	sadd.s32 s3, s2  }
0x8d: {  	s2 =	sadd.s32 s2, s16  }
0x8e: {  	[smem:$0x3FA3] =	sst s2  }
0x8f: {  	_ = 	snop  }
0x90: {  	(tm) =	ssettm $0x1  }
0x91: {  	s17 =	sld [smem:$0x3FFB];
	_ =	sdelay $0x3  }
0x92: {  	_ =	strace s17  }
0x93: {  	s2 =	sld [smem:$0x3FFC];
	_ =	sdelay $0x3  }
0x94: {  	_ =	strace s2  }
0x95: {  	s2 =	sld [smem:$0x3FFD];
	_ =	sdelay $0x3  }
0x96: {  	_ =	strace s2  }
0x97: {  	_ =	strace $0x8FFFFFFF  }
0x98: {  	s18 =	sld [smem:$0x3FDB];
	_ =	sdelay $0x1  }
0x99: {  	s19 =	simm.s32 $_scs_section_size  }
0x9a: {  	s4 =	simm.s32 $_size__tile_overlayer_lowered;
	s5 =	simm.s32 $_tile_overlayer_lowered  }
0x9b: {  	s22 =	simm.s32 $0x1BFF;
	s21 =	sshll.u32 s5, $0x1;
	s2 =	sadd.s32 s19, s18  }
0x9c: {  	s6 =	simm.s32 $0x0;
	s20 =	sshll.u32 s4, $0x1;
	s4 =	sadd.s32 s21, s2  }
0x9d: {  	[timem:s6], [sflag:s22] =	dma.local [hbm:s4], s20  }
0x9e: {  	_ =	swait.ge [sflag:s22], s20  }
0x9f: {  	s3 =	ssub.s32 $0x0, s20;
	[sflag:s22] =	ssyncset.done $0x0  }
0xa0: {  	[sflag:s22] =	ssyncadd.s32 s3;
	_ =	sdelay $0x1  }
0xa1: {  	s23 =	simm.s32 $0x1B8B  }
0xa2: {  	_ =	swait.ge [sflag:s23], $0x1  }
0xa3: {  	[sflag:s23] =	ssyncset.done $0x0  }
0xa4: {  	s25 =	simm.s32 $0x1B8E;
	s24 =	sld [smem:$0x3FFE];
	[sflag:s23] =	ssyncadd.s32 $0xFFFFFFFF  }
0xa5: {  	s26 =	simm.s32 $execute0_lowered;
	[smem:$0x3FD2] =	sst s25  }
0xa6: {  	s4 =	sshll.u32 s26, $0x1;
	_ =	strace $0x8000004F;
	[dreg:$0x1] =	wrdreg $0xFFFFFFFF  }
0xa7: {  	s28 =	simm.s32 $_size_execute0_lowered;
	s2 =	sadd.s32 s2, s4;
	[dreg:$0x0] =	wrdreg $0x0  }
0xa8: {  	s4 =	sshll.u32 s28, $0x1;
	[dreg:$0x2] =	wrdreg s2  }
0xa9: {  	[dreg:$0x3] =	wrdreg s4  }
0xaa: {  	[dreg:$0x4] =	wrdreg $0xC0  }
0xab: {  	_ =	task [dreg:s6], $0x5FFFF  }
0xac: {  	[dreg:$0x1] =	wrdreg $0xFFFFFFFF  }
0xad: {  	[dreg:$0x0] =	wrdreg $0x60  }
0xae: {  	[dreg:$0x2] =	wrdreg s24  }
0xaf: {  	[dreg:$0x3] =	wrdreg $0xBC000  }
0xb0: {  	[dreg:$0x4] =	wrdreg $0x9  }
0xb1: {  	_ =	task.clear_ibuf [dreg:s6], $0x5FFFF;
	_ =	strace $0x9000004F  }
0xb2: {  	s29 =	simm.s32 $0x9;
	_ =	strace $0x80000051  }
0xb3: {  	_ =	swait.ge [sflag:s29], $0x1  }
0xb4: {  	[sflag:s29] =	ssyncadd.s32 $0xFFFFFFFF  }
0xb5: {  	_ =	strace $0x90000051  }
0xb6: {  	_ =	sfence  }
0xb7: {  	s30 =	sld [smem:$0x0];
	_ =	sdelay $0x2  }
0xb8: {  	s31 =	sshll.u32 s1, $0xD;
	s1 =	sshrl.u32 s1, $0x2  }
0xb9: {  	s3 =	sand.u32 $0x4000, s31;
	s1 =	sadd.s32 s1, s30  }
0xba: {  	s0 =	sor.u32 s3, s0;
	s1 =	sshll.u32 s1, $0x11  }
0xbb: {  	s0 =	sor.u32 s1, s0  }
0xbc: {  	s0 =	sadd.s32 $0x8F2B, s0  }
0xbd: {  	[sflag:s0] =	ssyncadd.remote.s32 $0x1  }
0xbe: {  	_ =	sfence.sel $0xFFFF  }
0xbf: {  	[dreg:$0x0] =	wrdreg $0xFFFFFFFF;
	(pc) =	sbr.abs _section_cstart, $3  }
0xc0: {  	[dreg:$0x1] =	wrdreg $0xFFFFFFFF  }
0xc1: {  	_ =	task.clear_ibuf [dreg:s6], $0x2FFFF;
	_ =	strace $0x9FFFFFFF  }
0xc2: {  	(tm) =	ssettm $0x7FFFFFFF  }
0xc3: {  	_ =	shalt  }
tec
execute0_lowered:
.L_overlay_start_1:
0x0: {  	(tag) =	ssettag $0x1  }
0x1: {  	s0 =	rddreg [dreg:$0x0]  }
0x2: {  	s1 =	rddreg [dreg:$0x1]  }
0x3: {  	s2 =	srdreg.scid;
	s3 =	simm.s32 $0x0;
	s17 =	stileid.u32  }
0x4: {  	s21 =	simm.s32 $0xB;
	s28 =	simm.s32 $0x6;
	s29 =	simm.s32 $0x4  }
0x5: {  	s30 =	simm.s32 $0x0;
	s2 =	sand.u32 $0x1, s2;
	s9 =	smul.u32 $0x4E000, s17  }
0x6: {  	[smem:$0x7FF] =	sst s3;
	s16 =	sadd.s32 $0x2F200, s0;
	s12 =	smul.u32 $0x2700, s17  }
0x7: {  	s6 =	sadd.s32 $0x7200, s0;
	s7 =	sadd.s32 $0x1B200, s0;
	s15 =	smul.u32 $0x13800, s17  }
0x8: {  	p1 =	seq.s32 s17, $0xF;
	s18 =	sshll.u32 s17, $0x6;
	p2 =	sne.s32 s17, $0xF  }
0x9: {  	s4 =	sshll.u32 s2, $0x4;
	_ =	strace $0x80000050;
	s8 =	ssub.s32 $0x2, s2  }
0xa: {  	s13 =	smul.u32 $0x138800, s2;
	[dreg:$0x3] =	wrdreg s16;
	p0 =	sne.s32 s2, $0x0  }
0xb: {  	s19 =	sor.u32 $0x1C0B, s18;
	s5 =	sor.u32 s17, s4;
	s4 =	sadd.s32 $0x56400, s0  }
0xc: {  	s10 =	sshrl.u32 s8, $0x1;
	s0 =	sadd.s32 $0x7D600, s0;
	s14 =	sshrl.u32 s9, $0x2  }
0xd: {  	s23 =	sadd.s32 s16, s12;
	s5 =	smul.u32 $0x5000, s5;
	s10 =	ssub.s32 s8, s10  }
0xe: {  	s20 =	sadd.s32 s14, s1;
	[dreg:$0x5] =	wrdreg s23;
	s24 =	sadd.s32 s15, s13  }
0xf: {  	s25 =	sadd.s32 s4, s12;
	s26 =	sshrl.u32 s13, $0x3;
	s23 =	simm.s32 $0x7  }
0x10: {  	[dreg:$0x6] =	wrdreg s25;
	s14 =	sshrl.u32 s24, $0x3;
	s16 =	smax.u32 s10, $0x1  }
.Ltmp0:
0x11: {  	s20 =	sshrl.u32 s20, $0x3;
	s24 =	simm.s32 $0x64;
	(pc) =	sbr.rel .LBB2_1-.Ltmp0, $4  }
0x12: {  	s11 =	sshrl.u32 s5, $0x3;
	s13 =	sor.u32 $0x800, s5;
	s14 =	sadd.s32 s0, s14  }
0x13: {  	s22 =	sadd.s32 s6, s11;
	s9 =	sadd.s32 s7, s11;
	s11 =	sadd.s32 $0x138000, s1  }
0x14: {  	s0 =	sadd.s32 s0, s26;
	[dreg:$0x4] =	wrdreg s22;
	s31 =	sshrl.u32 s11, $0x3  }
0x15: {  	s26 =	simm.s32 $0x5;
	s15 =	sadd.s32 $0x27000, s0;
	[dreg:$0x7] =	wrdreg s31  }
.LBB2_18:
0x16: {  	_ =	swait.ge [sflag:s26], $0x3200  }
0x17: {  	[sflag:s26] =	ssyncset.done $0x0  }
0x18: {  	[sflag:s26] =	ssyncadd.s32 $0xFFFFCE00  }
0x19: {  	_ =	swait.ge [sflag:s28], $0x3200  }
0x1a: {  	[sflag:s28] =	ssyncset.done $0x0  }
0x1b: {  	[sflag:s28] =	ssyncadd.s32 $0xFFFFCE00  }
0x1c: {  	_ =	swait.ge [sflag:s29], $0x3200  }
0x1d: {  	[sflag:s29] =	ssyncset.done $0x0  }
0x1e: {  	[sflag:s29] =	ssyncadd.s32 $0xFFFFCE00  }
0x1f: {  	s0 =	sor.u32 $0x1C0B, s18;
	[bflag:$0x0] =	sbarrier.arrive $0xFFFF  }
0x20: {  	[hbm:s14], [sflag:s0] =	dma.local [spmem:s20], $0x2700  }
0x21: {  	_ =	swait.ge [sflag:s21], $0x2700  }
0x22: {  	s30 =	sadd.s32 $0x1, s30;
	[sflag:s21] =	ssyncset.done $0x0  }
0x23: {  	s2 =	sshrl.u32 @!p2 s11, $0x3;
	p3 =	sne.s32 s30, s16;
	[sflag:s21] =	ssyncadd.s32 $0xFFFFD900  }
0x24: {  	[hbm:s15], [sflag:s0] =	dma.local @!p2 [spmem:s2], $0x100  }
.Ltmp1:
0x25: {  	_ = 	snop;
	(pc) =	sbr.rel @!p3 .LBB2_19-.Ltmp1, $4  }
0x26: {  	s0 =	simm.s32 @!p2 $0xB  }
0x27: {  	_ =	swait.ge @!p2 [sflag:s0], $0x100  }
0x28: {  	[sflag:s0] =	ssyncset.done @!p2 $0x0  }
0x29: {  	[sflag:s0] =	ssyncadd.s32 @!p2 $0xFFFFFF00  }
.LBB2_1:
.Ltmp2:
0x2a: {  	(pc) =	sbr.rel @p0 .LBB2_3-.Ltmp2, $4  }
0x2b: {  	s0 =	rddreg [dreg:$0x4]  }
0x2c: {  	[tilespmem:s3], [sflag:$0x7] =	stream.linear.gather [hbm4b:s0+s3], $0x500, $0x38;
	[tilespmem:$0x1F480] =	vst v63  }
0x2d: {  	s31 =	simm.s32 $0x1000  }
0x2e: {  	[tilespmem:s31], [sflag:$0x9] =	stream.linear.gather [hbm4b:s9+s3], $0x500, $0x38;
	[tilespmem:$0x1F480] =	vst v63  }
0x2f: {  	s0 =	rddreg [dreg:$0x6]  }
0x30: {  	[spmem:s20], [sflag:s19] =	dma.local [hbm:s0], $0x2700  }
.Ltmp3:
0x31: {  	_ = 	snop;
	(pc) =	sbr.rel @p1 .LBB2_4-.Ltmp3, $4  }
.Ltmp4:
0x32: {  	_ = 	snop;
	(pc) =	sbr.rel @!p1 .LBB2_5-.Ltmp4, $4  }
0x33: {  	_ =	swait.ge [sflag:s21], $0x2700  }
0x34: {  	[sflag:s21] =	ssyncset.done $0x0  }
0x35: {  	s2 =	smov.u32 s4;
	s0 =	smov.u32 s19;
	[sflag:s21] =	ssyncadd.s32 $0xFFFFD900  }
0x36: {  	_ = 	snop  }
.LBB2_3:
.Ltmp5:
0x37: {  	s0 =	sor.u32 $0x1C0B, s18;
	s2 =	rddreg [dreg:$0x5];
	(pc) =	sbr.rel @p2 .LBB2_5-.Ltmp5, $4  }
0x38: {  	[spmem:s20], [sflag:s0] =	dma.local [hbm:s2], $0x2700  }
0x39: {  	_ =	swait.ge [sflag:s21], $0x2700  }
0x3a: {  	[sflag:s21] =	ssyncset.done $0x0  }
0x3b: {  	s2 =	rddreg [dreg:$0x3];
	[sflag:s21] =	ssyncadd.s32 $0xFFFFD900  }
.LBB2_4:
0x3c: {  	s2 =	sadd.s32 $0x27000, s2;
	s5 =	rddreg [dreg:$0x7]  }
0x3d: {  	[spmem:s5], [sflag:s0] =	dma.local [hbm:s2], $0x100  }
0x3e: {  	_ =	swait.ge [sflag:s21], $0x100  }
0x3f: {  	[sflag:s21] =	ssyncset.done $0x0  }
0x40: {  	[sflag:s21] =	ssyncadd.s32 $0xFFFFFF00  }
.LBB2_5:
.Ltmp6:
0x41: {  	[bflag:$0x0] =	sbarrier.arrive $0xFFFF;
	(pc) =	sbr.rel .LBB2_6-.Ltmp6, $4  }
0x42: {  	_ =	swait.ge [sflag:s23], $0x500  }
0x43: {  	[sflag:s23] =	ssyncset.done $0x0  }
0x44: {  	s31 =	simm.s32 $0x0;
	s0 =	simm.s32 $0x2000;
	[sflag:s23] =	ssyncadd.s32 $0xFFFFFB00  }
0x45: {  	[tilespmem:s0], [sflag:$0x1] =	stream.indirect.gather [hbm4b:s4+s24], $0x80, s31, s24, $0xb8;
	[tilespmem:$0x1F480] =	vst v63  }
.LBB2_8:
0x46: {  	s5 =	sshll.u32 s5, $0xB;
	s10 =	sadd.s32 $0x1, s31  }
0x47: {  	s12 =	sxor.u32 $0x1, s2;
	s5 =	sadd.s32 s5, s13;
	s8 =	smul.u32 $0xAB, s10  }
0x48: {  	s17 =	sshll.u32 s12, $0xB;
	s5 =	sshrl.u32 s5, $0x3  }
0x49: {  	s25 =	sadd.s32 $0x7, s12;
	s22 =	sadd.s32 s6, s5;
	s8 =	sshrl.u32 s8, $0x9  }
0x4a: {  	[tilespmem:s17], [sflag:s25] =	stream.linear.gather [hbm4b:s22+s3], $0x500, $0x38;
	[tilespmem:$0x1F480] =	vst v63  }
0x4b: {  	s12 =	sadd.s32 $0x9, s12;
	s8 =	sand.u32 $0x7F, s8  }
0x4c: {  	s5 =	sadd.s32 s7, s5;
	s17 =	sor.u32 $0x1000, s17;
	s8 =	smul.u32 $0x3, s8  }
0x4d: {  	[tilespmem:s17], [sflag:s12] =	stream.linear.gather [hbm4b:s5+s3], $0x500, $0x38;
	[tilespmem:$0x1F480] =	vst v63  }
0x4e: {  	s25 =	ssub.s32 s10, s8  }
0x4f: {  	s5 =	sand.u32 $0xFF, s25  }
.LBB2_15:
0x50: {  	s8 =	sadd.s32 $0x4, s5  }
0x51: {  	_ =	swait.ge [sflag:s8], $0x3200  }
0x52: {  	[sflag:s8] =	ssyncset.done $0x0  }
0x53: {  	[sflag:s8] =	ssyncadd.s32 $0xFFFFCE00  }
.LBB2_16:
0x54: {  	s8 =	sand.u32 $0xFF, s10  }
0x55: {  	s8 =	smul.u32 $0xCD, s8;
	_ =	sdelay $0x1  }
0x56: {  	s12 =	sshrl.u32 s8, $0xB  }
0x57: {  	s12 =	smul.u32 $0xA, s12;
	_ =	sdelay $0x1  }
0x58: {  	s17 =	smul.u32 $0xD000, s5;
	s12 =	ssub.s32 s10, s12  }
0x59: {  	s25 =	sadd.s32 $0x1, s5;
	s12 =	sand.u32 $0xFF, s12  }
0x5a: {  	s17 =	sshrl.u32 s17, $0x2;
	s8 =	sand.u32 $0x800, s8;
	s12 =	sshll.u32 s12, $0x7  }
0x5b: {  	s5 =	smov.u32 s10;
	s17 =	sadd.s32 $0x2000, s17;
	s8 =	sor.u32 s12, s8  }
0x5c: {  	[tilespmem:s17], [sflag:s25] =	stream.indirect.gather [hbm4b:s4+s24], $0x80, s8, s24, $0xb8;
	[tilespmem:$0x1F480] =	vst v63  }
.LBB2_17:
0x5d: {  	s8 =	smul.u32 $0xAB, s31;
	_ =	sdelay $0x1  }
0x5e: {  	s8 =	sshrl.u32 s8, $0x9  }
0x5f: {  	s8 =	sand.u32 $0x7F, s8  }
0x60: {  	s8 =	smul.u32 $0x3, s8;
	_ =	sdelay $0x1  }
0x61: {  	s8 =	ssub.s32 s31, s8  }
0x62: {  	s2 =	sshll.u32 s2, $0xB;
	s8 =	sand.u32 $0xFF, s8  }
0x63: {  	s0 =	sshll.u32 s0, $0x7;
	p3 =	slt.u32 s5, $0x64;
	s10 =	smul.u32 $0xD000, s8  }
.Ltmp7:
0x64: {  	s0 =	sadd.s32 s0, s2;
	s12 =	sadd.s32 $0x1, s8;
	(pc) =	sbr.rel @!p3 .LBB2_18-.Ltmp7, $4  }
0x65: {  	s0 =	sadd.s32 $0x1000, s0;
	_ =	swait.ge [sflag:s12], $0x3200  }
0x66: {  	s31 =	smov.u32 s5;
	s10 =	sshrl.u32 s10, $0x2;
	[sflag:s12] =	ssyncset.done $0x0  }
0x67: {  	s25 =	sadd.s32 $0x4, s8;
	s10 =	sadd.s32 $0x2000, s10;
	[sflag:s12] =	ssyncadd.s32 $0xFFFFCE00  }
0x68: {  	[spmem:s1] =	stream.indirect.scatter.add.f32 [tilespmem:s10], [sflag:s25], $0x80, s0, s24, $0xb8;
	[tilespmem:$0x1F480] =	vst v63  }
.LBB2_6:
0x69: {  	s0 =	smul.u32 $0xCD, s31;
	_ =	sdelay $0x1  }
0x6a: {  	s2 =	sshrl.u32 s0, $0xB  }
0x6b: {  	s5 =	sand.u32 $0x1F, s2  }
0x6c: {  	s25 =	smul.u32 $0xA, s5;
	_ =	sdelay $0x1  }
0x6d: {  	s10 =	ssub.s32 s31, s25  }
0x6e: {  	s0 =	sand.u32 $0xFF, s10  }
0x6f: {  	p3 =	seq.s32 s0, $0x0  }
.Ltmp8:
0x70: {  	_ = 	snop;
	(pc) =	sbr.rel @p3 .LBB2_9-.Ltmp8, $2  }
0x71: {  	_ =	sdelay $0x2  }
0x72: {  	s2 =	sand.u32 $0x1, s2  }
0x73: {  	p3 =	sgt.u32 s31, $0x59  }
0x74: {  	s12 =	sand.u32 @!p3 $0xFF, s10  }
0x75: {  	p4 =	sne.s32 @!p3 s12, $0x2  }
0x76: {  	p3 =	por p3, p4  }
.Ltmp9:
0x77: {  	_ = 	snop;
	(pc) =	sbr.rel @!p3 .LBB2_8-.Ltmp9, $1  }
0x78: {  	_ =	sdelay $0x3  }
0x79: {  	p3 =	seq.s32 s31, $0x63  }
0x7a: {  	s5 =	sand.u32 @!p3 $0xFF, s10  }
0x7b: {  	p4 =	sne.s32 @!p3 s5, $0x9  }
0x7c: {  	p4 =	por p3, p4  }
.Ltmp10:
0x7d: {  	_ = 	snop;
	(pc) =	sbr.rel @p4 .LBB2_13-.Ltmp10, $2  }
0x7e: {  	_ =	sdelay $0x2  }
0x7f: {  	s10 =	sadd.s32 $0x1, s31  }
0x80: {  	s5 =	smul.u32 $0xAB, s10;
	_ =	sdelay $0x1  }
0x81: {  	s5 =	sshrl.u32 s5, $0x9  }
.Ltmp11:
0x82: {  	s8 =	sxor.u32 $0x1, s2;
	s5 =	sand.u32 $0x7F, s5;
	(pc) =	sbr.rel .LBB2_15-.Ltmp11, $4  }
0x83: {  	s8 =	sadd.s32 $0x7, s8;
	s5 =	smul.u32 $0x3, s5  }
0x84: {  	_ =	swait.ge [sflag:s8], $0x500  }
0x85: {  	[sflag:s8] =	ssyncset.done $0x0;
	s5 =	ssub.s32 s10, s5  }
0x86: {  	[sflag:s8] =	ssyncadd.s32 $0xFFFFFB00;
	s5 =	sand.u32 $0xFF, s5  }
.LBB2_9:
0x87: {  	p3 =	seq.s32 s31, $0x63  }
.Ltmp12:
0x88: {  	_ = 	snop;
	(pc) =	sbr.rel @p3 .LBB2_17-.Ltmp12, $4  }
0x89: {  	s5 =	sadd.s32 $0x9, s2  }
0x8a: {  	_ =	swait.ge [sflag:s5], $0x500  }
0x8b: {  	[sflag:s5] =	ssyncset.done $0x0  }
0x8c: {  	[sflag:s5] =	ssyncadd.s32 $0xFFFFFB00;
	s5 =	simm.s32 $0x64  }
0x8d: {  	s10 =	sadd.s32 $0x1, s31  }
.LBB2_14:
0x8e: {  	s5 =	sand.u32 $0xFF, s10  }
0x8f: {  	s5 =	smul.u32 $0xAB, s5;
	_ =	sdelay $0x1  }
0x90: {  	s5 =	sshrl.u32 s5, $0x9  }
0x91: {  	p3 =	slt.u32 s31, $0x2;
	s5 =	smul.u32 $0x3, s5  }
.Ltmp13:
0x92: {  	_ = 	snop;
	(pc) =	sbr.rel @p3 .LBB2_16-.Ltmp13, $4  }
.Ltmp14:
0x93: {  	_ = 	snop;
	(pc) =	sbr.rel @!p3 .LBB2_15-.Ltmp14, $4  }
0x94: {  	_ = 	snop  }
0x95: {  	s5 =	ssub.s32 s10, s5  }
0x96: {  	s5 =	sand.u32 $0xFF, s5  }
0x97: {  	_ = 	snop  }
.LBB2_13:
.Ltmp15:
0x98: {  	(pc) =	sbr.rel @p3 .LBB2_17-.Ltmp15, $4  }
.Ltmp16:
0x99: {  	(pc) =	sbr.rel @!p3 .LBB2_14-.Ltmp16, $4  }
0x9a: {  	_ = 	snop  }
0x9b: {  	_ = 	snop  }
0x9c: {  	s5 =	simm.s32 $0x64  }
0x9d: {  	_ = 	snop  }
.LBB2_19:
0x9e: {  	_ =	sfence.sel $0x180000  }
0x9f: {  	[bflag:$0x0] =	sbarrier.arrive $0xFFFF  }
0xa0: {  	_ =	strace $0x90000050  }
0xa1: {  	s0 =	stileid.u32;
	[bflag:$0x2] =	sbarrier.arrive $0xFFFF  }
0xa2: {  	p0 =	sne.s32 s0, $0x0;
	s0 =	rddreg [dreg:$0x2]  }
0xa3: {  	s0 =	sadd.s32 @!p0 $0x100000, s0  }
0xa4: {  	[sflag:s0] =	ssyncadd.tile.s32 @!p0 $0x1;
	_ =	shalt  }
.Lfunc_end2:
_tile_overlayer_lowered:
.L_overlay_start_2:
0xa5: {  	(tag) =	ssettag $0x2  }
0xa6: {  	s0 =	rddreg [dreg:$0x0];
	s2 =	stileid.u32  }
0xa7: {  	s1 =	rddreg [dreg:$0x1];
	p0 =	sne.s32 s2, $0x0  }
0xa8: {  	s3 =	rddreg [dreg:$0x2];
	[bflag:$0x3] =	sbarrier.arrive $0xFFFF;
	s2 =	simm.s32 @!p0 $0x1C0B  }
0xa9: {  	[timem:s3], [sflag:s2] =	dma.local @!p0 [hbm:s0], s1  }
0xaa: {  	s0 =	simm.s32 @!p0 $0xB  }
0xab: {  	_ =	swait.ge @!p0 [sflag:s0], s1  }
0xac: {  	s1 =	ssub.s32 @!p0 $0x0, s1;
	[sflag:s0] =	ssyncset.done @!p0 $0x0  }
0xad: {  	[sflag:s0] =	ssyncadd.s32 @!p0 s1  }
0xae: {  	[bflag:$0x3] =	sbarrier.arrive $0xFFFF  }
0xaf: {  	_ =	shalt  }

// kernel: kernel.30.cloned.1.call-start
scs
__scs_entry_jumppad:
0x0: {  	(pc) =	sbr.rel $0x88, $3  }
0x1: {  	(tag) =	ssettag $0x0;
	lr =	simm.s32 $0x1  }
0x2: {  	[smem:$0x3F7C] =	sst lr;
	_ =	strace $0xD0000000  }
0x3: {  	_ = 	snop  }
0x4: {  	_ = 	snop  }
0x5: {  	_ = 	snop  }
0x6: {  	_ = 	snop  }
0x7: {  	_ = 	snop  }
__scs_overlays_trampoline_lowered:
0x8: {  	[smem:$0x3F8B] =	sst s0  }
0x9: {  	[smem:$0x3F8C] =	sst s1  }
0xa: {  	[smem:$0x3F8D] =	sst s2  }
0xb: {  	[smem:$0x3F8E] =	sst s3  }
0xc: {  	[smem:$0x3F8F] =	sst s4  }
0xd: {  	[smem:$0x3F90] =	sst s5  }
0xe: {  	[smem:$0x3F91] =	sst s6  }
0xf: {  	[smem:$0x3F92] =	sst s7  }
0x10: {  	[smem:$0x3F93] =	sst s8  }
0x11: {  	[smem:$0x3F94] =	sst s9;
	s0 =	simm.s32 @!p0 $0x0  }
0x12: {  	s1 =	sld [smem:$0x3F7A];
	s0 =	simm.s32 @p0 $0x1  }
0x13: {  	[smem:$0x3F95] =	sst s0;
	s0 =	simm.s32 @!p1 $0x0  }
0x14: {  	s2 =	sld [smem:$0x3F79];
	s0 =	simm.s32 @p1 $0x1  }
0x15: {  	[smem:$0x3F96] =	sst s0;
	s0 =	simm.s32 @!p2 $0x0  }
0x16: {  	s3 =	sld [smem:$0x3FDB];
	s0 =	simm.s32 @p2 $0x1  }
0x17: {  	s4 =	simm.s32 $0x1BF5;
	[smem:$0x3F98] =	sst s0  }
0x18: {  	s0 =	sld [smem:$0x3F7B];
	_ =	swait.ge [sflag:s4], $0x0  }
0x19: {  	s7 =	sld [smem:$0x3F7C]  }
0x1a: {  	s8 =	sadd.s32 $0xFFFFE003, lr  }
0x1b: {  	s9 =	sadd.s32 $0xFFFFFEF7, lr;
	s5 =	simm.s32 $0xFFFFFFFF;
	p2 =	slt.u32 s8, $0xFFFFF086  }
0x1c: {  	p1 =	slt.u32 s9, $0xF7A;
	s5 =	simm.s32 @!p2 $0x0  }
0x1d: {  	s5 =	simm.s32 @p1 $0x1;
	p0 =	seq.s32 s7, s2  }
0x1e: {  	s7 =	smul.u32 @!p0 $0xF7A, s2;
	p2 =	seq.s32 @!p0 s5, $0x0  }
0x1f: {  	s9 =	smul.u32 $0xF7A, s1;
	s8 =	simm.s32 @!p0 $0x1BF5;
	p2 =	por !p2, p0  }
0x20: {  	[sflag:s8] =	ssyncset.s32 @!p0 $0xFFFFF086;
	s6 =	sadd.s32 @!p0 s3, s7;
	s7 =	simm.s32 @!p0 $0x108  }
0x21: {  	s3 =	sadd.s32 s3, s9;
	s6 =	sadd.s32 @!p0 $0x88, s6;
	s7 =	simm.s32 @p2 $0x1082  }
0x22: {  	[simem:s7], [sflag:s8] =	dma.local @!p0 [hbm:s6], $0xF7A  }
0x23: {  	s9 =	sor.u32 $0xD0000000, s2;
	s6 =	simm.s32 $0x108;
	_ =	swait.ge @!p0 [sflag:s8], $0x0  }
0x24: {  	s3 =	sadd.s32 $0x88, s3;
	s6 =	simm.s32 @!p1 $0x1082;
	[sflag:s4] =	ssyncset.s32 $0xFFFFF086  }
0x25: {  	[simem:s6], [sflag:s4] =	dma.local [hbm:s3], $0xF7A  }
0x26: {  	[smem:$0x3F7C] =	sst s1;
	(tag) =	ssettag s2;
	_ =	strace s9  }
0x27: {  	s1 =	sld [smem:$0x3F8C]  }
0x28: {  	s2 =	sld [smem:$0x3F8D]  }
0x29: {  	s4 =	sld [smem:$0x3F8F]  }
0x2a: {  	p0 =	seq.s32 s5, $0x0;
	s5 =	sld [smem:$0x3F90]  }
0x2b: {  	s6 =	sld [smem:$0x3F91]  }
0x2c: {  	s7 =	sld [smem:$0x3F92]  }
0x2d: {  	s3 =	simm.s32 $0x108;
	s8 =	sld [smem:$0x3F93]  }
0x2e: {  	s3 =	simm.s32 @!p0 $0x1082;
	s9 =	sld [smem:$0x3F94]  }
0x2f: {  	lr =	sadd.s32 s0, s3;
	s0 =	sld [smem:$0x3F8B]  }
0x30: {  	s3 =	sld [smem:$0x3F8E]  }
0x31: {  	[smem:$0x3F97] =	sst s10  }
0x32: {  	s10 =	sld [smem:$0x3F95];
	_ =	sdelay $0x3  }
0x33: {  	p0 =	seq.s32 s10, $0x1;
	s10 =	sld [smem:$0x3F97];
	_ =	sdelay $0x3  }
0x34: {  	[smem:$0x3F97] =	sst s10  }
0x35: {  	s10 =	sld [smem:$0x3F96];
	_ =	sdelay $0x3  }
0x36: {  	p1 =	seq.s32 s10, $0x1;
	s10 =	sld [smem:$0x3F97];
	_ =	sdelay $0x3  }
0x37: {  	[smem:$0x3F97] =	sst s10  }
0x38: {  	s10 =	sld [smem:$0x3F98]  }
0x39: {  	_ = 	snop;
	(pc) =	sbr.ind lr, $3  }
0x3a: {  	_ = 	snop  }
0x3b: {  	_ = 	snop  }
0x3c: {  	p2 =	seq.s32 s10, $0x1;
	s10 =	sld [smem:$0x3F97]  }
0x3d: {  	_ =	shalt  }
0x3e: {  	_ =	shalt  }
0x3f: {  	_ =	shalt  }
0x40: {  	_ =	shalt  }
0x41: {  	_ =	shalt  }
0x42: {  	_ =	shalt  }
0x43: {  	_ =	shalt  }
0x44: {  	_ =	shalt  }
0x45: {  	_ =	shalt  }
0x46: {  	_ =	shalt  }
0x47: {  	_ =	shalt  }
0x48: {  	_ =	shalt  }
0x49: {  	_ =	shalt  }
0x4a: {  	_ =	shalt  }
0x4b: {  	_ =	shalt  }
0x4c: {  	_ =	shalt  }
0x4d: {  	_ =	shalt  }
0x4e: {  	_ =	shalt  }
0x4f: {  	_ =	shalt  }
0x50: {  	_ =	shalt  }
0x51: {  	_ =	shalt  }
0x52: {  	_ =	shalt  }
0x53: {  	_ =	shalt  }
0x54: {  	_ =	shalt  }
0x55: {  	_ =	shalt  }
0x56: {  	_ =	shalt  }
0x57: {  	_ =	shalt  }
0x58: {  	_ =	shalt  }
0x59: {  	_ =	shalt  }
0x5a: {  	_ =	shalt  }
0x5b: {  	_ =	shalt  }
0x5c: {  	_ =	shalt  }
0x5d: {  	_ =	shalt  }
0x5e: {  	_ =	shalt  }
0x5f: {  	_ =	shalt  }
0x60: {  	_ =	shalt  }
0x61: {  	_ =	shalt  }
0x62: {  	_ =	shalt  }
0x63: {  	_ =	shalt  }
0x64: {  	_ =	shalt  }
0x65: {  	_ =	shalt  }
0x66: {  	_ =	shalt  }
0x67: {  	_ =	shalt  }
0x68: {  	_ =	shalt  }
0x69: {  	_ =	shalt  }
0x6a: {  	_ =	shalt  }
0x6b: {  	_ =	shalt  }
0x6c: {  	_ =	shalt  }
0x6d: {  	_ =	shalt  }
0x6e: {  	_ =	shalt  }
0x6f: {  	_ =	shalt  }
0x70: {  	_ =	shalt  }
0x71: {  	_ =	shalt  }
0x72: {  	_ =	shalt  }
0x73: {  	_ =	shalt  }
0x74: {  	_ =	shalt  }
0x75: {  	_ =	shalt  }
0x76: {  	_ =	shalt  }
0x77: {  	_ =	shalt  }
0x78: {  	_ =	shalt  }
0x79: {  	_ =	shalt  }
0x7a: {  	_ =	shalt  }
0x7b: {  	_ =	shalt  }
0x7c: {  	_ =	shalt  }
0x7d: {  	_ =	shalt  }
0x7e: {  	_ =	shalt  }
0x7f: {  	_ =	shalt  }
0x80: {  	_ =	shalt  }
0x81: {  	_ =	shalt  }
0x82: {  	_ =	shalt  }
0x83: {  	_ =	shalt  }
0x84: {  	_ =	shalt  }
0x85: {  	_ =	shalt  }
0x86: {  	_ =	shalt  }
0x87: {  	_ =	shalt  }
.Lfunc_end0:
.L_simem_size_0:
called_computation.4_lowered:
.L_overlay_start_0:
0x88: {  	s2 =	sld [smem:$0x3FD9]  }
0x89: {  	s3 =	sld [smem:$0x3FFE];
	_ =	sdelay $0x1  }
0x8a: {  	s1 =	srdreg.scid  }
0x8b: {  	s0 =	sand.u32 $0x1, s1  }
0x8c: {  	s16 =	sshll.u32 s0, $0xA;
	s2 =	sadd.s32 s3, s2  }
0x8d: {  	s2 =	sadd.s32 s2, s16  }
0x8e: {  	[smem:$0x3FA3] =	sst s2  }
0x8f: {  	_ = 	snop  }
0x90: {  	(tm) =	ssettm $0x1  }
0x91: {  	s17 =	sld [smem:$0x3FFB];
	_ =	sdelay $0x3  }
0x92: {  	_ =	strace s17  }
0x93: {  	s2 =	sld [smem:$0x3FFC];
	_ =	sdelay $0x3  }
0x94: {  	_ =	strace s2  }
0x95: {  	s2 =	sld [smem:$0x3FFD];
	_ =	sdelay $0x3  }
0x96: {  	_ =	strace s2  }
0x97: {  	_ =	strace $0x8FFFFFFF  }
0x98: {  	s18 =	sld [smem:$0x3FDB];
	_ =	sdelay $0x1  }
0x99: {  	s19 =	simm.s32 $_scs_section_size  }
0x9a: {  	s4 =	simm.s32 $_size__tile_overlayer_lowered;
	s5 =	simm.s32 $_tile_overlayer_lowered  }
0x9b: {  	s22 =	simm.s32 $0x1BFF;
	s21 =	sshll.u32 s5, $0x1;
	s2 =	sadd.s32 s19, s18  }
0x9c: {  	s6 =	simm.s32 $0x0;
	s20 =	sshll.u32 s4, $0x1;
	s4 =	sadd.s32 s21, s2  }
0x9d: {  	[timem:s6], [sflag:s22] =	dma.local [hbm:s4], s20  }
0x9e: {  	_ =	swait.ge [sflag:s22], s20  }
0x9f: {  	s3 =	ssub.s32 $0x0, s20;
	[sflag:s22] =	ssyncset.done $0x0  }
0xa0: {  	[sflag:s22] =	ssyncadd.s32 s3;
	_ =	sdelay $0x1  }
0xa1: {  	s23 =	simm.s32 $0x1B8B  }
0xa2: {  	_ =	swait.ge [sflag:s23], $0x1  }
0xa3: {  	[sflag:s23] =	ssyncset.done $0x0  }
0xa4: {  	s25 =	simm.s32 $0x1B8E;
	s24 =	sld [smem:$0x3FFE];
	[sflag:s23] =	ssyncadd.s32 $0xFFFFFFFF  }
0xa5: {  	s26 =	simm.s32 $execute0_lowered;
	[smem:$0x3FD2] =	sst s25  }
0xa6: {  	s4 =	sshll.u32 s26, $0x1;
	_ =	strace $0x80000052;
	[dreg:$0x1] =	wrdreg $0xFFFFFFFF  }
0xa7: {  	s28 =	simm.s32 $_size_execute0_lowered;
	s2 =	sadd.s32 s2, s4;
	[dreg:$0x0] =	wrdreg $0x0  }
0xa8: {  	s4 =	sshll.u32 s28, $0x1;
	[dreg:$0x2] =	wrdreg s2  }
0xa9: {  	[dreg:$0x3] =	wrdreg s4  }
0xaa: {  	[dreg:$0x4] =	wrdreg $0xC0  }
0xab: {  	_ =	task [dreg:s6], $0x5FFFF  }
0xac: {  	[dreg:$0x1] =	wrdreg $0xFFFFFFFF  }
0xad: {  	[dreg:$0x0] =	wrdreg $0x60  }
0xae: {  	[dreg:$0x2] =	wrdreg s24  }
0xaf: {  	[dreg:$0x3] =	wrdreg $0xBC000  }
0xb0: {  	[dreg:$0x4] =	wrdreg $0x9  }
0xb1: {  	_ =	task.clear_ibuf [dreg:s6], $0x5FFFF;
	_ =	strace $0x90000052  }
0xb2: {  	s29 =	simm.s32 $0x9;
	_ =	strace $0x80000054  }
0xb3: {  	_ =	swait.ge [sflag:s29], $0x1  }
0xb4: {  	[sflag:s29] =	ssyncadd.s32 $0xFFFFFFFF  }
0xb5: {  	_ =	strace $0x90000054  }
0xb6: {  	_ =	sfence  }
0xb7: {  	s30 =	sld [smem:$0x0];
	_ =	sdelay $0x2  }
0xb8: {  	s31 =	sshll.u32 s1, $0xD;
	s1 =	sshrl.u32 s1, $0x2  }
0xb9: {  	s3 =	sand.u32 $0x4000, s31;
	s1 =	sadd.s32 s1, s30  }
0xba: {  	s0 =	sor.u32 s3, s0;
	s1 =	sshll.u32 s1, $0x11  }
0xbb: {  	s0 =	sor.u32 s1, s0  }
0xbc: {  	s0 =	sadd.s32 $0x8F2B, s0  }
0xbd: {  	[sflag:s0] =	ssyncadd.remote.s32 $0x1  }
0xbe: {  	_ =	sfence.sel $0xFFFF  }
0xbf: {  	[dreg:$0x0] =	wrdreg $0xFFFFFFFF;
	(pc) =	sbr.abs _section_cstart, $3  }
0xc0: {  	[dreg:$0x1] =	wrdreg $0xFFFFFFFF  }
0xc1: {  	_ =	task.clear_ibuf [dreg:s6], $0x2FFFF;
	_ =	strace $0x9FFFFFFF  }
0xc2: {  	(tm) =	ssettm $0x7FFFFFFF  }
0xc3: {  	_ =	shalt  }
tec
execute0_lowered:
.L_overlay_start_1:
0x0: {  	(tag) =	ssettag $0x1  }
0x1: {  	s0 =	rddreg [dreg:$0x0]  }
0x2: {  	s1 =	rddreg [dreg:$0x1]  }
0x3: {  	s2 =	srdreg.scid;
	s3 =	simm.s32 $0x0;
	s17 =	stileid.u32  }
0x4: {  	s21 =	simm.s32 $0xB;
	s28 =	simm.s32 $0x6;
	s29 =	simm.s32 $0x4  }
0x5: {  	s30 =	simm.s32 $0x0;
	s2 =	sand.u32 $0x1, s2;
	s9 =	smul.u32 $0x4E000, s17  }
0x6: {  	[smem:$0x7FF] =	sst s3;
	s16 =	sadd.s32 $0x2F200, s0;
	s12 =	smul.u32 $0x2700, s17  }
0x7: {  	s6 =	sadd.s32 $0x7200, s0;
	s7 =	sadd.s32 $0x1B200, s0;
	s15 =	smul.u32 $0x13800, s17  }
0x8: {  	p1 =	seq.s32 s17, $0xF;
	s18 =	sshll.u32 s17, $0x6;
	p2 =	sne.s32 s17, $0xF  }
0x9: {  	s4 =	sshll.u32 s2, $0x4;
	_ =	strace $0x80000053;
	s8 =	ssub.s32 $0x2, s2  }
0xa: {  	s13 =	smul.u32 $0x138800, s2;
	[dreg:$0x3] =	wrdreg s16;
	p0 =	sne.s32 s2, $0x0  }
0xb: {  	s19 =	sor.u32 $0x1C0B, s18;
	s5 =	sor.u32 s17, s4;
	s4 =	sadd.s32 $0x56400, s0  }
0xc: {  	s10 =	sshrl.u32 s8, $0x1;
	s0 =	sadd.s32 $0x7D600, s0;
	s14 =	sshrl.u32 s9, $0x2  }
0xd: {  	s23 =	sadd.s32 s16, s12;
	s5 =	smul.u32 $0x5000, s5;
	s10 =	ssub.s32 s8, s10  }
0xe: {  	s20 =	sadd.s32 s14, s1;
	[dreg:$0x5] =	wrdreg s23;
	s24 =	sadd.s32 s15, s13  }
0xf: {  	s25 =	sadd.s32 s4, s12;
	s26 =	sshrl.u32 s13, $0x3;
	s23 =	simm.s32 $0x7  }
0x10: {  	[dreg:$0x6] =	wrdreg s25;
	s14 =	sshrl.u32 s24, $0x3;
	s16 =	smax.u32 s10, $0x1  }
.Ltmp0:
0x11: {  	s20 =	sshrl.u32 s20, $0x3;
	s24 =	simm.s32 $0x64;
	(pc) =	sbr.rel .LBB2_1-.Ltmp0, $4  }
0x12: {  	s11 =	sshrl.u32 s5, $0x3;
	s13 =	sor.u32 $0x800, s5;
	s14 =	sadd.s32 s0, s14  }
0x13: {  	s22 =	sadd.s32 s6, s11;
	s9 =	sadd.s32 s7, s11;
	s11 =	sadd.s32 $0x138000, s1  }
0x14: {  	s0 =	sadd.s32 s0, s26;
	[dreg:$0x4] =	wrdreg s22;
	s31 =	sshrl.u32 s11, $0x3  }
0x15: {  	s26 =	simm.s32 $0x5;
	s15 =	sadd.s32 $0x27000, s0;
	[dreg:$0x7] =	wrdreg s31  }
.LBB2_18:
0x16: {  	_ =	swait.ge [sflag:s26], $0x3200  }
0x17: {  	[sflag:s26] =	ssyncset.done $0x0  }
0x18: {  	[sflag:s26] =	ssyncadd.s32 $0xFFFFCE00  }
0x19: {  	_ =	swait.ge [sflag:s28], $0x3200  }
0x1a: {  	[sflag:s28] =	ssyncset.done $0x0  }
0x1b: {  	[sflag:s28] =	ssyncadd.s32 $0xFFFFCE00  }
0x1c: {  	_ =	swait.ge [sflag:s29], $0x3200  }
0x1d: {  	[sflag:s29] =	ssyncset.done $0x0  }
0x1e: {  	[sflag:s29] =	ssyncadd.s32 $0xFFFFCE00  }
0x1f: {  	s0 =	sor.u32 $0x1C0B, s18;
	[bflag:$0x0] =	sbarrier.arrive $0xFFFF  }
0x20: {  	[hbm:s14], [sflag:s0] =	dma.local [spmem:s20], $0x2700  }
0x21: {  	_ =	swait.ge [sflag:s21], $0x2700  }
0x22: {  	s30 =	sadd.s32 $0x1, s30;
	[sflag:s21] =	ssyncset.done $0x0  }
0x23: {  	s2 =	sshrl.u32 @!p2 s11, $0x3;
	p3 =	sne.s32 s30, s16;
	[sflag:s21] =	ssyncadd.s32 $0xFFFFD900  }
0x24: {  	[hbm:s15], [sflag:s0] =	dma.local @!p2 [spmem:s2], $0x100  }
.Ltmp1:
0x25: {  	_ = 	snop;
	(pc) =	sbr.rel @!p3 .LBB2_19-.Ltmp1, $4  }
0x26: {  	s0 =	simm.s32 @!p2 $0xB  }
0x27: {  	_ =	swait.ge @!p2 [sflag:s0], $0x100  }
0x28: {  	[sflag:s0] =	ssyncset.done @!p2 $0x0  }
0x29: {  	[sflag:s0] =	ssyncadd.s32 @!p2 $0xFFFFFF00  }
.LBB2_1:
.Ltmp2:
0x2a: {  	(pc) =	sbr.rel @p0 .LBB2_3-.Ltmp2, $4  }
0x2b: {  	s0 =	rddreg [dreg:$0x4]  }
0x2c: {  	[tilespmem:s3], [sflag:$0x7] =	stream.linear.gather [hbm4b:s0+s3], $0x500, $0x38;
	[tilespmem:$0x1F480] =	vst v63  }
0x2d: {  	s31 =	simm.s32 $0x1000  }
0x2e: {  	[tilespmem:s31], [sflag:$0x9] =	stream.linear.gather [hbm4b:s9+s3], $0x500, $0x38;
	[tilespmem:$0x1F480] =	vst v63  }
0x2f: {  	s0 =	rddreg [dreg:$0x6]  }
0x30: {  	[spmem:s20], [sflag:s19] =	dma.local [hbm:s0], $0x2700  }
.Ltmp3:
0x31: {  	_ = 	snop;
	(pc) =	sbr.rel @p1 .LBB2_4-.Ltmp3, $4  }
.Ltmp4:
0x32: {  	_ = 	snop;
	(pc) =	sbr.rel @!p1 .LBB2_5-.Ltmp4, $4  }
0x33: {  	_ =	swait.ge [sflag:s21], $0x2700  }
0x34: {  	[sflag:s21] =	ssyncset.done $0x0  }
0x35: {  	s2 =	smov.u32 s4;
	s0 =	smov.u32 s19;
	[sflag:s21] =	ssyncadd.s32 $0xFFFFD900  }
0x36: {  	_ = 	snop  }
.LBB2_3:
.Ltmp5:
0x37: {  	s0 =	sor.u32 $0x1C0B, s18;
	s2 =	rddreg [dreg:$0x5];
	(pc) =	sbr.rel @p2 .LBB2_5-.Ltmp5, $4  }
0x38: {  	[spmem:s20], [sflag:s0] =	dma.local [hbm:s2], $0x2700  }
0x39: {  	_ =	swait.ge [sflag:s21], $0x2700  }
0x3a: {  	[sflag:s21] =	ssyncset.done $0x0  }
0x3b: {  	s2 =	rddreg [dreg:$0x3];
	[sflag:s21] =	ssyncadd.s32 $0xFFFFD900  }
.LBB2_4:
0x3c: {  	s2 =	sadd.s32 $0x27000, s2;
	s5 =	rddreg [dreg:$0x7]  }
0x3d: {  	[spmem:s5], [sflag:s0] =	dma.local [hbm:s2], $0x100  }
0x3e: {  	_ =	swait.ge [sflag:s21], $0x100  }
0x3f: {  	[sflag:s21] =	ssyncset.done $0x0  }
0x40: {  	[sflag:s21] =	ssyncadd.s32 $0xFFFFFF00  }
.LBB2_5:
.Ltmp6:
0x41: {  	[bflag:$0x0] =	sbarrier.arrive $0xFFFF;
	(pc) =	sbr.rel .LBB2_6-.Ltmp6, $4  }
0x42: {  	_ =	swait.ge [sflag:s23], $0x500  }
0x43: {  	[sflag:s23] =	ssyncset.done $0x0  }
0x44: {  	s31 =	simm.s32 $0x0;
	s0 =	simm.s32 $0x2000;
	[sflag:s23] =	ssyncadd.s32 $0xFFFFFB00  }
0x45: {  	[tilespmem:s0], [sflag:$0x1] =	stream.indirect.gather [hbm4b:s4+s24], $0x80, s31, s24, $0xb8;
	[tilespmem:$0x1F480] =	vst v63  }
.LBB2_8:
0x46: {  	s5 =	sshll.u32 s5, $0xB;
	s10 =	sadd.s32 $0x1, s31  }
0x47: {  	s12 =	sxor.u32 $0x1, s2;
	s5 =	sadd.s32 s5, s13;
	s8 =	smul.u32 $0xAB, s10  }
0x48: {  	s17 =	sshll.u32 s12, $0xB;
	s5 =	sshrl.u32 s5, $0x3  }
0x49: {  	s25 =	sadd.s32 $0x7, s12;
	s22 =	sadd.s32 s6, s5;
	s8 =	sshrl.u32 s8, $0x9  }
0x4a: {  	[tilespmem:s17], [sflag:s25] =	stream.linear.gather [hbm4b:s22+s3], $0x500, $0x38;
	[tilespmem:$0x1F480] =	vst v63  }
0x4b: {  	s12 =	sadd.s32 $0x9, s12;
	s8 =	sand.u32 $0x7F, s8  }
0x4c: {  	s5 =	sadd.s32 s7, s5;
	s17 =	sor.u32 $0x1000, s17;
	s8 =	smul.u32 $0x3, s8  }
0x4d: {  	[tilespmem:s17], [sflag:s12] =	stream.linear.gather [hbm4b:s5+s3], $0x500, $0x38;
	[tilespmem:$0x1F480] =	vst v63  }
0x4e: {  	s25 =	ssub.s32 s10, s8  }
0x4f: {  	s5 =	sand.u32 $0xFF, s25  }
.LBB2_15:
0x50: {  	s8 =	sadd.s32 $0x4, s5  }
0x51: {  	_ =	swait.ge [sflag:s8], $0x3200  }
0x52: {  	[sflag:s8] =	ssyncset.done $0x0  }
0x53: {  	[sflag:s8] =	ssyncadd.s32 $0xFFFFCE00  }
.LBB2_16:
0x54: {  	s8 =	sand.u32 $0xFF, s10  }
0x55: {  	s8 =	smul.u32 $0xCD, s8;
	_ =	sdelay $0x1  }
0x56: {  	s12 =	sshrl.u32 s8, $0xB  }
0x57: {  	s12 =	smul.u32 $0xA, s12;
	_ =	sdelay $0x1  }
0x58: {  	s17 =	smul.u32 $0xD000, s5;
	s12 =	ssub.s32 s10, s12  }
0x59: {  	s25 =	sadd.s32 $0x1, s5;
	s12 =	sand.u32 $0xFF, s12  }
0x5a: {  	s17 =	sshrl.u32 s17, $0x2;
	s8 =	sand.u32 $0x800, s8;
	s12 =	sshll.u32 s12, $0x7  }
0x5b: {  	s5 =	smov.u32 s10;
	s17 =	sadd.s32 $0x2000, s17;
	s8 =	sor.u32 s12, s8  }
0x5c: {  	[tilespmem:s17], [sflag:s25] =	stream.indirect.gather [hbm4b:s4+s24], $0x80, s8, s24, $0xb8;
	[tilespmem:$0x1F480] =	vst v63  }
.LBB2_17:
0x5d: {  	s8 =	smul.u32 $0xAB, s31;
	_ =	sdelay $0x1  }
0x5e: {  	s8 =	sshrl.u32 s8, $0x9  }
0x5f: {  	s8 =	sand.u32 $0x7F, s8  }
0x60: {  	s8 =	smul.u32 $0x3, s8;
	_ =	sdelay $0x1  }
0x61: {  	s8 =	ssub.s32 s31, s8  }
0x62: {  	s2 =	sshll.u32 s2, $0xB;
	s8 =	sand.u32 $0xFF, s8  }
0x63: {  	s0 =	sshll.u32 s0, $0x7;
	p3 =	slt.u32 s5, $0x64;
	s10 =	smul.u32 $0xD000, s8  }
.Ltmp7:
0x64: {  	s0 =	sadd.s32 s0, s2;
	s12 =	sadd.s32 $0x1, s8;
	(pc) =	sbr.rel @!p3 .LBB2_18-.Ltmp7, $4  }
0x65: {  	s0 =	sadd.s32 $0x1000, s0;
	_ =	swait.ge [sflag:s12], $0x3200  }
0x66: {  	s31 =	smov.u32 s5;
	s10 =	sshrl.u32 s10, $0x2;
	[sflag:s12] =	ssyncset.done $0x0  }
0x67: {  	s25 =	sadd.s32 $0x4, s8;
	s10 =	sadd.s32 $0x2000, s10;
	[sflag:s12] =	ssyncadd.s32 $0xFFFFCE00  }
0x68: {  	[spmem:s1] =	stream.indirect.scatter.add.f32 [tilespmem:s10], [sflag:s25], $0x80, s0, s24, $0xb8;
	[tilespmem:$0x1F480] =	vst v63  }
.LBB2_6:
0x69: {  	s0 =	smul.u32 $0xCD, s31;
	_ =	sdelay $0x1  }
0x6a: {  	s2 =	sshrl.u32 s0, $0xB  }
0x6b: {  	s5 =	sand.u32 $0x1F, s2  }
0x6c: {  	s25 =	smul.u32 $0xA, s5;
	_ =	sdelay $0x1  }
0x6d: {  	s10 =	ssub.s32 s31, s25  }
0x6e: {  	s0 =	sand.u32 $0xFF, s10  }
0x6f: {  	p3 =	seq.s32 s0, $0x0  }
.Ltmp8:
0x70: {  	_ = 	snop;
	(pc) =	sbr.rel @p3 .LBB2_9-.Ltmp8, $2  }
0x71: {  	_ =	sdelay $0x2  }
0x72: {  	s2 =	sand.u32 $0x1, s2  }
0x73: {  	p3 =	sgt.u32 s31, $0x59  }
0x74: {  	s12 =	sand.u32 @!p3 $0xFF, s10  }
0x75: {  	p4 =	sne.s32 @!p3 s12, $0x2  }
0x76: {  	p3 =	por p3, p4  }
.Ltmp9:
0x77: {  	_ = 	snop;
	(pc) =	sbr.rel @!p3 .LBB2_8-.Ltmp9, $1  }
0x78: {  	_ =	sdelay $0x3  }
0x79: {  	p3 =	seq.s32 s31, $0x63  }
0x7a: {  	s5 =	sand.u32 @!p3 $0xFF, s10  }
0x7b: {  	p4 =	sne.s32 @!p3 s5, $0x9  }
0x7c: {  	p4 =	por p3, p4  }
.Ltmp10:
0x7d: {  	_ = 	snop;
	(pc) =	sbr.rel @p4 .LBB2_13-.Ltmp10, $2  }
0x7e: {  	_ =	sdelay $0x2  }
0x7f: {  	s10 =	sadd.s32 $0x1, s31  }
0x80: {  	s5 =	smul.u32 $0xAB, s10;
	_ =	sdelay $0x1  }
0x81: {  	s5 =	sshrl.u32 s5, $0x9  }
.Ltmp11:
0x82: {  	s8 =	sxor.u32 $0x1, s2;
	s5 =	sand.u32 $0x7F, s5;
	(pc) =	sbr.rel .LBB2_15-.Ltmp11, $4  }
0x83: {  	s8 =	sadd.s32 $0x7, s8;
	s5 =	smul.u32 $0x3, s5  }
0x84: {  	_ =	swait.ge [sflag:s8], $0x500  }
0x85: {  	[sflag:s8] =	ssyncset.done $0x0;
	s5 =	ssub.s32 s10, s5  }
0x86: {  	[sflag:s8] =	ssyncadd.s32 $0xFFFFFB00;
	s5 =	sand.u32 $0xFF, s5  }
.LBB2_9:
0x87: {  	p3 =	seq.s32 s31, $0x63  }
.Ltmp12:
0x88: {  	_ = 	snop;
	(pc) =	sbr.rel @p3 .LBB2_17-.Ltmp12, $4  }
0x89: {  	s5 =	sadd.s32 $0x9, s2  }
0x8a: {  	_ =	swait.ge [sflag:s5], $0x500  }
0x8b: {  	[sflag:s5] =	ssyncset.done $0x0  }
0x8c: {  	[sflag:s5] =	ssyncadd.s32 $0xFFFFFB00;
	s5 =	simm.s32 $0x64  }
0x8d: {  	s10 =	sadd.s32 $0x1, s31  }
.LBB2_14:
0x8e: {  	s5 =	sand.u32 $0xFF, s10  }
0x8f: {  	s5 =	smul.u32 $0xAB, s5;
	_ =	sdelay $0x1  }
0x90: {  	s5 =	sshrl.u32 s5, $0x9  }
0x91: {  	p3 =	slt.u32 s31, $0x2;
	s5 =	smul.u32 $0x3, s5  }
.Ltmp13:
0x92: {  	_ = 	snop;
	(pc) =	sbr.rel @p3 .LBB2_16-.Ltmp13, $4  }
.Ltmp14:
0x93: {  	_ = 	snop;
	(pc) =	sbr.rel @!p3 .LBB2_15-.Ltmp14, $4  }
0x94: {  	_ = 	snop  }
0x95: {  	s5 =	ssub.s32 s10, s5  }
0x96: {  	s5 =	sand.u32 $0xFF, s5  }
0x97: {  	_ = 	snop  }
.LBB2_13:
.Ltmp15:
0x98: {  	(pc) =	sbr.rel @p3 .LBB2_17-.Ltmp15, $4  }
.Ltmp16:
0x99: {  	(pc) =	sbr.rel @!p3 .LBB2_14-.Ltmp16, $4  }
0x9a: {  	_ = 	snop  }
0x9b: {  	_ = 	snop  }
0x9c: {  	s5 =	simm.s32 $0x64  }
0x9d: {  	_ = 	snop  }
.LBB2_19:
0x9e: {  	_ =	sfence.sel $0x180000  }
0x9f: {  	[bflag:$0x0] =	sbarrier.arrive $0xFFFF  }
0xa0: {  	_ =	strace $0x90000053  }
0xa1: {  	s0 =	stileid.u32;
	[bflag:$0x2] =	sbarrier.arrive $0xFFFF  }
0xa2: {  	p0 =	sne.s32 s0, $0x0;
	s0 =	rddreg [dreg:$0x2]  }
0xa3: {  	s0 =	sadd.s32 @!p0 $0x100000, s0  }
0xa4: {  	[sflag:s0] =	ssyncadd.tile.s32 @!p0 $0x1;
	_ =	shalt  }
.Lfunc_end2:
_tile_overlayer_lowered:
.L_overlay_start_2:
0xa5: {  	(tag) =	ssettag $0x2  }
0xa6: {  	s0 =	rddreg [dreg:$0x0];
	s2 =	stileid.u32  }
0xa7: {  	s1 =	rddreg [dreg:$0x1];
	p0 =	sne.s32 s2, $0x0  }
0xa8: {  	s3 =	rddreg [dreg:$0x2];
	[bflag:$0x3] =	sbarrier.arrive $0xFFFF;
	s2 =	simm.s32 @!p0 $0x1C0B  }
0xa9: {  	[timem:s3], [sflag:s2] =	dma.local @!p0 [hbm:s0], s1  }
0xaa: {  	s0 =	simm.s32 @!p0 $0xB  }
0xab: {  	_ =	swait.ge @!p0 [sflag:s0], s1  }
0xac: {  	s1 =	ssub.s32 @!p0 $0x0, s1;
	[sflag:s0] =	ssyncset.done @!p0 $0x0  }
0xad: {  	[sflag:s0] =	ssyncadd.s32 @!p0 s1  }
0xae: {  	[bflag:$0x3] =	sbarrier.arrive $0xFFFF  }
0xaf: {  	_ =	shalt  }

</sc_bundles>
